<compile_context>
chip_gen: v7x
topology: tpu7x:2x2x1
jax: 0.10.2.dev20260603
libtpu: 0.0.44.dev20260713+nightly
codegen_flags: <defaults>
</compile_context>

<pallas_src>
import functools

import jax
import jax.numpy as jnp
from jax import lax
from jax.experimental import pallas as pl
from jax.experimental.pallas import tpu as pltpu
from jax.experimental.pallas import tpu_sc as plsc

_LANES = 16


def _make_lookup(B, F, V, D, NC, NS):
    NW = NC * NS
    H = V // 2
    assert B % NW == 0
    rows_w = B // NW
    R = 16
    assert rows_w % R == 0
    n_ch = rows_w // R

    mesh = plsc.VectorSubcoreMesh(core_axis_name="c", subcore_axis_name="s")

    @functools.partial(
        pl.kernel,
        mesh=mesh,
        out_type=jax.ShapeDtypeStruct((B, F, D), jnp.float32),
        scratch_types=[
            pltpu.VMEM((R, F), jnp.int32),
            pltpu.VMEM((R * F, D), jnp.float32),
            pltpu.SemaphoreType.DMA,
            pltpu.SemaphoreType.DMA,
        ],
        compiler_params=pltpu.CompilerParams(use_tc_tiling_on_sc=True),
    )
    def lookup_kernel(x_hbm, w3_hbm, out_hbm, idx_v, rows_v, gsem, osem):
        wid = lax.axis_index("s") * NC + lax.axis_index("c")
        base = wid * rows_w

        def chunk(g, carry):
            r0 = base + g * R
            pltpu.sync_copy(x_hbm.at[pl.ds(r0, R)], idx_v)

            @pl.when(g > 0)
            def _():
                for r in range(R):
                    pltpu.make_async_copy(
                        rows_v.at[pl.ds(r * F, F)], out_hbm.at[base], osem
                    ).wait()

            def fire(r):
                va = idx_v[r, pl.ds(0, _LANES)]
                vb = idx_v[r, pl.ds(F - _LANES, _LANES)]
                sv = [va[j] for j in range(_LANES)]
                sv += [vb[j] for j in range(2 * _LANES - F, _LANES)]
                for f in range(F):
                    s = sv[f]
                    a = jnp.where(s >= H, 1, 0)
                    p = s - a * H
                    pltpu.async_copy(
                        w3_hbm.at[a, pl.ds(p, 1)],
                        rows_v.at[pl.ds(r * F + f, 1)],
                        gsem,
                    )

            def drain_out(r):
                for f in range(F):
                    pltpu.make_async_copy(
                        w3_hbm.at[0, pl.ds(0, 1)],
                        rows_v.at[pl.ds(0, 1)],
                        gsem,
                    ).wait()
                pltpu.async_copy(
                    rows_v.at[pl.ds(r * F, F)], out_hbm.at[r0 + r], osem
                )

            def row(r, c2):
                fire(r)

                @pl.when(r > 2)
                def _():
                    drain_out(r - 3)

                return c2

            lax.fori_loop(0, R, row, 0)
            drain_out(R - 3)
            drain_out(R - 2)
            drain_out(R - 1)
            return carry

        lax.fori_loop(0, n_ch, chunk, 0)
        for r in range(R):
            pltpu.make_async_copy(
                rows_v.at[pl.ds(r * F, F)], out_hbm.at[base], osem
            ).wait()

    return lookup_kernel


def kernel(x, weight):
    B, F = x.shape
    V, D = weight.shape
    info = plsc.get_sparse_core_info()
    w3 = weight.reshape(2, V // 2, D)
    return _make_lookup(B, F, V, D, info.num_cores, info.num_subcores)(
        x, w3
    )

# --- scband reference (transcript-rebuilt; emitter-appended) ---
"""Pipeline reference for scband-embedding-5789615915357 (READ-ONLY COPY).

The authoritative reference and input builder live on the scoring server;
editing this copy changes nothing except your own understanding.
"""

import jax, jax.numpy as jnp
import numpy as np

NUM_EMBEDDINGS = 1000000
EMBEDDING_DIM = 64
BATCH = 16384
FIELDS = 26


def setup_inputs(seed: int = 0) -> dict:
    key = jax.random.key(seed)
    k1, k2 = jax.random.split(key)
    x = jax.random.randint(k1, (BATCH, FIELDS), 0, NUM_EMBEDDINGS, dtype=jnp.int64 if jax.config.jax_enable_x64 else jnp.int32)
    weight = jax.random.normal(k2, (NUM_EMBEDDINGS, EMBEDDING_DIM), dtype=jnp.float32)
    return {"x": x, "weight": weight}


def reference(x, weight):
    # Embedding lookup: out[b, f, :] = weight[x[b, f], :]
    return jnp.take(weight, x, axis=0)

if __name__ == "__main__":
    import jax
    _d = setup_inputs()
    print(jax.jit(kernel)(*tuple(_d.values())))

</pallas_src>

<mosaic_0001>
#map = affine_map<(d0, d1) -> (0, 0)>
#map1 = affine_map<(d0, d1) -> (0, 0, 0)>
module attributes {stable_mosaic.version = 14 : i64} {
  func.func @lookup_kernel(%arg0: i32, %arg1: i32, %arg2: memref<16384x26xi32, #tpu.memory_space<hbm>>, %arg3: memref<2x500000x64xf32, #tpu.memory_space<hbm>>, %arg4: memref<16384x26x64xf32, #tpu.memory_space<hbm>>, %arg5: memref<16x26xi32, #tpu.memory_space<vmem>>, %arg6: memref<416x64xf32, #tpu.memory_space<vmem>>, %arg7: memref<!tpu.dma_semaphore, #tpu.memory_space<semaphore_mem>>, %arg8: memref<!tpu.dma_semaphore, #tpu.memory_space<semaphore_mem>>) attributes {dimension_semantics = [#tpu.dimension_semantics<core_parallel>, #tpu.dimension_semantics<subcore_parallel>], iteration_bounds = array<i64: 2, 16>, scalar_prefetch = 0 : i64, scratch_operands = 4 : i64, tpu.core_type = #tpu.core_type<sc_vector_subcore>, window_params = [{transform_indices = #map}, {transform_indices = #map1}, {transform_indices = #map1}]} {
    %mul3A = arith.constant 2 : i32
    %mul3A_0 = arith.muli %arg1, %mul3A : i32
    %add3A = arith.addi %mul3A_0, %arg0 : i32
    %mul3A_1 = arith.constant 512 : i32
    %mul3A_2 = arith.muli %add3A, %mul3A_1 : i32
    %scan3A = arith.constant 0 : i32
    %scan3A_3 = arith.constant 0 : i32
    %scan3A_4 = arith.constant 32 : i32
    %scan3A_5 = arith.addi %scan3A_3, %scan3A_4 : i32
    %scan3A_6 = arith.constant 1 : i32
    scf.for %scan3A_231 = %scan3A_3 to %scan3A_5 step %scan3A_6  : i32 {
      %mul3A_232 = arith.constant 16 : i32
      %mul3A_233 = arith.muli %scan3A_231, %mul3A_232 : i32
      %add3A_234 = arith.addi %mul3A_2, %mul3A_233 : i32
      "tpu.region"() ({
        %run_scoped3A = tpu.sem_alloc : memref<!tpu.dma_semaphore, #tpu.memory_space<semaphore_mem>>
        %dma_start3A_1460 = arith.constant 0 : i32
        %dma_start3A_1461 = tpu.memref_slice %arg2[%add3A_234, %dma_start3A_1460] : memref<16384x26xi32, #tpu.memory_space<hbm>> -> memref<16x26xi32, #tpu.memory_space<hbm>>
        %dma_start3A_1462 = arith.constant 0 : i32
        %dma_start3A_1463 = tpu.memref_slice %arg2[%add3A_234, %dma_start3A_1462] : memref<16384x26xi32, #tpu.memory_space<hbm>> -> memref<16x26xi32, #tpu.memory_space<hbm>>
        tpu.enqueue_dma source(%dma_start3A_1463 : memref<16x26xi32, #tpu.memory_space<hbm>>) target(%arg5 : memref<16x26xi32, #tpu.memory_space<vmem>>) target_semaphore(%run_scoped3A : memref<!tpu.dma_semaphore, #tpu.memory_space<semaphore_mem>>)
        %dma_wait3A_1464 = arith.constant 0 : i32
        %dma_wait3A_1465 = tpu.memref_slice %arg2[%add3A_234, %dma_wait3A_1464] : memref<16384x26xi32, #tpu.memory_space<hbm>> -> memref<16x26xi32, #tpu.memory_space<hbm>>
        %dma_wait3A_1466 = arith.constant 0 : i32
        %dma_wait3A_1467 = tpu.memref_slice %arg2[%add3A_234, %dma_wait3A_1466] : memref<16384x26xi32, #tpu.memory_space<hbm>> -> memref<16x26xi32, #tpu.memory_space<hbm>>
        tpu.wait_dma2 semaphore(%run_scoped3A : memref<!tpu.dma_semaphore, #tpu.memory_space<semaphore_mem>>) src(%dma_wait3A_1467 : memref<16x26xi32, #tpu.memory_space<hbm>>) dst(%arg5 : memref<16x26xi32, #tpu.memory_space<vmem>>)
        tpu.yield
      }) : () -> ()
      %gt3A = arith.constant 0 : i32
      %gt3A_235 = arith.cmpi sgt, %scan3A_231, %gt3A : i32
      %convert_element_type3A = arith.extui %gt3A_235 : i1 to i32
      %cond3A = arith.constant 0 : i32
      %cond3A_236 = arith.cmpi ne, %convert_element_type3A, %cond3A : i32
      scf.if %cond3A_236 {
        %dma_wait3A_1460 = arith.constant 0 : i32
        %dma_wait3A_1461 = arith.constant 0 : i32
        %dma_wait3A_1462 = tpu.memref_slice %arg6[%dma_wait3A_1460, %dma_wait3A_1461] : memref<416x64xf32, #tpu.memory_space<vmem>> -> memref<26x64xf32, #tpu.memory_space<vmem>>
        %dma_wait3A_1463 = arith.constant 0 : i32
        %dma_wait3A_1464 = arith.constant 0 : i32
        %dma_wait3A_1465 = tpu.memref_slice %arg4[%mul3A_2, %dma_wait3A_1463, %dma_wait3A_1464] : memref<16384x26x64xf32, #tpu.memory_space<hbm>> -> memref<1x26x64xf32, #tpu.memory_space<hbm>>
        %dma_wait3A_1466 = tpu.memref_squeeze %dma_wait3A_1465 : memref<1x26x64xf32, #tpu.memory_space<hbm>> -> memref<26x64xf32, #tpu.memory_space<hbm>>
        %dma_wait3A_1467 = arith.constant 0 : i32
        %dma_wait3A_1468 = arith.constant 0 : i32
        %dma_wait3A_1469 = tpu.memref_slice %arg4[%mul3A_2, %dma_wait3A_1467, %dma_wait3A_1468] : memref<16384x26x64xf32, #tpu.memory_space<hbm>> -> memref<1x26x64xf32, #tpu.memory_space<hbm>>
        %dma_wait3A_1470 = tpu.memref_squeeze %dma_wait3A_1469 : memref<1x26x64xf32, #tpu.memory_space<hbm>> -> memref<26x64xf32, #tpu.memory_space<hbm>>
        %dma_wait3A_1471 = arith.constant 0 : i32
        %dma_wait3A_1472 = arith.constant 0 : i32
        %dma_wait3A_1473 = tpu.memref_slice %arg6[%dma_wait3A_1471, %dma_wait3A_1472] : memref<416x64xf32, #tpu.memory_space<vmem>> -> memref<26x64xf32, #tpu.memory_space<vmem>>
        tpu.wait_dma2 semaphore(%arg8 : memref<!tpu.dma_semaphore, #tpu.memory_space<semaphore_mem>>) src(%dma_wait3A_1473 : memref<26x64xf32, #tpu.memory_space<vmem>>) dst(%dma_wait3A_1470 : memref<26x64xf32, #tpu.memory_space<hbm>>)
        %dma_wait3A_1474 = arith.constant 26 : i32
        %dma_wait3A_1475 = arith.constant 0 : i32
        %dma_wait3A_1476 = tpu.memref_slice %arg6[%dma_wait3A_1474, %dma_wait3A_1475] : memref<416x64xf32, #tpu.memory_space<vmem>> -> memref<26x64xf32, #tpu.memory_space<vmem>>
        %dma_wait3A_1477 = arith.constant 0 : i32
        %dma_wait3A_1478 = arith.constant 0 : i32
        %dma_wait3A_1479 = tpu.memref_slice %arg4[%mul3A_2, %dma_wait3A_1477, %dma_wait3A_1478] : memref<16384x26x64xf32, #tpu.memory_space<hbm>> -> memref<1x26x64xf32, #tpu.memory_space<hbm>>
        %dma_wait3A_1480 = tpu.memref_squeeze %dma_wait3A_1479 : memref<1x26x64xf32, #tpu.memory_space<hbm>> -> memref<26x64xf32, #tpu.memory_space<hbm>>
        %dma_wait3A_1481 = arith.constant 0 : i32
        %dma_wait3A_1482 = arith.constant 0 : i32
        %dma_wait3A_1483 = tpu.memref_slice %arg4[%mul3A_2, %dma_wait3A_1481, %dma_wait3A_1482] : memref<16384x26x64xf32, #tpu.memory_space<hbm>> -> memref<1x26x64xf32, #tpu.memory_space<hbm>>
        %dma_wait3A_1484 = tpu.memref_squeeze %dma_wait3A_1483 : memref<1x26x64xf32, #tpu.memory_space<hbm>> -> memref<26x64xf32, #tpu.memory_space<hbm>>
        %dma_wait3A_1485 = arith.constant 26 : i32
        %dma_wait3A_1486 = arith.constant 0 : i32
        %dma_wait3A_1487 = tpu.memref_slice %arg6[%dma_wait3A_1485, %dma_wait3A_1486] : memref<416x64xf32, #tpu.memory_space<vmem>> -> memref<26x64xf32, #tpu.memory_space<vmem>>
        tpu.wait_dma2 semaphore(%arg8 : memref<!tpu.dma_semaphore, #tpu.memory_space<semaphore_mem>>) src(%dma_wait3A_1487 : memref<26x64xf32, #tpu.memory_space<vmem>>) dst(%dma_wait3A_1484 : memref<26x64xf32, #tpu.memory_space<hbm>>)
        %dma_wait3A_1488 = arith.constant 52 : i32
        %dma_wait3A_1489 = arith.constant 0 : i32
        %dma_wait3A_1490 = tpu.memref_slice %arg6[%dma_wait3A_1488, %dma_wait3A_1489] : memref<416x64xf32, #tpu.memory_space<vmem>> -> memref<26x64xf32, #tpu.memory_space<vmem>>
        %dma_wait3A_1491 = arith.constant 0 : i32
        %dma_wait3A_1492 = arith.constant 0 : i32
        %dma_wait3A_1493 = tpu.memref_slice %arg4[%mul3A_2, %dma_wait3A_1491, %dma_wait3A_1492] : memref<16384x26x64xf32, #tpu.memory_space<hbm>> -> memref<1x26x64xf32, #tpu.memory_space<hbm>>
        %dma_wait3A_1494 = tpu.memref_squeeze %dma_wait3A_1493 : memref<1x26x64xf32, #tpu.memory_space<hbm>> -> memref<26x64xf32, #tpu.memory_space<hbm>>
        %dma_wait3A_1495 = arith.constant 0 : i32
        %dma_wait3A_1496 = arith.constant 0 : i32
        %dma_wait3A_1497 = tpu.memref_slice %arg4[%mul3A_2, %dma_wait3A_1495, %dma_wait3A_1496] : memref<16384x26x64xf32, #tpu.memory_space<hbm>> -> memref<1x26x64xf32, #tpu.memory_space<hbm>>
        %dma_wait3A_1498 = tpu.memref_squeeze %dma_wait3A_1497 : memref<1x26x64xf32, #tpu.memory_space<hbm>> -> memref<26x64xf32, #tpu.memory_space<hbm>>
        %dma_wait3A_1499 = arith.constant 52 : i32
        %dma_wait3A_1500 = arith.constant 0 : i32
        %dma_wait3A_1501 = tpu.memref_slice %arg6[%dma_wait3A_1499, %dma_wait3A_1500] : memref<416x64xf32, #tpu.memory_space<vmem>> -> memref<26x64xf32, #tpu.memory_space<vmem>>
        tpu.wait_dma2 semaphore(%arg8 : memref<!tpu.dma_semaphore, #tpu.memory_space<semaphore_mem>>) src(%dma_wait3A_1501 : memref<26x64xf32, #tpu.memory_space<vmem>>) dst(%dma_wait3A_1498 : memref<26x64xf32, #tpu.memory_space<hbm>>)
        %dma_wait3A_1502 = arith.constant 78 : i32
        %dma_wait3A_1503 = arith.constant 0 : i32
        %dma_wait3A_1504 = tpu.memref_slice %arg6[%dma_wait3A_1502, %dma_wait3A_1503] : memref<416x64xf32, #tpu.memory_space<vmem>> -> memref<26x64xf32, #tpu.memory_space<vmem>>
        %dma_wait3A_1505 = arith.constant 0 : i32
        %dma_wait3A_1506 = arith.constant 0 : i32
        %dma_wait3A_1507 = tpu.memref_slice %arg4[%mul3A_2, %dma_wait3A_1505, %dma_wait3A_1506] : memref<16384x26x64xf32, #tpu.memory_space<hbm>> -> memref<1x26x64xf32, #tpu.memory_space<hbm>>
        %dma_wait3A_1508 = tpu.memref_squeeze %dma_wait3A_1507 : memref<1x26x64xf32, #tpu.memory_space<hbm>> -> memref<26x64xf32, #tpu.memory_space<hbm>>
        %dma_wait3A_1509 = arith.constant 0 : i32
        %dma_wait3A_1510 = arith.constant 0 : i32
        %dma_wait3A_1511 = tpu.memref_slice %arg4[%mul3A_2, %dma_wait3A_1509, %dma_wait3A_1510] : memref<16384x26x64xf32, #tpu.memory_space<hbm>> -> memref<1x26x64xf32, #tpu.memory_space<hbm>>
        %dma_wait3A_1512 = tpu.memref_squeeze %dma_wait3A_1511 : memref<1x26x64xf32, #tpu.memory_space<hbm>> -> memref<26x64xf32, #tpu.memory_space<hbm>>
        %dma_wait3A_1513 = arith.constant 78 : i32
        %dma_wait3A_1514 = arith.constant 0 : i32
        %dma_wait3A_1515 = tpu.memref_slice %arg6[%dma_wait3A_1513, %dma_wait3A_1514] : memref<416x64xf32, #tpu.memory_space<vmem>> -> memref<26x64xf32, #tpu.memory_space<vmem>>
        tpu.wait_dma2 semaphore(%arg8 : memref<!tpu.dma_semaphore, #tpu.memory_space<semaphore_mem>>) src(%dma_wait3A_1515 : memref<26x64xf32, #tpu.memory_space<vmem>>) dst(%dma_wait3A_1512 : memref<26x64xf32, #tpu.memory_space<hbm>>)
        %dma_wait3A_1516 = arith.constant 104 : i32
        %dma_wait3A_1517 = arith.constant 0 : i32
        %dma_wait3A_1518 = tpu.memref_slice %arg6[%dma_wait3A_1516, %dma_wait3A_1517] : memref<416x64xf32, #tpu.memory_space<vmem>> -> memref<26x64xf32, #tpu.memory_space<vmem>>
        %dma_wait3A_1519 = arith.constant 0 : i32
        %dma_wait3A_1520 = arith.constant 0 : i32
        %dma_wait3A_1521 = tpu.memref_slice %arg4[%mul3A_2, %dma_wait3A_1519, %dma_wait3A_1520] : memref<16384x26x64xf32, #tpu.memory_space<hbm>> -> memref<1x26x64xf32, #tpu.memory_space<hbm>>
        %dma_wait3A_1522 = tpu.memref_squeeze %dma_wait3A_1521 : memref<1x26x64xf32, #tpu.memory_space<hbm>> -> memref<26x64xf32, #tpu.memory_space<hbm>>
        %dma_wait3A_1523 = arith.constant 0 : i32
        %dma_wait3A_1524 = arith.constant 0 : i32
        %dma_wait3A_1525 = tpu.memref_slice %arg4[%mul3A_2, %dma_wait3A_1523, %dma_wait3A_1524] : memref<16384x26x64xf32, #tpu.memory_space<hbm>> -> memref<1x26x64xf32, #tpu.memory_space<hbm>>
        %dma_wait3A_1526 = tpu.memref_squeeze %dma_wait3A_1525 : memref<1x26x64xf32, #tpu.memory_space<hbm>> -> memref<26x64xf32, #tpu.memory_space<hbm>>
        %dma_wait3A_1527 = arith.constant 104 : i32
        %dma_wait3A_1528 = arith.constant 0 : i32
        %dma_wait3A_1529 = tpu.memref_slice %arg6[%dma_wait3A_1527, %dma_wait3A_1528] : memref<416x64xf32, #tpu.memory_space<vmem>> -> memref<26x64xf32, #tpu.memory_space<vmem>>
        tpu.wait_dma2 semaphore(%arg8 : memref<!tpu.dma_semaphore, #tpu.memory_space<semaphore_mem>>) src(%dma_wait3A_1529 : memref<26x64xf32, #tpu.memory_space<vmem>>) dst(%dma_wait3A_1526 : memref<26x64xf32, #tpu.memory_space<hbm>>)
        %dma_wait3A_1530 = arith.constant 130 : i32
        %dma_wait3A_1531 = arith.constant 0 : i32
        %dma_wait3A_1532 = tpu.memref_slice %arg6[%dma_wait3A_1530, %dma_wait3A_1531] : memref<416x64xf32, #tpu.memory_space<vmem>> -> memref<26x64xf32, #tpu.memory_space<vmem>>
        %dma_wait3A_1533 = arith.constant 0 : i32
        %dma_wait3A_1534 = arith.constant 0 : i32
        %dma_wait3A_1535 = tpu.memref_slice %arg4[%mul3A_2, %dma_wait3A_1533, %dma_wait3A_1534] : memref<16384x26x64xf32, #tpu.memory_space<hbm>> -> memref<1x26x64xf32, #tpu.memory_space<hbm>>
        %dma_wait3A_1536 = tpu.memref_squeeze %dma_wait3A_1535 : memref<1x26x64xf32, #tpu.memory_space<hbm>> -> memref<26x64xf32, #tpu.memory_space<hbm>>
        %dma_wait3A_1537 = arith.constant 0 : i32
        %dma_wait3A_1538 = arith.constant 0 : i32
        %dma_wait3A_1539 = tpu.memref_slice %arg4[%mul3A_2, %dma_wait3A_1537, %dma_wait3A_1538] : memref<16384x26x64xf32, #tpu.memory_space<hbm>> -> memref<1x26x64xf32, #tpu.memory_space<hbm>>
        %dma_wait3A_1540 = tpu.memref_squeeze %dma_wait3A_1539 : memref<1x26x64xf32, #tpu.memory_space<hbm>> -> memref<26x64xf32, #tpu.memory_space<hbm>>
        %dma_wait3A_1541 = arith.constant 130 : i32
        %dma_wait3A_1542 = arith.constant 0 : i32
        %dma_wait3A_1543 = tpu.memref_slice %arg6[%dma_wait3A_1541, %dma_wait3A_1542] : memref<416x64xf32, #tpu.memory_space<vmem>> -> memref<26x64xf32, #tpu.memory_space<vmem>>
        tpu.wait_dma2 semaphore(%arg8 : memref<!tpu.dma_semaphore, #tpu.memory_space<semaphore_mem>>) src(%dma_wait3A_1543 : memref<26x64xf32, #tpu.memory_space<vmem>>) dst(%dma_wait3A_1540 : memref<26x64xf32, #tpu.memory_space<hbm>>)
        %dma_wait3A_1544 = arith.constant 156 : i32
        %dma_wait3A_1545 = arith.constant 0 : i32
        %dma_wait3A_1546 = tpu.memref_slice %arg6[%dma_wait3A_1544, %dma_wait3A_1545] : memref<416x64xf32, #tpu.memory_space<vmem>> -> memref<26x64xf32, #tpu.memory_space<vmem>>
        %dma_wait3A_1547 = arith.constant 0 : i32
        %dma_wait3A_1548 = arith.constant 0 : i32
        %dma_wait3A_1549 = tpu.memref_slice %arg4[%mul3A_2, %dma_wait3A_1547, %dma_wait3A_1548] : memref<16384x26x64xf32, #tpu.memory_space<hbm>> -> memref<1x26x64xf32, #tpu.memory_space<hbm>>
        %dma_wait3A_1550 = tpu.memref_squeeze %dma_wait3A_1549 : memref<1x26x64xf32, #tpu.memory_space<hbm>> -> memref<26x64xf32, #tpu.memory_space<hbm>>
        %dma_wait3A_1551 = arith.constant 0 : i32
        %dma_wait3A_1552 = arith.constant 0 : i32
        %dma_wait3A_1553 = tpu.memref_slice %arg4[%mul3A_2, %dma_wait3A_1551, %dma_wait3A_1552] : memref<16384x26x64xf32, #tpu.memory_space<hbm>> -> memref<1x26x64xf32, #tpu.memory_space<hbm>>
        %dma_wait3A_1554 = tpu.memref_squeeze %dma_wait3A_1553 : memref<1x26x64xf32, #tpu.memory_space<hbm>> -> memref<26x64xf32, #tpu.memory_space<hbm>>
        %dma_wait3A_1555 = arith.constant 156 : i32
        %dma_wait3A_1556 = arith.constant 0 : i32
        %dma_wait3A_1557 = tpu.memref_slice %arg6[%dma_wait3A_1555, %dma_wait3A_1556] : memref<416x64xf32, #tpu.memory_space<vmem>> -> memref<26x64xf32, #tpu.memory_space<vmem>>
        tpu.wait_dma2 semaphore(%arg8 : memref<!tpu.dma_semaphore, #tpu.memory_space<semaphore_mem>>) src(%dma_wait3A_1557 : memref<26x64xf32, #tpu.memory_space<vmem>>) dst(%dma_wait3A_1554 : memref<26x64xf32, #tpu.memory_space<hbm>>)
        %dma_wait3A_1558 = arith.constant 182 : i32
        %dma_wait3A_1559 = arith.constant 0 : i32
        %dma_wait3A_1560 = tpu.memref_slice %arg6[%dma_wait3A_1558, %dma_wait3A_1559] : memref<416x64xf32, #tpu.memory_space<vmem>> -> memref<26x64xf32, #tpu.memory_space<vmem>>
        %dma_wait3A_1561 = arith.constant 0 : i32
        %dma_wait3A_1562 = arith.constant 0 : i32
        %dma_wait3A_1563 = tpu.memref_slice %arg4[%mul3A_2, %dma_wait3A_1561, %dma_wait3A_1562] : memref<16384x26x64xf32, #tpu.memory_space<hbm>> -> memref<1x26x64xf32, #tpu.memory_space<hbm>>
        %dma_wait3A_1564 = tpu.memref_squeeze %dma_wait3A_1563 : memref<1x26x64xf32, #tpu.memory_space<hbm>> -> memref<26x64xf32, #tpu.memory_space<hbm>>
        %dma_wait3A_1565 = arith.constant 0 : i32
        %dma_wait3A_1566 = arith.constant 0 : i32
        %dma_wait3A_1567 = tpu.memref_slice %arg4[%mul3A_2, %dma_wait3A_1565, %dma_wait3A_1566] : memref<16384x26x64xf32, #tpu.memory_space<hbm>> -> memref<1x26x64xf32, #tpu.memory_space<hbm>>
        %dma_wait3A_1568 = tpu.memref_squeeze %dma_wait3A_1567 : memref<1x26x64xf32, #tpu.memory_space<hbm>> -> memref<26x64xf32, #tpu.memory_space<hbm>>
        %dma_wait3A_1569 = arith.constant 182 : i32
        %dma_wait3A_1570 = arith.constant 0 : i32
        %dma_wait3A_1571 = tpu.memref_slice %arg6[%dma_wait3A_1569, %dma_wait3A_1570] : memref<416x64xf32, #tpu.memory_space<vmem>> -> memref<26x64xf32, #tpu.memory_space<vmem>>
        tpu.wait_dma2 semaphore(%arg8 : memref<!tpu.dma_semaphore, #tpu.memory_space<semaphore_mem>>) src(%dma_wait3A_1571 : memref<26x64xf32, #tpu.memory_space<vmem>>) dst(%dma_wait3A_1568 : memref<26x64xf32, #tpu.memory_space<hbm>>)
        %dma_wait3A_1572 = arith.constant 208 : i32
        %dma_wait3A_1573 = arith.constant 0 : i32
        %dma_wait3A_1574 = tpu.memref_slice %arg6[%dma_wait3A_1572, %dma_wait3A_1573] : memref<416x64xf32, #tpu.memory_space<vmem>> -> memref<26x64xf32, #tpu.memory_space<vmem>>
        %dma_wait3A_1575 = arith.constant 0 : i32
        %dma_wait3A_1576 = arith.constant 0 : i32
        %dma_wait3A_1577 = tpu.memref_slice %arg4[%mul3A_2, %dma_wait3A_1575, %dma_wait3A_1576] : memref<16384x26x64xf32, #tpu.memory_space<hbm>> -> memref<1x26x64xf32, #tpu.memory_space<hbm>>
        %dma_wait3A_1578 = tpu.memref_squeeze %dma_wait3A_1577 : memref<1x26x64xf32, #tpu.memory_space<hbm>> -> memref<26x64xf32, #tpu.memory_space<hbm>>
        %dma_wait3A_1579 = arith.constant 0 : i32
        %dma_wait3A_1580 = arith.constant 0 : i32
        %dma_wait3A_1581 = tpu.memref_slice %arg4[%mul3A_2, %dma_wait3A_1579, %dma_wait3A_1580] : memref<16384x26x64xf32, #tpu.memory_space<hbm>> -> memref<1x26x64xf32, #tpu.memory_space<hbm>>
        %dma_wait3A_1582 = tpu.memref_squeeze %dma_wait3A_1581 : memref<1x26x64xf32, #tpu.memory_space<hbm>> -> memref<26x64xf32, #tpu.memory_space<hbm>>
        %dma_wait3A_1583 = arith.constant 208 : i32
        %dma_wait3A_1584 = arith.constant 0 : i32
        %dma_wait3A_1585 = tpu.memref_slice %arg6[%dma_wait3A_1583, %dma_wait3A_1584] : memref<416x64xf32, #tpu.memory_space<vmem>> -> memref<26x64xf32, #tpu.memory_space<vmem>>
        tpu.wait_dma2 semaphore(%arg8 : memref<!tpu.dma_semaphore, #tpu.memory_space<semaphore_mem>>) src(%dma_wait3A_1585 : memref<26x64xf32, #tpu.memory_space<vmem>>) dst(%dma_wait3A_1582 : memref<26x64xf32, #tpu.memory_space<hbm>>)
        %dma_wait3A_1586 = arith.constant 234 : i32
        %dma_wait3A_1587 = arith.constant 0 : i32
        %dma_wait3A_1588 = tpu.memref_slice %arg6[%dma_wait3A_1586, %dma_wait3A_1587] : memref<416x64xf32, #tpu.memory_space<vmem>> -> memref<26x64xf32, #tpu.memory_space<vmem>>
        %dma_wait3A_1589 = arith.constant 0 : i32
        %dma_wait3A_1590 = arith.constant 0 : i32
        %dma_wait3A_1591 = tpu.memref_slice %arg4[%mul3A_2, %dma_wait3A_1589, %dma_wait3A_1590] : memref<16384x26x64xf32, #tpu.memory_space<hbm>> -> memref<1x26x64xf32, #tpu.memory_space<hbm>>
        %dma_wait3A_1592 = tpu.memref_squeeze %dma_wait3A_1591 : memref<1x26x64xf32, #tpu.memory_space<hbm>> -> memref<26x64xf32, #tpu.memory_space<hbm>>
        %dma_wait3A_1593 = arith.constant 0 : i32
        %dma_wait3A_1594 = arith.constant 0 : i32
        %dma_wait3A_1595 = tpu.memref_slice %arg4[%mul3A_2, %dma_wait3A_1593, %dma_wait3A_1594] : memref<16384x26x64xf32, #tpu.memory_space<hbm>> -> memref<1x26x64xf32, #tpu.memory_space<hbm>>
        %dma_wait3A_1596 = tpu.memref_squeeze %dma_wait3A_1595 : memref<1x26x64xf32, #tpu.memory_space<hbm>> -> memref<26x64xf32, #tpu.memory_space<hbm>>
        %dma_wait3A_1597 = arith.constant 234 : i32
        %dma_wait3A_1598 = arith.constant 0 : i32
        %dma_wait3A_1599 = tpu.memref_slice %arg6[%dma_wait3A_1597, %dma_wait3A_1598] : memref<416x64xf32, #tpu.memory_space<vmem>> -> memref<26x64xf32, #tpu.memory_space<vmem>>
        tpu.wait_dma2 semaphore(%arg8 : memref<!tpu.dma_semaphore, #tpu.memory_space<semaphore_mem>>) src(%dma_wait3A_1599 : memref<26x64xf32, #tpu.memory_space<vmem>>) dst(%dma_wait3A_1596 : memref<26x64xf32, #tpu.memory_space<hbm>>)
        %dma_wait3A_1600 = arith.constant 260 : i32
        %dma_wait3A_1601 = arith.constant 0 : i32
        %dma_wait3A_1602 = tpu.memref_slice %arg6[%dma_wait3A_1600, %dma_wait3A_1601] : memref<416x64xf32, #tpu.memory_space<vmem>> -> memref<26x64xf32, #tpu.memory_space<vmem>>
        %dma_wait3A_1603 = arith.constant 0 : i32
        %dma_wait3A_1604 = arith.constant 0 : i32
        %dma_wait3A_1605 = tpu.memref_slice %arg4[%mul3A_2, %dma_wait3A_1603, %dma_wait3A_1604] : memref<16384x26x64xf32, #tpu.memory_space<hbm>> -> memref<1x26x64xf32, #tpu.memory_space<hbm>>
        %dma_wait3A_1606 = tpu.memref_squeeze %dma_wait3A_1605 : memref<1x26x64xf32, #tpu.memory_space<hbm>> -> memref<26x64xf32, #tpu.memory_space<hbm>>
        %dma_wait3A_1607 = arith.constant 0 : i32
        %dma_wait3A_1608 = arith.constant 0 : i32
        %dma_wait3A_1609 = tpu.memref_slice %arg4[%mul3A_2, %dma_wait3A_1607, %dma_wait3A_1608] : memref<16384x26x64xf32, #tpu.memory_space<hbm>> -> memref<1x26x64xf32, #tpu.memory_space<hbm>>
        %dma_wait3A_1610 = tpu.memref_squeeze %dma_wait3A_1609 : memref<1x26x64xf32, #tpu.memory_space<hbm>> -> memref<26x64xf32, #tpu.memory_space<hbm>>
        %dma_wait3A_1611 = arith.constant 260 : i32
        %dma_wait3A_1612 = arith.constant 0 : i32
        %dma_wait3A_1613 = tpu.memref_slice %arg6[%dma_wait3A_1611, %dma_wait3A_1612] : memref<416x64xf32, #tpu.memory_space<vmem>> -> memref<26x64xf32, #tpu.memory_space<vmem>>
        tpu.wait_dma2 semaphore(%arg8 : memref<!tpu.dma_semaphore, #tpu.memory_space<semaphore_mem>>) src(%dma_wait3A_1613 : memref<26x64xf32, #tpu.memory_space<vmem>>) dst(%dma_wait3A_1610 : memref<26x64xf32, #tpu.memory_space<hbm>>)
        %dma_wait3A_1614 = arith.constant 286 : i32
        %dma_wait3A_1615 = arith.constant 0 : i32
        %dma_wait3A_1616 = tpu.memref_slice %arg6[%dma_wait3A_1614, %dma_wait3A_1615] : memref<416x64xf32, #tpu.memory_space<vmem>> -> memref<26x64xf32, #tpu.memory_space<vmem>>
        %dma_wait3A_1617 = arith.constant 0 : i32
        %dma_wait3A_1618 = arith.constant 0 : i32
        %dma_wait3A_1619 = tpu.memref_slice %arg4[%mul3A_2, %dma_wait3A_1617, %dma_wait3A_1618] : memref<16384x26x64xf32, #tpu.memory_space<hbm>> -> memref<1x26x64xf32, #tpu.memory_space<hbm>>
        %dma_wait3A_1620 = tpu.memref_squeeze %dma_wait3A_1619 : memref<1x26x64xf32, #tpu.memory_space<hbm>> -> memref<26x64xf32, #tpu.memory_space<hbm>>
        %dma_wait3A_1621 = arith.constant 0 : i32
        %dma_wait3A_1622 = arith.constant 0 : i32
        %dma_wait3A_1623 = tpu.memref_slice %arg4[%mul3A_2, %dma_wait3A_1621, %dma_wait3A_1622] : memref<16384x26x64xf32, #tpu.memory_space<hbm>> -> memref<1x26x64xf32, #tpu.memory_space<hbm>>
        %dma_wait3A_1624 = tpu.memref_squeeze %dma_wait3A_1623 : memref<1x26x64xf32, #tpu.memory_space<hbm>> -> memref<26x64xf32, #tpu.memory_space<hbm>>
        %dma_wait3A_1625 = arith.constant 286 : i32
        %dma_wait3A_1626 = arith.constant 0 : i32
        %dma_wait3A_1627 = tpu.memref_slice %arg6[%dma_wait3A_1625, %dma_wait3A_1626] : memref<416x64xf32, #tpu.memory_space<vmem>> -> memref<26x64xf32, #tpu.memory_space<vmem>>
        tpu.wait_dma2 semaphore(%arg8 : memref<!tpu.dma_semaphore, #tpu.memory_space<semaphore_mem>>) src(%dma_wait3A_1627 : memref<26x64xf32, #tpu.memory_space<vmem>>) dst(%dma_wait3A_1624 : memref<26x64xf32, #tpu.memory_space<hbm>>)
        %dma_wait3A_1628 = arith.constant 312 : i32
        %dma_wait3A_1629 = arith.constant 0 : i32
        %dma_wait3A_1630 = tpu.memref_slice %arg6[%dma_wait3A_1628, %dma_wait3A_1629] : memref<416x64xf32, #tpu.memory_space<vmem>> -> memref<26x64xf32, #tpu.memory_space<vmem>>
        %dma_wait3A_1631 = arith.constant 0 : i32
        %dma_wait3A_1632 = arith.constant 0 : i32
        %dma_wait3A_1633 = tpu.memref_slice %arg4[%mul3A_2, %dma_wait3A_1631, %dma_wait3A_1632] : memref<16384x26x64xf32, #tpu.memory_space<hbm>> -> memref<1x26x64xf32, #tpu.memory_space<hbm>>
        %dma_wait3A_1634 = tpu.memref_squeeze %dma_wait3A_1633 : memref<1x26x64xf32, #tpu.memory_space<hbm>> -> memref<26x64xf32, #tpu.memory_space<hbm>>
        %dma_wait3A_1635 = arith.constant 0 : i32
        %dma_wait3A_1636 = arith.constant 0 : i32
        %dma_wait3A_1637 = tpu.memref_slice %arg4[%mul3A_2, %dma_wait3A_1635, %dma_wait3A_1636] : memref<16384x26x64xf32, #tpu.memory_space<hbm>> -> memref<1x26x64xf32, #tpu.memory_space<hbm>>
        %dma_wait3A_1638 = tpu.memref_squeeze %dma_wait3A_1637 : memref<1x26x64xf32, #tpu.memory_space<hbm>> -> memref<26x64xf32, #tpu.memory_space<hbm>>
        %dma_wait3A_1639 = arith.constant 312 : i32
        %dma_wait3A_1640 = arith.constant 0 : i32
        %dma_wait3A_1641 = tpu.memref_slice %arg6[%dma_wait3A_1639, %dma_wait3A_1640] : memref<416x64xf32, #tpu.memory_space<vmem>> -> memref<26x64xf32, #tpu.memory_space<vmem>>
        tpu.wait_dma2 semaphore(%arg8 : memref<!tpu.dma_semaphore, #tpu.memory_space<semaphore_mem>>) src(%dma_wait3A_1641 : memref<26x64xf32, #tpu.memory_space<vmem>>) dst(%dma_wait3A_1638 : memref<26x64xf32, #tpu.memory_space<hbm>>)
        %dma_wait3A_1642 = arith.constant 338 : i32
        %dma_wait3A_1643 = arith.constant 0 : i32
        %dma_wait3A_1644 = tpu.memref_slice %arg6[%dma_wait3A_1642, %dma_wait3A_1643] : memref<416x64xf32, #tpu.memory_space<vmem>> -> memref<26x64xf32, #tpu.memory_space<vmem>>
        %dma_wait3A_1645 = arith.constant 0 : i32
        %dma_wait3A_1646 = arith.constant 0 : i32
        %dma_wait3A_1647 = tpu.memref_slice %arg4[%mul3A_2, %dma_wait3A_1645, %dma_wait3A_1646] : memref<16384x26x64xf32, #tpu.memory_space<hbm>> -> memref<1x26x64xf32, #tpu.memory_space<hbm>>
        %dma_wait3A_1648 = tpu.memref_squeeze %dma_wait3A_1647 : memref<1x26x64xf32, #tpu.memory_space<hbm>> -> memref<26x64xf32, #tpu.memory_space<hbm>>
        %dma_wait3A_1649 = arith.constant 0 : i32
        %dma_wait3A_1650 = arith.constant 0 : i32
        %dma_wait3A_1651 = tpu.memref_slice %arg4[%mul3A_2, %dma_wait3A_1649, %dma_wait3A_1650] : memref<16384x26x64xf32, #tpu.memory_space<hbm>> -> memref<1x26x64xf32, #tpu.memory_space<hbm>>
        %dma_wait3A_1652 = tpu.memref_squeeze %dma_wait3A_1651 : memref<1x26x64xf32, #tpu.memory_space<hbm>> -> memref<26x64xf32, #tpu.memory_space<hbm>>
        %dma_wait3A_1653 = arith.constant 338 : i32
        %dma_wait3A_1654 = arith.constant 0 : i32
        %dma_wait3A_1655 = tpu.memref_slice %arg6[%dma_wait3A_1653, %dma_wait3A_1654] : memref<416x64xf32, #tpu.memory_space<vmem>> -> memref<26x64xf32, #tpu.memory_space<vmem>>
        tpu.wait_dma2 semaphore(%arg8 : memref<!tpu.dma_semaphore, #tpu.memory_space<semaphore_mem>>) src(%dma_wait3A_1655 : memref<26x64xf32, #tpu.memory_space<vmem>>) dst(%dma_wait3A_1652 : memref<26x64xf32, #tpu.memory_space<hbm>>)
        %dma_wait3A_1656 = arith.constant 364 : i32
        %dma_wait3A_1657 = arith.constant 0 : i32
        %dma_wait3A_1658 = tpu.memref_slice %arg6[%dma_wait3A_1656, %dma_wait3A_1657] : memref<416x64xf32, #tpu.memory_space<vmem>> -> memref<26x64xf32, #tpu.memory_space<vmem>>
        %dma_wait3A_1659 = arith.constant 0 : i32
        %dma_wait3A_1660 = arith.constant 0 : i32
        %dma_wait3A_1661 = tpu.memref_slice %arg4[%mul3A_2, %dma_wait3A_1659, %dma_wait3A_1660] : memref<16384x26x64xf32, #tpu.memory_space<hbm>> -> memref<1x26x64xf32, #tpu.memory_space<hbm>>
        %dma_wait3A_1662 = tpu.memref_squeeze %dma_wait3A_1661 : memref<1x26x64xf32, #tpu.memory_space<hbm>> -> memref<26x64xf32, #tpu.memory_space<hbm>>
        %dma_wait3A_1663 = arith.constant 0 : i32
        %dma_wait3A_1664 = arith.constant 0 : i32
        %dma_wait3A_1665 = tpu.memref_slice %arg4[%mul3A_2, %dma_wait3A_1663, %dma_wait3A_1664] : memref<16384x26x64xf32, #tpu.memory_space<hbm>> -> memref<1x26x64xf32, #tpu.memory_space<hbm>>
        %dma_wait3A_1666 = tpu.memref_squeeze %dma_wait3A_1665 : memref<1x26x64xf32, #tpu.memory_space<hbm>> -> memref<26x64xf32, #tpu.memory_space<hbm>>
        %dma_wait3A_1667 = arith.constant 364 : i32
        %dma_wait3A_1668 = arith.constant 0 : i32
        %dma_wait3A_1669 = tpu.memref_slice %arg6[%dma_wait3A_1667, %dma_wait3A_1668] : memref<416x64xf32, #tpu.memory_space<vmem>> -> memref<26x64xf32, #tpu.memory_space<vmem>>
        tpu.wait_dma2 semaphore(%arg8 : memref<!tpu.dma_semaphore, #tpu.memory_space<semaphore_mem>>) src(%dma_wait3A_1669 : memref<26x64xf32, #tpu.memory_space<vmem>>) dst(%dma_wait3A_1666 : memref<26x64xf32, #tpu.memory_space<hbm>>)
        %dma_wait3A_1670 = arith.constant 390 : i32
        %dma_wait3A_1671 = arith.constant 0 : i32
        %dma_wait3A_1672 = tpu.memref_slice %arg6[%dma_wait3A_1670, %dma_wait3A_1671] : memref<416x64xf32, #tpu.memory_space<vmem>> -> memref<26x64xf32, #tpu.memory_space<vmem>>
        %dma_wait3A_1673 = arith.constant 0 : i32
        %dma_wait3A_1674 = arith.constant 0 : i32
        %dma_wait3A_1675 = tpu.memref_slice %arg4[%mul3A_2, %dma_wait3A_1673, %dma_wait3A_1674] : memref<16384x26x64xf32, #tpu.memory_space<hbm>> -> memref<1x26x64xf32, #tpu.memory_space<hbm>>
        %dma_wait3A_1676 = tpu.memref_squeeze %dma_wait3A_1675 : memref<1x26x64xf32, #tpu.memory_space<hbm>> -> memref<26x64xf32, #tpu.memory_space<hbm>>
        %dma_wait3A_1677 = arith.constant 0 : i32
        %dma_wait3A_1678 = arith.constant 0 : i32
        %dma_wait3A_1679 = tpu.memref_slice %arg4[%mul3A_2, %dma_wait3A_1677, %dma_wait3A_1678] : memref<16384x26x64xf32, #tpu.memory_space<hbm>> -> memref<1x26x64xf32, #tpu.memory_space<hbm>>
        %dma_wait3A_1680 = tpu.memref_squeeze %dma_wait3A_1679 : memref<1x26x64xf32, #tpu.memory_space<hbm>> -> memref<26x64xf32, #tpu.memory_space<hbm>>
        %dma_wait3A_1681 = arith.constant 390 : i32
        %dma_wait3A_1682 = arith.constant 0 : i32
        %dma_wait3A_1683 = tpu.memref_slice %arg6[%dma_wait3A_1681, %dma_wait3A_1682] : memref<416x64xf32, #tpu.memory_space<vmem>> -> memref<26x64xf32, #tpu.memory_space<vmem>>
        tpu.wait_dma2 semaphore(%arg8 : memref<!tpu.dma_semaphore, #tpu.memory_space<semaphore_mem>>) src(%dma_wait3A_1683 : memref<26x64xf32, #tpu.memory_space<vmem>>) dst(%dma_wait3A_1680 : memref<26x64xf32, #tpu.memory_space<hbm>>)
      } else {
      }
      %scan3A_237 = arith.constant 0 : i32
      %scan3A_238 = arith.constant 0 : i32
      %scan3A_239 = arith.constant 16 : i32
      %scan3A_240 = arith.addi %scan3A_238, %scan3A_239 : i32
      %scan3A_241 = arith.constant 1 : i32
      scf.for %scan3A_1460 = %scan3A_238 to %scan3A_240 step %scan3A_241  : i32 {
        %get3A = arith.index_cast %scan3A_1460 : i32 to index
        %get3A_1461 = arith.constant 0 : index
        %get3A_1462 = tpu.vector_load %arg5[%get3A, %get3A_1461] {strides = array<i32>} : memref<16x26xi32, #tpu.memory_space<vmem>>, vector<1x16xi32>,
        %get3A_1463 = vector.shape_cast %get3A_1462 : vector<1x16xi32> to vector<16xi32>
        %get3A_1464 = arith.index_cast %scan3A_1460 : i32 to index
        %get3A_1465 = arith.constant 10 : index
        %get3A_1466 = tpu.vector_load %arg5[%get3A_1464, %get3A_1465] {strides = array<i32>} : memref<16x26xi32, #tpu.memory_space<vmem>>, vector<1x16xi32>,
        %get3A_1467 = vector.shape_cast %get3A_1466 : vector<1x16xi32> to vector<16xi32>
        %slice3A = vector.extract_strided_slice %get3A_1463 {offsets = [0], sizes = [1], strides = [1]} : vector<16xi32> to vector<1xi32>
        %squeeze3A = vector.extract %slice3A[0] : i32 from vector<1xi32>
        %slice3A_1468 = vector.extract_strided_slice %get3A_1463 {offsets = [1], sizes = [1], strides = [1]} : vector<16xi32> to vector<1xi32>
        %squeeze3A_1469 = vector.extract %slice3A_1468[0] : i32 from vector<1xi32>
        %slice3A_1470 = vector.extract_strided_slice %get3A_1463 {offsets = [2], sizes = [1], strides = [1]} : vector<16xi32> to vector<1xi32>
        %squeeze3A_1471 = vector.extract %slice3A_1470[0] : i32 from vector<1xi32>
        %slice3A_1472 = vector.extract_strided_slice %get3A_1463 {offsets = [3], sizes = [1], strides = [1]} : vector<16xi32> to vector<1xi32>
        %squeeze3A_1473 = vector.extract %slice3A_1472[0] : i32 from vector<1xi32>
        %slice3A_1474 = vector.extract_strided_slice %get3A_1463 {offsets = [4], sizes = [1], strides = [1]} : vector<16xi32> to vector<1xi32>
        %squeeze3A_1475 = vector.extract %slice3A_1474[0] : i32 from vector<1xi32>
        %slice3A_1476 = vector.extract_strided_slice %get3A_1463 {offsets = [5], sizes = [1], strides = [1]} : vector<16xi32> to vector<1xi32>
        %squeeze3A_1477 = vector.extract %slice3A_1476[0] : i32 from vector<1xi32>
        %slice3A_1478 = vector.extract_strided_slice %get3A_1463 {offsets = [6], sizes = [1], strides = [1]} : vector<16xi32> to vector<1xi32>
        %squeeze3A_1479 = vector.extract %slice3A_1478[0] : i32 from vector<1xi32>
        %slice3A_1480 = vector.extract_strided_slice %get3A_1463 {offsets = [7], sizes = [1], strides = [1]} : vector<16xi32> to vector<1xi32>
        %squeeze3A_1481 = vector.extract %slice3A_1480[0] : i32 from vector<1xi32>
        %slice3A_1482 = vector.extract_strided_slice %get3A_1463 {offsets = [8], sizes = [1], strides = [1]} : vector<16xi32> to vector<1xi32>
        %squeeze3A_1483 = vector.extract %slice3A_1482[0] : i32 from vector<1xi32>
        %slice3A_1484 = vector.extract_strided_slice %get3A_1463 {offsets = [9], sizes = [1], strides = [1]} : vector<16xi32> to vector<1xi32>
        %squeeze3A_1485 = vector.extract %slice3A_1484[0] : i32 from vector<1xi32>
        %slice3A_1486 = vector.extract_strided_slice %get3A_1463 {offsets = [10], sizes = [1], strides = [1]} : vector<16xi32> to vector<1xi32>
        %squeeze3A_1487 = vector.extract %slice3A_1486[0] : i32 from vector<1xi32>
        %slice3A_1488 = vector.extract_strided_slice %get3A_1463 {offsets = [11], sizes = [1], strides = [1]} : vector<16xi32> to vector<1xi32>
        %squeeze3A_1489 = vector.extract %slice3A_1488[0] : i32 from vector<1xi32>
        %slice3A_1490 = vector.extract_strided_slice %get3A_1463 {offsets = [12], sizes = [1], strides = [1]} : vector<16xi32> to vector<1xi32>
        %squeeze3A_1491 = vector.extract %slice3A_1490[0] : i32 from vector<1xi32>
        %slice3A_1492 = vector.extract_strided_slice %get3A_1463 {offsets = [13], sizes = [1], strides = [1]} : vector<16xi32> to vector<1xi32>
        %squeeze3A_1493 = vector.extract %slice3A_1492[0] : i32 from vector<1xi32>
        %slice3A_1494 = vector.extract_strided_slice %get3A_1463 {offsets = [14], sizes = [1], strides = [1]} : vector<16xi32> to vector<1xi32>
        %squeeze3A_1495 = vector.extract %slice3A_1494[0] : i32 from vector<1xi32>
        %slice3A_1496 = vector.extract_strided_slice %get3A_1463 {offsets = [15], sizes = [1], strides = [1]} : vector<16xi32> to vector<1xi32>
        %squeeze3A_1497 = vector.extract %slice3A_1496[0] : i32 from vector<1xi32>
        %slice3A_1498 = vector.extract_strided_slice %get3A_1467 {offsets = [6], sizes = [1], strides = [1]} : vector<16xi32> to vector<1xi32>
        %squeeze3A_1499 = vector.extract %slice3A_1498[0] : i32 from vector<1xi32>
        %slice3A_1500 = vector.extract_strided_slice %get3A_1467 {offsets = [7], sizes = [1], strides = [1]} : vector<16xi32> to vector<1xi32>
        %squeeze3A_1501 = vector.extract %slice3A_1500[0] : i32 from vector<1xi32>
        %slice3A_1502 = vector.extract_strided_slice %get3A_1467 {offsets = [8], sizes = [1], strides = [1]} : vector<16xi32> to vector<1xi32>
        %squeeze3A_1503 = vector.extract %slice3A_1502[0] : i32 from vector<1xi32>
        %slice3A_1504 = vector.extract_strided_slice %get3A_1467 {offsets = [9], sizes = [1], strides = [1]} : vector<16xi32> to vector<1xi32>
        %squeeze3A_1505 = vector.extract %slice3A_1504[0] : i32 from vector<1xi32>
        %slice3A_1506 = vector.extract_strided_slice %get3A_1467 {offsets = [10], sizes = [1], strides = [1]} : vector<16xi32> to vector<1xi32>
        %squeeze3A_1507 = vector.extract %slice3A_1506[0] : i32 from vector<1xi32>
        %slice3A_1508 = vector.extract_strided_slice %get3A_1467 {offsets = [11], sizes = [1], strides = [1]} : vector<16xi32> to vector<1xi32>
        %squeeze3A_1509 = vector.extract %slice3A_1508[0] : i32 from vector<1xi32>
        %slice3A_1510 = vector.extract_strided_slice %get3A_1467 {offsets = [12], sizes = [1], strides = [1]} : vector<16xi32> to vector<1xi32>
        %squeeze3A_1511 = vector.extract %slice3A_1510[0] : i32 from vector<1xi32>
        %slice3A_1512 = vector.extract_strided_slice %get3A_1467 {offsets = [13], sizes = [1], strides = [1]} : vector<16xi32> to vector<1xi32>
        %squeeze3A_1513 = vector.extract %slice3A_1512[0] : i32 from vector<1xi32>
        %slice3A_1514 = vector.extract_strided_slice %get3A_1467 {offsets = [14], sizes = [1], strides = [1]} : vector<16xi32> to vector<1xi32>
        %squeeze3A_1515 = vector.extract %slice3A_1514[0] : i32 from vector<1xi32>
        %slice3A_1516 = vector.extract_strided_slice %get3A_1467 {offsets = [15], sizes = [1], strides = [1]} : vector<16xi32> to vector<1xi32>
        %squeeze3A_1517 = vector.extract %slice3A_1516[0] : i32 from vector<1xi32>
        %ge3A = arith.constant 500000 : i32
        %ge3A_1518 = arith.cmpi sge, %squeeze3A, %ge3A : i32
        %jit3A = arith.constant 1 : i32
        %jit3A_1519 = arith.constant 0 : i32
        %select_n3A = arith.select %ge3A_1518, %jit3A, %jit3A_1519 : i32
        %mul3A_1520 = arith.constant 500000 : i32
        %mul3A_1521 = arith.muli %select_n3A, %mul3A_1520 : i32
        %sub3A = arith.subi %squeeze3A, %mul3A_1521 : i32
        %mul3A_1522 = arith.constant 26 : i32
        %mul3A_1523 = arith.muli %scan3A_1460, %mul3A_1522 : i32
        %add3A_1524 = arith.constant 0 : i32
        %add3A_1525 = arith.addi %mul3A_1523, %add3A_1524 : i32
        %dma_start3A_1526 = arith.constant 0 : i32
        %dma_start3A_1527 = tpu.memref_slice %arg6[%add3A_1525, %dma_start3A_1526] : memref<416x64xf32, #tpu.memory_space<vmem>> -> memref<1x64xf32, #tpu.memory_space<vmem>>
        %dma_start3A_1528 = arith.constant 0 : i32
        %dma_start3A_1529 = tpu.memref_slice %arg3[%select_n3A, %sub3A, %dma_start3A_1528] : memref<2x500000x64xf32, #tpu.memory_space<hbm>> -> memref<1x1x64xf32, #tpu.memory_space<hbm>>
        %dma_start3A_1530 = tpu.memref_squeeze %dma_start3A_1529 : memref<1x1x64xf32, #tpu.memory_space<hbm>> -> memref<1x64xf32, #tpu.memory_space<hbm>>
        %dma_start3A_1531 = arith.constant 0 : i32
        %dma_start3A_1532 = tpu.memref_slice %arg6[%add3A_1525, %dma_start3A_1531] : memref<416x64xf32, #tpu.memory_space<vmem>> -> memref<1x64xf32, #tpu.memory_space<vmem>>
        %dma_start3A_1533 = arith.constant 0 : i32
        %dma_start3A_1534 = tpu.memref_slice %arg3[%select_n3A, %sub3A, %dma_start3A_1533] : memref<2x500000x64xf32, #tpu.memory_space<hbm>> -> memref<1x1x64xf32, #tpu.memory_space<hbm>>
        %dma_start3A_1535 = tpu.memref_squeeze %dma_start3A_1534 : memref<1x1x64xf32, #tpu.memory_space<hbm>> -> memref<1x64xf32, #tpu.memory_space<hbm>>
        tpu.enqueue_dma source(%dma_start3A_1535 : memref<1x64xf32, #tpu.memory_space<hbm>>) target(%dma_start3A_1532 : memref<1x64xf32, #tpu.memory_space<vmem>>) target_semaphore(%arg7 : memref<!tpu.dma_semaphore, #tpu.memory_space<semaphore_mem>>)
        %ge3A_1536 = arith.constant 500000 : i32
        %ge3A_1537 = arith.cmpi sge, %squeeze3A_1469, %ge3A_1536 : i32
        %jit3A_1538 = arith.constant 1 : i32
        %jit3A_1539 = arith.constant 0 : i32
        %select_n3A_1540 = arith.select %ge3A_1537, %jit3A_1538, %jit3A_1539 : i32
        %mul3A_1541 = arith.constant 500000 : i32
        %mul3A_1542 = arith.muli %select_n3A_1540, %mul3A_1541 : i32
        %sub3A_1543 = arith.subi %squeeze3A_1469, %mul3A_1542 : i32
        %mul3A_1544 = arith.constant 26 : i32
        %mul3A_1545 = arith.muli %scan3A_1460, %mul3A_1544 : i32
        %add3A_1546 = arith.constant 1 : i32
        %add3A_1547 = arith.addi %mul3A_1545, %add3A_1546 : i32
        %dma_start3A_1548 = arith.constant 0 : i32
        %dma_start3A_1549 = tpu.memref_slice %arg6[%add3A_1547, %dma_start3A_1548] : memref<416x64xf32, #tpu.memory_space<vmem>> -> memref<1x64xf32, #tpu.memory_space<vmem>>
        %dma_start3A_1550 = arith.constant 0 : i32
        %dma_start3A_1551 = tpu.memref_slice %arg3[%select_n3A_1540, %sub3A_1543, %dma_start3A_1550] : memref<2x500000x64xf32, #tpu.memory_space<hbm>> -> memref<1x1x64xf32, #tpu.memory_space<hbm>>
        %dma_start3A_1552 = tpu.memref_squeeze %dma_start3A_1551 : memref<1x1x64xf32, #tpu.memory_space<hbm>> -> memref<1x64xf32, #tpu.memory_space<hbm>>
        %dma_start3A_1553 = arith.constant 0 : i32
        %dma_start3A_1554 = tpu.memref_slice %arg6[%add3A_1547, %dma_start3A_1553] : memref<416x64xf32, #tpu.memory_space<vmem>> -> memref<1x64xf32, #tpu.memory_space<vmem>>
        %dma_start3A_1555 = arith.constant 0 : i32
        %dma_start3A_1556 = tpu.memref_slice %arg3[%select_n3A_1540, %sub3A_1543, %dma_start3A_1555] : memref<2x500000x64xf32, #tpu.memory_space<hbm>> -> memref<1x1x64xf32, #tpu.memory_space<hbm>>
        %dma_start3A_1557 = tpu.memref_squeeze %dma_start3A_1556 : memref<1x1x64xf32, #tpu.memory_space<hbm>> -> memref<1x64xf32, #tpu.memory_space<hbm>>
        tpu.enqueue_dma source(%dma_start3A_1557 : memref<1x64xf32, #tpu.memory_space<hbm>>) target(%dma_start3A_1554 : memref<1x64xf32, #tpu.memory_space<vmem>>) target_semaphore(%arg7 : memref<!tpu.dma_semaphore, #tpu.memory_space<semaphore_mem>>)
        %ge3A_1558 = arith.constant 500000 : i32
        %ge3A_1559 = arith.cmpi sge, %squeeze3A_1471, %ge3A_1558 : i32
        %jit3A_1560 = arith.constant 1 : i32
        %jit3A_1561 = arith.constant 0 : i32
        %select_n3A_1562 = arith.select %ge3A_1559, %jit3A_1560, %jit3A_1561 : i32
        %mul3A_1563 = arith.constant 500000 : i32
        %mul3A_1564 = arith.muli %select_n3A_1562, %mul3A_1563 : i32
        %sub3A_1565 = arith.subi %squeeze3A_1471, %mul3A_1564 : i32
        %mul3A_1566 = arith.constant 26 : i32
        %mul3A_1567 = arith.muli %scan3A_1460, %mul3A_1566 : i32
        %add3A_1568 = arith.constant 2 : i32
        %add3A_1569 = arith.addi %mul3A_1567, %add3A_1568 : i32
        %dma_start3A_1570 = arith.constant 0 : i32
        %dma_start3A_1571 = tpu.memref_slice %arg6[%add3A_1569, %dma_start3A_1570] : memref<416x64xf32, #tpu.memory_space<vmem>> -> memref<1x64xf32, #tpu.memory_space<vmem>>
        %dma_start3A_1572 = arith.constant 0 : i32
        %dma_start3A_1573 = tpu.memref_slice %arg3[%select_n3A_1562, %sub3A_1565, %dma_start3A_1572] : memref<2x500000x64xf32, #tpu.memory_space<hbm>> -> memref<1x1x64xf32, #tpu.memory_space<hbm>>
        %dma_start3A_1574 = tpu.memref_squeeze %dma_start3A_1573 : memref<1x1x64xf32, #tpu.memory_space<hbm>> -> memref<1x64xf32, #tpu.memory_space<hbm>>
        %dma_start3A_1575 = arith.constant 0 : i32
        %dma_start3A_1576 = tpu.memref_slice %arg6[%add3A_1569, %dma_start3A_1575] : memref<416x64xf32, #tpu.memory_space<vmem>> -> memref<1x64xf32, #tpu.memory_space<vmem>>
        %dma_start3A_1577 = arith.constant 0 : i32
        %dma_start3A_1578 = tpu.memref_slice %arg3[%select_n3A_1562, %sub3A_1565, %dma_start3A_1577] : memref<2x500000x64xf32, #tpu.memory_space<hbm>> -> memref<1x1x64xf32, #tpu.memory_space<hbm>>
        %dma_start3A_1579 = tpu.memref_squeeze %dma_start3A_1578 : memref<1x1x64xf32, #tpu.memory_space<hbm>> -> memref<1x64xf32, #tpu.memory_space<hbm>>
        tpu.enqueue_dma source(%dma_start3A_1579 : memref<1x64xf32, #tpu.memory_space<hbm>>) target(%dma_start3A_1576 : memref<1x64xf32, #tpu.memory_space<vmem>>) target_semaphore(%arg7 : memref<!tpu.dma_semaphore, #tpu.memory_space<semaphore_mem>>)
        %ge3A_1580 = arith.constant 500000 : i32
        %ge3A_1581 = arith.cmpi sge, %squeeze3A_1473, %ge3A_1580 : i32
        %jit3A_1582 = arith.constant 1 : i32
        %jit3A_1583 = arith.constant 0 : i32
        %select_n3A_1584 = arith.select %ge3A_1581, %jit3A_1582, %jit3A_1583 : i32
        %mul3A_1585 = arith.constant 500000 : i32
        %mul3A_1586 = arith.muli %select_n3A_1584, %mul3A_1585 : i32
        %sub3A_1587 = arith.subi %squeeze3A_1473, %mul3A_1586 : i32
        %mul3A_1588 = arith.constant 26 : i32
        %mul3A_1589 = arith.muli %scan3A_1460, %mul3A_1588 : i32
        %add3A_1590 = arith.constant 3 : i32
        %add3A_1591 = arith.addi %mul3A_1589, %add3A_1590 : i32
        %dma_start3A_1592 = arith.constant 0 : i32
        %dma_start3A_1593 = tpu.memref_slice %arg6[%add3A_1591, %dma_start3A_1592] : memref<416x64xf32, #tpu.memory_space<vmem>> -> memref<1x64xf32, #tpu.memory_space<vmem>>
        %dma_start3A_1594 = arith.constant 0 : i32
        %dma_start3A_1595 = tpu.memref_slice %arg3[%select_n3A_1584, %sub3A_1587, %dma_start3A_1594] : memref<2x500000x64xf32, #tpu.memory_space<hbm>> -> memref<1x1x64xf32, #tpu.memory_space<hbm>>
        %dma_start3A_1596 = tpu.memref_squeeze %dma_start3A_1595 : memref<1x1x64xf32, #tpu.memory_space<hbm>> -> memref<1x64xf32, #tpu.memory_space<hbm>>
        %dma_start3A_1597 = arith.constant 0 : i32
        %dma_start3A_1598 = tpu.memref_slice %arg6[%add3A_1591, %dma_start3A_1597] : memref<416x64xf32, #tpu.memory_space<vmem>> -> memref<1x64xf32, #tpu.memory_space<vmem>>
        %dma_start3A_1599 = arith.constant 0 : i32
        %dma_start3A_1600 = tpu.memref_slice %arg3[%select_n3A_1584, %sub3A_1587, %dma_start3A_1599] : memref<2x500000x64xf32, #tpu.memory_space<hbm>> -> memref<1x1x64xf32, #tpu.memory_space<hbm>>
        %dma_start3A_1601 = tpu.memref_squeeze %dma_start3A_1600 : memref<1x1x64xf32, #tpu.memory_space<hbm>> -> memref<1x64xf32, #tpu.memory_space<hbm>>
        tpu.enqueue_dma source(%dma_start3A_1601 : memref<1x64xf32, #tpu.memory_space<hbm>>) target(%dma_start3A_1598 : memref<1x64xf32, #tpu.memory_space<vmem>>) target_semaphore(%arg7 : memref<!tpu.dma_semaphore, #tpu.memory_space<semaphore_mem>>)
        %ge3A_1602 = arith.constant 500000 : i32
        %ge3A_1603 = arith.cmpi sge, %squeeze3A_1475, %ge3A_1602 : i32
        %jit3A_1604 = arith.constant 1 : i32
        %jit3A_1605 = arith.constant 0 : i32
        %select_n3A_1606 = arith.select %ge3A_1603, %jit3A_1604, %jit3A_1605 : i32
        %mul3A_1607 = arith.constant 500000 : i32
        %mul3A_1608 = arith.muli %select_n3A_1606, %mul3A_1607 : i32
        %sub3A_1609 = arith.subi %squeeze3A_1475, %mul3A_1608 : i32
        %mul3A_1610 = arith.constant 26 : i32
        %mul3A_1611 = arith.muli %scan3A_1460, %mul3A_1610 : i32
        %add3A_1612 = arith.constant 4 : i32
        %add3A_1613 = arith.addi %mul3A_1611, %add3A_1612 : i32
        %dma_start3A_1614 = arith.constant 0 : i32
        %dma_start3A_1615 = tpu.memref_slice %arg6[%add3A_1613, %dma_start3A_1614] : memref<416x64xf32, #tpu.memory_space<vmem>> -> memref<1x64xf32, #tpu.memory_space<vmem>>
        %dma_start3A_1616 = arith.constant 0 : i32
        %dma_start3A_1617 = tpu.memref_slice %arg3[%select_n3A_1606, %sub3A_1609, %dma_start3A_1616] : memref<2x500000x64xf32, #tpu.memory_space<hbm>> -> memref<1x1x64xf32, #tpu.memory_space<hbm>>
        %dma_start3A_1618 = tpu.memref_squeeze %dma_start3A_1617 : memref<1x1x64xf32, #tpu.memory_space<hbm>> -> memref<1x64xf32, #tpu.memory_space<hbm>>
        %dma_start3A_1619 = arith.constant 0 : i32
        %dma_start3A_1620 = tpu.memref_slice %arg6[%add3A_1613, %dma_start3A_1619] : memref<416x64xf32, #tpu.memory_space<vmem>> -> memref<1x64xf32, #tpu.memory_space<vmem>>
        %dma_start3A_1621 = arith.constant 0 : i32
        %dma_start3A_1622 = tpu.memref_slice %arg3[%select_n3A_1606, %sub3A_1609, %dma_start3A_1621] : memref<2x500000x64xf32, #tpu.memory_space<hbm>> -> memref<1x1x64xf32, #tpu.memory_space<hbm>>
        %dma_start3A_1623 = tpu.memref_squeeze %dma_start3A_1622 : memref<1x1x64xf32, #tpu.memory_space<hbm>> -> memref<1x64xf32, #tpu.memory_space<hbm>>
        tpu.enqueue_dma source(%dma_start3A_1623 : memref<1x64xf32, #tpu.memory_space<hbm>>) target(%dma_start3A_1620 : memref<1x64xf32, #tpu.memory_space<vmem>>) target_semaphore(%arg7 : memref<!tpu.dma_semaphore, #tpu.memory_space<semaphore_mem>>)
        %ge3A_1624 = arith.constant 500000 : i32
        %ge3A_1625 = arith.cmpi sge, %squeeze3A_1477, %ge3A_1624 : i32
        %jit3A_1626 = arith.constant 1 : i32
        %jit3A_1627 = arith.constant 0 : i32
        %select_n3A_1628 = arith.select %ge3A_1625, %jit3A_1626, %jit3A_1627 : i32
        %mul3A_1629 = arith.constant 500000 : i32
        %mul3A_1630 = arith.muli %select_n3A_1628, %mul3A_1629 : i32
        %sub3A_1631 = arith.subi %squeeze3A_1477, %mul3A_1630 : i32
        %mul3A_1632 = arith.constant 26 : i32
        %mul3A_1633 = arith.muli %scan3A_1460, %mul3A_1632 : i32
        %add3A_1634 = arith.constant 5 : i32
        %add3A_1635 = arith.addi %mul3A_1633, %add3A_1634 : i32
        %dma_start3A_1636 = arith.constant 0 : i32
        %dma_start3A_1637 = tpu.memref_slice %arg6[%add3A_1635, %dma_start3A_1636] : memref<416x64xf32, #tpu.memory_space<vmem>> -> memref<1x64xf32, #tpu.memory_space<vmem>>
        %dma_start3A_1638 = arith.constant 0 : i32
        %dma_start3A_1639 = tpu.memref_slice %arg3[%select_n3A_1628, %sub3A_1631, %dma_start3A_1638] : memref<2x500000x64xf32, #tpu.memory_space<hbm>> -> memref<1x1x64xf32, #tpu.memory_space<hbm>>
        %dma_start3A_1640 = tpu.memref_squeeze %dma_start3A_1639 : memref<1x1x64xf32, #tpu.memory_space<hbm>> -> memref<1x64xf32, #tpu.memory_space<hbm>>
        %dma_start3A_1641 = arith.constant 0 : i32
        %dma_start3A_1642 = tpu.memref_slice %arg6[%add3A_1635, %dma_start3A_1641] : memref<416x64xf32, #tpu.memory_space<vmem>> -> memref<1x64xf32, #tpu.memory_space<vmem>>
        %dma_start3A_1643 = arith.constant 0 : i32
        %dma_start3A_1644 = tpu.memref_slice %arg3[%select_n3A_1628, %sub3A_1631, %dma_start3A_1643] : memref<2x500000x64xf32, #tpu.memory_space<hbm>> -> memref<1x1x64xf32, #tpu.memory_space<hbm>>
        %dma_start3A_1645 = tpu.memref_squeeze %dma_start3A_1644 : memref<1x1x64xf32, #tpu.memory_space<hbm>> -> memref<1x64xf32, #tpu.memory_space<hbm>>
        tpu.enqueue_dma source(%dma_start3A_1645 : memref<1x64xf32, #tpu.memory_space<hbm>>) target(%dma_start3A_1642 : memref<1x64xf32, #tpu.memory_space<vmem>>) target_semaphore(%arg7 : memref<!tpu.dma_semaphore, #tpu.memory_space<semaphore_mem>>)
        %ge3A_1646 = arith.constant 500000 : i32
        %ge3A_1647 = arith.cmpi sge, %squeeze3A_1479, %ge3A_1646 : i32
        %jit3A_1648 = arith.constant 1 : i32
        %jit3A_1649 = arith.constant 0 : i32
        %select_n3A_1650 = arith.select %ge3A_1647, %jit3A_1648, %jit3A_1649 : i32
        %mul3A_1651 = arith.constant 500000 : i32
        %mul3A_1652 = arith.muli %select_n3A_1650, %mul3A_1651 : i32
        %sub3A_1653 = arith.subi %squeeze3A_1479, %mul3A_1652 : i32
        %mul3A_1654 = arith.constant 26 : i32
        %mul3A_1655 = arith.muli %scan3A_1460, %mul3A_1654 : i32
        %add3A_1656 = arith.constant 6 : i32
        %add3A_1657 = arith.addi %mul3A_1655, %add3A_1656 : i32
        %dma_start3A_1658 = arith.constant 0 : i32
        %dma_start3A_1659 = tpu.memref_slice %arg6[%add3A_1657, %dma_start3A_1658] : memref<416x64xf32, #tpu.memory_space<vmem>> -> memref<1x64xf32, #tpu.memory_space<vmem>>
        %dma_start3A_1660 = arith.constant 0 : i32
        %dma_start3A_1661 = tpu.memref_slice %arg3[%select_n3A_1650, %sub3A_1653, %dma_start3A_1660] : memref<2x500000x64xf32, #tpu.memory_space<hbm>> -> memref<1x1x64xf32, #tpu.memory_space<hbm>>
        %dma_start3A_1662 = tpu.memref_squeeze %dma_start3A_1661 : memref<1x1x64xf32, #tpu.memory_space<hbm>> -> memref<1x64xf32, #tpu.memory_space<hbm>>
        %dma_start3A_1663 = arith.constant 0 : i32
        %dma_start3A_1664 = tpu.memref_slice %arg6[%add3A_1657, %dma_start3A_1663] : memref<416x64xf32, #tpu.memory_space<vmem>> -> memref<1x64xf32, #tpu.memory_space<vmem>>
        %dma_start3A_1665 = arith.constant 0 : i32
        %dma_start3A_1666 = tpu.memref_slice %arg3[%select_n3A_1650, %sub3A_1653, %dma_start3A_1665] : memref<2x500000x64xf32, #tpu.memory_space<hbm>> -> memref<1x1x64xf32, #tpu.memory_space<hbm>>
        %dma_start3A_1667 = tpu.memref_squeeze %dma_start3A_1666 : memref<1x1x64xf32, #tpu.memory_space<hbm>> -> memref<1x64xf32, #tpu.memory_space<hbm>>
        tpu.enqueue_dma source(%dma_start3A_1667 : memref<1x64xf32, #tpu.memory_space<hbm>>) target(%dma_start3A_1664 : memref<1x64xf32, #tpu.memory_space<vmem>>) target_semaphore(%arg7 : memref<!tpu.dma_semaphore, #tpu.memory_space<semaphore_mem>>)
        %ge3A_1668 = arith.constant 500000 : i32
        %ge3A_1669 = arith.cmpi sge, %squeeze3A_1481, %ge3A_1668 : i32
        %jit3A_1670 = arith.constant 1 : i32
        %jit3A_1671 = arith.constant 0 : i32
        %select_n3A_1672 = arith.select %ge3A_1669, %jit3A_1670, %jit3A_1671 : i32
        %mul3A_1673 = arith.constant 500000 : i32
        %mul3A_1674 = arith.muli %select_n3A_1672, %mul3A_1673 : i32
        %sub3A_1675 = arith.subi %squeeze3A_1481, %mul3A_1674 : i32
        %mul3A_1676 = arith.constant 26 : i32
        %mul3A_1677 = arith.muli %scan3A_1460, %mul3A_1676 : i32
        %add3A_1678 = arith.constant 7 : i32
        %add3A_1679 = arith.addi %mul3A_1677, %add3A_1678 : i32
        %dma_start3A_1680 = arith.constant 0 : i32
        %dma_start3A_1681 = tpu.memref_slice %arg6[%add3A_1679, %dma_start3A_1680] : memref<416x64xf32, #tpu.memory_space<vmem>> -> memref<1x64xf32, #tpu.memory_space<vmem>>
        %dma_start3A_1682 = arith.constant 0 : i32
        %dma_start3A_1683 = tpu.memref_slice %arg3[%select_n3A_1672, %sub3A_1675, %dma_start3A_1682] : memref<2x500000x64xf32, #tpu.memory_space<hbm>> -> memref<1x1x64xf32, #tpu.memory_space<hbm>>
        %dma_start3A_1684 = tpu.memref_squeeze %dma_start3A_1683 : memref<1x1x64xf32, #tpu.memory_space<hbm>> -> memref<1x64xf32, #tpu.memory_space<hbm>>
        %dma_start3A_1685 = arith.constant 0 : i32
        %dma_start3A_1686 = tpu.memref_slice %arg6[%add3A_1679, %dma_start3A_1685] : memref<416x64xf32, #tpu.memory_space<vmem>> -> memref<1x64xf32, #tpu.memory_space<vmem>>
        %dma_start3A_1687 = arith.constant 0 : i32
        %dma_start3A_1688 = tpu.memref_slice %arg3[%select_n3A_1672, %sub3A_1675, %dma_start3A_1687] : memref<2x500000x64xf32, #tpu.memory_space<hbm>> -> memref<1x1x64xf32, #tpu.memory_space<hbm>>
        %dma_start3A_1689 = tpu.memref_squeeze %dma_start3A_1688 : memref<1x1x64xf32, #tpu.memory_space<hbm>> -> memref<1x64xf32, #tpu.memory_space<hbm>>
        tpu.enqueue_dma source(%dma_start3A_1689 : memref<1x64xf32, #tpu.memory_space<hbm>>) target(%dma_start3A_1686 : memref<1x64xf32, #tpu.memory_space<vmem>>) target_semaphore(%arg7 : memref<!tpu.dma_semaphore, #tpu.memory_space<semaphore_mem>>)
        %ge3A_1690 = arith.constant 500000 : i32
        %ge3A_1691 = arith.cmpi sge, %squeeze3A_1483, %ge3A_1690 : i32
        %jit3A_1692 = arith.constant 1 : i32
        %jit3A_1693 = arith.constant 0 : i32
        %select_n3A_1694 = arith.select %ge3A_1691, %jit3A_1692, %jit3A_1693 : i32
        %mul3A_1695 = arith.constant 500000 : i32
        %mul3A_1696 = arith.muli %select_n3A_1694, %mul3A_1695 : i32
        %sub3A_1697 = arith.subi %squeeze3A_1483, %mul3A_1696 : i32
        %mul3A_1698 = arith.constant 26 : i32
        %mul3A_1699 = arith.muli %scan3A_1460, %mul3A_1698 : i32
        %add3A_1700 = arith.constant 8 : i32
        %add3A_1701 = arith.addi %mul3A_1699, %add3A_1700 : i32
        %dma_start3A_1702 = arith.constant 0 : i32
        %dma_start3A_1703 = tpu.memref_slice %arg6[%add3A_1701, %dma_start3A_1702] : memref<416x64xf32, #tpu.memory_space<vmem>> -> memref<1x64xf32, #tpu.memory_space<vmem>>
        %dma_start3A_1704 = arith.constant 0 : i32
        %dma_start3A_1705 = tpu.memref_slice %arg3[%select_n3A_1694, %sub3A_1697, %dma_start3A_1704] : memref<2x500000x64xf32, #tpu.memory_space<hbm>> -> memref<1x1x64xf32, #tpu.memory_space<hbm>>
        %dma_start3A_1706 = tpu.memref_squeeze %dma_start3A_1705 : memref<1x1x64xf32, #tpu.memory_space<hbm>> -> memref<1x64xf32, #tpu.memory_space<hbm>>
        %dma_start3A_1707 = arith.constant 0 : i32
        %dma_start3A_1708 = tpu.memref_slice %arg6[%add3A_1701, %dma_start3A_1707] : memref<416x64xf32, #tpu.memory_space<vmem>> -> memref<1x64xf32, #tpu.memory_space<vmem>>
        %dma_start3A_1709 = arith.constant 0 : i32
        %dma_start3A_1710 = tpu.memref_slice %arg3[%select_n3A_1694, %sub3A_1697, %dma_start3A_1709] : memref<2x500000x64xf32, #tpu.memory_space<hbm>> -> memref<1x1x64xf32, #tpu.memory_space<hbm>>
        %dma_start3A_1711 = tpu.memref_squeeze %dma_start3A_1710 : memref<1x1x64xf32, #tpu.memory_space<hbm>> -> memref<1x64xf32, #tpu.memory_space<hbm>>
        tpu.enqueue_dma source(%dma_start3A_1711 : memref<1x64xf32, #tpu.memory_space<hbm>>) target(%dma_start3A_1708 : memref<1x64xf32, #tpu.memory_space<vmem>>) target_semaphore(%arg7 : memref<!tpu.dma_semaphore, #tpu.memory_space<semaphore_mem>>)
        %ge3A_1712 = arith.constant 500000 : i32
        %ge3A_1713 = arith.cmpi sge, %squeeze3A_1485, %ge3A_1712 : i32
        %jit3A_1714 = arith.constant 1 : i32
        %jit3A_1715 = arith.constant 0 : i32
        %select_n3A_1716 = arith.select %ge3A_1713, %jit3A_1714, %jit3A_1715 : i32
        %mul3A_1717 = arith.constant 500000 : i32
        %mul3A_1718 = arith.muli %select_n3A_1716, %mul3A_1717 : i32
        %sub3A_1719 = arith.subi %squeeze3A_1485, %mul3A_1718 : i32
        %mul3A_1720 = arith.constant 26 : i32
        %mul3A_1721 = arith.muli %scan3A_1460, %mul3A_1720 : i32
        %add3A_1722 = arith.constant 9 : i32
        %add3A_1723 = arith.addi %mul3A_1721, %add3A_1722 : i32
        %dma_start3A_1724 = arith.constant 0 : i32
        %dma_start3A_1725 = tpu.memref_slice %arg6[%add3A_1723, %dma_start3A_1724] : memref<416x64xf32, #tpu.memory_space<vmem>> -> memref<1x64xf32, #tpu.memory_space<vmem>>
        %dma_start3A_1726 = arith.constant 0 : i32
        %dma_start3A_1727 = tpu.memref_slice %arg3[%select_n3A_1716, %sub3A_1719, %dma_start3A_1726] : memref<2x500000x64xf32, #tpu.memory_space<hbm>> -> memref<1x1x64xf32, #tpu.memory_space<hbm>>
        %dma_start3A_1728 = tpu.memref_squeeze %dma_start3A_1727 : memref<1x1x64xf32, #tpu.memory_space<hbm>> -> memref<1x64xf32, #tpu.memory_space<hbm>>
        %dma_start3A_1729 = arith.constant 0 : i32
        %dma_start3A_1730 = tpu.memref_slice %arg6[%add3A_1723, %dma_start3A_1729] : memref<416x64xf32, #tpu.memory_space<vmem>> -> memref<1x64xf32, #tpu.memory_space<vmem>>
        %dma_start3A_1731 = arith.constant 0 : i32
        %dma_start3A_1732 = tpu.memref_slice %arg3[%select_n3A_1716, %sub3A_1719, %dma_start3A_1731] : memref<2x500000x64xf32, #tpu.memory_space<hbm>> -> memref<1x1x64xf32, #tpu.memory_space<hbm>>
        %dma_start3A_1733 = tpu.memref_squeeze %dma_start3A_1732 : memref<1x1x64xf32, #tpu.memory_space<hbm>> -> memref<1x64xf32, #tpu.memory_space<hbm>>
        tpu.enqueue_dma source(%dma_start3A_1733 : memref<1x64xf32, #tpu.memory_space<hbm>>) target(%dma_start3A_1730 : memref<1x64xf32, #tpu.memory_space<vmem>>) target_semaphore(%arg7 : memref<!tpu.dma_semaphore, #tpu.memory_space<semaphore_mem>>)
        %ge3A_1734 = arith.constant 500000 : i32
        %ge3A_1735 = arith.cmpi sge, %squeeze3A_1487, %ge3A_1734 : i32
        %jit3A_1736 = arith.constant 1 : i32
        %jit3A_1737 = arith.constant 0 : i32
        %select_n3A_1738 = arith.select %ge3A_1735, %jit3A_1736, %jit3A_1737 : i32
        %mul3A_1739 = arith.constant 500000 : i32
        %mul3A_1740 = arith.muli %select_n3A_1738, %mul3A_1739 : i32
        %sub3A_1741 = arith.subi %squeeze3A_1487, %mul3A_1740 : i32
        %mul3A_1742 = arith.constant 26 : i32
        %mul3A_1743 = arith.muli %scan3A_1460, %mul3A_1742 : i32
        %add3A_1744 = arith.constant 10 : i32
        %add3A_1745 = arith.addi %mul3A_1743, %add3A_1744 : i32
        %dma_start3A_1746 = arith.constant 0 : i32
        %dma_start3A_1747 = tpu.memref_slice %arg6[%add3A_1745, %dma_start3A_1746] : memref<416x64xf32, #tpu.memory_space<vmem>> -> memref<1x64xf32, #tpu.memory_space<vmem>>
        %dma_start3A_1748 = arith.constant 0 : i32
        %dma_start3A_1749 = tpu.memref_slice %arg3[%select_n3A_1738, %sub3A_1741, %dma_start3A_1748] : memref<2x500000x64xf32, #tpu.memory_space<hbm>> -> memref<1x1x64xf32, #tpu.memory_space<hbm>>
        %dma_start3A_1750 = tpu.memref_squeeze %dma_start3A_1749 : memref<1x1x64xf32, #tpu.memory_space<hbm>> -> memref<1x64xf32, #tpu.memory_space<hbm>>
        %dma_start3A_1751 = arith.constant 0 : i32
        %dma_start3A_1752 = tpu.memref_slice %arg6[%add3A_1745, %dma_start3A_1751] : memref<416x64xf32, #tpu.memory_space<vmem>> -> memref<1x64xf32, #tpu.memory_space<vmem>>
        %dma_start3A_1753 = arith.constant 0 : i32
        %dma_start3A_1754 = tpu.memref_slice %arg3[%select_n3A_1738, %sub3A_1741, %dma_start3A_1753] : memref<2x500000x64xf32, #tpu.memory_space<hbm>> -> memref<1x1x64xf32, #tpu.memory_space<hbm>>
        %dma_start3A_1755 = tpu.memref_squeeze %dma_start3A_1754 : memref<1x1x64xf32, #tpu.memory_space<hbm>> -> memref<1x64xf32, #tpu.memory_space<hbm>>
        tpu.enqueue_dma source(%dma_start3A_1755 : memref<1x64xf32, #tpu.memory_space<hbm>>) target(%dma_start3A_1752 : memref<1x64xf32, #tpu.memory_space<vmem>>) target_semaphore(%arg7 : memref<!tpu.dma_semaphore, #tpu.memory_space<semaphore_mem>>)
        %ge3A_1756 = arith.constant 500000 : i32
        %ge3A_1757 = arith.cmpi sge, %squeeze3A_1489, %ge3A_1756 : i32
        %jit3A_1758 = arith.constant 1 : i32
        %jit3A_1759 = arith.constant 0 : i32
        %select_n3A_1760 = arith.select %ge3A_1757, %jit3A_1758, %jit3A_1759 : i32
        %mul3A_1761 = arith.constant 500000 : i32
        %mul3A_1762 = arith.muli %select_n3A_1760, %mul3A_1761 : i32
        %sub3A_1763 = arith.subi %squeeze3A_1489, %mul3A_1762 : i32
        %mul3A_1764 = arith.constant 26 : i32
        %mul3A_1765 = arith.muli %scan3A_1460, %mul3A_1764 : i32
        %add3A_1766 = arith.constant 11 : i32
        %add3A_1767 = arith.addi %mul3A_1765, %add3A_1766 : i32
        %dma_start3A_1768 = arith.constant 0 : i32
        %dma_start3A_1769 = tpu.memref_slice %arg6[%add3A_1767, %dma_start3A_1768] : memref<416x64xf32, #tpu.memory_space<vmem>> -> memref<1x64xf32, #tpu.memory_space<vmem>>
        %dma_start3A_1770 = arith.constant 0 : i32
        %dma_start3A_1771 = tpu.memref_slice %arg3[%select_n3A_1760, %sub3A_1763, %dma_start3A_1770] : memref<2x500000x64xf32, #tpu.memory_space<hbm>> -> memref<1x1x64xf32, #tpu.memory_space<hbm>>
        %dma_start3A_1772 = tpu.memref_squeeze %dma_start3A_1771 : memref<1x1x64xf32, #tpu.memory_space<hbm>> -> memref<1x64xf32, #tpu.memory_space<hbm>>
        %dma_start3A_1773 = arith.constant 0 : i32
        %dma_start3A_1774 = tpu.memref_slice %arg6[%add3A_1767, %dma_start3A_1773] : memref<416x64xf32, #tpu.memory_space<vmem>> -> memref<1x64xf32, #tpu.memory_space<vmem>>
        %dma_start3A_1775 = arith.constant 0 : i32
        %dma_start3A_1776 = tpu.memref_slice %arg3[%select_n3A_1760, %sub3A_1763, %dma_start3A_1775] : memref<2x500000x64xf32, #tpu.memory_space<hbm>> -> memref<1x1x64xf32, #tpu.memory_space<hbm>>
        %dma_start3A_1777 = tpu.memref_squeeze %dma_start3A_1776 : memref<1x1x64xf32, #tpu.memory_space<hbm>> -> memref<1x64xf32, #tpu.memory_space<hbm>>
        tpu.enqueue_dma source(%dma_start3A_1777 : memref<1x64xf32, #tpu.memory_space<hbm>>) target(%dma_start3A_1774 : memref<1x64xf32, #tpu.memory_space<vmem>>) target_semaphore(%arg7 : memref<!tpu.dma_semaphore, #tpu.memory_space<semaphore_mem>>)
        %ge3A_1778 = arith.constant 500000 : i32
        %ge3A_1779 = arith.cmpi sge, %squeeze3A_1491, %ge3A_1778 : i32
        %jit3A_1780 = arith.constant 1 : i32
        %jit3A_1781 = arith.constant 0 : i32
        %select_n3A_1782 = arith.select %ge3A_1779, %jit3A_1780, %jit3A_1781 : i32
        %mul3A_1783 = arith.constant 500000 : i32
        %mul3A_1784 = arith.muli %select_n3A_1782, %mul3A_1783 : i32
        %sub3A_1785 = arith.subi %squeeze3A_1491, %mul3A_1784 : i32
        %mul3A_1786 = arith.constant 26 : i32
        %mul3A_1787 = arith.muli %scan3A_1460, %mul3A_1786 : i32
        %add3A_1788 = arith.constant 12 : i32
        %add3A_1789 = arith.addi %mul3A_1787, %add3A_1788 : i32
        %dma_start3A_1790 = arith.constant 0 : i32
        %dma_start3A_1791 = tpu.memref_slice %arg6[%add3A_1789, %dma_start3A_1790] : memref<416x64xf32, #tpu.memory_space<vmem>> -> memref<1x64xf32, #tpu.memory_space<vmem>>
        %dma_start3A_1792 = arith.constant 0 : i32
        %dma_start3A_1793 = tpu.memref_slice %arg3[%select_n3A_1782, %sub3A_1785, %dma_start3A_1792] : memref<2x500000x64xf32, #tpu.memory_space<hbm>> -> memref<1x1x64xf32, #tpu.memory_space<hbm>>
        %dma_start3A_1794 = tpu.memref_squeeze %dma_start3A_1793 : memref<1x1x64xf32, #tpu.memory_space<hbm>> -> memref<1x64xf32, #tpu.memory_space<hbm>>
        %dma_start3A_1795 = arith.constant 0 : i32
        %dma_start3A_1796 = tpu.memref_slice %arg6[%add3A_1789, %dma_start3A_1795] : memref<416x64xf32, #tpu.memory_space<vmem>> -> memref<1x64xf32, #tpu.memory_space<vmem>>
        %dma_start3A_1797 = arith.constant 0 : i32
        %dma_start3A_1798 = tpu.memref_slice %arg3[%select_n3A_1782, %sub3A_1785, %dma_start3A_1797] : memref<2x500000x64xf32, #tpu.memory_space<hbm>> -> memref<1x1x64xf32, #tpu.memory_space<hbm>>
        %dma_start3A_1799 = tpu.memref_squeeze %dma_start3A_1798 : memref<1x1x64xf32, #tpu.memory_space<hbm>> -> memref<1x64xf32, #tpu.memory_space<hbm>>
        tpu.enqueue_dma source(%dma_start3A_1799 : memref<1x64xf32, #tpu.memory_space<hbm>>) target(%dma_start3A_1796 : memref<1x64xf32, #tpu.memory_space<vmem>>) target_semaphore(%arg7 : memref<!tpu.dma_semaphore, #tpu.memory_space<semaphore_mem>>)
        %ge3A_1800 = arith.constant 500000 : i32
        %ge3A_1801 = arith.cmpi sge, %squeeze3A_1493, %ge3A_1800 : i32
        %jit3A_1802 = arith.constant 1 : i32
        %jit3A_1803 = arith.constant 0 : i32
        %select_n3A_1804 = arith.select %ge3A_1801, %jit3A_1802, %jit3A_1803 : i32
        %mul3A_1805 = arith.constant 500000 : i32
        %mul3A_1806 = arith.muli %select_n3A_1804, %mul3A_1805 : i32
        %sub3A_1807 = arith.subi %squeeze3A_1493, %mul3A_1806 : i32
        %mul3A_1808 = arith.constant 26 : i32
        %mul3A_1809 = arith.muli %scan3A_1460, %mul3A_1808 : i32
        %add3A_1810 = arith.constant 13 : i32
        %add3A_1811 = arith.addi %mul3A_1809, %add3A_1810 : i32
        %dma_start3A_1812 = arith.constant 0 : i32
        %dma_start3A_1813 = tpu.memref_slice %arg6[%add3A_1811, %dma_start3A_1812] : memref<416x64xf32, #tpu.memory_space<vmem>> -> memref<1x64xf32, #tpu.memory_space<vmem>>
        %dma_start3A_1814 = arith.constant 0 : i32
        %dma_start3A_1815 = tpu.memref_slice %arg3[%select_n3A_1804, %sub3A_1807, %dma_start3A_1814] : memref<2x500000x64xf32, #tpu.memory_space<hbm>> -> memref<1x1x64xf32, #tpu.memory_space<hbm>>
        %dma_start3A_1816 = tpu.memref_squeeze %dma_start3A_1815 : memref<1x1x64xf32, #tpu.memory_space<hbm>> -> memref<1x64xf32, #tpu.memory_space<hbm>>
        %dma_start3A_1817 = arith.constant 0 : i32
        %dma_start3A_1818 = tpu.memref_slice %arg6[%add3A_1811, %dma_start3A_1817] : memref<416x64xf32, #tpu.memory_space<vmem>> -> memref<1x64xf32, #tpu.memory_space<vmem>>
        %dma_start3A_1819 = arith.constant 0 : i32
        %dma_start3A_1820 = tpu.memref_slice %arg3[%select_n3A_1804, %sub3A_1807, %dma_start3A_1819] : memref<2x500000x64xf32, #tpu.memory_space<hbm>> -> memref<1x1x64xf32, #tpu.memory_space<hbm>>
        %dma_start3A_1821 = tpu.memref_squeeze %dma_start3A_1820 : memref<1x1x64xf32, #tpu.memory_space<hbm>> -> memref<1x64xf32, #tpu.memory_space<hbm>>
        tpu.enqueue_dma source(%dma_start3A_1821 : memref<1x64xf32, #tpu.memory_space<hbm>>) target(%dma_start3A_1818 : memref<1x64xf32, #tpu.memory_space<vmem>>) target_semaphore(%arg7 : memref<!tpu.dma_semaphore, #tpu.memory_space<semaphore_mem>>)
        %ge3A_1822 = arith.constant 500000 : i32
        %ge3A_1823 = arith.cmpi sge, %squeeze3A_1495, %ge3A_1822 : i32
        %jit3A_1824 = arith.constant 1 : i32
        %jit3A_1825 = arith.constant 0 : i32
        %select_n3A_1826 = arith.select %ge3A_1823, %jit3A_1824, %jit3A_1825 : i32
        %mul3A_1827 = arith.constant 500000 : i32
        %mul3A_1828 = arith.muli %select_n3A_1826, %mul3A_1827 : i32
        %sub3A_1829 = arith.subi %squeeze3A_1495, %mul3A_1828 : i32
        %mul3A_1830 = arith.constant 26 : i32
        %mul3A_1831 = arith.muli %scan3A_1460, %mul3A_1830 : i32
        %add3A_1832 = arith.constant 14 : i32
        %add3A_1833 = arith.addi %mul3A_1831, %add3A_1832 : i32
        %dma_start3A_1834 = arith.constant 0 : i32
        %dma_start3A_1835 = tpu.memref_slice %arg6[%add3A_1833, %dma_start3A_1834] : memref<416x64xf32, #tpu.memory_space<vmem>> -> memref<1x64xf32, #tpu.memory_space<vmem>>
        %dma_start3A_1836 = arith.constant 0 : i32
        %dma_start3A_1837 = tpu.memref_slice %arg3[%select_n3A_1826, %sub3A_1829, %dma_start3A_1836] : memref<2x500000x64xf32, #tpu.memory_space<hbm>> -> memref<1x1x64xf32, #tpu.memory_space<hbm>>
        %dma_start3A_1838 = tpu.memref_squeeze %dma_start3A_1837 : memref<1x1x64xf32, #tpu.memory_space<hbm>> -> memref<1x64xf32, #tpu.memory_space<hbm>>
        %dma_start3A_1839 = arith.constant 0 : i32
        %dma_start3A_1840 = tpu.memref_slice %arg6[%add3A_1833, %dma_start3A_1839] : memref<416x64xf32, #tpu.memory_space<vmem>> -> memref<1x64xf32, #tpu.memory_space<vmem>>
        %dma_start3A_1841 = arith.constant 0 : i32
        %dma_start3A_1842 = tpu.memref_slice %arg3[%select_n3A_1826, %sub3A_1829, %dma_start3A_1841] : memref<2x500000x64xf32, #tpu.memory_space<hbm>> -> memref<1x1x64xf32, #tpu.memory_space<hbm>>
        %dma_start3A_1843 = tpu.memref_squeeze %dma_start3A_1842 : memref<1x1x64xf32, #tpu.memory_space<hbm>> -> memref<1x64xf32, #tpu.memory_space<hbm>>
        tpu.enqueue_dma source(%dma_start3A_1843 : memref<1x64xf32, #tpu.memory_space<hbm>>) target(%dma_start3A_1840 : memref<1x64xf32, #tpu.memory_space<vmem>>) target_semaphore(%arg7 : memref<!tpu.dma_semaphore, #tpu.memory_space<semaphore_mem>>)
        %ge3A_1844 = arith.constant 500000 : i32
        %ge3A_1845 = arith.cmpi sge, %squeeze3A_1497, %ge3A_1844 : i32
        %jit3A_1846 = arith.constant 1 : i32
        %jit3A_1847 = arith.constant 0 : i32
        %select_n3A_1848 = arith.select %ge3A_1845, %jit3A_1846, %jit3A_1847 : i32
        %mul3A_1849 = arith.constant 500000 : i32
        %mul3A_1850 = arith.muli %select_n3A_1848, %mul3A_1849 : i32
        %sub3A_1851 = arith.subi %squeeze3A_1497, %mul3A_1850 : i32
        %mul3A_1852 = arith.constant 26 : i32
        %mul3A_1853 = arith.muli %scan3A_1460, %mul3A_1852 : i32
        %add3A_1854 = arith.constant 15 : i32
        %add3A_1855 = arith.addi %mul3A_1853, %add3A_1854 : i32
        %dma_start3A_1856 = arith.constant 0 : i32
        %dma_start3A_1857 = tpu.memref_slice %arg6[%add3A_1855, %dma_start3A_1856] : memref<416x64xf32, #tpu.memory_space<vmem>> -> memref<1x64xf32, #tpu.memory_space<vmem>>
        %dma_start3A_1858 = arith.constant 0 : i32
        %dma_start3A_1859 = tpu.memref_slice %arg3[%select_n3A_1848, %sub3A_1851, %dma_start3A_1858] : memref<2x500000x64xf32, #tpu.memory_space<hbm>> -> memref<1x1x64xf32, #tpu.memory_space<hbm>>
        %dma_start3A_1860 = tpu.memref_squeeze %dma_start3A_1859 : memref<1x1x64xf32, #tpu.memory_space<hbm>> -> memref<1x64xf32, #tpu.memory_space<hbm>>
        %dma_start3A_1861 = arith.constant 0 : i32
        %dma_start3A_1862 = tpu.memref_slice %arg6[%add3A_1855, %dma_start3A_1861] : memref<416x64xf32, #tpu.memory_space<vmem>> -> memref<1x64xf32, #tpu.memory_space<vmem>>
        %dma_start3A_1863 = arith.constant 0 : i32
        %dma_start3A_1864 = tpu.memref_slice %arg3[%select_n3A_1848, %sub3A_1851, %dma_start3A_1863] : memref<2x500000x64xf32, #tpu.memory_space<hbm>> -> memref<1x1x64xf32, #tpu.memory_space<hbm>>
        %dma_start3A_1865 = tpu.memref_squeeze %dma_start3A_1864 : memref<1x1x64xf32, #tpu.memory_space<hbm>> -> memref<1x64xf32, #tpu.memory_space<hbm>>
        tpu.enqueue_dma source(%dma_start3A_1865 : memref<1x64xf32, #tpu.memory_space<hbm>>) target(%dma_start3A_1862 : memref<1x64xf32, #tpu.memory_space<vmem>>) target_semaphore(%arg7 : memref<!tpu.dma_semaphore, #tpu.memory_space<semaphore_mem>>)
        %ge3A_1866 = arith.constant 500000 : i32
        %ge3A_1867 = arith.cmpi sge, %squeeze3A_1499, %ge3A_1866 : i32
        %jit3A_1868 = arith.constant 1 : i32
        %jit3A_1869 = arith.constant 0 : i32
        %select_n3A_1870 = arith.select %ge3A_1867, %jit3A_1868, %jit3A_1869 : i32
        %mul3A_1871 = arith.constant 500000 : i32
        %mul3A_1872 = arith.muli %select_n3A_1870, %mul3A_1871 : i32
        %sub3A_1873 = arith.subi %squeeze3A_1499, %mul3A_1872 : i32
        %mul3A_1874 = arith.constant 26 : i32
        %mul3A_1875 = arith.muli %scan3A_1460, %mul3A_1874 : i32
        %add3A_1876 = arith.constant 16 : i32
        %add3A_1877 = arith.addi %mul3A_1875, %add3A_1876 : i32
        %dma_start3A_1878 = arith.constant 0 : i32
        %dma_start3A_1879 = tpu.memref_slice %arg6[%add3A_1877, %dma_start3A_1878] : memref<416x64xf32, #tpu.memory_space<vmem>> -> memref<1x64xf32, #tpu.memory_space<vmem>>
        %dma_start3A_1880 = arith.constant 0 : i32
        %dma_start3A_1881 = tpu.memref_slice %arg3[%select_n3A_1870, %sub3A_1873, %dma_start3A_1880] : memref<2x500000x64xf32, #tpu.memory_space<hbm>> -> memref<1x1x64xf32, #tpu.memory_space<hbm>>
        %dma_start3A_1882 = tpu.memref_squeeze %dma_start3A_1881 : memref<1x1x64xf32, #tpu.memory_space<hbm>> -> memref<1x64xf32, #tpu.memory_space<hbm>>
        %dma_start3A_1883 = arith.constant 0 : i32
        %dma_start3A_1884 = tpu.memref_slice %arg6[%add3A_1877, %dma_start3A_1883] : memref<416x64xf32, #tpu.memory_space<vmem>> -> memref<1x64xf32, #tpu.memory_space<vmem>>
        %dma_start3A_1885 = arith.constant 0 : i32
        %dma_start3A_1886 = tpu.memref_slice %arg3[%select_n3A_1870, %sub3A_1873, %dma_start3A_1885] : memref<2x500000x64xf32, #tpu.memory_space<hbm>> -> memref<1x1x64xf32, #tpu.memory_space<hbm>>
        %dma_start3A_1887 = tpu.memref_squeeze %dma_start3A_1886 : memref<1x1x64xf32, #tpu.memory_space<hbm>> -> memref<1x64xf32, #tpu.memory_space<hbm>>
        tpu.enqueue_dma source(%dma_start3A_1887 : memref<1x64xf32, #tpu.memory_space<hbm>>) target(%dma_start3A_1884 : memref<1x64xf32, #tpu.memory_space<vmem>>) target_semaphore(%arg7 : memref<!tpu.dma_semaphore, #tpu.memory_space<semaphore_mem>>)
        %ge3A_1888 = arith.constant 500000 : i32
        %ge3A_1889 = arith.cmpi sge, %squeeze3A_1501, %ge3A_1888 : i32
        %jit3A_1890 = arith.constant 1 : i32
        %jit3A_1891 = arith.constant 0 : i32
        %select_n3A_1892 = arith.select %ge3A_1889, %jit3A_1890, %jit3A_1891 : i32
        %mul3A_1893 = arith.constant 500000 : i32
        %mul3A_1894 = arith.muli %select_n3A_1892, %mul3A_1893 : i32
        %sub3A_1895 = arith.subi %squeeze3A_1501, %mul3A_1894 : i32
        %mul3A_1896 = arith.constant 26 : i32
        %mul3A_1897 = arith.muli %scan3A_1460, %mul3A_1896 : i32
        %add3A_1898 = arith.constant 17 : i32
        %add3A_1899 = arith.addi %mul3A_1897, %add3A_1898 : i32
        %dma_start3A_1900 = arith.constant 0 : i32
        %dma_start3A_1901 = tpu.memref_slice %arg6[%add3A_1899, %dma_start3A_1900] : memref<416x64xf32, #tpu.memory_space<vmem>> -> memref<1x64xf32, #tpu.memory_space<vmem>>
        %dma_start3A_1902 = arith.constant 0 : i32
        %dma_start3A_1903 = tpu.memref_slice %arg3[%select_n3A_1892, %sub3A_1895, %dma_start3A_1902] : memref<2x500000x64xf32, #tpu.memory_space<hbm>> -> memref<1x1x64xf32, #tpu.memory_space<hbm>>
        %dma_start3A_1904 = tpu.memref_squeeze %dma_start3A_1903 : memref<1x1x64xf32, #tpu.memory_space<hbm>> -> memref<1x64xf32, #tpu.memory_space<hbm>>
        %dma_start3A_1905 = arith.constant 0 : i32
        %dma_start3A_1906 = tpu.memref_slice %arg6[%add3A_1899, %dma_start3A_1905] : memref<416x64xf32, #tpu.memory_space<vmem>> -> memref<1x64xf32, #tpu.memory_space<vmem>>
        %dma_start3A_1907 = arith.constant 0 : i32
        %dma_start3A_1908 = tpu.memref_slice %arg3[%select_n3A_1892, %sub3A_1895, %dma_start3A_1907] : memref<2x500000x64xf32, #tpu.memory_space<hbm>> -> memref<1x1x64xf32, #tpu.memory_space<hbm>>
        %dma_start3A_1909 = tpu.memref_squeeze %dma_start3A_1908 : memref<1x1x64xf32, #tpu.memory_space<hbm>> -> memref<1x64xf32, #tpu.memory_space<hbm>>
        tpu.enqueue_dma source(%dma_start3A_1909 : memref<1x64xf32, #tpu.memory_space<hbm>>) target(%dma_start3A_1906 : memref<1x64xf32, #tpu.memory_space<vmem>>) target_semaphore(%arg7 : memref<!tpu.dma_semaphore, #tpu.memory_space<semaphore_mem>>)
        %ge3A_1910 = arith.constant 500000 : i32
        %ge3A_1911 = arith.cmpi sge, %squeeze3A_1503, %ge3A_1910 : i32
        %jit3A_1912 = arith.constant 1 : i32
        %jit3A_1913 = arith.constant 0 : i32
        %select_n3A_1914 = arith.select %ge3A_1911, %jit3A_1912, %jit3A_1913 : i32
        %mul3A_1915 = arith.constant 500000 : i32
        %mul3A_1916 = arith.muli %select_n3A_1914, %mul3A_1915 : i32
        %sub3A_1917 = arith.subi %squeeze3A_1503, %mul3A_1916 : i32
        %mul3A_1918 = arith.constant 26 : i32
        %mul3A_1919 = arith.muli %scan3A_1460, %mul3A_1918 : i32
        %add3A_1920 = arith.constant 18 : i32
        %add3A_1921 = arith.addi %mul3A_1919, %add3A_1920 : i32
        %dma_start3A_1922 = arith.constant 0 : i32
        %dma_start3A_1923 = tpu.memref_slice %arg6[%add3A_1921, %dma_start3A_1922] : memref<416x64xf32, #tpu.memory_space<vmem>> -> memref<1x64xf32, #tpu.memory_space<vmem>>
        %dma_start3A_1924 = arith.constant 0 : i32
        %dma_start3A_1925 = tpu.memref_slice %arg3[%select_n3A_1914, %sub3A_1917, %dma_start3A_1924] : memref<2x500000x64xf32, #tpu.memory_space<hbm>> -> memref<1x1x64xf32, #tpu.memory_space<hbm>>
        %dma_start3A_1926 = tpu.memref_squeeze %dma_start3A_1925 : memref<1x1x64xf32, #tpu.memory_space<hbm>> -> memref<1x64xf32, #tpu.memory_space<hbm>>
        %dma_start3A_1927 = arith.constant 0 : i32
        %dma_start3A_1928 = tpu.memref_slice %arg6[%add3A_1921, %dma_start3A_1927] : memref<416x64xf32, #tpu.memory_space<vmem>> -> memref<1x64xf32, #tpu.memory_space<vmem>>
        %dma_start3A_1929 = arith.constant 0 : i32
        %dma_start3A_1930 = tpu.memref_slice %arg3[%select_n3A_1914, %sub3A_1917, %dma_start3A_1929] : memref<2x500000x64xf32, #tpu.memory_space<hbm>> -> memref<1x1x64xf32, #tpu.memory_space<hbm>>
        %dma_start3A_1931 = tpu.memref_squeeze %dma_start3A_1930 : memref<1x1x64xf32, #tpu.memory_space<hbm>> -> memref<1x64xf32, #tpu.memory_space<hbm>>
        tpu.enqueue_dma source(%dma_start3A_1931 : memref<1x64xf32, #tpu.memory_space<hbm>>) target(%dma_start3A_1928 : memref<1x64xf32, #tpu.memory_space<vmem>>) target_semaphore(%arg7 : memref<!tpu.dma_semaphore, #tpu.memory_space<semaphore_mem>>)
        %ge3A_1932 = arith.constant 500000 : i32
        %ge3A_1933 = arith.cmpi sge, %squeeze3A_1505, %ge3A_1932 : i32
        %jit3A_1934 = arith.constant 1 : i32
        %jit3A_1935 = arith.constant 0 : i32
        %select_n3A_1936 = arith.select %ge3A_1933, %jit3A_1934, %jit3A_1935 : i32
        %mul3A_1937 = arith.constant 500000 : i32
        %mul3A_1938 = arith.muli %select_n3A_1936, %mul3A_1937 : i32
        %sub3A_1939 = arith.subi %squeeze3A_1505, %mul3A_1938 : i32
        %mul3A_1940 = arith.constant 26 : i32
        %mul3A_1941 = arith.muli %scan3A_1460, %mul3A_1940 : i32
        %add3A_1942 = arith.constant 19 : i32
        %add3A_1943 = arith.addi %mul3A_1941, %add3A_1942 : i32
        %dma_start3A_1944 = arith.constant 0 : i32
        %dma_start3A_1945 = tpu.memref_slice %arg6[%add3A_1943, %dma_start3A_1944] : memref<416x64xf32, #tpu.memory_space<vmem>> -> memref<1x64xf32, #tpu.memory_space<vmem>>
        %dma_start3A_1946 = arith.constant 0 : i32
        %dma_start3A_1947 = tpu.memref_slice %arg3[%select_n3A_1936, %sub3A_1939, %dma_start3A_1946] : memref<2x500000x64xf32, #tpu.memory_space<hbm>> -> memref<1x1x64xf32, #tpu.memory_space<hbm>>
        %dma_start3A_1948 = tpu.memref_squeeze %dma_start3A_1947 : memref<1x1x64xf32, #tpu.memory_space<hbm>> -> memref<1x64xf32, #tpu.memory_space<hbm>>
        %dma_start3A_1949 = arith.constant 0 : i32
        %dma_start3A_1950 = tpu.memref_slice %arg6[%add3A_1943, %dma_start3A_1949] : memref<416x64xf32, #tpu.memory_space<vmem>> -> memref<1x64xf32, #tpu.memory_space<vmem>>
        %dma_start3A_1951 = arith.constant 0 : i32
        %dma_start3A_1952 = tpu.memref_slice %arg3[%select_n3A_1936, %sub3A_1939, %dma_start3A_1951] : memref<2x500000x64xf32, #tpu.memory_space<hbm>> -> memref<1x1x64xf32, #tpu.memory_space<hbm>>
        %dma_start3A_1953 = tpu.memref_squeeze %dma_start3A_1952 : memref<1x1x64xf32, #tpu.memory_space<hbm>> -> memref<1x64xf32, #tpu.memory_space<hbm>>
        tpu.enqueue_dma source(%dma_start3A_1953 : memref<1x64xf32, #tpu.memory_space<hbm>>) target(%dma_start3A_1950 : memref<1x64xf32, #tpu.memory_space<vmem>>) target_semaphore(%arg7 : memref<!tpu.dma_semaphore, #tpu.memory_space<semaphore_mem>>)
        %ge3A_1954 = arith.constant 500000 : i32
        %ge3A_1955 = arith.cmpi sge, %squeeze3A_1507, %ge3A_1954 : i32
        %jit3A_1956 = arith.constant 1 : i32
        %jit3A_1957 = arith.constant 0 : i32
        %select_n3A_1958 = arith.select %ge3A_1955, %jit3A_1956, %jit3A_1957 : i32
        %mul3A_1959 = arith.constant 500000 : i32
        %mul3A_1960 = arith.muli %select_n3A_1958, %mul3A_1959 : i32
        %sub3A_1961 = arith.subi %squeeze3A_1507, %mul3A_1960 : i32
        %mul3A_1962 = arith.constant 26 : i32
        %mul3A_1963 = arith.muli %scan3A_1460, %mul3A_1962 : i32
        %add3A_1964 = arith.constant 20 : i32
        %add3A_1965 = arith.addi %mul3A_1963, %add3A_1964 : i32
        %dma_start3A_1966 = arith.constant 0 : i32
        %dma_start3A_1967 = tpu.memref_slice %arg6[%add3A_1965, %dma_start3A_1966] : memref<416x64xf32, #tpu.memory_space<vmem>> -> memref<1x64xf32, #tpu.memory_space<vmem>>
        %dma_start3A_1968 = arith.constant 0 : i32
        %dma_start3A_1969 = tpu.memref_slice %arg3[%select_n3A_1958, %sub3A_1961, %dma_start3A_1968] : memref<2x500000x64xf32, #tpu.memory_space<hbm>> -> memref<1x1x64xf32, #tpu.memory_space<hbm>>
        %dma_start3A_1970 = tpu.memref_squeeze %dma_start3A_1969 : memref<1x1x64xf32, #tpu.memory_space<hbm>> -> memref<1x64xf32, #tpu.memory_space<hbm>>
        %dma_start3A_1971 = arith.constant 0 : i32
        %dma_start3A_1972 = tpu.memref_slice %arg6[%add3A_1965, %dma_start3A_1971] : memref<416x64xf32, #tpu.memory_space<vmem>> -> memref<1x64xf32, #tpu.memory_space<vmem>>
        %dma_start3A_1973 = arith.constant 0 : i32
        %dma_start3A_1974 = tpu.memref_slice %arg3[%select_n3A_1958, %sub3A_1961, %dma_start3A_1973] : memref<2x500000x64xf32, #tpu.memory_space<hbm>> -> memref<1x1x64xf32, #tpu.memory_space<hbm>>
        %dma_start3A_1975 = tpu.memref_squeeze %dma_start3A_1974 : memref<1x1x64xf32, #tpu.memory_space<hbm>> -> memref<1x64xf32, #tpu.memory_space<hbm>>
        tpu.enqueue_dma source(%dma_start3A_1975 : memref<1x64xf32, #tpu.memory_space<hbm>>) target(%dma_start3A_1972 : memref<1x64xf32, #tpu.memory_space<vmem>>) target_semaphore(%arg7 : memref<!tpu.dma_semaphore, #tpu.memory_space<semaphore_mem>>)
        %ge3A_1976 = arith.constant 500000 : i32
        %ge3A_1977 = arith.cmpi sge, %squeeze3A_1509, %ge3A_1976 : i32
        %jit3A_1978 = arith.constant 1 : i32
        %jit3A_1979 = arith.constant 0 : i32
        %select_n3A_1980 = arith.select %ge3A_1977, %jit3A_1978, %jit3A_1979 : i32
        %mul3A_1981 = arith.constant 500000 : i32
        %mul3A_1982 = arith.muli %select_n3A_1980, %mul3A_1981 : i32
        %sub3A_1983 = arith.subi %squeeze3A_1509, %mul3A_1982 : i32
        %mul3A_1984 = arith.constant 26 : i32
        %mul3A_1985 = arith.muli %scan3A_1460, %mul3A_1984 : i32
        %add3A_1986 = arith.constant 21 : i32
        %add3A_1987 = arith.addi %mul3A_1985, %add3A_1986 : i32
        %dma_start3A_1988 = arith.constant 0 : i32
        %dma_start3A_1989 = tpu.memref_slice %arg6[%add3A_1987, %dma_start3A_1988] : memref<416x64xf32, #tpu.memory_space<vmem>> -> memref<1x64xf32, #tpu.memory_space<vmem>>
        %dma_start3A_1990 = arith.constant 0 : i32
        %dma_start3A_1991 = tpu.memref_slice %arg3[%select_n3A_1980, %sub3A_1983, %dma_start3A_1990] : memref<2x500000x64xf32, #tpu.memory_space<hbm>> -> memref<1x1x64xf32, #tpu.memory_space<hbm>>
        %dma_start3A_1992 = tpu.memref_squeeze %dma_start3A_1991 : memref<1x1x64xf32, #tpu.memory_space<hbm>> -> memref<1x64xf32, #tpu.memory_space<hbm>>
        %dma_start3A_1993 = arith.constant 0 : i32
        %dma_start3A_1994 = tpu.memref_slice %arg6[%add3A_1987, %dma_start3A_1993] : memref<416x64xf32, #tpu.memory_space<vmem>> -> memref<1x64xf32, #tpu.memory_space<vmem>>
        %dma_start3A_1995 = arith.constant 0 : i32
        %dma_start3A_1996 = tpu.memref_slice %arg3[%select_n3A_1980, %sub3A_1983, %dma_start3A_1995] : memref<2x500000x64xf32, #tpu.memory_space<hbm>> -> memref<1x1x64xf32, #tpu.memory_space<hbm>>
        %dma_start3A_1997 = tpu.memref_squeeze %dma_start3A_1996 : memref<1x1x64xf32, #tpu.memory_space<hbm>> -> memref<1x64xf32, #tpu.memory_space<hbm>>
        tpu.enqueue_dma source(%dma_start3A_1997 : memref<1x64xf32, #tpu.memory_space<hbm>>) target(%dma_start3A_1994 : memref<1x64xf32, #tpu.memory_space<vmem>>) target_semaphore(%arg7 : memref<!tpu.dma_semaphore, #tpu.memory_space<semaphore_mem>>)
        %ge3A_1998 = arith.constant 500000 : i32
        %ge3A_1999 = arith.cmpi sge, %squeeze3A_1511, %ge3A_1998 : i32
        %jit3A_2000 = arith.constant 1 : i32
        %jit3A_2001 = arith.constant 0 : i32
        %select_n3A_2002 = arith.select %ge3A_1999, %jit3A_2000, %jit3A_2001 : i32
        %mul3A_2003 = arith.constant 500000 : i32
        %mul3A_2004 = arith.muli %select_n3A_2002, %mul3A_2003 : i32
        %sub3A_2005 = arith.subi %squeeze3A_1511, %mul3A_2004 : i32
        %mul3A_2006 = arith.constant 26 : i32
        %mul3A_2007 = arith.muli %scan3A_1460, %mul3A_2006 : i32
        %add3A_2008 = arith.constant 22 : i32
        %add3A_2009 = arith.addi %mul3A_2007, %add3A_2008 : i32
        %dma_start3A_2010 = arith.constant 0 : i32
        %dma_start3A_2011 = tpu.memref_slice %arg6[%add3A_2009, %dma_start3A_2010] : memref<416x64xf32, #tpu.memory_space<vmem>> -> memref<1x64xf32, #tpu.memory_space<vmem>>
        %dma_start3A_2012 = arith.constant 0 : i32
        %dma_start3A_2013 = tpu.memref_slice %arg3[%select_n3A_2002, %sub3A_2005, %dma_start3A_2012] : memref<2x500000x64xf32, #tpu.memory_space<hbm>> -> memref<1x1x64xf32, #tpu.memory_space<hbm>>
        %dma_start3A_2014 = tpu.memref_squeeze %dma_start3A_2013 : memref<1x1x64xf32, #tpu.memory_space<hbm>> -> memref<1x64xf32, #tpu.memory_space<hbm>>
        %dma_start3A_2015 = arith.constant 0 : i32
        %dma_start3A_2016 = tpu.memref_slice %arg6[%add3A_2009, %dma_start3A_2015] : memref<416x64xf32, #tpu.memory_space<vmem>> -> memref<1x64xf32, #tpu.memory_space<vmem>>
        %dma_start3A_2017 = arith.constant 0 : i32
        %dma_start3A_2018 = tpu.memref_slice %arg3[%select_n3A_2002, %sub3A_2005, %dma_start3A_2017] : memref<2x500000x64xf32, #tpu.memory_space<hbm>> -> memref<1x1x64xf32, #tpu.memory_space<hbm>>
        %dma_start3A_2019 = tpu.memref_squeeze %dma_start3A_2018 : memref<1x1x64xf32, #tpu.memory_space<hbm>> -> memref<1x64xf32, #tpu.memory_space<hbm>>
        tpu.enqueue_dma source(%dma_start3A_2019 : memref<1x64xf32, #tpu.memory_space<hbm>>) target(%dma_start3A_2016 : memref<1x64xf32, #tpu.memory_space<vmem>>) target_semaphore(%arg7 : memref<!tpu.dma_semaphore, #tpu.memory_space<semaphore_mem>>)
        %ge3A_2020 = arith.constant 500000 : i32
        %ge3A_2021 = arith.cmpi sge, %squeeze3A_1513, %ge3A_2020 : i32
        %jit3A_2022 = arith.constant 1 : i32
        %jit3A_2023 = arith.constant 0 : i32
        %select_n3A_2024 = arith.select %ge3A_2021, %jit3A_2022, %jit3A_2023 : i32
        %mul3A_2025 = arith.constant 500000 : i32
        %mul3A_2026 = arith.muli %select_n3A_2024, %mul3A_2025 : i32
        %sub3A_2027 = arith.subi %squeeze3A_1513, %mul3A_2026 : i32
        %mul3A_2028 = arith.constant 26 : i32
        %mul3A_2029 = arith.muli %scan3A_1460, %mul3A_2028 : i32
        %add3A_2030 = arith.constant 23 : i32
        %add3A_2031 = arith.addi %mul3A_2029, %add3A_2030 : i32
        %dma_start3A_2032 = arith.constant 0 : i32
        %dma_start3A_2033 = tpu.memref_slice %arg6[%add3A_2031, %dma_start3A_2032] : memref<416x64xf32, #tpu.memory_space<vmem>> -> memref<1x64xf32, #tpu.memory_space<vmem>>
        %dma_start3A_2034 = arith.constant 0 : i32
        %dma_start3A_2035 = tpu.memref_slice %arg3[%select_n3A_2024, %sub3A_2027, %dma_start3A_2034] : memref<2x500000x64xf32, #tpu.memory_space<hbm>> -> memref<1x1x64xf32, #tpu.memory_space<hbm>>
        %dma_start3A_2036 = tpu.memref_squeeze %dma_start3A_2035 : memref<1x1x64xf32, #tpu.memory_space<hbm>> -> memref<1x64xf32, #tpu.memory_space<hbm>>
        %dma_start3A_2037 = arith.constant 0 : i32
        %dma_start3A_2038 = tpu.memref_slice %arg6[%add3A_2031, %dma_start3A_2037] : memref<416x64xf32, #tpu.memory_space<vmem>> -> memref<1x64xf32, #tpu.memory_space<vmem>>
        %dma_start3A_2039 = arith.constant 0 : i32
        %dma_start3A_2040 = tpu.memref_slice %arg3[%select_n3A_2024, %sub3A_2027, %dma_start3A_2039] : memref<2x500000x64xf32, #tpu.memory_space<hbm>> -> memref<1x1x64xf32, #tpu.memory_space<hbm>>
        %dma_start3A_2041 = tpu.memref_squeeze %dma_start3A_2040 : memref<1x1x64xf32, #tpu.memory_space<hbm>> -> memref<1x64xf32, #tpu.memory_space<hbm>>
        tpu.enqueue_dma source(%dma_start3A_2041 : memref<1x64xf32, #tpu.memory_space<hbm>>) target(%dma_start3A_2038 : memref<1x64xf32, #tpu.memory_space<vmem>>) target_semaphore(%arg7 : memref<!tpu.dma_semaphore, #tpu.memory_space<semaphore_mem>>)
        %ge3A_2042 = arith.constant 500000 : i32
        %ge3A_2043 = arith.cmpi sge, %squeeze3A_1515, %ge3A_2042 : i32
        %jit3A_2044 = arith.constant 1 : i32
        %jit3A_2045 = arith.constant 0 : i32
        %select_n3A_2046 = arith.select %ge3A_2043, %jit3A_2044, %jit3A_2045 : i32
        %mul3A_2047 = arith.constant 500000 : i32
        %mul3A_2048 = arith.muli %select_n3A_2046, %mul3A_2047 : i32
        %sub3A_2049 = arith.subi %squeeze3A_1515, %mul3A_2048 : i32
        %mul3A_2050 = arith.constant 26 : i32
        %mul3A_2051 = arith.muli %scan3A_1460, %mul3A_2050 : i32
        %add3A_2052 = arith.constant 24 : i32
        %add3A_2053 = arith.addi %mul3A_2051, %add3A_2052 : i32
        %dma_start3A_2054 = arith.constant 0 : i32
        %dma_start3A_2055 = tpu.memref_slice %arg6[%add3A_2053, %dma_start3A_2054] : memref<416x64xf32, #tpu.memory_space<vmem>> -> memref<1x64xf32, #tpu.memory_space<vmem>>
        %dma_start3A_2056 = arith.constant 0 : i32
        %dma_start3A_2057 = tpu.memref_slice %arg3[%select_n3A_2046, %sub3A_2049, %dma_start3A_2056] : memref<2x500000x64xf32, #tpu.memory_space<hbm>> -> memref<1x1x64xf32, #tpu.memory_space<hbm>>
        %dma_start3A_2058 = tpu.memref_squeeze %dma_start3A_2057 : memref<1x1x64xf32, #tpu.memory_space<hbm>> -> memref<1x64xf32, #tpu.memory_space<hbm>>
        %dma_start3A_2059 = arith.constant 0 : i32
        %dma_start3A_2060 = tpu.memref_slice %arg6[%add3A_2053, %dma_start3A_2059] : memref<416x64xf32, #tpu.memory_space<vmem>> -> memref<1x64xf32, #tpu.memory_space<vmem>>
        %dma_start3A_2061 = arith.constant 0 : i32
        %dma_start3A_2062 = tpu.memref_slice %arg3[%select_n3A_2046, %sub3A_2049, %dma_start3A_2061] : memref<2x500000x64xf32, #tpu.memory_space<hbm>> -> memref<1x1x64xf32, #tpu.memory_space<hbm>>
        %dma_start3A_2063 = tpu.memref_squeeze %dma_start3A_2062 : memref<1x1x64xf32, #tpu.memory_space<hbm>> -> memref<1x64xf32, #tpu.memory_space<hbm>>
        tpu.enqueue_dma source(%dma_start3A_2063 : memref<1x64xf32, #tpu.memory_space<hbm>>) target(%dma_start3A_2060 : memref<1x64xf32, #tpu.memory_space<vmem>>) target_semaphore(%arg7 : memref<!tpu.dma_semaphore, #tpu.memory_space<semaphore_mem>>)
        %ge3A_2064 = arith.constant 500000 : i32
        %ge3A_2065 = arith.cmpi sge, %squeeze3A_1517, %ge3A_2064 : i32
        %jit3A_2066 = arith.constant 1 : i32
        %jit3A_2067 = arith.constant 0 : i32
        %select_n3A_2068 = arith.select %ge3A_2065, %jit3A_2066, %jit3A_2067 : i32
        %mul3A_2069 = arith.constant 500000 : i32
        %mul3A_2070 = arith.muli %select_n3A_2068, %mul3A_2069 : i32
        %sub3A_2071 = arith.subi %squeeze3A_1517, %mul3A_2070 : i32
        %mul3A_2072 = arith.constant 26 : i32
        %mul3A_2073 = arith.muli %scan3A_1460, %mul3A_2072 : i32
        %add3A_2074 = arith.constant 25 : i32
        %add3A_2075 = arith.addi %mul3A_2073, %add3A_2074 : i32
        %dma_start3A_2076 = arith.constant 0 : i32
        %dma_start3A_2077 = tpu.memref_slice %arg6[%add3A_2075, %dma_start3A_2076] : memref<416x64xf32, #tpu.memory_space<vmem>> -> memref<1x64xf32, #tpu.memory_space<vmem>>
        %dma_start3A_2078 = arith.constant 0 : i32
        %dma_start3A_2079 = tpu.memref_slice %arg3[%select_n3A_2068, %sub3A_2071, %dma_start3A_2078] : memref<2x500000x64xf32, #tpu.memory_space<hbm>> -> memref<1x1x64xf32, #tpu.memory_space<hbm>>
        %dma_start3A_2080 = tpu.memref_squeeze %dma_start3A_2079 : memref<1x1x64xf32, #tpu.memory_space<hbm>> -> memref<1x64xf32, #tpu.memory_space<hbm>>
        %dma_start3A_2081 = arith.constant 0 : i32
        %dma_start3A_2082 = tpu.memref_slice %arg6[%add3A_2075, %dma_start3A_2081] : memref<416x64xf32, #tpu.memory_space<vmem>> -> memref<1x64xf32, #tpu.memory_space<vmem>>
        %dma_start3A_2083 = arith.constant 0 : i32
        %dma_start3A_2084 = tpu.memref_slice %arg3[%select_n3A_2068, %sub3A_2071, %dma_start3A_2083] : memref<2x500000x64xf32, #tpu.memory_space<hbm>> -> memref<1x1x64xf32, #tpu.memory_space<hbm>>
        %dma_start3A_2085 = tpu.memref_squeeze %dma_start3A_2084 : memref<1x1x64xf32, #tpu.memory_space<hbm>> -> memref<1x64xf32, #tpu.memory_space<hbm>>
        tpu.enqueue_dma source(%dma_start3A_2085 : memref<1x64xf32, #tpu.memory_space<hbm>>) target(%dma_start3A_2082 : memref<1x64xf32, #tpu.memory_space<vmem>>) target_semaphore(%arg7 : memref<!tpu.dma_semaphore, #tpu.memory_space<semaphore_mem>>)
        %gt3A_2086 = arith.constant 2 : i32
        %gt3A_2087 = arith.cmpi sgt, %scan3A_1460, %gt3A_2086 : i32
        %convert_element_type3A_2088 = arith.extui %gt3A_2087 : i1 to i32
        %cond3A_2089 = arith.constant 0 : i32
        %cond3A_2090 = arith.cmpi ne, %convert_element_type3A_2088, %cond3A_2089 : i32
        scf.if %cond3A_2090 {
          %sub3A_2091 = arith.constant 3 : i32
          %sub3A_2092 = arith.subi %scan3A_1460, %sub3A_2091 : i32
          %dma_wait3A_2093 = arith.constant 0 : i32
          %dma_wait3A_2094 = arith.constant 0 : i32
          %dma_wait3A_2095 = arith.constant 0 : i32
          %dma_wait3A_2096 = tpu.memref_slice %arg6[%dma_wait3A_2094, %dma_wait3A_2095] : memref<416x64xf32, #tpu.memory_space<vmem>> -> memref<1x64xf32, #tpu.memory_space<vmem>>
          %dma_wait3A_2097 = arith.constant 0 : i32
          %dma_wait3A_2098 = arith.constant 0 : i32
          %dma_wait3A_2099 = tpu.memref_slice %arg3[%dma_wait3A_2093, %dma_wait3A_2097, %dma_wait3A_2098] : memref<2x500000x64xf32, #tpu.memory_space<hbm>> -> memref<1x1x64xf32, #tpu.memory_space<hbm>>
          %dma_wait3A_2100 = tpu.memref_squeeze %dma_wait3A_2099 : memref<1x1x64xf32, #tpu.memory_space<hbm>> -> memref<1x64xf32, #tpu.memory_space<hbm>>
          %dma_wait3A_2101 = arith.constant 0 : i32
          %dma_wait3A_2102 = arith.constant 0 : i32
          %dma_wait3A_2103 = tpu.memref_slice %arg6[%dma_wait3A_2101, %dma_wait3A_2102] : memref<416x64xf32, #tpu.memory_space<vmem>> -> memref<1x64xf32, #tpu.memory_space<vmem>>
          %dma_wait3A_2104 = arith.constant 0 : i32
          %dma_wait3A_2105 = arith.constant 0 : i32
          %dma_wait3A_2106 = tpu.memref_slice %arg3[%dma_wait3A_2093, %dma_wait3A_2104, %dma_wait3A_2105] : memref<2x500000x64xf32, #tpu.memory_space<hbm>> -> memref<1x1x64xf32, #tpu.memory_space<hbm>>
          %dma_wait3A_2107 = tpu.memref_squeeze %dma_wait3A_2106 : memref<1x1x64xf32, #tpu.memory_space<hbm>> -> memref<1x64xf32, #tpu.memory_space<hbm>>
          tpu.wait_dma2 semaphore(%arg7 : memref<!tpu.dma_semaphore, #tpu.memory_space<semaphore_mem>>) src(%dma_wait3A_2107 : memref<1x64xf32, #tpu.memory_space<hbm>>) dst(%dma_wait3A_2103 : memref<1x64xf32, #tpu.memory_space<vmem>>)
          %dma_wait3A_2108 = arith.constant 0 : i32
          %dma_wait3A_2109 = arith.constant 0 : i32
          %dma_wait3A_2110 = arith.constant 0 : i32
          %dma_wait3A_2111 = tpu.memref_slice %arg6[%dma_wait3A_2109, %dma_wait3A_2110] : memref<416x64xf32, #tpu.memory_space<vmem>> -> memref<1x64xf32, #tpu.memory_space<vmem>>
          %dma_wait3A_2112 = arith.constant 0 : i32
          %dma_wait3A_2113 = arith.constant 0 : i32
          %dma_wait3A_2114 = tpu.memref_slice %arg3[%dma_wait3A_2108, %dma_wait3A_2112, %dma_wait3A_2113] : memref<2x500000x64xf32, #tpu.memory_space<hbm>> -> memref<1x1x64xf32, #tpu.memory_space<hbm>>
          %dma_wait3A_2115 = tpu.memref_squeeze %dma_wait3A_2114 : memref<1x1x64xf32, #tpu.memory_space<hbm>> -> memref<1x64xf32, #tpu.memory_space<hbm>>
          %dma_wait3A_2116 = arith.constant 0 : i32
          %dma_wait3A_2117 = arith.constant 0 : i32
          %dma_wait3A_2118 = tpu.memref_slice %arg6[%dma_wait3A_2116, %dma_wait3A_2117] : memref<416x64xf32, #tpu.memory_space<vmem>> -> memref<1x64xf32, #tpu.memory_space<vmem>>
          %dma_wait3A_2119 = arith.constant 0 : i32
          %dma_wait3A_2120 = arith.constant 0 : i32
          %dma_wait3A_2121 = tpu.memref_slice %arg3[%dma_wait3A_2108, %dma_wait3A_2119, %dma_wait3A_2120] : memref<2x500000x64xf32, #tpu.memory_space<hbm>> -> memref<1x1x64xf32, #tpu.memory_space<hbm>>
          %dma_wait3A_2122 = tpu.memref_squeeze %dma_wait3A_2121 : memref<1x1x64xf32, #tpu.memory_space<hbm>> -> memref<1x64xf32, #tpu.memory_space<hbm>>
          tpu.wait_dma2 semaphore(%arg7 : memref<!tpu.dma_semaphore, #tpu.memory_space<semaphore_mem>>) src(%dma_wait3A_2122 : memref<1x64xf32, #tpu.memory_space<hbm>>) dst(%dma_wait3A_2118 : memref<1x64xf32, #tpu.memory_space<vmem>>)
          %dma_wait3A_2123 = arith.constant 0 : i32
          %dma_wait3A_2124 = arith.constant 0 : i32
          %dma_wait3A_2125 = arith.constant 0 : i32
          %dma_wait3A_2126 = tpu.memref_slice %arg6[%dma_wait3A_2124, %dma_wait3A_2125] : memref<416x64xf32, #tpu.memory_space<vmem>> -> memref<1x64xf32, #tpu.memory_space<vmem>>
          %dma_wait3A_2127 = arith.constant 0 : i32
          %dma_wait3A_2128 = arith.constant 0 : i32
          %dma_wait3A_2129 = tpu.memref_slice %arg3[%dma_wait3A_2123, %dma_wait3A_2127, %dma_wait3A_2128] : memref<2x500000x64xf32, #tpu.memory_space<hbm>> -> memref<1x1x64xf32, #tpu.memory_space<hbm>>
          %dma_wait3A_2130 = tpu.memref_squeeze %dma_wait3A_2129 : memref<1x1x64xf32, #tpu.memory_space<hbm>> -> memref<1x64xf32, #tpu.memory_space<hbm>>
          %dma_wait3A_2131 = arith.constant 0 : i32
          %dma_wait3A_2132 = arith.constant 0 : i32
          %dma_wait3A_2133 = tpu.memref_slice %arg6[%dma_wait3A_2131, %dma_wait3A_2132] : memref<416x64xf32, #tpu.memory_space<vmem>> -> memref<1x64xf32, #tpu.memory_space<vmem>>
          %dma_wait3A_2134 = arith.constant 0 : i32
          %dma_wait3A_2135 = arith.constant 0 : i32
          %dma_wait3A_2136 = tpu.memref_slice %arg3[%dma_wait3A_2123, %dma_wait3A_2134, %dma_wait3A_2135] : memref<2x500000x64xf32, #tpu.memory_space<hbm>> -> memref<1x1x64xf32, #tpu.memory_space<hbm>>
          %dma_wait3A_2137 = tpu.memref_squeeze %dma_wait3A_2136 : memref<1x1x64xf32, #tpu.memory_space<hbm>> -> memref<1x64xf32, #tpu.memory_space<hbm>>
          tpu.wait_dma2 semaphore(%arg7 : memref<!tpu.dma_semaphore, #tpu.memory_space<semaphore_mem>>) src(%dma_wait3A_2137 : memref<1x64xf32, #tpu.memory_space<hbm>>) dst(%dma_wait3A_2133 : memref<1x64xf32, #tpu.memory_space<vmem>>)
          %dma_wait3A_2138 = arith.constant 0 : i32
          %dma_wait3A_2139 = arith.constant 0 : i32
          %dma_wait3A_2140 = arith.constant 0 : i32
          %dma_wait3A_2141 = tpu.memref_slice %arg6[%dma_wait3A_2139, %dma_wait3A_2140] : memref<416x64xf32, #tpu.memory_space<vmem>> -> memref<1x64xf32, #tpu.memory_space<vmem>>
          %dma_wait3A_2142 = arith.constant 0 : i32
          %dma_wait3A_2143 = arith.constant 0 : i32
          %dma_wait3A_2144 = tpu.memref_slice %arg3[%dma_wait3A_2138, %dma_wait3A_2142, %dma_wait3A_2143] : memref<2x500000x64xf32, #tpu.memory_space<hbm>> -> memref<1x1x64xf32, #tpu.memory_space<hbm>>
          %dma_wait3A_2145 = tpu.memref_squeeze %dma_wait3A_2144 : memref<1x1x64xf32, #tpu.memory_space<hbm>> -> memref<1x64xf32, #tpu.memory_space<hbm>>
          %dma_wait3A_2146 = arith.constant 0 : i32
          %dma_wait3A_2147 = arith.constant 0 : i32
          %dma_wait3A_2148 = tpu.memref_slice %arg6[%dma_wait3A_2146, %dma_wait3A_2147] : memref<416x64xf32, #tpu.memory_space<vmem>> -> memref<1x64xf32, #tpu.memory_space<vmem>>
          %dma_wait3A_2149 = arith.constant 0 : i32
          %dma_wait3A_2150 = arith.constant 0 : i32
          %dma_wait3A_2151 = tpu.memref_slice %arg3[%dma_wait3A_2138, %dma_wait3A_2149, %dma_wait3A_2150] : memref<2x500000x64xf32, #tpu.memory_space<hbm>> -> memref<1x1x64xf32, #tpu.memory_space<hbm>>
          %dma_wait3A_2152 = tpu.memref_squeeze %dma_wait3A_2151 : memref<1x1x64xf32, #tpu.memory_space<hbm>> -> memref<1x64xf32, #tpu.memory_space<hbm>>
          tpu.wait_dma2 semaphore(%arg7 : memref<!tpu.dma_semaphore, #tpu.memory_space<semaphore_mem>>) src(%dma_wait3A_2152 : memref<1x64xf32, #tpu.memory_space<hbm>>) dst(%dma_wait3A_2148 : memref<1x64xf32, #tpu.memory_space<vmem>>)
          %dma_wait3A_2153 = arith.constant 0 : i32
          %dma_wait3A_2154 = arith.constant 0 : i32
          %dma_wait3A_2155 = arith.constant 0 : i32
          %dma_wait3A_2156 = tpu.memref_slice %arg6[%dma_wait3A_2154, %dma_wait3A_2155] : memref<416x64xf32, #tpu.memory_space<vmem>> -> memref<1x64xf32, #tpu.memory_space<vmem>>
          %dma_wait3A_2157 = arith.constant 0 : i32
          %dma_wait3A_2158 = arith.constant 0 : i32
          %dma_wait3A_2159 = tpu.memref_slice %arg3[%dma_wait3A_2153, %dma_wait3A_2157, %dma_wait3A_2158] : memref<2x500000x64xf32, #tpu.memory_space<hbm>> -> memref<1x1x64xf32, #tpu.memory_space<hbm>>
          %dma_wait3A_2160 = tpu.memref_squeeze %dma_wait3A_2159 : memref<1x1x64xf32, #tpu.memory_space<hbm>> -> memref<1x64xf32, #tpu.memory_space<hbm>>
          %dma_wait3A_2161 = arith.constant 0 : i32
          %dma_wait3A_2162 = arith.constant 0 : i32
          %dma_wait3A_2163 = tpu.memref_slice %arg6[%dma_wait3A_2161, %dma_wait3A_2162] : memref<416x64xf32, #tpu.memory_space<vmem>> -> memref<1x64xf32, #tpu.memory_space<vmem>>
          %dma_wait3A_2164 = arith.constant 0 : i32
          %dma_wait3A_2165 = arith.constant 0 : i32
          %dma_wait3A_2166 = tpu.memref_slice %arg3[%dma_wait3A_2153, %dma_wait3A_2164, %dma_wait3A_2165] : memref<2x500000x64xf32, #tpu.memory_space<hbm>> -> memref<1x1x64xf32, #tpu.memory_space<hbm>>
          %dma_wait3A_2167 = tpu.memref_squeeze %dma_wait3A_2166 : memref<1x1x64xf32, #tpu.memory_space<hbm>> -> memref<1x64xf32, #tpu.memory_space<hbm>>
          tpu.wait_dma2 semaphore(%arg7 : memref<!tpu.dma_semaphore, #tpu.memory_space<semaphore_mem>>) src(%dma_wait3A_2167 : memref<1x64xf32, #tpu.memory_space<hbm>>) dst(%dma_wait3A_2163 : memref<1x64xf32, #tpu.memory_space<vmem>>)
          %dma_wait3A_2168 = arith.constant 0 : i32
          %dma_wait3A_2169 = arith.constant 0 : i32
          %dma_wait3A_2170 = arith.constant 0 : i32
          %dma_wait3A_2171 = tpu.memref_slice %arg6[%dma_wait3A_2169, %dma_wait3A_2170] : memref<416x64xf32, #tpu.memory_space<vmem>> -> memref<1x64xf32, #tpu.memory_space<vmem>>
          %dma_wait3A_2172 = arith.constant 0 : i32
          %dma_wait3A_2173 = arith.constant 0 : i32
          %dma_wait3A_2174 = tpu.memref_slice %arg3[%dma_wait3A_2168, %dma_wait3A_2172, %dma_wait3A_2173] : memref<2x500000x64xf32, #tpu.memory_space<hbm>> -> memref<1x1x64xf32, #tpu.memory_space<hbm>>
          %dma_wait3A_2175 = tpu.memref_squeeze %dma_wait3A_2174 : memref<1x1x64xf32, #tpu.memory_space<hbm>> -> memref<1x64xf32, #tpu.memory_space<hbm>>
          %dma_wait3A_2176 = arith.constant 0 : i32
          %dma_wait3A_2177 = arith.constant 0 : i32
          %dma_wait3A_2178 = tpu.memref_slice %arg6[%dma_wait3A_2176, %dma_wait3A_2177] : memref<416x64xf32, #tpu.memory_space<vmem>> -> memref<1x64xf32, #tpu.memory_space<vmem>>
          %dma_wait3A_2179 = arith.constant 0 : i32
          %dma_wait3A_2180 = arith.constant 0 : i32
          %dma_wait3A_2181 = tpu.memref_slice %arg3[%dma_wait3A_2168, %dma_wait3A_2179, %dma_wait3A_2180] : memref<2x500000x64xf32, #tpu.memory_space<hbm>> -> memref<1x1x64xf32, #tpu.memory_space<hbm>>
          %dma_wait3A_2182 = tpu.memref_squeeze %dma_wait3A_2181 : memref<1x1x64xf32, #tpu.memory_space<hbm>> -> memref<1x64xf32, #tpu.memory_space<hbm>>
          tpu.wait_dma2 semaphore(%arg7 : memref<!tpu.dma_semaphore, #tpu.memory_space<semaphore_mem>>) src(%dma_wait3A_2182 : memref<1x64xf32, #tpu.memory_space<hbm>>) dst(%dma_wait3A_2178 : memref<1x64xf32, #tpu.memory_space<vmem>>)
          %dma_wait3A_2183 = arith.constant 0 : i32
          %dma_wait3A_2184 = arith.constant 0 : i32
          %dma_wait3A_2185 = arith.constant 0 : i32
          %dma_wait3A_2186 = tpu.memref_slice %arg6[%dma_wait3A_2184, %dma_wait3A_2185] : memref<416x64xf32, #tpu.memory_space<vmem>> -> memref<1x64xf32, #tpu.memory_space<vmem>>
          %dma_wait3A_2187 = arith.constant 0 : i32
          %dma_wait3A_2188 = arith.constant 0 : i32
          %dma_wait3A_2189 = tpu.memref_slice %arg3[%dma_wait3A_2183, %dma_wait3A_2187, %dma_wait3A_2188] : memref<2x500000x64xf32, #tpu.memory_space<hbm>> -> memref<1x1x64xf32, #tpu.memory_space<hbm>>
          %dma_wait3A_2190 = tpu.memref_squeeze %dma_wait3A_2189 : memref<1x1x64xf32, #tpu.memory_space<hbm>> -> memref<1x64xf32, #tpu.memory_space<hbm>>
          %dma_wait3A_2191 = arith.constant 0 : i32
          %dma_wait3A_2192 = arith.constant 0 : i32
          %dma_wait3A_2193 = tpu.memref_slice %arg6[%dma_wait3A_2191, %dma_wait3A_2192] : memref<416x64xf32, #tpu.memory_space<vmem>> -> memref<1x64xf32, #tpu.memory_space<vmem>>
          %dma_wait3A_2194 = arith.constant 0 : i32
          %dma_wait3A_2195 = arith.constant 0 : i32
          %dma_wait3A_2196 = tpu.memref_slice %arg3[%dma_wait3A_2183, %dma_wait3A_2194, %dma_wait3A_2195] : memref<2x500000x64xf32, #tpu.memory_space<hbm>> -> memref<1x1x64xf32, #tpu.memory_space<hbm>>
          %dma_wait3A_2197 = tpu.memref_squeeze %dma_wait3A_2196 : memref<1x1x64xf32, #tpu.memory_space<hbm>> -> memref<1x64xf32, #tpu.memory_space<hbm>>
          tpu.wait_dma2 semaphore(%arg7 : memref<!tpu.dma_semaphore, #tpu.memory_space<semaphore_mem>>) src(%dma_wait3A_2197 : memref<1x64xf32, #tpu.memory_space<hbm>>) dst(%dma_wait3A_2193 : memref<1x64xf32, #tpu.memory_space<vmem>>)
          %dma_wait3A_2198 = arith.constant 0 : i32
          %dma_wait3A_2199 = arith.constant 0 : i32
          %dma_wait3A_2200 = arith.constant 0 : i32
          %dma_wait3A_2201 = tpu.memref_slice %arg6[%dma_wait3A_2199, %dma_wait3A_2200] : memref<416x64xf32, #tpu.memory_space<vmem>> -> memref<1x64xf32, #tpu.memory_space<vmem>>
          %dma_wait3A_2202 = arith.constant 0 : i32
          %dma_wait3A_2203 = arith.constant 0 : i32
          %dma_wait3A_2204 = tpu.memref_slice %arg3[%dma_wait3A_2198, %dma_wait3A_2202, %dma_wait3A_2203] : memref<2x500000x64xf32, #tpu.memory_space<hbm>> -> memref<1x1x64xf32, #tpu.memory_space<hbm>>
          %dma_wait3A_2205 = tpu.memref_squeeze %dma_wait3A_2204 : memref<1x1x64xf32, #tpu.memory_space<hbm>> -> memref<1x64xf32, #tpu.memory_space<hbm>>
          %dma_wait3A_2206 = arith.constant 0 : i32
          %dma_wait3A_2207 = arith.constant 0 : i32
          %dma_wait3A_2208 = tpu.memref_slice %arg6[%dma_wait3A_2206, %dma_wait3A_2207] : memref<416x64xf32, #tpu.memory_space<vmem>> -> memref<1x64xf32, #tpu.memory_space<vmem>>
          %dma_wait3A_2209 = arith.constant 0 : i32
          %dma_wait3A_2210 = arith.constant 0 : i32
          %dma_wait3A_2211 = tpu.memref_slice %arg3[%dma_wait3A_2198, %dma_wait3A_2209, %dma_wait3A_2210] : memref<2x500000x64xf32, #tpu.memory_space<hbm>> -> memref<1x1x64xf32, #tpu.memory_space<hbm>>
          %dma_wait3A_2212 = tpu.memref_squeeze %dma_wait3A_2211 : memref<1x1x64xf32, #tpu.memory_space<hbm>> -> memref<1x64xf32, #tpu.memory_space<hbm>>
          tpu.wait_dma2 semaphore(%arg7 : memref<!tpu.dma_semaphore, #tpu.memory_space<semaphore_mem>>) src(%dma_wait3A_2212 : memref<1x64xf32, #tpu.memory_space<hbm>>) dst(%dma_wait3A_2208 : memref<1x64xf32, #tpu.memory_space<vmem>>)
          %dma_wait3A_2213 = arith.constant 0 : i32
          %dma_wait3A_2214 = arith.constant 0 : i32
          %dma_wait3A_2215 = arith.constant 0 : i32
          %dma_wait3A_2216 = tpu.memref_slice %arg6[%dma_wait3A_2214, %dma_wait3A_2215] : memref<416x64xf32, #tpu.memory_space<vmem>> -> memref<1x64xf32, #tpu.memory_space<vmem>>
          %dma_wait3A_2217 = arith.constant 0 : i32
          %dma_wait3A_2218 = arith.constant 0 : i32
          %dma_wait3A_2219 = tpu.memref_slice %arg3[%dma_wait3A_2213, %dma_wait3A_2217, %dma_wait3A_2218] : memref<2x500000x64xf32, #tpu.memory_space<hbm>> -> memref<1x1x64xf32, #tpu.memory_space<hbm>>
          %dma_wait3A_2220 = tpu.memref_squeeze %dma_wait3A_2219 : memref<1x1x64xf32, #tpu.memory_space<hbm>> -> memref<1x64xf32, #tpu.memory_space<hbm>>
          %dma_wait3A_2221 = arith.constant 0 : i32
          %dma_wait3A_2222 = arith.constant 0 : i32
          %dma_wait3A_2223 = tpu.memref_slice %arg6[%dma_wait3A_2221, %dma_wait3A_2222] : memref<416x64xf32, #tpu.memory_space<vmem>> -> memref<1x64xf32, #tpu.memory_space<vmem>>
          %dma_wait3A_2224 = arith.constant 0 : i32
          %dma_wait3A_2225 = arith.constant 0 : i32
          %dma_wait3A_2226 = tpu.memref_slice %arg3[%dma_wait3A_2213, %dma_wait3A_2224, %dma_wait3A_2225] : memref<2x500000x64xf32, #tpu.memory_space<hbm>> -> memref<1x1x64xf32, #tpu.memory_space<hbm>>
          %dma_wait3A_2227 = tpu.memref_squeeze %dma_wait3A_2226 : memref<1x1x64xf32, #tpu.memory_space<hbm>> -> memref<1x64xf32, #tpu.memory_space<hbm>>
          tpu.wait_dma2 semaphore(%arg7 : memref<!tpu.dma_semaphore, #tpu.memory_space<semaphore_mem>>) src(%dma_wait3A_2227 : memref<1x64xf32, #tpu.memory_space<hbm>>) dst(%dma_wait3A_2223 : memref<1x64xf32, #tpu.memory_space<vmem>>)
          %dma_wait3A_2228 = arith.constant 0 : i32
          %dma_wait3A_2229 = arith.constant 0 : i32
          %dma_wait3A_2230 = arith.constant 0 : i32
          %dma_wait3A_2231 = tpu.memref_slice %arg6[%dma_wait3A_2229, %dma_wait3A_2230] : memref<416x64xf32, #tpu.memory_space<vmem>> -> memref<1x64xf32, #tpu.memory_space<vmem>>
          %dma_wait3A_2232 = arith.constant 0 : i32
          %dma_wait3A_2233 = arith.constant 0 : i32
          %dma_wait3A_2234 = tpu.memref_slice %arg3[%dma_wait3A_2228, %dma_wait3A_2232, %dma_wait3A_2233] : memref<2x500000x64xf32, #tpu.memory_space<hbm>> -> memref<1x1x64xf32, #tpu.memory_space<hbm>>
          %dma_wait3A_2235 = tpu.memref_squeeze %dma_wait3A_2234 : memref<1x1x64xf32, #tpu.memory_space<hbm>> -> memref<1x64xf32, #tpu.memory_space<hbm>>
          %dma_wait3A_2236 = arith.constant 0 : i32
          %dma_wait3A_2237 = arith.constant 0 : i32
          %dma_wait3A_2238 = tpu.memref_slice %arg6[%dma_wait3A_2236, %dma_wait3A_2237] : memref<416x64xf32, #tpu.memory_space<vmem>> -> memref<1x64xf32, #tpu.memory_space<vmem>>
          %dma_wait3A_2239 = arith.constant 0 : i32
          %dma_wait3A_2240 = arith.constant 0 : i32
          %dma_wait3A_2241 = tpu.memref_slice %arg3[%dma_wait3A_2228, %dma_wait3A_2239, %dma_wait3A_2240] : memref<2x500000x64xf32, #tpu.memory_space<hbm>> -> memref<1x1x64xf32, #tpu.memory_space<hbm>>
          %dma_wait3A_2242 = tpu.memref_squeeze %dma_wait3A_2241 : memref<1x1x64xf32, #tpu.memory_space<hbm>> -> memref<1x64xf32, #tpu.memory_space<hbm>>
          tpu.wait_dma2 semaphore(%arg7 : memref<!tpu.dma_semaphore, #tpu.memory_space<semaphore_mem>>) src(%dma_wait3A_2242 : memref<1x64xf32, #tpu.memory_space<hbm>>) dst(%dma_wait3A_2238 : memref<1x64xf32, #tpu.memory_space<vmem>>)
          %dma_wait3A_2243 = arith.constant 0 : i32
          %dma_wait3A_2244 = arith.constant 0 : i32
          %dma_wait3A_2245 = arith.constant 0 : i32
          %dma_wait3A_2246 = tpu.memref_slice %arg6[%dma_wait3A_2244, %dma_wait3A_2245] : memref<416x64xf32, #tpu.memory_space<vmem>> -> memref<1x64xf32, #tpu.memory_space<vmem>>
          %dma_wait3A_2247 = arith.constant 0 : i32
          %dma_wait3A_2248 = arith.constant 0 : i32
          %dma_wait3A_2249 = tpu.memref_slice %arg3[%dma_wait3A_2243, %dma_wait3A_2247, %dma_wait3A_2248] : memref<2x500000x64xf32, #tpu.memory_space<hbm>> -> memref<1x1x64xf32, #tpu.memory_space<hbm>>
          %dma_wait3A_2250 = tpu.memref_squeeze %dma_wait3A_2249 : memref<1x1x64xf32, #tpu.memory_space<hbm>> -> memref<1x64xf32, #tpu.memory_space<hbm>>
          %dma_wait3A_2251 = arith.constant 0 : i32
          %dma_wait3A_2252 = arith.constant 0 : i32
          %dma_wait3A_2253 = tpu.memref_slice %arg6[%dma_wait3A_2251, %dma_wait3A_2252] : memref<416x64xf32, #tpu.memory_space<vmem>> -> memref<1x64xf32, #tpu.memory_space<vmem>>
          %dma_wait3A_2254 = arith.constant 0 : i32
          %dma_wait3A_2255 = arith.constant 0 : i32
          %dma_wait3A_2256 = tpu.memref_slice %arg3[%dma_wait3A_2243, %dma_wait3A_2254, %dma_wait3A_2255] : memref<2x500000x64xf32, #tpu.memory_space<hbm>> -> memref<1x1x64xf32, #tpu.memory_space<hbm>>
          %dma_wait3A_2257 = tpu.memref_squeeze %dma_wait3A_2256 : memref<1x1x64xf32, #tpu.memory_space<hbm>> -> memref<1x64xf32, #tpu.memory_space<hbm>>
          tpu.wait_dma2 semaphore(%arg7 : memref<!tpu.dma_semaphore, #tpu.memory_space<semaphore_mem>>) src(%dma_wait3A_2257 : memref<1x64xf32, #tpu.memory_space<hbm>>) dst(%dma_wait3A_2253 : memref<1x64xf32, #tpu.memory_space<vmem>>)
          %dma_wait3A_2258 = arith.constant 0 : i32
          %dma_wait3A_2259 = arith.constant 0 : i32
          %dma_wait3A_2260 = arith.constant 0 : i32
          %dma_wait3A_2261 = tpu.memref_slice %arg6[%dma_wait3A_2259, %dma_wait3A_2260] : memref<416x64xf32, #tpu.memory_space<vmem>> -> memref<1x64xf32, #tpu.memory_space<vmem>>
          %dma_wait3A_2262 = arith.constant 0 : i32
          %dma_wait3A_2263 = arith.constant 0 : i32
          %dma_wait3A_2264 = tpu.memref_slice %arg3[%dma_wait3A_2258, %dma_wait3A_2262, %dma_wait3A_2263] : memref<2x500000x64xf32, #tpu.memory_space<hbm>> -> memref<1x1x64xf32, #tpu.memory_space<hbm>>
          %dma_wait3A_2265 = tpu.memref_squeeze %dma_wait3A_2264 : memref<1x1x64xf32, #tpu.memory_space<hbm>> -> memref<1x64xf32, #tpu.memory_space<hbm>>
          %dma_wait3A_2266 = arith.constant 0 : i32
          %dma_wait3A_2267 = arith.constant 0 : i32
          %dma_wait3A_2268 = tpu.memref_slice %arg6[%dma_wait3A_2266, %dma_wait3A_2267] : memref<416x64xf32, #tpu.memory_space<vmem>> -> memref<1x64xf32, #tpu.memory_space<vmem>>
          %dma_wait3A_2269 = arith.constant 0 : i32
          %dma_wait3A_2270 = arith.constant 0 : i32
          %dma_wait3A_2271 = tpu.memref_slice %arg3[%dma_wait3A_2258, %dma_wait3A_2269, %dma_wait3A_2270] : memref<2x500000x64xf32, #tpu.memory_space<hbm>> -> memref<1x1x64xf32, #tpu.memory_space<hbm>>
          %dma_wait3A_2272 = tpu.memref_squeeze %dma_wait3A_2271 : memref<1x1x64xf32, #tpu.memory_space<hbm>> -> memref<1x64xf32, #tpu.memory_space<hbm>>
          tpu.wait_dma2 semaphore(%arg7 : memref<!tpu.dma_semaphore, #tpu.memory_space<semaphore_mem>>) src(%dma_wait3A_2272 : memref<1x64xf32, #tpu.memory_space<hbm>>) dst(%dma_wait3A_2268 : memref<1x64xf32, #tpu.memory_space<vmem>>)
          %dma_wait3A_2273 = arith.constant 0 : i32
          %dma_wait3A_2274 = arith.constant 0 : i32
          %dma_wait3A_2275 = arith.constant 0 : i32
          %dma_wait3A_2276 = tpu.memref_slice %arg6[%dma_wait3A_2274, %dma_wait3A_2275] : memref<416x64xf32, #tpu.memory_space<vmem>> -> memref<1x64xf32, #tpu.memory_space<vmem>>
          %dma_wait3A_2277 = arith.constant 0 : i32
          %dma_wait3A_2278 = arith.constant 0 : i32
          %dma_wait3A_2279 = tpu.memref_slice %arg3[%dma_wait3A_2273, %dma_wait3A_2277, %dma_wait3A_2278] : memref<2x500000x64xf32, #tpu.memory_space<hbm>> -> memref<1x1x64xf32, #tpu.memory_space<hbm>>
          %dma_wait3A_2280 = tpu.memref_squeeze %dma_wait3A_2279 : memref<1x1x64xf32, #tpu.memory_space<hbm>> -> memref<1x64xf32, #tpu.memory_space<hbm>>
          %dma_wait3A_2281 = arith.constant 0 : i32
          %dma_wait3A_2282 = arith.constant 0 : i32
          %dma_wait3A_2283 = tpu.memref_slice %arg6[%dma_wait3A_2281, %dma_wait3A_2282] : memref<416x64xf32, #tpu.memory_space<vmem>> -> memref<1x64xf32, #tpu.memory_space<vmem>>
          %dma_wait3A_2284 = arith.constant 0 : i32
          %dma_wait3A_2285 = arith.constant 0 : i32
          %dma_wait3A_2286 = tpu.memref_slice %arg3[%dma_wait3A_2273, %dma_wait3A_2284, %dma_wait3A_2285] : memref<2x500000x64xf32, #tpu.memory_space<hbm>> -> memref<1x1x64xf32, #tpu.memory_space<hbm>>
          %dma_wait3A_2287 = tpu.memref_squeeze %dma_wait3A_2286 : memref<1x1x64xf32, #tpu.memory_space<hbm>> -> memref<1x64xf32, #tpu.memory_space<hbm>>
          tpu.wait_dma2 semaphore(%arg7 : memref<!tpu.dma_semaphore, #tpu.memory_space<semaphore_mem>>) src(%dma_wait3A_2287 : memref<1x64xf32, #tpu.memory_space<hbm>>) dst(%dma_wait3A_2283 : memref<1x64xf32, #tpu.memory_space<vmem>>)
          %dma_wait3A_2288 = arith.constant 0 : i32
          %dma_wait3A_2289 = arith.constant 0 : i32
          %dma_wait3A_2290 = arith.constant 0 : i32
          %dma_wait3A_2291 = tpu.memref_slice %arg6[%dma_wait3A_2289, %dma_wait3A_2290] : memref<416x64xf32, #tpu.memory_space<vmem>> -> memref<1x64xf32, #tpu.memory_space<vmem>>
          %dma_wait3A_2292 = arith.constant 0 : i32
          %dma_wait3A_2293 = arith.constant 0 : i32
          %dma_wait3A_2294 = tpu.memref_slice %arg3[%dma_wait3A_2288, %dma_wait3A_2292, %dma_wait3A_2293] : memref<2x500000x64xf32, #tpu.memory_space<hbm>> -> memref<1x1x64xf32, #tpu.memory_space<hbm>>
          %dma_wait3A_2295 = tpu.memref_squeeze %dma_wait3A_2294 : memref<1x1x64xf32, #tpu.memory_space<hbm>> -> memref<1x64xf32, #tpu.memory_space<hbm>>
          %dma_wait3A_2296 = arith.constant 0 : i32
          %dma_wait3A_2297 = arith.constant 0 : i32
          %dma_wait3A_2298 = tpu.memref_slice %arg6[%dma_wait3A_2296, %dma_wait3A_2297] : memref<416x64xf32, #tpu.memory_space<vmem>> -> memref<1x64xf32, #tpu.memory_space<vmem>>
          %dma_wait3A_2299 = arith.constant 0 : i32
          %dma_wait3A_2300 = arith.constant 0 : i32
          %dma_wait3A_2301 = tpu.memref_slice %arg3[%dma_wait3A_2288, %dma_wait3A_2299, %dma_wait3A_2300] : memref<2x500000x64xf32, #tpu.memory_space<hbm>> -> memref<1x1x64xf32, #tpu.memory_space<hbm>>
          %dma_wait3A_2302 = tpu.memref_squeeze %dma_wait3A_2301 : memref<1x1x64xf32, #tpu.memory_space<hbm>> -> memref<1x64xf32, #tpu.memory_space<hbm>>
          tpu.wait_dma2 semaphore(%arg7 : memref<!tpu.dma_semaphore, #tpu.memory_space<semaphore_mem>>) src(%dma_wait3A_2302 : memref<1x64xf32, #tpu.memory_space<hbm>>) dst(%dma_wait3A_2298 : memref<1x64xf32, #tpu.memory_space<vmem>>)
          %dma_wait3A_2303 = arith.constant 0 : i32
          %dma_wait3A_2304 = arith.constant 0 : i32
          %dma_wait3A_2305 = arith.constant 0 : i32
          %dma_wait3A_2306 = tpu.memref_slice %arg6[%dma_wait3A_2304, %dma_wait3A_2305] : memref<416x64xf32, #tpu.memory_space<vmem>> -> memref<1x64xf32, #tpu.memory_space<vmem>>
          %dma_wait3A_2307 = arith.constant 0 : i32
          %dma_wait3A_2308 = arith.constant 0 : i32
          %dma_wait3A_2309 = tpu.memref_slice %arg3[%dma_wait3A_2303, %dma_wait3A_2307, %dma_wait3A_2308] : memref<2x500000x64xf32, #tpu.memory_space<hbm>> -> memref<1x1x64xf32, #tpu.memory_space<hbm>>
          %dma_wait3A_2310 = tpu.memref_squeeze %dma_wait3A_2309 : memref<1x1x64xf32, #tpu.memory_space<hbm>> -> memref<1x64xf32, #tpu.memory_space<hbm>>
          %dma_wait3A_2311 = arith.constant 0 : i32
          %dma_wait3A_2312 = arith.constant 0 : i32
          %dma_wait3A_2313 = tpu.memref_slice %arg6[%dma_wait3A_2311, %dma_wait3A_2312] : memref<416x64xf32, #tpu.memory_space<vmem>> -> memref<1x64xf32, #tpu.memory_space<vmem>>
          %dma_wait3A_2314 = arith.constant 0 : i32
          %dma_wait3A_2315 = arith.constant 0 : i32
          %dma_wait3A_2316 = tpu.memref_slice %arg3[%dma_wait3A_2303, %dma_wait3A_2314, %dma_wait3A_2315] : memref<2x500000x64xf32, #tpu.memory_space<hbm>> -> memref<1x1x64xf32, #tpu.memory_space<hbm>>
          %dma_wait3A_2317 = tpu.memref_squeeze %dma_wait3A_2316 : memref<1x1x64xf32, #tpu.memory_space<hbm>> -> memref<1x64xf32, #tpu.memory_space<hbm>>
          tpu.wait_dma2 semaphore(%arg7 : memref<!tpu.dma_semaphore, #tpu.memory_space<semaphore_mem>>) src(%dma_wait3A_2317 : memref<1x64xf32, #tpu.memory_space<hbm>>) dst(%dma_wait3A_2313 : memref<1x64xf32, #tpu.memory_space<vmem>>)
          %dma_wait3A_2318 = arith.constant 0 : i32
          %dma_wait3A_2319 = arith.constant 0 : i32
          %dma_wait3A_2320 = arith.constant 0 : i32
          %dma_wait3A_2321 = tpu.memref_slice %arg6[%dma_wait3A_2319, %dma_wait3A_2320] : memref<416x64xf32, #tpu.memory_space<vmem>> -> memref<1x64xf32, #tpu.memory_space<vmem>>
          %dma_wait3A_2322 = arith.constant 0 : i32
          %dma_wait3A_2323 = arith.constant 0 : i32
          %dma_wait3A_2324 = tpu.memref_slice %arg3[%dma_wait3A_2318, %dma_wait3A_2322, %dma_wait3A_2323] : memref<2x500000x64xf32, #tpu.memory_space<hbm>> -> memref<1x1x64xf32, #tpu.memory_space<hbm>>
          %dma_wait3A_2325 = tpu.memref_squeeze %dma_wait3A_2324 : memref<1x1x64xf32, #tpu.memory_space<hbm>> -> memref<1x64xf32, #tpu.memory_space<hbm>>
          %dma_wait3A_2326 = arith.constant 0 : i32
          %dma_wait3A_2327 = arith.constant 0 : i32
          %dma_wait3A_2328 = tpu.memref_slice %arg6[%dma_wait3A_2326, %dma_wait3A_2327] : memref<416x64xf32, #tpu.memory_space<vmem>> -> memref<1x64xf32, #tpu.memory_space<vmem>>
          %dma_wait3A_2329 = arith.constant 0 : i32
          %dma_wait3A_2330 = arith.constant 0 : i32
          %dma_wait3A_2331 = tpu.memref_slice %arg3[%dma_wait3A_2318, %dma_wait3A_2329, %dma_wait3A_2330] : memref<2x500000x64xf32, #tpu.memory_space<hbm>> -> memref<1x1x64xf32, #tpu.memory_space<hbm>>
          %dma_wait3A_2332 = tpu.memref_squeeze %dma_wait3A_2331 : memref<1x1x64xf32, #tpu.memory_space<hbm>> -> memref<1x64xf32, #tpu.memory_space<hbm>>
          tpu.wait_dma2 semaphore(%arg7 : memref<!tpu.dma_semaphore, #tpu.memory_space<semaphore_mem>>) src(%dma_wait3A_2332 : memref<1x64xf32, #tpu.memory_space<hbm>>) dst(%dma_wait3A_2328 : memref<1x64xf32, #tpu.memory_space<vmem>>)
          %dma_wait3A_2333 = arith.constant 0 : i32
          %dma_wait3A_2334 = arith.constant 0 : i32
          %dma_wait3A_2335 = arith.constant 0 : i32
          %dma_wait3A_2336 = tpu.memref_slice %arg6[%dma_wait3A_2334, %dma_wait3A_2335] : memref<416x64xf32, #tpu.memory_space<vmem>> -> memref<1x64xf32, #tpu.memory_space<vmem>>
          %dma_wait3A_2337 = arith.constant 0 : i32
          %dma_wait3A_2338 = arith.constant 0 : i32
          %dma_wait3A_2339 = tpu.memref_slice %arg3[%dma_wait3A_2333, %dma_wait3A_2337, %dma_wait3A_2338] : memref<2x500000x64xf32, #tpu.memory_space<hbm>> -> memref<1x1x64xf32, #tpu.memory_space<hbm>>
          %dma_wait3A_2340 = tpu.memref_squeeze %dma_wait3A_2339 : memref<1x1x64xf32, #tpu.memory_space<hbm>> -> memref<1x64xf32, #tpu.memory_space<hbm>>
          %dma_wait3A_2341 = arith.constant 0 : i32
          %dma_wait3A_2342 = arith.constant 0 : i32
          %dma_wait3A_2343 = tpu.memref_slice %arg6[%dma_wait3A_2341, %dma_wait3A_2342] : memref<416x64xf32, #tpu.memory_space<vmem>> -> memref<1x64xf32, #tpu.memory_space<vmem>>
          %dma_wait3A_2344 = arith.constant 0 : i32
          %dma_wait3A_2345 = arith.constant 0 : i32
          %dma_wait3A_2346 = tpu.memref_slice %arg3[%dma_wait3A_2333, %dma_wait3A_2344, %dma_wait3A_2345] : memref<2x500000x64xf32, #tpu.memory_space<hbm>> -> memref<1x1x64xf32, #tpu.memory_space<hbm>>
          %dma_wait3A_2347 = tpu.memref_squeeze %dma_wait3A_2346 : memref<1x1x64xf32, #tpu.memory_space<hbm>> -> memref<1x64xf32, #tpu.memory_space<hbm>>
          tpu.wait_dma2 semaphore(%arg7 : memref<!tpu.dma_semaphore, #tpu.memory_space<semaphore_mem>>) src(%dma_wait3A_2347 : memref<1x64xf32, #tpu.memory_space<hbm>>) dst(%dma_wait3A_2343 : memref<1x64xf32, #tpu.memory_space<vmem>>)
          %dma_wait3A_2348 = arith.constant 0 : i32
          %dma_wait3A_2349 = arith.constant 0 : i32
          %dma_wait3A_2350 = arith.constant 0 : i32
          %dma_wait3A_2351 = tpu.memref_slice %arg6[%dma_wait3A_2349, %dma_wait3A_2350] : memref<416x64xf32, #tpu.memory_space<vmem>> -> memref<1x64xf32, #tpu.memory_space<vmem>>
          %dma_wait3A_2352 = arith.constant 0 : i32
          %dma_wait3A_2353 = arith.constant 0 : i32
          %dma_wait3A_2354 = tpu.memref_slice %arg3[%dma_wait3A_2348, %dma_wait3A_2352, %dma_wait3A_2353] : memref<2x500000x64xf32, #tpu.memory_space<hbm>> -> memref<1x1x64xf32, #tpu.memory_space<hbm>>
          %dma_wait3A_2355 = tpu.memref_squeeze %dma_wait3A_2354 : memref<1x1x64xf32, #tpu.memory_space<hbm>> -> memref<1x64xf32, #tpu.memory_space<hbm>>
          %dma_wait3A_2356 = arith.constant 0 : i32
          %dma_wait3A_2357 = arith.constant 0 : i32
          %dma_wait3A_2358 = tpu.memref_slice %arg6[%dma_wait3A_2356, %dma_wait3A_2357] : memref<416x64xf32, #tpu.memory_space<vmem>> -> memref<1x64xf32, #tpu.memory_space<vmem>>
          %dma_wait3A_2359 = arith.constant 0 : i32
          %dma_wait3A_2360 = arith.constant 0 : i32
          %dma_wait3A_2361 = tpu.memref_slice %arg3[%dma_wait3A_2348, %dma_wait3A_2359, %dma_wait3A_2360] : memref<2x500000x64xf32, #tpu.memory_space<hbm>> -> memref<1x1x64xf32, #tpu.memory_space<hbm>>
          %dma_wait3A_2362 = tpu.memref_squeeze %dma_wait3A_2361 : memref<1x1x64xf32, #tpu.memory_space<hbm>> -> memref<1x64xf32, #tpu.memory_space<hbm>>
          tpu.wait_dma2 semaphore(%arg7 : memref<!tpu.dma_semaphore, #tpu.memory_space<semaphore_mem>>) src(%dma_wait3A_2362 : memref<1x64xf32, #tpu.memory_space<hbm>>) dst(%dma_wait3A_2358 : memref<1x64xf32, #tpu.memory_space<vmem>>)
          %dma_wait3A_2363 = arith.constant 0 : i32
          %dma_wait3A_2364 = arith.constant 0 : i32
          %dma_wait3A_2365 = arith.constant 0 : i32
          %dma_wait3A_2366 = tpu.memref_slice %arg6[%dma_wait3A_2364, %dma_wait3A_2365] : memref<416x64xf32, #tpu.memory_space<vmem>> -> memref<1x64xf32, #tpu.memory_space<vmem>>
          %dma_wait3A_2367 = arith.constant 0 : i32
          %dma_wait3A_2368 = arith.constant 0 : i32
          %dma_wait3A_2369 = tpu.memref_slice %arg3[%dma_wait3A_2363, %dma_wait3A_2367, %dma_wait3A_2368] : memref<2x500000x64xf32, #tpu.memory_space<hbm>> -> memref<1x1x64xf32, #tpu.memory_space<hbm>>
          %dma_wait3A_2370 = tpu.memref_squeeze %dma_wait3A_2369 : memref<1x1x64xf32, #tpu.memory_space<hbm>> -> memref<1x64xf32, #tpu.memory_space<hbm>>
          %dma_wait3A_2371 = arith.constant 0 : i32
          %dma_wait3A_2372 = arith.constant 0 : i32
          %dma_wait3A_2373 = tpu.memref_slice %arg6[%dma_wait3A_2371, %dma_wait3A_2372] : memref<416x64xf32, #tpu.memory_space<vmem>> -> memref<1x64xf32, #tpu.memory_space<vmem>>
          %dma_wait3A_2374 = arith.constant 0 : i32
          %dma_wait3A_2375 = arith.constant 0 : i32
          %dma_wait3A_2376 = tpu.memref_slice %arg3[%dma_wait3A_2363, %dma_wait3A_2374, %dma_wait3A_2375] : memref<2x500000x64xf32, #tpu.memory_space<hbm>> -> memref<1x1x64xf32, #tpu.memory_space<hbm>>
          %dma_wait3A_2377 = tpu.memref_squeeze %dma_wait3A_2376 : memref<1x1x64xf32, #tpu.memory_space<hbm>> -> memref<1x64xf32, #tpu.memory_space<hbm>>
          tpu.wait_dma2 semaphore(%arg7 : memref<!tpu.dma_semaphore, #tpu.memory_space<semaphore_mem>>) src(%dma_wait3A_2377 : memref<1x64xf32, #tpu.memory_space<hbm>>) dst(%dma_wait3A_2373 : memref<1x64xf32, #tpu.memory_space<vmem>>)
          %dma_wait3A_2378 = arith.constant 0 : i32
          %dma_wait3A_2379 = arith.constant 0 : i32
          %dma_wait3A_2380 = arith.constant 0 : i32
          %dma_wait3A_2381 = tpu.memref_slice %arg6[%dma_wait3A_2379, %dma_wait3A_2380] : memref<416x64xf32, #tpu.memory_space<vmem>> -> memref<1x64xf32, #tpu.memory_space<vmem>>
          %dma_wait3A_2382 = arith.constant 0 : i32
          %dma_wait3A_2383 = arith.constant 0 : i32
          %dma_wait3A_2384 = tpu.memref_slice %arg3[%dma_wait3A_2378, %dma_wait3A_2382, %dma_wait3A_2383] : memref<2x500000x64xf32, #tpu.memory_space<hbm>> -> memref<1x1x64xf32, #tpu.memory_space<hbm>>
          %dma_wait3A_2385 = tpu.memref_squeeze %dma_wait3A_2384 : memref<1x1x64xf32, #tpu.memory_space<hbm>> -> memref<1x64xf32, #tpu.memory_space<hbm>>
          %dma_wait3A_2386 = arith.constant 0 : i32
          %dma_wait3A_2387 = arith.constant 0 : i32
          %dma_wait3A_2388 = tpu.memref_slice %arg6[%dma_wait3A_2386, %dma_wait3A_2387] : memref<416x64xf32, #tpu.memory_space<vmem>> -> memref<1x64xf32, #tpu.memory_space<vmem>>
          %dma_wait3A_2389 = arith.constant 0 : i32
          %dma_wait3A_2390 = arith.constant 0 : i32
          %dma_wait3A_2391 = tpu.memref_slice %arg3[%dma_wait3A_2378, %dma_wait3A_2389, %dma_wait3A_2390] : memref<2x500000x64xf32, #tpu.memory_space<hbm>> -> memref<1x1x64xf32, #tpu.memory_space<hbm>>
          %dma_wait3A_2392 = tpu.memref_squeeze %dma_wait3A_2391 : memref<1x1x64xf32, #tpu.memory_space<hbm>> -> memref<1x64xf32, #tpu.memory_space<hbm>>
          tpu.wait_dma2 semaphore(%arg7 : memref<!tpu.dma_semaphore, #tpu.memory_space<semaphore_mem>>) src(%dma_wait3A_2392 : memref<1x64xf32, #tpu.memory_space<hbm>>) dst(%dma_wait3A_2388 : memref<1x64xf32, #tpu.memory_space<vmem>>)
          %dma_wait3A_2393 = arith.constant 0 : i32
          %dma_wait3A_2394 = arith.constant 0 : i32
          %dma_wait3A_2395 = arith.constant 0 : i32
          %dma_wait3A_2396 = tpu.memref_slice %arg6[%dma_wait3A_2394, %dma_wait3A_2395] : memref<416x64xf32, #tpu.memory_space<vmem>> -> memref<1x64xf32, #tpu.memory_space<vmem>>
          %dma_wait3A_2397 = arith.constant 0 : i32
          %dma_wait3A_2398 = arith.constant 0 : i32
          %dma_wait3A_2399 = tpu.memref_slice %arg3[%dma_wait3A_2393, %dma_wait3A_2397, %dma_wait3A_2398] : memref<2x500000x64xf32, #tpu.memory_space<hbm>> -> memref<1x1x64xf32, #tpu.memory_space<hbm>>
          %dma_wait3A_2400 = tpu.memref_squeeze %dma_wait3A_2399 : memref<1x1x64xf32, #tpu.memory_space<hbm>> -> memref<1x64xf32, #tpu.memory_space<hbm>>
          %dma_wait3A_2401 = arith.constant 0 : i32
          %dma_wait3A_2402 = arith.constant 0 : i32
          %dma_wait3A_2403 = tpu.memref_slice %arg6[%dma_wait3A_2401, %dma_wait3A_2402] : memref<416x64xf32, #tpu.memory_space<vmem>> -> memref<1x64xf32, #tpu.memory_space<vmem>>
          %dma_wait3A_2404 = arith.constant 0 : i32
          %dma_wait3A_2405 = arith.constant 0 : i32
          %dma_wait3A_2406 = tpu.memref_slice %arg3[%dma_wait3A_2393, %dma_wait3A_2404, %dma_wait3A_2405] : memref<2x500000x64xf32, #tpu.memory_space<hbm>> -> memref<1x1x64xf32, #tpu.memory_space<hbm>>
          %dma_wait3A_2407 = tpu.memref_squeeze %dma_wait3A_2406 : memref<1x1x64xf32, #tpu.memory_space<hbm>> -> memref<1x64xf32, #tpu.memory_space<hbm>>
          tpu.wait_dma2 semaphore(%arg7 : memref<!tpu.dma_semaphore, #tpu.memory_space<semaphore_mem>>) src(%dma_wait3A_2407 : memref<1x64xf32, #tpu.memory_space<hbm>>) dst(%dma_wait3A_2403 : memref<1x64xf32, #tpu.memory_space<vmem>>)
          %dma_wait3A_2408 = arith.constant 0 : i32
          %dma_wait3A_2409 = arith.constant 0 : i32
          %dma_wait3A_2410 = arith.constant 0 : i32
          %dma_wait3A_2411 = tpu.memref_slice %arg6[%dma_wait3A_2409, %dma_wait3A_2410] : memref<416x64xf32, #tpu.memory_space<vmem>> -> memref<1x64xf32, #tpu.memory_space<vmem>>
          %dma_wait3A_2412 = arith.constant 0 : i32
          %dma_wait3A_2413 = arith.constant 0 : i32
          %dma_wait3A_2414 = tpu.memref_slice %arg3[%dma_wait3A_2408, %dma_wait3A_2412, %dma_wait3A_2413] : memref<2x500000x64xf32, #tpu.memory_space<hbm>> -> memref<1x1x64xf32, #tpu.memory_space<hbm>>
          %dma_wait3A_2415 = tpu.memref_squeeze %dma_wait3A_2414 : memref<1x1x64xf32, #tpu.memory_space<hbm>> -> memref<1x64xf32, #tpu.memory_space<hbm>>
          %dma_wait3A_2416 = arith.constant 0 : i32
          %dma_wait3A_2417 = arith.constant 0 : i32
          %dma_wait3A_2418 = tpu.memref_slice %arg6[%dma_wait3A_2416, %dma_wait3A_2417] : memref<416x64xf32, #tpu.memory_space<vmem>> -> memref<1x64xf32, #tpu.memory_space<vmem>>
          %dma_wait3A_2419 = arith.constant 0 : i32
          %dma_wait3A_2420 = arith.constant 0 : i32
          %dma_wait3A_2421 = tpu.memref_slice %arg3[%dma_wait3A_2408, %dma_wait3A_2419, %dma_wait3A_2420] : memref<2x500000x64xf32, #tpu.memory_space<hbm>> -> memref<1x1x64xf32, #tpu.memory_space<hbm>>
          %dma_wait3A_2422 = tpu.memref_squeeze %dma_wait3A_2421 : memref<1x1x64xf32, #tpu.memory_space<hbm>> -> memref<1x64xf32, #tpu.memory_space<hbm>>
          tpu.wait_dma2 semaphore(%arg7 : memref<!tpu.dma_semaphore, #tpu.memory_space<semaphore_mem>>) src(%dma_wait3A_2422 : memref<1x64xf32, #tpu.memory_space<hbm>>) dst(%dma_wait3A_2418 : memref<1x64xf32, #tpu.memory_space<vmem>>)
          %dma_wait3A_2423 = arith.constant 0 : i32
          %dma_wait3A_2424 = arith.constant 0 : i32
          %dma_wait3A_2425 = arith.constant 0 : i32
          %dma_wait3A_2426 = tpu.memref_slice %arg6[%dma_wait3A_2424, %dma_wait3A_2425] : memref<416x64xf32, #tpu.memory_space<vmem>> -> memref<1x64xf32, #tpu.memory_space<vmem>>
          %dma_wait3A_2427 = arith.constant 0 : i32
          %dma_wait3A_2428 = arith.constant 0 : i32
          %dma_wait3A_2429 = tpu.memref_slice %arg3[%dma_wait3A_2423, %dma_wait3A_2427, %dma_wait3A_2428] : memref<2x500000x64xf32, #tpu.memory_space<hbm>> -> memref<1x1x64xf32, #tpu.memory_space<hbm>>
          %dma_wait3A_2430 = tpu.memref_squeeze %dma_wait3A_2429 : memref<1x1x64xf32, #tpu.memory_space<hbm>> -> memref<1x64xf32, #tpu.memory_space<hbm>>
          %dma_wait3A_2431 = arith.constant 0 : i32
          %dma_wait3A_2432 = arith.constant 0 : i32
          %dma_wait3A_2433 = tpu.memref_slice %arg6[%dma_wait3A_2431, %dma_wait3A_2432] : memref<416x64xf32, #tpu.memory_space<vmem>> -> memref<1x64xf32, #tpu.memory_space<vmem>>
          %dma_wait3A_2434 = arith.constant 0 : i32
          %dma_wait3A_2435 = arith.constant 0 : i32
          %dma_wait3A_2436 = tpu.memref_slice %arg3[%dma_wait3A_2423, %dma_wait3A_2434, %dma_wait3A_2435] : memref<2x500000x64xf32, #tpu.memory_space<hbm>> -> memref<1x1x64xf32, #tpu.memory_space<hbm>>
          %dma_wait3A_2437 = tpu.memref_squeeze %dma_wait3A_2436 : memref<1x1x64xf32, #tpu.memory_space<hbm>> -> memref<1x64xf32, #tpu.memory_space<hbm>>
          tpu.wait_dma2 semaphore(%arg7 : memref<!tpu.dma_semaphore, #tpu.memory_space<semaphore_mem>>) src(%dma_wait3A_2437 : memref<1x64xf32, #tpu.memory_space<hbm>>) dst(%dma_wait3A_2433 : memref<1x64xf32, #tpu.memory_space<vmem>>)
          %dma_wait3A_2438 = arith.constant 0 : i32
          %dma_wait3A_2439 = arith.constant 0 : i32
          %dma_wait3A_2440 = arith.constant 0 : i32
          %dma_wait3A_2441 = tpu.memref_slice %arg6[%dma_wait3A_2439, %dma_wait3A_2440] : memref<416x64xf32, #tpu.memory_space<vmem>> -> memref<1x64xf32, #tpu.memory_space<vmem>>
          %dma_wait3A_2442 = arith.constant 0 : i32
          %dma_wait3A_2443 = arith.constant 0 : i32
          %dma_wait3A_2444 = tpu.memref_slice %arg3[%dma_wait3A_2438, %dma_wait3A_2442, %dma_wait3A_2443] : memref<2x500000x64xf32, #tpu.memory_space<hbm>> -> memref<1x1x64xf32, #tpu.memory_space<hbm>>
          %dma_wait3A_2445 = tpu.memref_squeeze %dma_wait3A_2444 : memref<1x1x64xf32, #tpu.memory_space<hbm>> -> memref<1x64xf32, #tpu.memory_space<hbm>>
          %dma_wait3A_2446 = arith.constant 0 : i32
          %dma_wait3A_2447 = arith.constant 0 : i32
          %dma_wait3A_2448 = tpu.memref_slice %arg6[%dma_wait3A_2446, %dma_wait3A_2447] : memref<416x64xf32, #tpu.memory_space<vmem>> -> memref<1x64xf32, #tpu.memory_space<vmem>>
          %dma_wait3A_2449 = arith.constant 0 : i32
          %dma_wait3A_2450 = arith.constant 0 : i32
          %dma_wait3A_2451 = tpu.memref_slice %arg3[%dma_wait3A_2438, %dma_wait3A_2449, %dma_wait3A_2450] : memref<2x500000x64xf32, #tpu.memory_space<hbm>> -> memref<1x1x64xf32, #tpu.memory_space<hbm>>
          %dma_wait3A_2452 = tpu.memref_squeeze %dma_wait3A_2451 : memref<1x1x64xf32, #tpu.memory_space<hbm>> -> memref<1x64xf32, #tpu.memory_space<hbm>>
          tpu.wait_dma2 semaphore(%arg7 : memref<!tpu.dma_semaphore, #tpu.memory_space<semaphore_mem>>) src(%dma_wait3A_2452 : memref<1x64xf32, #tpu.memory_space<hbm>>) dst(%dma_wait3A_2448 : memref<1x64xf32, #tpu.memory_space<vmem>>)
          %dma_wait3A_2453 = arith.constant 0 : i32
          %dma_wait3A_2454 = arith.constant 0 : i32
          %dma_wait3A_2455 = arith.constant 0 : i32
          %dma_wait3A_2456 = tpu.memref_slice %arg6[%dma_wait3A_2454, %dma_wait3A_2455] : memref<416x64xf32, #tpu.memory_space<vmem>> -> memref<1x64xf32, #tpu.memory_space<vmem>>
          %dma_wait3A_2457 = arith.constant 0 : i32
          %dma_wait3A_2458 = arith.constant 0 : i32
          %dma_wait3A_2459 = tpu.memref_slice %arg3[%dma_wait3A_2453, %dma_wait3A_2457, %dma_wait3A_2458] : memref<2x500000x64xf32, #tpu.memory_space<hbm>> -> memref<1x1x64xf32, #tpu.memory_space<hbm>>
          %dma_wait3A_2460 = tpu.memref_squeeze %dma_wait3A_2459 : memref<1x1x64xf32, #tpu.memory_space<hbm>> -> memref<1x64xf32, #tpu.memory_space<hbm>>
          %dma_wait3A_2461 = arith.constant 0 : i32
          %dma_wait3A_2462 = arith.constant 0 : i32
          %dma_wait3A_2463 = tpu.memref_slice %arg6[%dma_wait3A_2461, %dma_wait3A_2462] : memref<416x64xf32, #tpu.memory_space<vmem>> -> memref<1x64xf32, #tpu.memory_space<vmem>>
          %dma_wait3A_2464 = arith.constant 0 : i32
          %dma_wait3A_2465 = arith.constant 0 : i32
          %dma_wait3A_2466 = tpu.memref_slice %arg3[%dma_wait3A_2453, %dma_wait3A_2464, %dma_wait3A_2465] : memref<2x500000x64xf32, #tpu.memory_space<hbm>> -> memref<1x1x64xf32, #tpu.memory_space<hbm>>
          %dma_wait3A_2467 = tpu.memref_squeeze %dma_wait3A_2466 : memref<1x1x64xf32, #tpu.memory_space<hbm>> -> memref<1x64xf32, #tpu.memory_space<hbm>>
          tpu.wait_dma2 semaphore(%arg7 : memref<!tpu.dma_semaphore, #tpu.memory_space<semaphore_mem>>) src(%dma_wait3A_2467 : memref<1x64xf32, #tpu.memory_space<hbm>>) dst(%dma_wait3A_2463 : memref<1x64xf32, #tpu.memory_space<vmem>>)
          %dma_wait3A_2468 = arith.constant 0 : i32
          %dma_wait3A_2469 = arith.constant 0 : i32
          %dma_wait3A_2470 = arith.constant 0 : i32
          %dma_wait3A_2471 = tpu.memref_slice %arg6[%dma_wait3A_2469, %dma_wait3A_2470] : memref<416x64xf32, #tpu.memory_space<vmem>> -> memref<1x64xf32, #tpu.memory_space<vmem>>
          %dma_wait3A_2472 = arith.constant 0 : i32
          %dma_wait3A_2473 = arith.constant 0 : i32
          %dma_wait3A_2474 = tpu.memref_slice %arg3[%dma_wait3A_2468, %dma_wait3A_2472, %dma_wait3A_2473] : memref<2x500000x64xf32, #tpu.memory_space<hbm>> -> memref<1x1x64xf32, #tpu.memory_space<hbm>>
          %dma_wait3A_2475 = tpu.memref_squeeze %dma_wait3A_2474 : memref<1x1x64xf32, #tpu.memory_space<hbm>> -> memref<1x64xf32, #tpu.memory_space<hbm>>
          %dma_wait3A_2476 = arith.constant 0 : i32
          %dma_wait3A_2477 = arith.constant 0 : i32
          %dma_wait3A_2478 = tpu.memref_slice %arg6[%dma_wait3A_2476, %dma_wait3A_2477] : memref<416x64xf32, #tpu.memory_space<vmem>> -> memref<1x64xf32, #tpu.memory_space<vmem>>
          %dma_wait3A_2479 = arith.constant 0 : i32
          %dma_wait3A_2480 = arith.constant 0 : i32
          %dma_wait3A_2481 = tpu.memref_slice %arg3[%dma_wait3A_2468, %dma_wait3A_2479, %dma_wait3A_2480] : memref<2x500000x64xf32, #tpu.memory_space<hbm>> -> memref<1x1x64xf32, #tpu.memory_space<hbm>>
          %dma_wait3A_2482 = tpu.memref_squeeze %dma_wait3A_2481 : memref<1x1x64xf32, #tpu.memory_space<hbm>> -> memref<1x64xf32, #tpu.memory_space<hbm>>
          tpu.wait_dma2 semaphore(%arg7 : memref<!tpu.dma_semaphore, #tpu.memory_space<semaphore_mem>>) src(%dma_wait3A_2482 : memref<1x64xf32, #tpu.memory_space<hbm>>) dst(%dma_wait3A_2478 : memref<1x64xf32, #tpu.memory_space<vmem>>)
          %mul3A_2483 = arith.constant 26 : i32
          %mul3A_2484 = arith.muli %sub3A_2092, %mul3A_2483 : i32
          %add3A_2485 = arith.addi %add3A_234, %sub3A_2092 : i32
          %dma_start3A_2486 = arith.constant 0 : i32
          %dma_start3A_2487 = tpu.memref_slice %arg6[%mul3A_2484, %dma_start3A_2486] : memref<416x64xf32, #tpu.memory_space<vmem>> -> memref<26x64xf32, #tpu.memory_space<vmem>>
          %dma_start3A_2488 = arith.constant 0 : i32
          %dma_start3A_2489 = arith.constant 0 : i32
          %dma_start3A_2490 = tpu.memref_slice %arg4[%add3A_2485, %dma_start3A_2488, %dma_start3A_2489] : memref<16384x26x64xf32, #tpu.memory_space<hbm>> -> memref<1x26x64xf32, #tpu.memory_space<hbm>>
          %dma_start3A_2491 = tpu.memref_squeeze %dma_start3A_2490 : memref<1x26x64xf32, #tpu.memory_space<hbm>> -> memref<26x64xf32, #tpu.memory_space<hbm>>
          %dma_start3A_2492 = arith.constant 0 : i32
          %dma_start3A_2493 = arith.constant 0 : i32
          %dma_start3A_2494 = tpu.memref_slice %arg4[%add3A_2485, %dma_start3A_2492, %dma_start3A_2493] : memref<16384x26x64xf32, #tpu.memory_space<hbm>> -> memref<1x26x64xf32, #tpu.memory_space<hbm>>
          %dma_start3A_2495 = tpu.memref_squeeze %dma_start3A_2494 : memref<1x26x64xf32, #tpu.memory_space<hbm>> -> memref<26x64xf32, #tpu.memory_space<hbm>>
          %dma_start3A_2496 = arith.constant 0 : i32
          %dma_start3A_2497 = tpu.memref_slice %arg6[%mul3A_2484, %dma_start3A_2496] : memref<416x64xf32, #tpu.memory_space<vmem>> -> memref<26x64xf32, #tpu.memory_space<vmem>>
          tpu.enqueue_dma source(%dma_start3A_2497 : memref<26x64xf32, #tpu.memory_space<vmem>>) target(%dma_start3A_2495 : memref<26x64xf32, #tpu.memory_space<hbm>>) target_semaphore(%arg8 : memref<!tpu.dma_semaphore, #tpu.memory_space<semaphore_mem>>)
        } else {
        }
      }
      %scan3A_242 = arith.constant 16 : i32
      %dma_wait3A_243 = arith.constant 0 : i32
      %dma_wait3A_244 = arith.constant 0 : i32
      %dma_wait3A_245 = arith.constant 0 : i32
      %dma_wait3A_246 = tpu.memref_slice %arg6[%dma_wait3A_244, %dma_wait3A_245] : memref<416x64xf32, #tpu.memory_space<vmem>> -> memref<1x64xf32, #tpu.memory_space<vmem>>
      %dma_wait3A_247 = arith.constant 0 : i32
      %dma_wait3A_248 = arith.constant 0 : i32
      %dma_wait3A_249 = tpu.memref_slice %arg3[%dma_wait3A_243, %dma_wait3A_247, %dma_wait3A_248] : memref<2x500000x64xf32, #tpu.memory_space<hbm>> -> memref<1x1x64xf32, #tpu.memory_space<hbm>>
      %dma_wait3A_250 = tpu.memref_squeeze %dma_wait3A_249 : memref<1x1x64xf32, #tpu.memory_space<hbm>> -> memref<1x64xf32, #tpu.memory_space<hbm>>
      %dma_wait3A_251 = arith.constant 0 : i32
      %dma_wait3A_252 = arith.constant 0 : i32
      %dma_wait3A_253 = tpu.memref_slice %arg6[%dma_wait3A_251, %dma_wait3A_252] : memref<416x64xf32, #tpu.memory_space<vmem>> -> memref<1x64xf32, #tpu.memory_space<vmem>>
      %dma_wait3A_254 = arith.constant 0 : i32
      %dma_wait3A_255 = arith.constant 0 : i32
      %dma_wait3A_256 = tpu.memref_slice %arg3[%dma_wait3A_243, %dma_wait3A_254, %dma_wait3A_255] : memref<2x500000x64xf32, #tpu.memory_space<hbm>> -> memref<1x1x64xf32, #tpu.memory_space<hbm>>
      %dma_wait3A_257 = tpu.memref_squeeze %dma_wait3A_256 : memref<1x1x64xf32, #tpu.memory_space<hbm>> -> memref<1x64xf32, #tpu.memory_space<hbm>>
      tpu.wait_dma2 semaphore(%arg7 : memref<!tpu.dma_semaphore, #tpu.memory_space<semaphore_mem>>) src(%dma_wait3A_257 : memref<1x64xf32, #tpu.memory_space<hbm>>) dst(%dma_wait3A_253 : memref<1x64xf32, #tpu.memory_space<vmem>>)
      %dma_wait3A_258 = arith.constant 0 : i32
      %dma_wait3A_259 = arith.constant 0 : i32
      %dma_wait3A_260 = arith.constant 0 : i32
      %dma_wait3A_261 = tpu.memref_slice %arg6[%dma_wait3A_259, %dma_wait3A_260] : memref<416x64xf32, #tpu.memory_space<vmem>> -> memref<1x64xf32, #tpu.memory_space<vmem>>
      %dma_wait3A_262 = arith.constant 0 : i32
      %dma_wait3A_263 = arith.constant 0 : i32
      %dma_wait3A_264 = tpu.memref_slice %arg3[%dma_wait3A_258, %dma_wait3A_262, %dma_wait3A_263] : memref<2x500000x64xf32, #tpu.memory_space<hbm>> -> memref<1x1x64xf32, #tpu.memory_space<hbm>>
      %dma_wait3A_265 = tpu.memref_squeeze %dma_wait3A_264 : memref<1x1x64xf32, #tpu.memory_space<hbm>> -> memref<1x64xf32, #tpu.memory_space<hbm>>
      %dma_wait3A_266 = arith.constant 0 : i32
      %dma_wait3A_267 = arith.constant 0 : i32
      %dma_wait3A_268 = tpu.memref_slice %arg6[%dma_wait3A_266, %dma_wait3A_267] : memref<416x64xf32, #tpu.memory_space<vmem>> -> memref<1x64xf32, #tpu.memory_space<vmem>>
      %dma_wait3A_269 = arith.constant 0 : i32
      %dma_wait3A_270 = arith.constant 0 : i32
      %dma_wait3A_271 = tpu.memref_slice %arg3[%dma_wait3A_258, %dma_wait3A_269, %dma_wait3A_270] : memref<2x500000x64xf32, #tpu.memory_space<hbm>> -> memref<1x1x64xf32, #tpu.memory_space<hbm>>
      %dma_wait3A_272 = tpu.memref_squeeze %dma_wait3A_271 : memref<1x1x64xf32, #tpu.memory_space<hbm>> -> memref<1x64xf32, #tpu.memory_space<hbm>>
      tpu.wait_dma2 semaphore(%arg7 : memref<!tpu.dma_semaphore, #tpu.memory_space<semaphore_mem>>) src(%dma_wait3A_272 : memref<1x64xf32, #tpu.memory_space<hbm>>) dst(%dma_wait3A_268 : memref<1x64xf32, #tpu.memory_space<vmem>>)
      %dma_wait3A_273 = arith.constant 0 : i32
      %dma_wait3A_274 = arith.constant 0 : i32
      %dma_wait3A_275 = arith.constant 0 : i32
      %dma_wait3A_276 = tpu.memref_slice %arg6[%dma_wait3A_274, %dma_wait3A_275] : memref<416x64xf32, #tpu.memory_space<vmem>> -> memref<1x64xf32, #tpu.memory_space<vmem>>
      %dma_wait3A_277 = arith.constant 0 : i32
      %dma_wait3A_278 = arith.constant 0 : i32
      %dma_wait3A_279 = tpu.memref_slice %arg3[%dma_wait3A_273, %dma_wait3A_277, %dma_wait3A_278] : memref<2x500000x64xf32, #tpu.memory_space<hbm>> -> memref<1x1x64xf32, #tpu.memory_space<hbm>>
      %dma_wait3A_280 = tpu.memref_squeeze %dma_wait3A_279 : memref<1x1x64xf32, #tpu.memory_space<hbm>> -> memref<1x64xf32, #tpu.memory_space<hbm>>
      %dma_wait3A_281 = arith.constant 0 : i32
      %dma_wait3A_282 = arith.constant 0 : i32
      %dma_wait3A_283 = tpu.memref_slice %arg6[%dma_wait3A_281, %dma_wait3A_282] : memref<416x64xf32, #tpu.memory_space<vmem>> -> memref<1x64xf32, #tpu.memory_space<vmem>>
      %dma_wait3A_284 = arith.constant 0 : i32
      %dma_wait3A_285 = arith.constant 0 : i32
      %dma_wait3A_286 = tpu.memref_slice %arg3[%dma_wait3A_273, %dma_wait3A_284, %dma_wait3A_285] : memref<2x500000x64xf32, #tpu.memory_space<hbm>> -> memref<1x1x64xf32, #tpu.memory_space<hbm>>
      %dma_wait3A_287 = tpu.memref_squeeze %dma_wait3A_286 : memref<1x1x64xf32, #tpu.memory_space<hbm>> -> memref<1x64xf32, #tpu.memory_space<hbm>>
      tpu.wait_dma2 semaphore(%arg7 : memref<!tpu.dma_semaphore, #tpu.memory_space<semaphore_mem>>) src(%dma_wait3A_287 : memref<1x64xf32, #tpu.memory_space<hbm>>) dst(%dma_wait3A_283 : memref<1x64xf32, #tpu.memory_space<vmem>>)
      %dma_wait3A_288 = arith.constant 0 : i32
      %dma_wait3A_289 = arith.constant 0 : i32
      %dma_wait3A_290 = arith.constant 0 : i32
      %dma_wait3A_291 = tpu.memref_slice %arg6[%dma_wait3A_289, %dma_wait3A_290] : memref<416x64xf32, #tpu.memory_space<vmem>> -> memref<1x64xf32, #tpu.memory_space<vmem>>
      %dma_wait3A_292 = arith.constant 0 : i32
      %dma_wait3A_293 = arith.constant 0 : i32
      %dma_wait3A_294 = tpu.memref_slice %arg3[%dma_wait3A_288, %dma_wait3A_292, %dma_wait3A_293] : memref<2x500000x64xf32, #tpu.memory_space<hbm>> -> memref<1x1x64xf32, #tpu.memory_space<hbm>>
      %dma_wait3A_295 = tpu.memref_squeeze %dma_wait3A_294 : memref<1x1x64xf32, #tpu.memory_space<hbm>> -> memref<1x64xf32, #tpu.memory_space<hbm>>
      %dma_wait3A_296 = arith.constant 0 : i32
      %dma_wait3A_297 = arith.constant 0 : i32
      %dma_wait3A_298 = tpu.memref_slice %arg6[%dma_wait3A_296, %dma_wait3A_297] : memref<416x64xf32, #tpu.memory_space<vmem>> -> memref<1x64xf32, #tpu.memory_space<vmem>>
      %dma_wait3A_299 = arith.constant 0 : i32
      %dma_wait3A_300 = arith.constant 0 : i32
      %dma_wait3A_301 = tpu.memref_slice %arg3[%dma_wait3A_288, %dma_wait3A_299, %dma_wait3A_300] : memref<2x500000x64xf32, #tpu.memory_space<hbm>> -> memref<1x1x64xf32, #tpu.memory_space<hbm>>
      %dma_wait3A_302 = tpu.memref_squeeze %dma_wait3A_301 : memref<1x1x64xf32, #tpu.memory_space<hbm>> -> memref<1x64xf32, #tpu.memory_space<hbm>>
      tpu.wait_dma2 semaphore(%arg7 : memref<!tpu.dma_semaphore, #tpu.memory_space<semaphore_mem>>) src(%dma_wait3A_302 : memref<1x64xf32, #tpu.memory_space<hbm>>) dst(%dma_wait3A_298 : memref<1x64xf32, #tpu.memory_space<vmem>>)
      %dma_wait3A_303 = arith.constant 0 : i32
      %dma_wait3A_304 = arith.constant 0 : i32
      %dma_wait3A_305 = arith.constant 0 : i32
      %dma_wait3A_306 = tpu.memref_slice %arg6[%dma_wait3A_304, %dma_wait3A_305] : memref<416x64xf32, #tpu.memory_space<vmem>> -> memref<1x64xf32, #tpu.memory_space<vmem>>
      %dma_wait3A_307 = arith.constant 0 : i32
      %dma_wait3A_308 = arith.constant 0 : i32
      %dma_wait3A_309 = tpu.memref_slice %arg3[%dma_wait3A_303, %dma_wait3A_307, %dma_wait3A_308] : memref<2x500000x64xf32, #tpu.memory_space<hbm>> -> memref<1x1x64xf32, #tpu.memory_space<hbm>>
      %dma_wait3A_310 = tpu.memref_squeeze %dma_wait3A_309 : memref<1x1x64xf32, #tpu.memory_space<hbm>> -> memref<1x64xf32, #tpu.memory_space<hbm>>
      %dma_wait3A_311 = arith.constant 0 : i32
      %dma_wait3A_312 = arith.constant 0 : i32
      %dma_wait3A_313 = tpu.memref_slice %arg6[%dma_wait3A_311, %dma_wait3A_312] : memref<416x64xf32, #tpu.memory_space<vmem>> -> memref<1x64xf32, #tpu.memory_space<vmem>>
      %dma_wait3A_314 = arith.constant 0 : i32
      %dma_wait3A_315 = arith.constant 0 : i32
      %dma_wait3A_316 = tpu.memref_slice %arg3[%dma_wait3A_303, %dma_wait3A_314, %dma_wait3A_315] : memref<2x500000x64xf32, #tpu.memory_space<hbm>> -> memref<1x1x64xf32, #tpu.memory_space<hbm>>
      %dma_wait3A_317 = tpu.memref_squeeze %dma_wait3A_316 : memref<1x1x64xf32, #tpu.memory_space<hbm>> -> memref<1x64xf32, #tpu.memory_space<hbm>>
      tpu.wait_dma2 semaphore(%arg7 : memref<!tpu.dma_semaphore, #tpu.memory_space<semaphore_mem>>) src(%dma_wait3A_317 : memref<1x64xf32, #tpu.memory_space<hbm>>) dst(%dma_wait3A_313 : memref<1x64xf32, #tpu.memory_space<vmem>>)
      %dma_wait3A_318 = arith.constant 0 : i32
      %dma_wait3A_319 = arith.constant 0 : i32
      %dma_wait3A_320 = arith.constant 0 : i32
      %dma_wait3A_321 = tpu.memref_slice %arg6[%dma_wait3A_319, %dma_wait3A_320] : memref<416x64xf32, #tpu.memory_space<vmem>> -> memref<1x64xf32, #tpu.memory_space<vmem>>
      %dma_wait3A_322 = arith.constant 0 : i32
      %dma_wait3A_323 = arith.constant 0 : i32
      %dma_wait3A_324 = tpu.memref_slice %arg3[%dma_wait3A_318, %dma_wait3A_322, %dma_wait3A_323] : memref<2x500000x64xf32, #tpu.memory_space<hbm>> -> memref<1x1x64xf32, #tpu.memory_space<hbm>>
      %dma_wait3A_325 = tpu.memref_squeeze %dma_wait3A_324 : memref<1x1x64xf32, #tpu.memory_space<hbm>> -> memref<1x64xf32, #tpu.memory_space<hbm>>
      %dma_wait3A_326 = arith.constant 0 : i32
      %dma_wait3A_327 = arith.constant 0 : i32
      %dma_wait3A_328 = tpu.memref_slice %arg6[%dma_wait3A_326, %dma_wait3A_327] : memref<416x64xf32, #tpu.memory_space<vmem>> -> memref<1x64xf32, #tpu.memory_space<vmem>>
      %dma_wait3A_329 = arith.constant 0 : i32
      %dma_wait3A_330 = arith.constant 0 : i32
      %dma_wait3A_331 = tpu.memref_slice %arg3[%dma_wait3A_318, %dma_wait3A_329, %dma_wait3A_330] : memref<2x500000x64xf32, #tpu.memory_space<hbm>> -> memref<1x1x64xf32, #tpu.memory_space<hbm>>
      %dma_wait3A_332 = tpu.memref_squeeze %dma_wait3A_331 : memref<1x1x64xf32, #tpu.memory_space<hbm>> -> memref<1x64xf32, #tpu.memory_space<hbm>>
      tpu.wait_dma2 semaphore(%arg7 : memref<!tpu.dma_semaphore, #tpu.memory_space<semaphore_mem>>) src(%dma_wait3A_332 : memref<1x64xf32, #tpu.memory_space<hbm>>) dst(%dma_wait3A_328 : memref<1x64xf32, #tpu.memory_space<vmem>>)
      %dma_wait3A_333 = arith.constant 0 : i32
      %dma_wait3A_334 = arith.constant 0 : i32
      %dma_wait3A_335 = arith.constant 0 : i32
      %dma_wait3A_336 = tpu.memref_slice %arg6[%dma_wait3A_334, %dma_wait3A_335] : memref<416x64xf32, #tpu.memory_space<vmem>> -> memref<1x64xf32, #tpu.memory_space<vmem>>
      %dma_wait3A_337 = arith.constant 0 : i32
      %dma_wait3A_338 = arith.constant 0 : i32
      %dma_wait3A_339 = tpu.memref_slice %arg3[%dma_wait3A_333, %dma_wait3A_337, %dma_wait3A_338] : memref<2x500000x64xf32, #tpu.memory_space<hbm>> -> memref<1x1x64xf32, #tpu.memory_space<hbm>>
      %dma_wait3A_340 = tpu.memref_squeeze %dma_wait3A_339 : memref<1x1x64xf32, #tpu.memory_space<hbm>> -> memref<1x64xf32, #tpu.memory_space<hbm>>
      %dma_wait3A_341 = arith.constant 0 : i32
      %dma_wait3A_342 = arith.constant 0 : i32
      %dma_wait3A_343 = tpu.memref_slice %arg6[%dma_wait3A_341, %dma_wait3A_342] : memref<416x64xf32, #tpu.memory_space<vmem>> -> memref<1x64xf32, #tpu.memory_space<vmem>>
      %dma_wait3A_344 = arith.constant 0 : i32
      %dma_wait3A_345 = arith.constant 0 : i32
      %dma_wait3A_346 = tpu.memref_slice %arg3[%dma_wait3A_333, %dma_wait3A_344, %dma_wait3A_345] : memref<2x500000x64xf32, #tpu.memory_space<hbm>> -> memref<1x1x64xf32, #tpu.memory_space<hbm>>
      %dma_wait3A_347 = tpu.memref_squeeze %dma_wait3A_346 : memref<1x1x64xf32, #tpu.memory_space<hbm>> -> memref<1x64xf32, #tpu.memory_space<hbm>>
      tpu.wait_dma2 semaphore(%arg7 : memref<!tpu.dma_semaphore, #tpu.memory_space<semaphore_mem>>) src(%dma_wait3A_347 : memref<1x64xf32, #tpu.memory_space<hbm>>) dst(%dma_wait3A_343 : memref<1x64xf32, #tpu.memory_space<vmem>>)
      %dma_wait3A_348 = arith.constant 0 : i32
      %dma_wait3A_349 = arith.constant 0 : i32
      %dma_wait3A_350 = arith.constant 0 : i32
      %dma_wait3A_351 = tpu.memref_slice %arg6[%dma_wait3A_349, %dma_wait3A_350] : memref<416x64xf32, #tpu.memory_space<vmem>> -> memref<1x64xf32, #tpu.memory_space<vmem>>
      %dma_wait3A_352 = arith.constant 0 : i32
      %dma_wait3A_353 = arith.constant 0 : i32
      %dma_wait3A_354 = tpu.memref_slice %arg3[%dma_wait3A_348, %dma_wait3A_352, %dma_wait3A_353] : memref<2x500000x64xf32, #tpu.memory_space<hbm>> -> memref<1x1x64xf32, #tpu.memory_space<hbm>>
      %dma_wait3A_355 = tpu.memref_squeeze %dma_wait3A_354 : memref<1x1x64xf32, #tpu.memory_space<hbm>> -> memref<1x64xf32, #tpu.memory_space<hbm>>
      %dma_wait3A_356 = arith.constant 0 : i32
      %dma_wait3A_357 = arith.constant 0 : i32
      %dma_wait3A_358 = tpu.memref_slice %arg6[%dma_wait3A_356, %dma_wait3A_357] : memref<416x64xf32, #tpu.memory_space<vmem>> -> memref<1x64xf32, #tpu.memory_space<vmem>>
      %dma_wait3A_359 = arith.constant 0 : i32
      %dma_wait3A_360 = arith.constant 0 : i32
      %dma_wait3A_361 = tpu.memref_slice %arg3[%dma_wait3A_348, %dma_wait3A_359, %dma_wait3A_360] : memref<2x500000x64xf32, #tpu.memory_space<hbm>> -> memref<1x1x64xf32, #tpu.memory_space<hbm>>
      %dma_wait3A_362 = tpu.memref_squeeze %dma_wait3A_361 : memref<1x1x64xf32, #tpu.memory_space<hbm>> -> memref<1x64xf32, #tpu.memory_space<hbm>>
      tpu.wait_dma2 semaphore(%arg7 : memref<!tpu.dma_semaphore, #tpu.memory_space<semaphore_mem>>) src(%dma_wait3A_362 : memref<1x64xf32, #tpu.memory_space<hbm>>) dst(%dma_wait3A_358 : memref<1x64xf32, #tpu.memory_space<vmem>>)
      %dma_wait3A_363 = arith.constant 0 : i32
      %dma_wait3A_364 = arith.constant 0 : i32
      %dma_wait3A_365 = arith.constant 0 : i32
      %dma_wait3A_366 = tpu.memref_slice %arg6[%dma_wait3A_364, %dma_wait3A_365] : memref<416x64xf32, #tpu.memory_space<vmem>> -> memref<1x64xf32, #tpu.memory_space<vmem>>
      %dma_wait3A_367 = arith.constant 0 : i32
      %dma_wait3A_368 = arith.constant 0 : i32
      %dma_wait3A_369 = tpu.memref_slice %arg3[%dma_wait3A_363, %dma_wait3A_367, %dma_wait3A_368] : memref<2x500000x64xf32, #tpu.memory_space<hbm>> -> memref<1x1x64xf32, #tpu.memory_space<hbm>>
      %dma_wait3A_370 = tpu.memref_squeeze %dma_wait3A_369 : memref<1x1x64xf32, #tpu.memory_space<hbm>> -> memref<1x64xf32, #tpu.memory_space<hbm>>
      %dma_wait3A_371 = arith.constant 0 : i32
      %dma_wait3A_372 = arith.constant 0 : i32
      %dma_wait3A_373 = tpu.memref_slice %arg6[%dma_wait3A_371, %dma_wait3A_372] : memref<416x64xf32, #tpu.memory_space<vmem>> -> memref<1x64xf32, #tpu.memory_space<vmem>>
      %dma_wait3A_374 = arith.constant 0 : i32
      %dma_wait3A_375 = arith.constant 0 : i32
      %dma_wait3A_376 = tpu.memref_slice %arg3[%dma_wait3A_363, %dma_wait3A_374, %dma_wait3A_375] : memref<2x500000x64xf32, #tpu.memory_space<hbm>> -> memref<1x1x64xf32, #tpu.memory_space<hbm>>
      %dma_wait3A_377 = tpu.memref_squeeze %dma_wait3A_376 : memref<1x1x64xf32, #tpu.memory_space<hbm>> -> memref<1x64xf32, #tpu.memory_space<hbm>>
      tpu.wait_dma2 semaphore(%arg7 : memref<!tpu.dma_semaphore, #tpu.memory_space<semaphore_mem>>) src(%dma_wait3A_377 : memref<1x64xf32, #tpu.memory_space<hbm>>) dst(%dma_wait3A_373 : memref<1x64xf32, #tpu.memory_space<vmem>>)
      %dma_wait3A_378 = arith.constant 0 : i32
      %dma_wait3A_379 = arith.constant 0 : i32
      %dma_wait3A_380 = arith.constant 0 : i32
      %dma_wait3A_381 = tpu.memref_slice %arg6[%dma_wait3A_379, %dma_wait3A_380] : memref<416x64xf32, #tpu.memory_space<vmem>> -> memref<1x64xf32, #tpu.memory_space<vmem>>
      %dma_wait3A_382 = arith.constant 0 : i32
      %dma_wait3A_383 = arith.constant 0 : i32
      %dma_wait3A_384 = tpu.memref_slice %arg3[%dma_wait3A_378, %dma_wait3A_382, %dma_wait3A_383] : memref<2x500000x64xf32, #tpu.memory_space<hbm>> -> memref<1x1x64xf32, #tpu.memory_space<hbm>>
      %dma_wait3A_385 = tpu.memref_squeeze %dma_wait3A_384 : memref<1x1x64xf32, #tpu.memory_space<hbm>> -> memref<1x64xf32, #tpu.memory_space<hbm>>
      %dma_wait3A_386 = arith.constant 0 : i32
      %dma_wait3A_387 = arith.constant 0 : i32
      %dma_wait3A_388 = tpu.memref_slice %arg6[%dma_wait3A_386, %dma_wait3A_387] : memref<416x64xf32, #tpu.memory_space<vmem>> -> memref<1x64xf32, #tpu.memory_space<vmem>>
      %dma_wait3A_389 = arith.constant 0 : i32
      %dma_wait3A_390 = arith.constant 0 : i32
      %dma_wait3A_391 = tpu.memref_slice %arg3[%dma_wait3A_378, %dma_wait3A_389, %dma_wait3A_390] : memref<2x500000x64xf32, #tpu.memory_space<hbm>> -> memref<1x1x64xf32, #tpu.memory_space<hbm>>
      %dma_wait3A_392 = tpu.memref_squeeze %dma_wait3A_391 : memref<1x1x64xf32, #tpu.memory_space<hbm>> -> memref<1x64xf32, #tpu.memory_space<hbm>>
      tpu.wait_dma2 semaphore(%arg7 : memref<!tpu.dma_semaphore, #tpu.memory_space<semaphore_mem>>) src(%dma_wait3A_392 : memref<1x64xf32, #tpu.memory_space<hbm>>) dst(%dma_wait3A_388 : memref<1x64xf32, #tpu.memory_space<vmem>>)
      %dma_wait3A_393 = arith.constant 0 : i32
      %dma_wait3A_394 = arith.constant 0 : i32
      %dma_wait3A_395 = arith.constant 0 : i32
      %dma_wait3A_396 = tpu.memref_slice %arg6[%dma_wait3A_394, %dma_wait3A_395] : memref<416x64xf32, #tpu.memory_space<vmem>> -> memref<1x64xf32, #tpu.memory_space<vmem>>
      %dma_wait3A_397 = arith.constant 0 : i32
      %dma_wait3A_398 = arith.constant 0 : i32
      %dma_wait3A_399 = tpu.memref_slice %arg3[%dma_wait3A_393, %dma_wait3A_397, %dma_wait3A_398] : memref<2x500000x64xf32, #tpu.memory_space<hbm>> -> memref<1x1x64xf32, #tpu.memory_space<hbm>>
      %dma_wait3A_400 = tpu.memref_squeeze %dma_wait3A_399 : memref<1x1x64xf32, #tpu.memory_space<hbm>> -> memref<1x64xf32, #tpu.memory_space<hbm>>
      %dma_wait3A_401 = arith.constant 0 : i32
      %dma_wait3A_402 = arith.constant 0 : i32
      %dma_wait3A_403 = tpu.memref_slice %arg6[%dma_wait3A_401, %dma_wait3A_402] : memref<416x64xf32, #tpu.memory_space<vmem>> -> memref<1x64xf32, #tpu.memory_space<vmem>>
      %dma_wait3A_404 = arith.constant 0 : i32
      %dma_wait3A_405 = arith.constant 0 : i32
      %dma_wait3A_406 = tpu.memref_slice %arg3[%dma_wait3A_393, %dma_wait3A_404, %dma_wait3A_405] : memref<2x500000x64xf32, #tpu.memory_space<hbm>> -> memref<1x1x64xf32, #tpu.memory_space<hbm>>
      %dma_wait3A_407 = tpu.memref_squeeze %dma_wait3A_406 : memref<1x1x64xf32, #tpu.memory_space<hbm>> -> memref<1x64xf32, #tpu.memory_space<hbm>>
      tpu.wait_dma2 semaphore(%arg7 : memref<!tpu.dma_semaphore, #tpu.memory_space<semaphore_mem>>) src(%dma_wait3A_407 : memref<1x64xf32, #tpu.memory_space<hbm>>) dst(%dma_wait3A_403 : memref<1x64xf32, #tpu.memory_space<vmem>>)
      %dma_wait3A_408 = arith.constant 0 : i32
      %dma_wait3A_409 = arith.constant 0 : i32
      %dma_wait3A_410 = arith.constant 0 : i32
      %dma_wait3A_411 = tpu.memref_slice %arg6[%dma_wait3A_409, %dma_wait3A_410] : memref<416x64xf32, #tpu.memory_space<vmem>> -> memref<1x64xf32, #tpu.memory_space<vmem>>
      %dma_wait3A_412 = arith.constant 0 : i32
      %dma_wait3A_413 = arith.constant 0 : i32
      %dma_wait3A_414 = tpu.memref_slice %arg3[%dma_wait3A_408, %dma_wait3A_412, %dma_wait3A_413] : memref<2x500000x64xf32, #tpu.memory_space<hbm>> -> memref<1x1x64xf32, #tpu.memory_space<hbm>>
      %dma_wait3A_415 = tpu.memref_squeeze %dma_wait3A_414 : memref<1x1x64xf32, #tpu.memory_space<hbm>> -> memref<1x64xf32, #tpu.memory_space<hbm>>
      %dma_wait3A_416 = arith.constant 0 : i32
      %dma_wait3A_417 = arith.constant 0 : i32
      %dma_wait3A_418 = tpu.memref_slice %arg6[%dma_wait3A_416, %dma_wait3A_417] : memref<416x64xf32, #tpu.memory_space<vmem>> -> memref<1x64xf32, #tpu.memory_space<vmem>>
      %dma_wait3A_419 = arith.constant 0 : i32
      %dma_wait3A_420 = arith.constant 0 : i32
      %dma_wait3A_421 = tpu.memref_slice %arg3[%dma_wait3A_408, %dma_wait3A_419, %dma_wait3A_420] : memref<2x500000x64xf32, #tpu.memory_space<hbm>> -> memref<1x1x64xf32, #tpu.memory_space<hbm>>
      %dma_wait3A_422 = tpu.memref_squeeze %dma_wait3A_421 : memref<1x1x64xf32, #tpu.memory_space<hbm>> -> memref<1x64xf32, #tpu.memory_space<hbm>>
      tpu.wait_dma2 semaphore(%arg7 : memref<!tpu.dma_semaphore, #tpu.memory_space<semaphore_mem>>) src(%dma_wait3A_422 : memref<1x64xf32, #tpu.memory_space<hbm>>) dst(%dma_wait3A_418 : memref<1x64xf32, #tpu.memory_space<vmem>>)
      %dma_wait3A_423 = arith.constant 0 : i32
      %dma_wait3A_424 = arith.constant 0 : i32
      %dma_wait3A_425 = arith.constant 0 : i32
      %dma_wait3A_426 = tpu.memref_slice %arg6[%dma_wait3A_424, %dma_wait3A_425] : memref<416x64xf32, #tpu.memory_space<vmem>> -> memref<1x64xf32, #tpu.memory_space<vmem>>
      %dma_wait3A_427 = arith.constant 0 : i32
      %dma_wait3A_428 = arith.constant 0 : i32
      %dma_wait3A_429 = tpu.memref_slice %arg3[%dma_wait3A_423, %dma_wait3A_427, %dma_wait3A_428] : memref<2x500000x64xf32, #tpu.memory_space<hbm>> -> memref<1x1x64xf32, #tpu.memory_space<hbm>>
      %dma_wait3A_430 = tpu.memref_squeeze %dma_wait3A_429 : memref<1x1x64xf32, #tpu.memory_space<hbm>> -> memref<1x64xf32, #tpu.memory_space<hbm>>
      %dma_wait3A_431 = arith.constant 0 : i32
      %dma_wait3A_432 = arith.constant 0 : i32
      %dma_wait3A_433 = tpu.memref_slice %arg6[%dma_wait3A_431, %dma_wait3A_432] : memref<416x64xf32, #tpu.memory_space<vmem>> -> memref<1x64xf32, #tpu.memory_space<vmem>>
      %dma_wait3A_434 = arith.constant 0 : i32
      %dma_wait3A_435 = arith.constant 0 : i32
      %dma_wait3A_436 = tpu.memref_slice %arg3[%dma_wait3A_423, %dma_wait3A_434, %dma_wait3A_435] : memref<2x500000x64xf32, #tpu.memory_space<hbm>> -> memref<1x1x64xf32, #tpu.memory_space<hbm>>
      %dma_wait3A_437 = tpu.memref_squeeze %dma_wait3A_436 : memref<1x1x64xf32, #tpu.memory_space<hbm>> -> memref<1x64xf32, #tpu.memory_space<hbm>>
      tpu.wait_dma2 semaphore(%arg7 : memref<!tpu.dma_semaphore, #tpu.memory_space<semaphore_mem>>) src(%dma_wait3A_437 : memref<1x64xf32, #tpu.memory_space<hbm>>) dst(%dma_wait3A_433 : memref<1x64xf32, #tpu.memory_space<vmem>>)
      %dma_wait3A_438 = arith.constant 0 : i32
      %dma_wait3A_439 = arith.constant 0 : i32
      %dma_wait3A_440 = arith.constant 0 : i32
      %dma_wait3A_441 = tpu.memref_slice %arg6[%dma_wait3A_439, %dma_wait3A_440] : memref<416x64xf32, #tpu.memory_space<vmem>> -> memref<1x64xf32, #tpu.memory_space<vmem>>
      %dma_wait3A_442 = arith.constant 0 : i32
      %dma_wait3A_443 = arith.constant 0 : i32
      %dma_wait3A_444 = tpu.memref_slice %arg3[%dma_wait3A_438, %dma_wait3A_442, %dma_wait3A_443] : memref<2x500000x64xf32, #tpu.memory_space<hbm>> -> memref<1x1x64xf32, #tpu.memory_space<hbm>>
      %dma_wait3A_445 = tpu.memref_squeeze %dma_wait3A_444 : memref<1x1x64xf32, #tpu.memory_space<hbm>> -> memref<1x64xf32, #tpu.memory_space<hbm>>
      %dma_wait3A_446 = arith.constant 0 : i32
      %dma_wait3A_447 = arith.constant 0 : i32
      %dma_wait3A_448 = tpu.memref_slice %arg6[%dma_wait3A_446, %dma_wait3A_447] : memref<416x64xf32, #tpu.memory_space<vmem>> -> memref<1x64xf32, #tpu.memory_space<vmem>>
      %dma_wait3A_449 = arith.constant 0 : i32
      %dma_wait3A_450 = arith.constant 0 : i32
      %dma_wait3A_451 = tpu.memref_slice %arg3[%dma_wait3A_438, %dma_wait3A_449, %dma_wait3A_450] : memref<2x500000x64xf32, #tpu.memory_space<hbm>> -> memref<1x1x64xf32, #tpu.memory_space<hbm>>
      %dma_wait3A_452 = tpu.memref_squeeze %dma_wait3A_451 : memref<1x1x64xf32, #tpu.memory_space<hbm>> -> memref<1x64xf32, #tpu.memory_space<hbm>>
      tpu.wait_dma2 semaphore(%arg7 : memref<!tpu.dma_semaphore, #tpu.memory_space<semaphore_mem>>) src(%dma_wait3A_452 : memref<1x64xf32, #tpu.memory_space<hbm>>) dst(%dma_wait3A_448 : memref<1x64xf32, #tpu.memory_space<vmem>>)
      %dma_wait3A_453 = arith.constant 0 : i32
      %dma_wait3A_454 = arith.constant 0 : i32
      %dma_wait3A_455 = arith.constant 0 : i32
      %dma_wait3A_456 = tpu.memref_slice %arg6[%dma_wait3A_454, %dma_wait3A_455] : memref<416x64xf32, #tpu.memory_space<vmem>> -> memref<1x64xf32, #tpu.memory_space<vmem>>
      %dma_wait3A_457 = arith.constant 0 : i32
      %dma_wait3A_458 = arith.constant 0 : i32
      %dma_wait3A_459 = tpu.memref_slice %arg3[%dma_wait3A_453, %dma_wait3A_457, %dma_wait3A_458] : memref<2x500000x64xf32, #tpu.memory_space<hbm>> -> memref<1x1x64xf32, #tpu.memory_space<hbm>>
      %dma_wait3A_460 = tpu.memref_squeeze %dma_wait3A_459 : memref<1x1x64xf32, #tpu.memory_space<hbm>> -> memref<1x64xf32, #tpu.memory_space<hbm>>
      %dma_wait3A_461 = arith.constant 0 : i32
      %dma_wait3A_462 = arith.constant 0 : i32
      %dma_wait3A_463 = tpu.memref_slice %arg6[%dma_wait3A_461, %dma_wait3A_462] : memref<416x64xf32, #tpu.memory_space<vmem>> -> memref<1x64xf32, #tpu.memory_space<vmem>>
      %dma_wait3A_464 = arith.constant 0 : i32
      %dma_wait3A_465 = arith.constant 0 : i32
      %dma_wait3A_466 = tpu.memref_slice %arg3[%dma_wait3A_453, %dma_wait3A_464, %dma_wait3A_465] : memref<2x500000x64xf32, #tpu.memory_space<hbm>> -> memref<1x1x64xf32, #tpu.memory_space<hbm>>
      %dma_wait3A_467 = tpu.memref_squeeze %dma_wait3A_466 : memref<1x1x64xf32, #tpu.memory_space<hbm>> -> memref<1x64xf32, #tpu.memory_space<hbm>>
      tpu.wait_dma2 semaphore(%arg7 : memref<!tpu.dma_semaphore, #tpu.memory_space<semaphore_mem>>) src(%dma_wait3A_467 : memref<1x64xf32, #tpu.memory_space<hbm>>) dst(%dma_wait3A_463 : memref<1x64xf32, #tpu.memory_space<vmem>>)
      %dma_wait3A_468 = arith.constant 0 : i32
      %dma_wait3A_469 = arith.constant 0 : i32
      %dma_wait3A_470 = arith.constant 0 : i32
      %dma_wait3A_471 = tpu.memref_slice %arg6[%dma_wait3A_469, %dma_wait3A_470] : memref<416x64xf32, #tpu.memory_space<vmem>> -> memref<1x64xf32, #tpu.memory_space<vmem>>
      %dma_wait3A_472 = arith.constant 0 : i32
      %dma_wait3A_473 = arith.constant 0 : i32
      %dma_wait3A_474 = tpu.memref_slice %arg3[%dma_wait3A_468, %dma_wait3A_472, %dma_wait3A_473] : memref<2x500000x64xf32, #tpu.memory_space<hbm>> -> memref<1x1x64xf32, #tpu.memory_space<hbm>>
      %dma_wait3A_475 = tpu.memref_squeeze %dma_wait3A_474 : memref<1x1x64xf32, #tpu.memory_space<hbm>> -> memref<1x64xf32, #tpu.memory_space<hbm>>
      %dma_wait3A_476 = arith.constant 0 : i32
      %dma_wait3A_477 = arith.constant 0 : i32
      %dma_wait3A_478 = tpu.memref_slice %arg6[%dma_wait3A_476, %dma_wait3A_477] : memref<416x64xf32, #tpu.memory_space<vmem>> -> memref<1x64xf32, #tpu.memory_space<vmem>>
      %dma_wait3A_479 = arith.constant 0 : i32
      %dma_wait3A_480 = arith.constant 0 : i32
      %dma_wait3A_481 = tpu.memref_slice %arg3[%dma_wait3A_468, %dma_wait3A_479, %dma_wait3A_480] : memref<2x500000x64xf32, #tpu.memory_space<hbm>> -> memref<1x1x64xf32, #tpu.memory_space<hbm>>
      %dma_wait3A_482 = tpu.memref_squeeze %dma_wait3A_481 : memref<1x1x64xf32, #tpu.memory_space<hbm>> -> memref<1x64xf32, #tpu.memory_space<hbm>>
      tpu.wait_dma2 semaphore(%arg7 : memref<!tpu.dma_semaphore, #tpu.memory_space<semaphore_mem>>) src(%dma_wait3A_482 : memref<1x64xf32, #tpu.memory_space<hbm>>) dst(%dma_wait3A_478 : memref<1x64xf32, #tpu.memory_space<vmem>>)
      %dma_wait3A_483 = arith.constant 0 : i32
      %dma_wait3A_484 = arith.constant 0 : i32
      %dma_wait3A_485 = arith.constant 0 : i32
      %dma_wait3A_486 = tpu.memref_slice %arg6[%dma_wait3A_484, %dma_wait3A_485] : memref<416x64xf32, #tpu.memory_space<vmem>> -> memref<1x64xf32, #tpu.memory_space<vmem>>
      %dma_wait3A_487 = arith.constant 0 : i32
      %dma_wait3A_488 = arith.constant 0 : i32
      %dma_wait3A_489 = tpu.memref_slice %arg3[%dma_wait3A_483, %dma_wait3A_487, %dma_wait3A_488] : memref<2x500000x64xf32, #tpu.memory_space<hbm>> -> memref<1x1x64xf32, #tpu.memory_space<hbm>>
      %dma_wait3A_490 = tpu.memref_squeeze %dma_wait3A_489 : memref<1x1x64xf32, #tpu.memory_space<hbm>> -> memref<1x64xf32, #tpu.memory_space<hbm>>
      %dma_wait3A_491 = arith.constant 0 : i32
      %dma_wait3A_492 = arith.constant 0 : i32
      %dma_wait3A_493 = tpu.memref_slice %arg6[%dma_wait3A_491, %dma_wait3A_492] : memref<416x64xf32, #tpu.memory_space<vmem>> -> memref<1x64xf32, #tpu.memory_space<vmem>>
      %dma_wait3A_494 = arith.constant 0 : i32
      %dma_wait3A_495 = arith.constant 0 : i32
      %dma_wait3A_496 = tpu.memref_slice %arg3[%dma_wait3A_483, %dma_wait3A_494, %dma_wait3A_495] : memref<2x500000x64xf32, #tpu.memory_space<hbm>> -> memref<1x1x64xf32, #tpu.memory_space<hbm>>
      %dma_wait3A_497 = tpu.memref_squeeze %dma_wait3A_496 : memref<1x1x64xf32, #tpu.memory_space<hbm>> -> memref<1x64xf32, #tpu.memory_space<hbm>>
      tpu.wait_dma2 semaphore(%arg7 : memref<!tpu.dma_semaphore, #tpu.memory_space<semaphore_mem>>) src(%dma_wait3A_497 : memref<1x64xf32, #tpu.memory_space<hbm>>) dst(%dma_wait3A_493 : memref<1x64xf32, #tpu.memory_space<vmem>>)
      %dma_wait3A_498 = arith.constant 0 : i32
      %dma_wait3A_499 = arith.constant 0 : i32
      %dma_wait3A_500 = arith.constant 0 : i32
      %dma_wait3A_501 = tpu.memref_slice %arg6[%dma_wait3A_499, %dma_wait3A_500] : memref<416x64xf32, #tpu.memory_space<vmem>> -> memref<1x64xf32, #tpu.memory_space<vmem>>
      %dma_wait3A_502 = arith.constant 0 : i32
      %dma_wait3A_503 = arith.constant 0 : i32
      %dma_wait3A_504 = tpu.memref_slice %arg3[%dma_wait3A_498, %dma_wait3A_502, %dma_wait3A_503] : memref<2x500000x64xf32, #tpu.memory_space<hbm>> -> memref<1x1x64xf32, #tpu.memory_space<hbm>>
      %dma_wait3A_505 = tpu.memref_squeeze %dma_wait3A_504 : memref<1x1x64xf32, #tpu.memory_space<hbm>> -> memref<1x64xf32, #tpu.memory_space<hbm>>
      %dma_wait3A_506 = arith.constant 0 : i32
      %dma_wait3A_507 = arith.constant 0 : i32
      %dma_wait3A_508 = tpu.memref_slice %arg6[%dma_wait3A_506, %dma_wait3A_507] : memref<416x64xf32, #tpu.memory_space<vmem>> -> memref<1x64xf32, #tpu.memory_space<vmem>>
      %dma_wait3A_509 = arith.constant 0 : i32
      %dma_wait3A_510 = arith.constant 0 : i32
      %dma_wait3A_511 = tpu.memref_slice %arg3[%dma_wait3A_498, %dma_wait3A_509, %dma_wait3A_510] : memref<2x500000x64xf32, #tpu.memory_space<hbm>> -> memref<1x1x64xf32, #tpu.memory_space<hbm>>
      %dma_wait3A_512 = tpu.memref_squeeze %dma_wait3A_511 : memref<1x1x64xf32, #tpu.memory_space<hbm>> -> memref<1x64xf32, #tpu.memory_space<hbm>>
      tpu.wait_dma2 semaphore(%arg7 : memref<!tpu.dma_semaphore, #tpu.memory_space<semaphore_mem>>) src(%dma_wait3A_512 : memref<1x64xf32, #tpu.memory_space<hbm>>) dst(%dma_wait3A_508 : memref<1x64xf32, #tpu.memory_space<vmem>>)
      %dma_wait3A_513 = arith.constant 0 : i32
      %dma_wait3A_514 = arith.constant 0 : i32
      %dma_wait3A_515 = arith.constant 0 : i32
      %dma_wait3A_516 = tpu.memref_slice %arg6[%dma_wait3A_514, %dma_wait3A_515] : memref<416x64xf32, #tpu.memory_space<vmem>> -> memref<1x64xf32, #tpu.memory_space<vmem>>
      %dma_wait3A_517 = arith.constant 0 : i32
      %dma_wait3A_518 = arith.constant 0 : i32
      %dma_wait3A_519 = tpu.memref_slice %arg3[%dma_wait3A_513, %dma_wait3A_517, %dma_wait3A_518] : memref<2x500000x64xf32, #tpu.memory_space<hbm>> -> memref<1x1x64xf32, #tpu.memory_space<hbm>>
      %dma_wait3A_520 = tpu.memref_squeeze %dma_wait3A_519 : memref<1x1x64xf32, #tpu.memory_space<hbm>> -> memref<1x64xf32, #tpu.memory_space<hbm>>
      %dma_wait3A_521 = arith.constant 0 : i32
      %dma_wait3A_522 = arith.constant 0 : i32
      %dma_wait3A_523 = tpu.memref_slice %arg6[%dma_wait3A_521, %dma_wait3A_522] : memref<416x64xf32, #tpu.memory_space<vmem>> -> memref<1x64xf32, #tpu.memory_space<vmem>>
      %dma_wait3A_524 = arith.constant 0 : i32
      %dma_wait3A_525 = arith.constant 0 : i32
      %dma_wait3A_526 = tpu.memref_slice %arg3[%dma_wait3A_513, %dma_wait3A_524, %dma_wait3A_525] : memref<2x500000x64xf32, #tpu.memory_space<hbm>> -> memref<1x1x64xf32, #tpu.memory_space<hbm>>
      %dma_wait3A_527 = tpu.memref_squeeze %dma_wait3A_526 : memref<1x1x64xf32, #tpu.memory_space<hbm>> -> memref<1x64xf32, #tpu.memory_space<hbm>>
      tpu.wait_dma2 semaphore(%arg7 : memref<!tpu.dma_semaphore, #tpu.memory_space<semaphore_mem>>) src(%dma_wait3A_527 : memref<1x64xf32, #tpu.memory_space<hbm>>) dst(%dma_wait3A_523 : memref<1x64xf32, #tpu.memory_space<vmem>>)
      %dma_wait3A_528 = arith.constant 0 : i32
      %dma_wait3A_529 = arith.constant 0 : i32
      %dma_wait3A_530 = arith.constant 0 : i32
      %dma_wait3A_531 = tpu.memref_slice %arg6[%dma_wait3A_529, %dma_wait3A_530] : memref<416x64xf32, #tpu.memory_space<vmem>> -> memref<1x64xf32, #tpu.memory_space<vmem>>
      %dma_wait3A_532 = arith.constant 0 : i32
      %dma_wait3A_533 = arith.constant 0 : i32
      %dma_wait3A_534 = tpu.memref_slice %arg3[%dma_wait3A_528, %dma_wait3A_532, %dma_wait3A_533] : memref<2x500000x64xf32, #tpu.memory_space<hbm>> -> memref<1x1x64xf32, #tpu.memory_space<hbm>>
      %dma_wait3A_535 = tpu.memref_squeeze %dma_wait3A_534 : memref<1x1x64xf32, #tpu.memory_space<hbm>> -> memref<1x64xf32, #tpu.memory_space<hbm>>
      %dma_wait3A_536 = arith.constant 0 : i32
      %dma_wait3A_537 = arith.constant 0 : i32
      %dma_wait3A_538 = tpu.memref_slice %arg6[%dma_wait3A_536, %dma_wait3A_537] : memref<416x64xf32, #tpu.memory_space<vmem>> -> memref<1x64xf32, #tpu.memory_space<vmem>>
      %dma_wait3A_539 = arith.constant 0 : i32
      %dma_wait3A_540 = arith.constant 0 : i32
      %dma_wait3A_541 = tpu.memref_slice %arg3[%dma_wait3A_528, %dma_wait3A_539, %dma_wait3A_540] : memref<2x500000x64xf32, #tpu.memory_space<hbm>> -> memref<1x1x64xf32, #tpu.memory_space<hbm>>
      %dma_wait3A_542 = tpu.memref_squeeze %dma_wait3A_541 : memref<1x1x64xf32, #tpu.memory_space<hbm>> -> memref<1x64xf32, #tpu.memory_space<hbm>>
      tpu.wait_dma2 semaphore(%arg7 : memref<!tpu.dma_semaphore, #tpu.memory_space<semaphore_mem>>) src(%dma_wait3A_542 : memref<1x64xf32, #tpu.memory_space<hbm>>) dst(%dma_wait3A_538 : memref<1x64xf32, #tpu.memory_space<vmem>>)
      %dma_wait3A_543 = arith.constant 0 : i32
      %dma_wait3A_544 = arith.constant 0 : i32
      %dma_wait3A_545 = arith.constant 0 : i32
      %dma_wait3A_546 = tpu.memref_slice %arg6[%dma_wait3A_544, %dma_wait3A_545] : memref<416x64xf32, #tpu.memory_space<vmem>> -> memref<1x64xf32, #tpu.memory_space<vmem>>
      %dma_wait3A_547 = arith.constant 0 : i32
      %dma_wait3A_548 = arith.constant 0 : i32
      %dma_wait3A_549 = tpu.memref_slice %arg3[%dma_wait3A_543, %dma_wait3A_547, %dma_wait3A_548] : memref<2x500000x64xf32, #tpu.memory_space<hbm>> -> memref<1x1x64xf32, #tpu.memory_space<hbm>>
      %dma_wait3A_550 = tpu.memref_squeeze %dma_wait3A_549 : memref<1x1x64xf32, #tpu.memory_space<hbm>> -> memref<1x64xf32, #tpu.memory_space<hbm>>
      %dma_wait3A_551 = arith.constant 0 : i32
      %dma_wait3A_552 = arith.constant 0 : i32
      %dma_wait3A_553 = tpu.memref_slice %arg6[%dma_wait3A_551, %dma_wait3A_552] : memref<416x64xf32, #tpu.memory_space<vmem>> -> memref<1x64xf32, #tpu.memory_space<vmem>>
      %dma_wait3A_554 = arith.constant 0 : i32
      %dma_wait3A_555 = arith.constant 0 : i32
      %dma_wait3A_556 = tpu.memref_slice %arg3[%dma_wait3A_543, %dma_wait3A_554, %dma_wait3A_555] : memref<2x500000x64xf32, #tpu.memory_space<hbm>> -> memref<1x1x64xf32, #tpu.memory_space<hbm>>
      %dma_wait3A_557 = tpu.memref_squeeze %dma_wait3A_556 : memref<1x1x64xf32, #tpu.memory_space<hbm>> -> memref<1x64xf32, #tpu.memory_space<hbm>>
      tpu.wait_dma2 semaphore(%arg7 : memref<!tpu.dma_semaphore, #tpu.memory_space<semaphore_mem>>) src(%dma_wait3A_557 : memref<1x64xf32, #tpu.memory_space<hbm>>) dst(%dma_wait3A_553 : memref<1x64xf32, #tpu.memory_space<vmem>>)
      %dma_wait3A_558 = arith.constant 0 : i32
      %dma_wait3A_559 = arith.constant 0 : i32
      %dma_wait3A_560 = arith.constant 0 : i32
      %dma_wait3A_561 = tpu.memref_slice %arg6[%dma_wait3A_559, %dma_wait3A_560] : memref<416x64xf32, #tpu.memory_space<vmem>> -> memref<1x64xf32, #tpu.memory_space<vmem>>
      %dma_wait3A_562 = arith.constant 0 : i32
      %dma_wait3A_563 = arith.constant 0 : i32
      %dma_wait3A_564 = tpu.memref_slice %arg3[%dma_wait3A_558, %dma_wait3A_562, %dma_wait3A_563] : memref<2x500000x64xf32, #tpu.memory_space<hbm>> -> memref<1x1x64xf32, #tpu.memory_space<hbm>>
      %dma_wait3A_565 = tpu.memref_squeeze %dma_wait3A_564 : memref<1x1x64xf32, #tpu.memory_space<hbm>> -> memref<1x64xf32, #tpu.memory_space<hbm>>
      %dma_wait3A_566 = arith.constant 0 : i32
      %dma_wait3A_567 = arith.constant 0 : i32
      %dma_wait3A_568 = tpu.memref_slice %arg6[%dma_wait3A_566, %dma_wait3A_567] : memref<416x64xf32, #tpu.memory_space<vmem>> -> memref<1x64xf32, #tpu.memory_space<vmem>>
      %dma_wait3A_569 = arith.constant 0 : i32
      %dma_wait3A_570 = arith.constant 0 : i32
      %dma_wait3A_571 = tpu.memref_slice %arg3[%dma_wait3A_558, %dma_wait3A_569, %dma_wait3A_570] : memref<2x500000x64xf32, #tpu.memory_space<hbm>> -> memref<1x1x64xf32, #tpu.memory_space<hbm>>
      %dma_wait3A_572 = tpu.memref_squeeze %dma_wait3A_571 : memref<1x1x64xf32, #tpu.memory_space<hbm>> -> memref<1x64xf32, #tpu.memory_space<hbm>>
      tpu.wait_dma2 semaphore(%arg7 : memref<!tpu.dma_semaphore, #tpu.memory_space<semaphore_mem>>) src(%dma_wait3A_572 : memref<1x64xf32, #tpu.memory_space<hbm>>) dst(%dma_wait3A_568 : memref<1x64xf32, #tpu.memory_space<vmem>>)
      %dma_wait3A_573 = arith.constant 0 : i32
      %dma_wait3A_574 = arith.constant 0 : i32
      %dma_wait3A_575 = arith.constant 0 : i32
      %dma_wait3A_576 = tpu.memref_slice %arg6[%dma_wait3A_574, %dma_wait3A_575] : memref<416x64xf32, #tpu.memory_space<vmem>> -> memref<1x64xf32, #tpu.memory_space<vmem>>
      %dma_wait3A_577 = arith.constant 0 : i32
      %dma_wait3A_578 = arith.constant 0 : i32
      %dma_wait3A_579 = tpu.memref_slice %arg3[%dma_wait3A_573, %dma_wait3A_577, %dma_wait3A_578] : memref<2x500000x64xf32, #tpu.memory_space<hbm>> -> memref<1x1x64xf32, #tpu.memory_space<hbm>>
      %dma_wait3A_580 = tpu.memref_squeeze %dma_wait3A_579 : memref<1x1x64xf32, #tpu.memory_space<hbm>> -> memref<1x64xf32, #tpu.memory_space<hbm>>
      %dma_wait3A_581 = arith.constant 0 : i32
      %dma_wait3A_582 = arith.constant 0 : i32
      %dma_wait3A_583 = tpu.memref_slice %arg6[%dma_wait3A_581, %dma_wait3A_582] : memref<416x64xf32, #tpu.memory_space<vmem>> -> memref<1x64xf32, #tpu.memory_space<vmem>>
      %dma_wait3A_584 = arith.constant 0 : i32
      %dma_wait3A_585 = arith.constant 0 : i32
      %dma_wait3A_586 = tpu.memref_slice %arg3[%dma_wait3A_573, %dma_wait3A_584, %dma_wait3A_585] : memref<2x500000x64xf32, #tpu.memory_space<hbm>> -> memref<1x1x64xf32, #tpu.memory_space<hbm>>
      %dma_wait3A_587 = tpu.memref_squeeze %dma_wait3A_586 : memref<1x1x64xf32, #tpu.memory_space<hbm>> -> memref<1x64xf32, #tpu.memory_space<hbm>>
      tpu.wait_dma2 semaphore(%arg7 : memref<!tpu.dma_semaphore, #tpu.memory_space<semaphore_mem>>) src(%dma_wait3A_587 : memref<1x64xf32, #tpu.memory_space<hbm>>) dst(%dma_wait3A_583 : memref<1x64xf32, #tpu.memory_space<vmem>>)
      %dma_wait3A_588 = arith.constant 0 : i32
      %dma_wait3A_589 = arith.constant 0 : i32
      %dma_wait3A_590 = arith.constant 0 : i32
      %dma_wait3A_591 = tpu.memref_slice %arg6[%dma_wait3A_589, %dma_wait3A_590] : memref<416x64xf32, #tpu.memory_space<vmem>> -> memref<1x64xf32, #tpu.memory_space<vmem>>
      %dma_wait3A_592 = arith.constant 0 : i32
      %dma_wait3A_593 = arith.constant 0 : i32
      %dma_wait3A_594 = tpu.memref_slice %arg3[%dma_wait3A_588, %dma_wait3A_592, %dma_wait3A_593] : memref<2x500000x64xf32, #tpu.memory_space<hbm>> -> memref<1x1x64xf32, #tpu.memory_space<hbm>>
      %dma_wait3A_595 = tpu.memref_squeeze %dma_wait3A_594 : memref<1x1x64xf32, #tpu.memory_space<hbm>> -> memref<1x64xf32, #tpu.memory_space<hbm>>
      %dma_wait3A_596 = arith.constant 0 : i32
      %dma_wait3A_597 = arith.constant 0 : i32
      %dma_wait3A_598 = tpu.memref_slice %arg6[%dma_wait3A_596, %dma_wait3A_597] : memref<416x64xf32, #tpu.memory_space<vmem>> -> memref<1x64xf32, #tpu.memory_space<vmem>>
      %dma_wait3A_599 = arith.constant 0 : i32
      %dma_wait3A_600 = arith.constant 0 : i32
      %dma_wait3A_601 = tpu.memref_slice %arg3[%dma_wait3A_588, %dma_wait3A_599, %dma_wait3A_600] : memref<2x500000x64xf32, #tpu.memory_space<hbm>> -> memref<1x1x64xf32, #tpu.memory_space<hbm>>
      %dma_wait3A_602 = tpu.memref_squeeze %dma_wait3A_601 : memref<1x1x64xf32, #tpu.memory_space<hbm>> -> memref<1x64xf32, #tpu.memory_space<hbm>>
      tpu.wait_dma2 semaphore(%arg7 : memref<!tpu.dma_semaphore, #tpu.memory_space<semaphore_mem>>) src(%dma_wait3A_602 : memref<1x64xf32, #tpu.memory_space<hbm>>) dst(%dma_wait3A_598 : memref<1x64xf32, #tpu.memory_space<vmem>>)
      %dma_wait3A_603 = arith.constant 0 : i32
      %dma_wait3A_604 = arith.constant 0 : i32
      %dma_wait3A_605 = arith.constant 0 : i32
      %dma_wait3A_606 = tpu.memref_slice %arg6[%dma_wait3A_604, %dma_wait3A_605] : memref<416x64xf32, #tpu.memory_space<vmem>> -> memref<1x64xf32, #tpu.memory_space<vmem>>
      %dma_wait3A_607 = arith.constant 0 : i32
      %dma_wait3A_608 = arith.constant 0 : i32
      %dma_wait3A_609 = tpu.memref_slice %arg3[%dma_wait3A_603, %dma_wait3A_607, %dma_wait3A_608] : memref<2x500000x64xf32, #tpu.memory_space<hbm>> -> memref<1x1x64xf32, #tpu.memory_space<hbm>>
      %dma_wait3A_610 = tpu.memref_squeeze %dma_wait3A_609 : memref<1x1x64xf32, #tpu.memory_space<hbm>> -> memref<1x64xf32, #tpu.memory_space<hbm>>
      %dma_wait3A_611 = arith.constant 0 : i32
      %dma_wait3A_612 = arith.constant 0 : i32
      %dma_wait3A_613 = tpu.memref_slice %arg6[%dma_wait3A_611, %dma_wait3A_612] : memref<416x64xf32, #tpu.memory_space<vmem>> -> memref<1x64xf32, #tpu.memory_space<vmem>>
      %dma_wait3A_614 = arith.constant 0 : i32
      %dma_wait3A_615 = arith.constant 0 : i32
      %dma_wait3A_616 = tpu.memref_slice %arg3[%dma_wait3A_603, %dma_wait3A_614, %dma_wait3A_615] : memref<2x500000x64xf32, #tpu.memory_space<hbm>> -> memref<1x1x64xf32, #tpu.memory_space<hbm>>
      %dma_wait3A_617 = tpu.memref_squeeze %dma_wait3A_616 : memref<1x1x64xf32, #tpu.memory_space<hbm>> -> memref<1x64xf32, #tpu.memory_space<hbm>>
      tpu.wait_dma2 semaphore(%arg7 : memref<!tpu.dma_semaphore, #tpu.memory_space<semaphore_mem>>) src(%dma_wait3A_617 : memref<1x64xf32, #tpu.memory_space<hbm>>) dst(%dma_wait3A_613 : memref<1x64xf32, #tpu.memory_space<vmem>>)
      %dma_wait3A_618 = arith.constant 0 : i32
      %dma_wait3A_619 = arith.constant 0 : i32
      %dma_wait3A_620 = arith.constant 0 : i32
      %dma_wait3A_621 = tpu.memref_slice %arg6[%dma_wait3A_619, %dma_wait3A_620] : memref<416x64xf32, #tpu.memory_space<vmem>> -> memref<1x64xf32, #tpu.memory_space<vmem>>
      %dma_wait3A_622 = arith.constant 0 : i32
      %dma_wait3A_623 = arith.constant 0 : i32
      %dma_wait3A_624 = tpu.memref_slice %arg3[%dma_wait3A_618, %dma_wait3A_622, %dma_wait3A_623] : memref<2x500000x64xf32, #tpu.memory_space<hbm>> -> memref<1x1x64xf32, #tpu.memory_space<hbm>>
      %dma_wait3A_625 = tpu.memref_squeeze %dma_wait3A_624 : memref<1x1x64xf32, #tpu.memory_space<hbm>> -> memref<1x64xf32, #tpu.memory_space<hbm>>
      %dma_wait3A_626 = arith.constant 0 : i32
      %dma_wait3A_627 = arith.constant 0 : i32
      %dma_wait3A_628 = tpu.memref_slice %arg6[%dma_wait3A_626, %dma_wait3A_627] : memref<416x64xf32, #tpu.memory_space<vmem>> -> memref<1x64xf32, #tpu.memory_space<vmem>>
      %dma_wait3A_629 = arith.constant 0 : i32
      %dma_wait3A_630 = arith.constant 0 : i32
      %dma_wait3A_631 = tpu.memref_slice %arg3[%dma_wait3A_618, %dma_wait3A_629, %dma_wait3A_630] : memref<2x500000x64xf32, #tpu.memory_space<hbm>> -> memref<1x1x64xf32, #tpu.memory_space<hbm>>
      %dma_wait3A_632 = tpu.memref_squeeze %dma_wait3A_631 : memref<1x1x64xf32, #tpu.memory_space<hbm>> -> memref<1x64xf32, #tpu.memory_space<hbm>>
      tpu.wait_dma2 semaphore(%arg7 : memref<!tpu.dma_semaphore, #tpu.memory_space<semaphore_mem>>) src(%dma_wait3A_632 : memref<1x64xf32, #tpu.memory_space<hbm>>) dst(%dma_wait3A_628 : memref<1x64xf32, #tpu.memory_space<vmem>>)
      %add3A_633 = arith.constant 13 : i32
      %add3A_634 = arith.addi %add3A_234, %add3A_633 : i32
      %dma_start3A = arith.constant 338 : i32
      %dma_start3A_635 = arith.constant 0 : i32
      %dma_start3A_636 = tpu.memref_slice %arg6[%dma_start3A, %dma_start3A_635] : memref<416x64xf32, #tpu.memory_space<vmem>> -> memref<26x64xf32, #tpu.memory_space<vmem>>
      %dma_start3A_637 = arith.constant 0 : i32
      %dma_start3A_638 = arith.constant 0 : i32
      %dma_start3A_639 = tpu.memref_slice %arg4[%add3A_634, %dma_start3A_637, %dma_start3A_638] : memref<16384x26x64xf32, #tpu.memory_space<hbm>> -> memref<1x26x64xf32, #tpu.memory_space<hbm>>
      %dma_start3A_640 = tpu.memref_squeeze %dma_start3A_639 : memref<1x26x64xf32, #tpu.memory_space<hbm>> -> memref<26x64xf32, #tpu.memory_space<hbm>>
      %dma_start3A_641 = arith.constant 0 : i32
      %dma_start3A_642 = arith.constant 0 : i32
      %dma_start3A_643 = tpu.memref_slice %arg4[%add3A_634, %dma_start3A_641, %dma_start3A_642] : memref<16384x26x64xf32, #tpu.memory_space<hbm>> -> memref<1x26x64xf32, #tpu.memory_space<hbm>>
      %dma_start3A_644 = tpu.memref_squeeze %dma_start3A_643 : memref<1x26x64xf32, #tpu.memory_space<hbm>> -> memref<26x64xf32, #tpu.memory_space<hbm>>
      %dma_start3A_645 = arith.constant 338 : i32
      %dma_start3A_646 = arith.constant 0 : i32
      %dma_start3A_647 = tpu.memref_slice %arg6[%dma_start3A_645, %dma_start3A_646] : memref<416x64xf32, #tpu.memory_space<vmem>> -> memref<26x64xf32, #tpu.memory_space<vmem>>
      tpu.enqueue_dma source(%dma_start3A_647 : memref<26x64xf32, #tpu.memory_space<vmem>>) target(%dma_start3A_644 : memref<26x64xf32, #tpu.memory_space<hbm>>) target_semaphore(%arg8 : memref<!tpu.dma_semaphore, #tpu.memory_space<semaphore_mem>>)
      %dma_wait3A_648 = arith.constant 0 : i32
      %dma_wait3A_649 = arith.constant 0 : i32
      %dma_wait3A_650 = arith.constant 0 : i32
      %dma_wait3A_651 = tpu.memref_slice %arg6[%dma_wait3A_649, %dma_wait3A_650] : memref<416x64xf32, #tpu.memory_space<vmem>> -> memref<1x64xf32, #tpu.memory_space<vmem>>
      %dma_wait3A_652 = arith.constant 0 : i32
      %dma_wait3A_653 = arith.constant 0 : i32
      %dma_wait3A_654 = tpu.memref_slice %arg3[%dma_wait3A_648, %dma_wait3A_652, %dma_wait3A_653] : memref<2x500000x64xf32, #tpu.memory_space<hbm>> -> memref<1x1x64xf32, #tpu.memory_space<hbm>>
      %dma_wait3A_655 = tpu.memref_squeeze %dma_wait3A_654 : memref<1x1x64xf32, #tpu.memory_space<hbm>> -> memref<1x64xf32, #tpu.memory_space<hbm>>
      %dma_wait3A_656 = arith.constant 0 : i32
      %dma_wait3A_657 = arith.constant 0 : i32
      %dma_wait3A_658 = tpu.memref_slice %arg6[%dma_wait3A_656, %dma_wait3A_657] : memref<416x64xf32, #tpu.memory_space<vmem>> -> memref<1x64xf32, #tpu.memory_space<vmem>>
      %dma_wait3A_659 = arith.constant 0 : i32
      %dma_wait3A_660 = arith.constant 0 : i32
      %dma_wait3A_661 = tpu.memref_slice %arg3[%dma_wait3A_648, %dma_wait3A_659, %dma_wait3A_660] : memref<2x500000x64xf32, #tpu.memory_space<hbm>> -> memref<1x1x64xf32, #tpu.memory_space<hbm>>
      %dma_wait3A_662 = tpu.memref_squeeze %dma_wait3A_661 : memref<1x1x64xf32, #tpu.memory_space<hbm>> -> memref<1x64xf32, #tpu.memory_space<hbm>>
      tpu.wait_dma2 semaphore(%arg7 : memref<!tpu.dma_semaphore, #tpu.memory_space<semaphore_mem>>) src(%dma_wait3A_662 : memref<1x64xf32, #tpu.memory_space<hbm>>) dst(%dma_wait3A_658 : memref<1x64xf32, #tpu.memory_space<vmem>>)
      %dma_wait3A_663 = arith.constant 0 : i32
      %dma_wait3A_664 = arith.constant 0 : i32
      %dma_wait3A_665 = arith.constant 0 : i32
      %dma_wait3A_666 = tpu.memref_slice %arg6[%dma_wait3A_664, %dma_wait3A_665] : memref<416x64xf32, #tpu.memory_space<vmem>> -> memref<1x64xf32, #tpu.memory_space<vmem>>
      %dma_wait3A_667 = arith.constant 0 : i32
      %dma_wait3A_668 = arith.constant 0 : i32
      %dma_wait3A_669 = tpu.memref_slice %arg3[%dma_wait3A_663, %dma_wait3A_667, %dma_wait3A_668] : memref<2x500000x64xf32, #tpu.memory_space<hbm>> -> memref<1x1x64xf32, #tpu.memory_space<hbm>>
      %dma_wait3A_670 = tpu.memref_squeeze %dma_wait3A_669 : memref<1x1x64xf32, #tpu.memory_space<hbm>> -> memref<1x64xf32, #tpu.memory_space<hbm>>
      %dma_wait3A_671 = arith.constant 0 : i32
      %dma_wait3A_672 = arith.constant 0 : i32
      %dma_wait3A_673 = tpu.memref_slice %arg6[%dma_wait3A_671, %dma_wait3A_672] : memref<416x64xf32, #tpu.memory_space<vmem>> -> memref<1x64xf32, #tpu.memory_space<vmem>>
      %dma_wait3A_674 = arith.constant 0 : i32
      %dma_wait3A_675 = arith.constant 0 : i32
      %dma_wait3A_676 = tpu.memref_slice %arg3[%dma_wait3A_663, %dma_wait3A_674, %dma_wait3A_675] : memref<2x500000x64xf32, #tpu.memory_space<hbm>> -> memref<1x1x64xf32, #tpu.memory_space<hbm>>
      %dma_wait3A_677 = tpu.memref_squeeze %dma_wait3A_676 : memref<1x1x64xf32, #tpu.memory_space<hbm>> -> memref<1x64xf32, #tpu.memory_space<hbm>>
      tpu.wait_dma2 semaphore(%arg7 : memref<!tpu.dma_semaphore, #tpu.memory_space<semaphore_mem>>) src(%dma_wait3A_677 : memref<1x64xf32, #tpu.memory_space<hbm>>) dst(%dma_wait3A_673 : memref<1x64xf32, #tpu.memory_space<vmem>>)
      %dma_wait3A_678 = arith.constant 0 : i32
      %dma_wait3A_679 = arith.constant 0 : i32
      %dma_wait3A_680 = arith.constant 0 : i32
      %dma_wait3A_681 = tpu.memref_slice %arg6[%dma_wait3A_679, %dma_wait3A_680] : memref<416x64xf32, #tpu.memory_space<vmem>> -> memref<1x64xf32, #tpu.memory_space<vmem>>
      %dma_wait3A_682 = arith.constant 0 : i32
      %dma_wait3A_683 = arith.constant 0 : i32
      %dma_wait3A_684 = tpu.memref_slice %arg3[%dma_wait3A_678, %dma_wait3A_682, %dma_wait3A_683] : memref<2x500000x64xf32, #tpu.memory_space<hbm>> -> memref<1x1x64xf32, #tpu.memory_space<hbm>>
      %dma_wait3A_685 = tpu.memref_squeeze %dma_wait3A_684 : memref<1x1x64xf32, #tpu.memory_space<hbm>> -> memref<1x64xf32, #tpu.memory_space<hbm>>
      %dma_wait3A_686 = arith.constant 0 : i32
      %dma_wait3A_687 = arith.constant 0 : i32
      %dma_wait3A_688 = tpu.memref_slice %arg6[%dma_wait3A_686, %dma_wait3A_687] : memref<416x64xf32, #tpu.memory_space<vmem>> -> memref<1x64xf32, #tpu.memory_space<vmem>>
      %dma_wait3A_689 = arith.constant 0 : i32
      %dma_wait3A_690 = arith.constant 0 : i32
      %dma_wait3A_691 = tpu.memref_slice %arg3[%dma_wait3A_678, %dma_wait3A_689, %dma_wait3A_690] : memref<2x500000x64xf32, #tpu.memory_space<hbm>> -> memref<1x1x64xf32, #tpu.memory_space<hbm>>
      %dma_wait3A_692 = tpu.memref_squeeze %dma_wait3A_691 : memref<1x1x64xf32, #tpu.memory_space<hbm>> -> memref<1x64xf32, #tpu.memory_space<hbm>>
      tpu.wait_dma2 semaphore(%arg7 : memref<!tpu.dma_semaphore, #tpu.memory_space<semaphore_mem>>) src(%dma_wait3A_692 : memref<1x64xf32, #tpu.memory_space<hbm>>) dst(%dma_wait3A_688 : memref<1x64xf32, #tpu.memory_space<vmem>>)
      %dma_wait3A_693 = arith.constant 0 : i32
      %dma_wait3A_694 = arith.constant 0 : i32
      %dma_wait3A_695 = arith.constant 0 : i32
      %dma_wait3A_696 = tpu.memref_slice %arg6[%dma_wait3A_694, %dma_wait3A_695] : memref<416x64xf32, #tpu.memory_space<vmem>> -> memref<1x64xf32, #tpu.memory_space<vmem>>
      %dma_wait3A_697 = arith.constant 0 : i32
      %dma_wait3A_698 = arith.constant 0 : i32
      %dma_wait3A_699 = tpu.memref_slice %arg3[%dma_wait3A_693, %dma_wait3A_697, %dma_wait3A_698] : memref<2x500000x64xf32, #tpu.memory_space<hbm>> -> memref<1x1x64xf32, #tpu.memory_space<hbm>>
      %dma_wait3A_700 = tpu.memref_squeeze %dma_wait3A_699 : memref<1x1x64xf32, #tpu.memory_space<hbm>> -> memref<1x64xf32, #tpu.memory_space<hbm>>
      %dma_wait3A_701 = arith.constant 0 : i32
      %dma_wait3A_702 = arith.constant 0 : i32
      %dma_wait3A_703 = tpu.memref_slice %arg6[%dma_wait3A_701, %dma_wait3A_702] : memref<416x64xf32, #tpu.memory_space<vmem>> -> memref<1x64xf32, #tpu.memory_space<vmem>>
      %dma_wait3A_704 = arith.constant 0 : i32
      %dma_wait3A_705 = arith.constant 0 : i32
      %dma_wait3A_706 = tpu.memref_slice %arg3[%dma_wait3A_693, %dma_wait3A_704, %dma_wait3A_705] : memref<2x500000x64xf32, #tpu.memory_space<hbm>> -> memref<1x1x64xf32, #tpu.memory_space<hbm>>
      %dma_wait3A_707 = tpu.memref_squeeze %dma_wait3A_706 : memref<1x1x64xf32, #tpu.memory_space<hbm>> -> memref<1x64xf32, #tpu.memory_space<hbm>>
      tpu.wait_dma2 semaphore(%arg7 : memref<!tpu.dma_semaphore, #tpu.memory_space<semaphore_mem>>) src(%dma_wait3A_707 : memref<1x64xf32, #tpu.memory_space<hbm>>) dst(%dma_wait3A_703 : memref<1x64xf32, #tpu.memory_space<vmem>>)
      %dma_wait3A_708 = arith.constant 0 : i32
      %dma_wait3A_709 = arith.constant 0 : i32
      %dma_wait3A_710 = arith.constant 0 : i32
      %dma_wait3A_711 = tpu.memref_slice %arg6[%dma_wait3A_709, %dma_wait3A_710] : memref<416x64xf32, #tpu.memory_space<vmem>> -> memref<1x64xf32, #tpu.memory_space<vmem>>
      %dma_wait3A_712 = arith.constant 0 : i32
      %dma_wait3A_713 = arith.constant 0 : i32
      %dma_wait3A_714 = tpu.memref_slice %arg3[%dma_wait3A_708, %dma_wait3A_712, %dma_wait3A_713] : memref<2x500000x64xf32, #tpu.memory_space<hbm>> -> memref<1x1x64xf32, #tpu.memory_space<hbm>>
      %dma_wait3A_715 = tpu.memref_squeeze %dma_wait3A_714 : memref<1x1x64xf32, #tpu.memory_space<hbm>> -> memref<1x64xf32, #tpu.memory_space<hbm>>
      %dma_wait3A_716 = arith.constant 0 : i32
      %dma_wait3A_717 = arith.constant 0 : i32
      %dma_wait3A_718 = tpu.memref_slice %arg6[%dma_wait3A_716, %dma_wait3A_717] : memref<416x64xf32, #tpu.memory_space<vmem>> -> memref<1x64xf32, #tpu.memory_space<vmem>>
      %dma_wait3A_719 = arith.constant 0 : i32
      %dma_wait3A_720 = arith.constant 0 : i32
      %dma_wait3A_721 = tpu.memref_slice %arg3[%dma_wait3A_708, %dma_wait3A_719, %dma_wait3A_720] : memref<2x500000x64xf32, #tpu.memory_space<hbm>> -> memref<1x1x64xf32, #tpu.memory_space<hbm>>
      %dma_wait3A_722 = tpu.memref_squeeze %dma_wait3A_721 : memref<1x1x64xf32, #tpu.memory_space<hbm>> -> memref<1x64xf32, #tpu.memory_space<hbm>>
      tpu.wait_dma2 semaphore(%arg7 : memref<!tpu.dma_semaphore, #tpu.memory_space<semaphore_mem>>) src(%dma_wait3A_722 : memref<1x64xf32, #tpu.memory_space<hbm>>) dst(%dma_wait3A_718 : memref<1x64xf32, #tpu.memory_space<vmem>>)
      %dma_wait3A_723 = arith.constant 0 : i32
      %dma_wait3A_724 = arith.constant 0 : i32
      %dma_wait3A_725 = arith.constant 0 : i32
      %dma_wait3A_726 = tpu.memref_slice %arg6[%dma_wait3A_724, %dma_wait3A_725] : memref<416x64xf32, #tpu.memory_space<vmem>> -> memref<1x64xf32, #tpu.memory_space<vmem>>
      %dma_wait3A_727 = arith.constant 0 : i32
      %dma_wait3A_728 = arith.constant 0 : i32
      %dma_wait3A_729 = tpu.memref_slice %arg3[%dma_wait3A_723, %dma_wait3A_727, %dma_wait3A_728] : memref<2x500000x64xf32, #tpu.memory_space<hbm>> -> memref<1x1x64xf32, #tpu.memory_space<hbm>>
      %dma_wait3A_730 = tpu.memref_squeeze %dma_wait3A_729 : memref<1x1x64xf32, #tpu.memory_space<hbm>> -> memref<1x64xf32, #tpu.memory_space<hbm>>
      %dma_wait3A_731 = arith.constant 0 : i32
      %dma_wait3A_732 = arith.constant 0 : i32
      %dma_wait3A_733 = tpu.memref_slice %arg6[%dma_wait3A_731, %dma_wait3A_732] : memref<416x64xf32, #tpu.memory_space<vmem>> -> memref<1x64xf32, #tpu.memory_space<vmem>>
      %dma_wait3A_734 = arith.constant 0 : i32
      %dma_wait3A_735 = arith.constant 0 : i32
      %dma_wait3A_736 = tpu.memref_slice %arg3[%dma_wait3A_723, %dma_wait3A_734, %dma_wait3A_735] : memref<2x500000x64xf32, #tpu.memory_space<hbm>> -> memref<1x1x64xf32, #tpu.memory_space<hbm>>
      %dma_wait3A_737 = tpu.memref_squeeze %dma_wait3A_736 : memref<1x1x64xf32, #tpu.memory_space<hbm>> -> memref<1x64xf32, #tpu.memory_space<hbm>>
      tpu.wait_dma2 semaphore(%arg7 : memref<!tpu.dma_semaphore, #tpu.memory_space<semaphore_mem>>) src(%dma_wait3A_737 : memref<1x64xf32, #tpu.memory_space<hbm>>) dst(%dma_wait3A_733 : memref<1x64xf32, #tpu.memory_space<vmem>>)
      %dma_wait3A_738 = arith.constant 0 : i32
      %dma_wait3A_739 = arith.constant 0 : i32
      %dma_wait3A_740 = arith.constant 0 : i32
      %dma_wait3A_741 = tpu.memref_slice %arg6[%dma_wait3A_739, %dma_wait3A_740] : memref<416x64xf32, #tpu.memory_space<vmem>> -> memref<1x64xf32, #tpu.memory_space<vmem>>
      %dma_wait3A_742 = arith.constant 0 : i32
      %dma_wait3A_743 = arith.constant 0 : i32
      %dma_wait3A_744 = tpu.memref_slice %arg3[%dma_wait3A_738, %dma_wait3A_742, %dma_wait3A_743] : memref<2x500000x64xf32, #tpu.memory_space<hbm>> -> memref<1x1x64xf32, #tpu.memory_space<hbm>>
      %dma_wait3A_745 = tpu.memref_squeeze %dma_wait3A_744 : memref<1x1x64xf32, #tpu.memory_space<hbm>> -> memref<1x64xf32, #tpu.memory_space<hbm>>
      %dma_wait3A_746 = arith.constant 0 : i32
      %dma_wait3A_747 = arith.constant 0 : i32
      %dma_wait3A_748 = tpu.memref_slice %arg6[%dma_wait3A_746, %dma_wait3A_747] : memref<416x64xf32, #tpu.memory_space<vmem>> -> memref<1x64xf32, #tpu.memory_space<vmem>>
      %dma_wait3A_749 = arith.constant 0 : i32
      %dma_wait3A_750 = arith.constant 0 : i32
      %dma_wait3A_751 = tpu.memref_slice %arg3[%dma_wait3A_738, %dma_wait3A_749, %dma_wait3A_750] : memref<2x500000x64xf32, #tpu.memory_space<hbm>> -> memref<1x1x64xf32, #tpu.memory_space<hbm>>
      %dma_wait3A_752 = tpu.memref_squeeze %dma_wait3A_751 : memref<1x1x64xf32, #tpu.memory_space<hbm>> -> memref<1x64xf32, #tpu.memory_space<hbm>>
      tpu.wait_dma2 semaphore(%arg7 : memref<!tpu.dma_semaphore, #tpu.memory_space<semaphore_mem>>) src(%dma_wait3A_752 : memref<1x64xf32, #tpu.memory_space<hbm>>) dst(%dma_wait3A_748 : memref<1x64xf32, #tpu.memory_space<vmem>>)
      %dma_wait3A_753 = arith.constant 0 : i32
      %dma_wait3A_754 = arith.constant 0 : i32
      %dma_wait3A_755 = arith.constant 0 : i32
      %dma_wait3A_756 = tpu.memref_slice %arg6[%dma_wait3A_754, %dma_wait3A_755] : memref<416x64xf32, #tpu.memory_space<vmem>> -> memref<1x64xf32, #tpu.memory_space<vmem>>
      %dma_wait3A_757 = arith.constant 0 : i32
      %dma_wait3A_758 = arith.constant 0 : i32
      %dma_wait3A_759 = tpu.memref_slice %arg3[%dma_wait3A_753, %dma_wait3A_757, %dma_wait3A_758] : memref<2x500000x64xf32, #tpu.memory_space<hbm>> -> memref<1x1x64xf32, #tpu.memory_space<hbm>>
      %dma_wait3A_760 = tpu.memref_squeeze %dma_wait3A_759 : memref<1x1x64xf32, #tpu.memory_space<hbm>> -> memref<1x64xf32, #tpu.memory_space<hbm>>
      %dma_wait3A_761 = arith.constant 0 : i32
      %dma_wait3A_762 = arith.constant 0 : i32
      %dma_wait3A_763 = tpu.memref_slice %arg6[%dma_wait3A_761, %dma_wait3A_762] : memref<416x64xf32, #tpu.memory_space<vmem>> -> memref<1x64xf32, #tpu.memory_space<vmem>>
      %dma_wait3A_764 = arith.constant 0 : i32
      %dma_wait3A_765 = arith.constant 0 : i32
      %dma_wait3A_766 = tpu.memref_slice %arg3[%dma_wait3A_753, %dma_wait3A_764, %dma_wait3A_765] : memref<2x500000x64xf32, #tpu.memory_space<hbm>> -> memref<1x1x64xf32, #tpu.memory_space<hbm>>
      %dma_wait3A_767 = tpu.memref_squeeze %dma_wait3A_766 : memref<1x1x64xf32, #tpu.memory_space<hbm>> -> memref<1x64xf32, #tpu.memory_space<hbm>>
      tpu.wait_dma2 semaphore(%arg7 : memref<!tpu.dma_semaphore, #tpu.memory_space<semaphore_mem>>) src(%dma_wait3A_767 : memref<1x64xf32, #tpu.memory_space<hbm>>) dst(%dma_wait3A_763 : memref<1x64xf32, #tpu.memory_space<vmem>>)
      %dma_wait3A_768 = arith.constant 0 : i32
      %dma_wait3A_769 = arith.constant 0 : i32
      %dma_wait3A_770 = arith.constant 0 : i32
      %dma_wait3A_771 = tpu.memref_slice %arg6[%dma_wait3A_769, %dma_wait3A_770] : memref<416x64xf32, #tpu.memory_space<vmem>> -> memref<1x64xf32, #tpu.memory_space<vmem>>
      %dma_wait3A_772 = arith.constant 0 : i32
      %dma_wait3A_773 = arith.constant 0 : i32
      %dma_wait3A_774 = tpu.memref_slice %arg3[%dma_wait3A_768, %dma_wait3A_772, %dma_wait3A_773] : memref<2x500000x64xf32, #tpu.memory_space<hbm>> -> memref<1x1x64xf32, #tpu.memory_space<hbm>>
      %dma_wait3A_775 = tpu.memref_squeeze %dma_wait3A_774 : memref<1x1x64xf32, #tpu.memory_space<hbm>> -> memref<1x64xf32, #tpu.memory_space<hbm>>
      %dma_wait3A_776 = arith.constant 0 : i32
      %dma_wait3A_777 = arith.constant 0 : i32
      %dma_wait3A_778 = tpu.memref_slice %arg6[%dma_wait3A_776, %dma_wait3A_777] : memref<416x64xf32, #tpu.memory_space<vmem>> -> memref<1x64xf32, #tpu.memory_space<vmem>>
      %dma_wait3A_779 = arith.constant 0 : i32
      %dma_wait3A_780 = arith.constant 0 : i32
      %dma_wait3A_781 = tpu.memref_slice %arg3[%dma_wait3A_768, %dma_wait3A_779, %dma_wait3A_780] : memref<2x500000x64xf32, #tpu.memory_space<hbm>> -> memref<1x1x64xf32, #tpu.memory_space<hbm>>
      %dma_wait3A_782 = tpu.memref_squeeze %dma_wait3A_781 : memref<1x1x64xf32, #tpu.memory_space<hbm>> -> memref<1x64xf32, #tpu.memory_space<hbm>>
      tpu.wait_dma2 semaphore(%arg7 : memref<!tpu.dma_semaphore, #tpu.memory_space<semaphore_mem>>) src(%dma_wait3A_782 : memref<1x64xf32, #tpu.memory_space<hbm>>) dst(%dma_wait3A_778 : memref<1x64xf32, #tpu.memory_space<vmem>>)
      %dma_wait3A_783 = arith.constant 0 : i32
      %dma_wait3A_784 = arith.constant 0 : i32
      %dma_wait3A_785 = arith.constant 0 : i32
      %dma_wait3A_786 = tpu.memref_slice %arg6[%dma_wait3A_784, %dma_wait3A_785] : memref<416x64xf32, #tpu.memory_space<vmem>> -> memref<1x64xf32, #tpu.memory_space<vmem>>
      %dma_wait3A_787 = arith.constant 0 : i32
      %dma_wait3A_788 = arith.constant 0 : i32
      %dma_wait3A_789 = tpu.memref_slice %arg3[%dma_wait3A_783, %dma_wait3A_787, %dma_wait3A_788] : memref<2x500000x64xf32, #tpu.memory_space<hbm>> -> memref<1x1x64xf32, #tpu.memory_space<hbm>>
      %dma_wait3A_790 = tpu.memref_squeeze %dma_wait3A_789 : memref<1x1x64xf32, #tpu.memory_space<hbm>> -> memref<1x64xf32, #tpu.memory_space<hbm>>
      %dma_wait3A_791 = arith.constant 0 : i32
      %dma_wait3A_792 = arith.constant 0 : i32
      %dma_wait3A_793 = tpu.memref_slice %arg6[%dma_wait3A_791, %dma_wait3A_792] : memref<416x64xf32, #tpu.memory_space<vmem>> -> memref<1x64xf32, #tpu.memory_space<vmem>>
      %dma_wait3A_794 = arith.constant 0 : i32
      %dma_wait3A_795 = arith.constant 0 : i32
      %dma_wait3A_796 = tpu.memref_slice %arg3[%dma_wait3A_783, %dma_wait3A_794, %dma_wait3A_795] : memref<2x500000x64xf32, #tpu.memory_space<hbm>> -> memref<1x1x64xf32, #tpu.memory_space<hbm>>
      %dma_wait3A_797 = tpu.memref_squeeze %dma_wait3A_796 : memref<1x1x64xf32, #tpu.memory_space<hbm>> -> memref<1x64xf32, #tpu.memory_space<hbm>>
      tpu.wait_dma2 semaphore(%arg7 : memref<!tpu.dma_semaphore, #tpu.memory_space<semaphore_mem>>) src(%dma_wait3A_797 : memref<1x64xf32, #tpu.memory_space<hbm>>) dst(%dma_wait3A_793 : memref<1x64xf32, #tpu.memory_space<vmem>>)
      %dma_wait3A_798 = arith.constant 0 : i32
      %dma_wait3A_799 = arith.constant 0 : i32
      %dma_wait3A_800 = arith.constant 0 : i32
      %dma_wait3A_801 = tpu.memref_slice %arg6[%dma_wait3A_799, %dma_wait3A_800] : memref<416x64xf32, #tpu.memory_space<vmem>> -> memref<1x64xf32, #tpu.memory_space<vmem>>
      %dma_wait3A_802 = arith.constant 0 : i32
      %dma_wait3A_803 = arith.constant 0 : i32
      %dma_wait3A_804 = tpu.memref_slice %arg3[%dma_wait3A_798, %dma_wait3A_802, %dma_wait3A_803] : memref<2x500000x64xf32, #tpu.memory_space<hbm>> -> memref<1x1x64xf32, #tpu.memory_space<hbm>>
      %dma_wait3A_805 = tpu.memref_squeeze %dma_wait3A_804 : memref<1x1x64xf32, #tpu.memory_space<hbm>> -> memref<1x64xf32, #tpu.memory_space<hbm>>
      %dma_wait3A_806 = arith.constant 0 : i32
      %dma_wait3A_807 = arith.constant 0 : i32
      %dma_wait3A_808 = tpu.memref_slice %arg6[%dma_wait3A_806, %dma_wait3A_807] : memref<416x64xf32, #tpu.memory_space<vmem>> -> memref<1x64xf32, #tpu.memory_space<vmem>>
      %dma_wait3A_809 = arith.constant 0 : i32
      %dma_wait3A_810 = arith.constant 0 : i32
      %dma_wait3A_811 = tpu.memref_slice %arg3[%dma_wait3A_798, %dma_wait3A_809, %dma_wait3A_810] : memref<2x500000x64xf32, #tpu.memory_space<hbm>> -> memref<1x1x64xf32, #tpu.memory_space<hbm>>
      %dma_wait3A_812 = tpu.memref_squeeze %dma_wait3A_811 : memref<1x1x64xf32, #tpu.memory_space<hbm>> -> memref<1x64xf32, #tpu.memory_space<hbm>>
      tpu.wait_dma2 semaphore(%arg7 : memref<!tpu.dma_semaphore, #tpu.memory_space<semaphore_mem>>) src(%dma_wait3A_812 : memref<1x64xf32, #tpu.memory_space<hbm>>) dst(%dma_wait3A_808 : memref<1x64xf32, #tpu.memory_space<vmem>>)
      %dma_wait3A_813 = arith.constant 0 : i32
      %dma_wait3A_814 = arith.constant 0 : i32
      %dma_wait3A_815 = arith.constant 0 : i32
      %dma_wait3A_816 = tpu.memref_slice %arg6[%dma_wait3A_814, %dma_wait3A_815] : memref<416x64xf32, #tpu.memory_space<vmem>> -> memref<1x64xf32, #tpu.memory_space<vmem>>
      %dma_wait3A_817 = arith.constant 0 : i32
      %dma_wait3A_818 = arith.constant 0 : i32
      %dma_wait3A_819 = tpu.memref_slice %arg3[%dma_wait3A_813, %dma_wait3A_817, %dma_wait3A_818] : memref<2x500000x64xf32, #tpu.memory_space<hbm>> -> memref<1x1x64xf32, #tpu.memory_space<hbm>>
      %dma_wait3A_820 = tpu.memref_squeeze %dma_wait3A_819 : memref<1x1x64xf32, #tpu.memory_space<hbm>> -> memref<1x64xf32, #tpu.memory_space<hbm>>
      %dma_wait3A_821 = arith.constant 0 : i32
      %dma_wait3A_822 = arith.constant 0 : i32
      %dma_wait3A_823 = tpu.memref_slice %arg6[%dma_wait3A_821, %dma_wait3A_822] : memref<416x64xf32, #tpu.memory_space<vmem>> -> memref<1x64xf32, #tpu.memory_space<vmem>>
      %dma_wait3A_824 = arith.constant 0 : i32
      %dma_wait3A_825 = arith.constant 0 : i32
      %dma_wait3A_826 = tpu.memref_slice %arg3[%dma_wait3A_813, %dma_wait3A_824, %dma_wait3A_825] : memref<2x500000x64xf32, #tpu.memory_space<hbm>> -> memref<1x1x64xf32, #tpu.memory_space<hbm>>
      %dma_wait3A_827 = tpu.memref_squeeze %dma_wait3A_826 : memref<1x1x64xf32, #tpu.memory_space<hbm>> -> memref<1x64xf32, #tpu.memory_space<hbm>>
      tpu.wait_dma2 semaphore(%arg7 : memref<!tpu.dma_semaphore, #tpu.memory_space<semaphore_mem>>) src(%dma_wait3A_827 : memref<1x64xf32, #tpu.memory_space<hbm>>) dst(%dma_wait3A_823 : memref<1x64xf32, #tpu.memory_space<vmem>>)
      %dma_wait3A_828 = arith.constant 0 : i32
      %dma_wait3A_829 = arith.constant 0 : i32
      %dma_wait3A_830 = arith.constant 0 : i32
      %dma_wait3A_831 = tpu.memref_slice %arg6[%dma_wait3A_829, %dma_wait3A_830] : memref<416x64xf32, #tpu.memory_space<vmem>> -> memref<1x64xf32, #tpu.memory_space<vmem>>
      %dma_wait3A_832 = arith.constant 0 : i32
      %dma_wait3A_833 = arith.constant 0 : i32
      %dma_wait3A_834 = tpu.memref_slice %arg3[%dma_wait3A_828, %dma_wait3A_832, %dma_wait3A_833] : memref<2x500000x64xf32, #tpu.memory_space<hbm>> -> memref<1x1x64xf32, #tpu.memory_space<hbm>>
      %dma_wait3A_835 = tpu.memref_squeeze %dma_wait3A_834 : memref<1x1x64xf32, #tpu.memory_space<hbm>> -> memref<1x64xf32, #tpu.memory_space<hbm>>
      %dma_wait3A_836 = arith.constant 0 : i32
      %dma_wait3A_837 = arith.constant 0 : i32
      %dma_wait3A_838 = tpu.memref_slice %arg6[%dma_wait3A_836, %dma_wait3A_837] : memref<416x64xf32, #tpu.memory_space<vmem>> -> memref<1x64xf32, #tpu.memory_space<vmem>>
      %dma_wait3A_839 = arith.constant 0 : i32
      %dma_wait3A_840 = arith.constant 0 : i32
      %dma_wait3A_841 = tpu.memref_slice %arg3[%dma_wait3A_828, %dma_wait3A_839, %dma_wait3A_840] : memref<2x500000x64xf32, #tpu.memory_space<hbm>> -> memref<1x1x64xf32, #tpu.memory_space<hbm>>
      %dma_wait3A_842 = tpu.memref_squeeze %dma_wait3A_841 : memref<1x1x64xf32, #tpu.memory_space<hbm>> -> memref<1x64xf32, #tpu.memory_space<hbm>>
      tpu.wait_dma2 semaphore(%arg7 : memref<!tpu.dma_semaphore, #tpu.memory_space<semaphore_mem>>) src(%dma_wait3A_842 : memref<1x64xf32, #tpu.memory_space<hbm>>) dst(%dma_wait3A_838 : memref<1x64xf32, #tpu.memory_space<vmem>>)
      %dma_wait3A_843 = arith.constant 0 : i32
      %dma_wait3A_844 = arith.constant 0 : i32
      %dma_wait3A_845 = arith.constant 0 : i32
      %dma_wait3A_846 = tpu.memref_slice %arg6[%dma_wait3A_844, %dma_wait3A_845] : memref<416x64xf32, #tpu.memory_space<vmem>> -> memref<1x64xf32, #tpu.memory_space<vmem>>
      %dma_wait3A_847 = arith.constant 0 : i32
      %dma_wait3A_848 = arith.constant 0 : i32
      %dma_wait3A_849 = tpu.memref_slice %arg3[%dma_wait3A_843, %dma_wait3A_847, %dma_wait3A_848] : memref<2x500000x64xf32, #tpu.memory_space<hbm>> -> memref<1x1x64xf32, #tpu.memory_space<hbm>>
      %dma_wait3A_850 = tpu.memref_squeeze %dma_wait3A_849 : memref<1x1x64xf32, #tpu.memory_space<hbm>> -> memref<1x64xf32, #tpu.memory_space<hbm>>
      %dma_wait3A_851 = arith.constant 0 : i32
      %dma_wait3A_852 = arith.constant 0 : i32
      %dma_wait3A_853 = tpu.memref_slice %arg6[%dma_wait3A_851, %dma_wait3A_852] : memref<416x64xf32, #tpu.memory_space<vmem>> -> memref<1x64xf32, #tpu.memory_space<vmem>>
      %dma_wait3A_854 = arith.constant 0 : i32
      %dma_wait3A_855 = arith.constant 0 : i32
      %dma_wait3A_856 = tpu.memref_slice %arg3[%dma_wait3A_843, %dma_wait3A_854, %dma_wait3A_855] : memref<2x500000x64xf32, #tpu.memory_space<hbm>> -> memref<1x1x64xf32, #tpu.memory_space<hbm>>
      %dma_wait3A_857 = tpu.memref_squeeze %dma_wait3A_856 : memref<1x1x64xf32, #tpu.memory_space<hbm>> -> memref<1x64xf32, #tpu.memory_space<hbm>>
      tpu.wait_dma2 semaphore(%arg7 : memref<!tpu.dma_semaphore, #tpu.memory_space<semaphore_mem>>) src(%dma_wait3A_857 : memref<1x64xf32, #tpu.memory_space<hbm>>) dst(%dma_wait3A_853 : memref<1x64xf32, #tpu.memory_space<vmem>>)
      %dma_wait3A_858 = arith.constant 0 : i32
      %dma_wait3A_859 = arith.constant 0 : i32
      %dma_wait3A_860 = arith.constant 0 : i32
      %dma_wait3A_861 = tpu.memref_slice %arg6[%dma_wait3A_859, %dma_wait3A_860] : memref<416x64xf32, #tpu.memory_space<vmem>> -> memref<1x64xf32, #tpu.memory_space<vmem>>
      %dma_wait3A_862 = arith.constant 0 : i32
      %dma_wait3A_863 = arith.constant 0 : i32
      %dma_wait3A_864 = tpu.memref_slice %arg3[%dma_wait3A_858, %dma_wait3A_862, %dma_wait3A_863] : memref<2x500000x64xf32, #tpu.memory_space<hbm>> -> memref<1x1x64xf32, #tpu.memory_space<hbm>>
      %dma_wait3A_865 = tpu.memref_squeeze %dma_wait3A_864 : memref<1x1x64xf32, #tpu.memory_space<hbm>> -> memref<1x64xf32, #tpu.memory_space<hbm>>
      %dma_wait3A_866 = arith.constant 0 : i32
      %dma_wait3A_867 = arith.constant 0 : i32
      %dma_wait3A_868 = tpu.memref_slice %arg6[%dma_wait3A_866, %dma_wait3A_867] : memref<416x64xf32, #tpu.memory_space<vmem>> -> memref<1x64xf32, #tpu.memory_space<vmem>>
      %dma_wait3A_869 = arith.constant 0 : i32
      %dma_wait3A_870 = arith.constant 0 : i32
      %dma_wait3A_871 = tpu.memref_slice %arg3[%dma_wait3A_858, %dma_wait3A_869, %dma_wait3A_870] : memref<2x500000x64xf32, #tpu.memory_space<hbm>> -> memref<1x1x64xf32, #tpu.memory_space<hbm>>
      %dma_wait3A_872 = tpu.memref_squeeze %dma_wait3A_871 : memref<1x1x64xf32, #tpu.memory_space<hbm>> -> memref<1x64xf32, #tpu.memory_space<hbm>>
      tpu.wait_dma2 semaphore(%arg7 : memref<!tpu.dma_semaphore, #tpu.memory_space<semaphore_mem>>) src(%dma_wait3A_872 : memref<1x64xf32, #tpu.memory_space<hbm>>) dst(%dma_wait3A_868 : memref<1x64xf32, #tpu.memory_space<vmem>>)
      %dma_wait3A_873 = arith.constant 0 : i32
      %dma_wait3A_874 = arith.constant 0 : i32
      %dma_wait3A_875 = arith.constant 0 : i32
      %dma_wait3A_876 = tpu.memref_slice %arg6[%dma_wait3A_874, %dma_wait3A_875] : memref<416x64xf32, #tpu.memory_space<vmem>> -> memref<1x64xf32, #tpu.memory_space<vmem>>
      %dma_wait3A_877 = arith.constant 0 : i32
      %dma_wait3A_878 = arith.constant 0 : i32
      %dma_wait3A_879 = tpu.memref_slice %arg3[%dma_wait3A_873, %dma_wait3A_877, %dma_wait3A_878] : memref<2x500000x64xf32, #tpu.memory_space<hbm>> -> memref<1x1x64xf32, #tpu.memory_space<hbm>>
      %dma_wait3A_880 = tpu.memref_squeeze %dma_wait3A_879 : memref<1x1x64xf32, #tpu.memory_space<hbm>> -> memref<1x64xf32, #tpu.memory_space<hbm>>
      %dma_wait3A_881 = arith.constant 0 : i32
      %dma_wait3A_882 = arith.constant 0 : i32
      %dma_wait3A_883 = tpu.memref_slice %arg6[%dma_wait3A_881, %dma_wait3A_882] : memref<416x64xf32, #tpu.memory_space<vmem>> -> memref<1x64xf32, #tpu.memory_space<vmem>>
      %dma_wait3A_884 = arith.constant 0 : i32
      %dma_wait3A_885 = arith.constant 0 : i32
      %dma_wait3A_886 = tpu.memref_slice %arg3[%dma_wait3A_873, %dma_wait3A_884, %dma_wait3A_885] : memref<2x500000x64xf32, #tpu.memory_space<hbm>> -> memref<1x1x64xf32, #tpu.memory_space<hbm>>
      %dma_wait3A_887 = tpu.memref_squeeze %dma_wait3A_886 : memref<1x1x64xf32, #tpu.memory_space<hbm>> -> memref<1x64xf32, #tpu.memory_space<hbm>>
      tpu.wait_dma2 semaphore(%arg7 : memref<!tpu.dma_semaphore, #tpu.memory_space<semaphore_mem>>) src(%dma_wait3A_887 : memref<1x64xf32, #tpu.memory_space<hbm>>) dst(%dma_wait3A_883 : memref<1x64xf32, #tpu.memory_space<vmem>>)
      %dma_wait3A_888 = arith.constant 0 : i32
      %dma_wait3A_889 = arith.constant 0 : i32
      %dma_wait3A_890 = arith.constant 0 : i32
      %dma_wait3A_891 = tpu.memref_slice %arg6[%dma_wait3A_889, %dma_wait3A_890] : memref<416x64xf32, #tpu.memory_space<vmem>> -> memref<1x64xf32, #tpu.memory_space<vmem>>
      %dma_wait3A_892 = arith.constant 0 : i32
      %dma_wait3A_893 = arith.constant 0 : i32
      %dma_wait3A_894 = tpu.memref_slice %arg3[%dma_wait3A_888, %dma_wait3A_892, %dma_wait3A_893] : memref<2x500000x64xf32, #tpu.memory_space<hbm>> -> memref<1x1x64xf32, #tpu.memory_space<hbm>>
      %dma_wait3A_895 = tpu.memref_squeeze %dma_wait3A_894 : memref<1x1x64xf32, #tpu.memory_space<hbm>> -> memref<1x64xf32, #tpu.memory_space<hbm>>
      %dma_wait3A_896 = arith.constant 0 : i32
      %dma_wait3A_897 = arith.constant 0 : i32
      %dma_wait3A_898 = tpu.memref_slice %arg6[%dma_wait3A_896, %dma_wait3A_897] : memref<416x64xf32, #tpu.memory_space<vmem>> -> memref<1x64xf32, #tpu.memory_space<vmem>>
      %dma_wait3A_899 = arith.constant 0 : i32
      %dma_wait3A_900 = arith.constant 0 : i32
      %dma_wait3A_901 = tpu.memref_slice %arg3[%dma_wait3A_888, %dma_wait3A_899, %dma_wait3A_900] : memref<2x500000x64xf32, #tpu.memory_space<hbm>> -> memref<1x1x64xf32, #tpu.memory_space<hbm>>
      %dma_wait3A_902 = tpu.memref_squeeze %dma_wait3A_901 : memref<1x1x64xf32, #tpu.memory_space<hbm>> -> memref<1x64xf32, #tpu.memory_space<hbm>>
      tpu.wait_dma2 semaphore(%arg7 : memref<!tpu.dma_semaphore, #tpu.memory_space<semaphore_mem>>) src(%dma_wait3A_902 : memref<1x64xf32, #tpu.memory_space<hbm>>) dst(%dma_wait3A_898 : memref<1x64xf32, #tpu.memory_space<vmem>>)
      %dma_wait3A_903 = arith.constant 0 : i32
      %dma_wait3A_904 = arith.constant 0 : i32
      %dma_wait3A_905 = arith.constant 0 : i32
      %dma_wait3A_906 = tpu.memref_slice %arg6[%dma_wait3A_904, %dma_wait3A_905] : memref<416x64xf32, #tpu.memory_space<vmem>> -> memref<1x64xf32, #tpu.memory_space<vmem>>
      %dma_wait3A_907 = arith.constant 0 : i32
      %dma_wait3A_908 = arith.constant 0 : i32
      %dma_wait3A_909 = tpu.memref_slice %arg3[%dma_wait3A_903, %dma_wait3A_907, %dma_wait3A_908] : memref<2x500000x64xf32, #tpu.memory_space<hbm>> -> memref<1x1x64xf32, #tpu.memory_space<hbm>>
      %dma_wait3A_910 = tpu.memref_squeeze %dma_wait3A_909 : memref<1x1x64xf32, #tpu.memory_space<hbm>> -> memref<1x64xf32, #tpu.memory_space<hbm>>
      %dma_wait3A_911 = arith.constant 0 : i32
      %dma_wait3A_912 = arith.constant 0 : i32
      %dma_wait3A_913 = tpu.memref_slice %arg6[%dma_wait3A_911, %dma_wait3A_912] : memref<416x64xf32, #tpu.memory_space<vmem>> -> memref<1x64xf32, #tpu.memory_space<vmem>>
      %dma_wait3A_914 = arith.constant 0 : i32
      %dma_wait3A_915 = arith.constant 0 : i32
      %dma_wait3A_916 = tpu.memref_slice %arg3[%dma_wait3A_903, %dma_wait3A_914, %dma_wait3A_915] : memref<2x500000x64xf32, #tpu.memory_space<hbm>> -> memref<1x1x64xf32, #tpu.memory_space<hbm>>
      %dma_wait3A_917 = tpu.memref_squeeze %dma_wait3A_916 : memref<1x1x64xf32, #tpu.memory_space<hbm>> -> memref<1x64xf32, #tpu.memory_space<hbm>>
      tpu.wait_dma2 semaphore(%arg7 : memref<!tpu.dma_semaphore, #tpu.memory_space<semaphore_mem>>) src(%dma_wait3A_917 : memref<1x64xf32, #tpu.memory_space<hbm>>) dst(%dma_wait3A_913 : memref<1x64xf32, #tpu.memory_space<vmem>>)
      %dma_wait3A_918 = arith.constant 0 : i32
      %dma_wait3A_919 = arith.constant 0 : i32
      %dma_wait3A_920 = arith.constant 0 : i32
      %dma_wait3A_921 = tpu.memref_slice %arg6[%dma_wait3A_919, %dma_wait3A_920] : memref<416x64xf32, #tpu.memory_space<vmem>> -> memref<1x64xf32, #tpu.memory_space<vmem>>
      %dma_wait3A_922 = arith.constant 0 : i32
      %dma_wait3A_923 = arith.constant 0 : i32
      %dma_wait3A_924 = tpu.memref_slice %arg3[%dma_wait3A_918, %dma_wait3A_922, %dma_wait3A_923] : memref<2x500000x64xf32, #tpu.memory_space<hbm>> -> memref<1x1x64xf32, #tpu.memory_space<hbm>>
      %dma_wait3A_925 = tpu.memref_squeeze %dma_wait3A_924 : memref<1x1x64xf32, #tpu.memory_space<hbm>> -> memref<1x64xf32, #tpu.memory_space<hbm>>
      %dma_wait3A_926 = arith.constant 0 : i32
      %dma_wait3A_927 = arith.constant 0 : i32
      %dma_wait3A_928 = tpu.memref_slice %arg6[%dma_wait3A_926, %dma_wait3A_927] : memref<416x64xf32, #tpu.memory_space<vmem>> -> memref<1x64xf32, #tpu.memory_space<vmem>>
      %dma_wait3A_929 = arith.constant 0 : i32
      %dma_wait3A_930 = arith.constant 0 : i32
      %dma_wait3A_931 = tpu.memref_slice %arg3[%dma_wait3A_918, %dma_wait3A_929, %dma_wait3A_930] : memref<2x500000x64xf32, #tpu.memory_space<hbm>> -> memref<1x1x64xf32, #tpu.memory_space<hbm>>
      %dma_wait3A_932 = tpu.memref_squeeze %dma_wait3A_931 : memref<1x1x64xf32, #tpu.memory_space<hbm>> -> memref<1x64xf32, #tpu.memory_space<hbm>>
      tpu.wait_dma2 semaphore(%arg7 : memref<!tpu.dma_semaphore, #tpu.memory_space<semaphore_mem>>) src(%dma_wait3A_932 : memref<1x64xf32, #tpu.memory_space<hbm>>) dst(%dma_wait3A_928 : memref<1x64xf32, #tpu.memory_space<vmem>>)
      %dma_wait3A_933 = arith.constant 0 : i32
      %dma_wait3A_934 = arith.constant 0 : i32
      %dma_wait3A_935 = arith.constant 0 : i32
      %dma_wait3A_936 = tpu.memref_slice %arg6[%dma_wait3A_934, %dma_wait3A_935] : memref<416x64xf32, #tpu.memory_space<vmem>> -> memref<1x64xf32, #tpu.memory_space<vmem>>
      %dma_wait3A_937 = arith.constant 0 : i32
      %dma_wait3A_938 = arith.constant 0 : i32
      %dma_wait3A_939 = tpu.memref_slice %arg3[%dma_wait3A_933, %dma_wait3A_937, %dma_wait3A_938] : memref<2x500000x64xf32, #tpu.memory_space<hbm>> -> memref<1x1x64xf32, #tpu.memory_space<hbm>>
      %dma_wait3A_940 = tpu.memref_squeeze %dma_wait3A_939 : memref<1x1x64xf32, #tpu.memory_space<hbm>> -> memref<1x64xf32, #tpu.memory_space<hbm>>
      %dma_wait3A_941 = arith.constant 0 : i32
      %dma_wait3A_942 = arith.constant 0 : i32
      %dma_wait3A_943 = tpu.memref_slice %arg6[%dma_wait3A_941, %dma_wait3A_942] : memref<416x64xf32, #tpu.memory_space<vmem>> -> memref<1x64xf32, #tpu.memory_space<vmem>>
      %dma_wait3A_944 = arith.constant 0 : i32
      %dma_wait3A_945 = arith.constant 0 : i32
      %dma_wait3A_946 = tpu.memref_slice %arg3[%dma_wait3A_933, %dma_wait3A_944, %dma_wait3A_945] : memref<2x500000x64xf32, #tpu.memory_space<hbm>> -> memref<1x1x64xf32, #tpu.memory_space<hbm>>
      %dma_wait3A_947 = tpu.memref_squeeze %dma_wait3A_946 : memref<1x1x64xf32, #tpu.memory_space<hbm>> -> memref<1x64xf32, #tpu.memory_space<hbm>>
      tpu.wait_dma2 semaphore(%arg7 : memref<!tpu.dma_semaphore, #tpu.memory_space<semaphore_mem>>) src(%dma_wait3A_947 : memref<1x64xf32, #tpu.memory_space<hbm>>) dst(%dma_wait3A_943 : memref<1x64xf32, #tpu.memory_space<vmem>>)
      %dma_wait3A_948 = arith.constant 0 : i32
      %dma_wait3A_949 = arith.constant 0 : i32
      %dma_wait3A_950 = arith.constant 0 : i32
      %dma_wait3A_951 = tpu.memref_slice %arg6[%dma_wait3A_949, %dma_wait3A_950] : memref<416x64xf32, #tpu.memory_space<vmem>> -> memref<1x64xf32, #tpu.memory_space<vmem>>
      %dma_wait3A_952 = arith.constant 0 : i32
      %dma_wait3A_953 = arith.constant 0 : i32
      %dma_wait3A_954 = tpu.memref_slice %arg3[%dma_wait3A_948, %dma_wait3A_952, %dma_wait3A_953] : memref<2x500000x64xf32, #tpu.memory_space<hbm>> -> memref<1x1x64xf32, #tpu.memory_space<hbm>>
      %dma_wait3A_955 = tpu.memref_squeeze %dma_wait3A_954 : memref<1x1x64xf32, #tpu.memory_space<hbm>> -> memref<1x64xf32, #tpu.memory_space<hbm>>
      %dma_wait3A_956 = arith.constant 0 : i32
      %dma_wait3A_957 = arith.constant 0 : i32
      %dma_wait3A_958 = tpu.memref_slice %arg6[%dma_wait3A_956, %dma_wait3A_957] : memref<416x64xf32, #tpu.memory_space<vmem>> -> memref<1x64xf32, #tpu.memory_space<vmem>>
      %dma_wait3A_959 = arith.constant 0 : i32
      %dma_wait3A_960 = arith.constant 0 : i32
      %dma_wait3A_961 = tpu.memref_slice %arg3[%dma_wait3A_948, %dma_wait3A_959, %dma_wait3A_960] : memref<2x500000x64xf32, #tpu.memory_space<hbm>> -> memref<1x1x64xf32, #tpu.memory_space<hbm>>
      %dma_wait3A_962 = tpu.memref_squeeze %dma_wait3A_961 : memref<1x1x64xf32, #tpu.memory_space<hbm>> -> memref<1x64xf32, #tpu.memory_space<hbm>>
      tpu.wait_dma2 semaphore(%arg7 : memref<!tpu.dma_semaphore, #tpu.memory_space<semaphore_mem>>) src(%dma_wait3A_962 : memref<1x64xf32, #tpu.memory_space<hbm>>) dst(%dma_wait3A_958 : memref<1x64xf32, #tpu.memory_space<vmem>>)
      %dma_wait3A_963 = arith.constant 0 : i32
      %dma_wait3A_964 = arith.constant 0 : i32
      %dma_wait3A_965 = arith.constant 0 : i32
      %dma_wait3A_966 = tpu.memref_slice %arg6[%dma_wait3A_964, %dma_wait3A_965] : memref<416x64xf32, #tpu.memory_space<vmem>> -> memref<1x64xf32, #tpu.memory_space<vmem>>
      %dma_wait3A_967 = arith.constant 0 : i32
      %dma_wait3A_968 = arith.constant 0 : i32
      %dma_wait3A_969 = tpu.memref_slice %arg3[%dma_wait3A_963, %dma_wait3A_967, %dma_wait3A_968] : memref<2x500000x64xf32, #tpu.memory_space<hbm>> -> memref<1x1x64xf32, #tpu.memory_space<hbm>>
      %dma_wait3A_970 = tpu.memref_squeeze %dma_wait3A_969 : memref<1x1x64xf32, #tpu.memory_space<hbm>> -> memref<1x64xf32, #tpu.memory_space<hbm>>
      %dma_wait3A_971 = arith.constant 0 : i32
      %dma_wait3A_972 = arith.constant 0 : i32
      %dma_wait3A_973 = tpu.memref_slice %arg6[%dma_wait3A_971, %dma_wait3A_972] : memref<416x64xf32, #tpu.memory_space<vmem>> -> memref<1x64xf32, #tpu.memory_space<vmem>>
      %dma_wait3A_974 = arith.constant 0 : i32
      %dma_wait3A_975 = arith.constant 0 : i32
      %dma_wait3A_976 = tpu.memref_slice %arg3[%dma_wait3A_963, %dma_wait3A_974, %dma_wait3A_975] : memref<2x500000x64xf32, #tpu.memory_space<hbm>> -> memref<1x1x64xf32, #tpu.memory_space<hbm>>
      %dma_wait3A_977 = tpu.memref_squeeze %dma_wait3A_976 : memref<1x1x64xf32, #tpu.memory_space<hbm>> -> memref<1x64xf32, #tpu.memory_space<hbm>>
      tpu.wait_dma2 semaphore(%arg7 : memref<!tpu.dma_semaphore, #tpu.memory_space<semaphore_mem>>) src(%dma_wait3A_977 : memref<1x64xf32, #tpu.memory_space<hbm>>) dst(%dma_wait3A_973 : memref<1x64xf32, #tpu.memory_space<vmem>>)
      %dma_wait3A_978 = arith.constant 0 : i32
      %dma_wait3A_979 = arith.constant 0 : i32
      %dma_wait3A_980 = arith.constant 0 : i32
      %dma_wait3A_981 = tpu.memref_slice %arg6[%dma_wait3A_979, %dma_wait3A_980] : memref<416x64xf32, #tpu.memory_space<vmem>> -> memref<1x64xf32, #tpu.memory_space<vmem>>
      %dma_wait3A_982 = arith.constant 0 : i32
      %dma_wait3A_983 = arith.constant 0 : i32
      %dma_wait3A_984 = tpu.memref_slice %arg3[%dma_wait3A_978, %dma_wait3A_982, %dma_wait3A_983] : memref<2x500000x64xf32, #tpu.memory_space<hbm>> -> memref<1x1x64xf32, #tpu.memory_space<hbm>>
      %dma_wait3A_985 = tpu.memref_squeeze %dma_wait3A_984 : memref<1x1x64xf32, #tpu.memory_space<hbm>> -> memref<1x64xf32, #tpu.memory_space<hbm>>
      %dma_wait3A_986 = arith.constant 0 : i32
      %dma_wait3A_987 = arith.constant 0 : i32
      %dma_wait3A_988 = tpu.memref_slice %arg6[%dma_wait3A_986, %dma_wait3A_987] : memref<416x64xf32, #tpu.memory_space<vmem>> -> memref<1x64xf32, #tpu.memory_space<vmem>>
      %dma_wait3A_989 = arith.constant 0 : i32
      %dma_wait3A_990 = arith.constant 0 : i32
      %dma_wait3A_991 = tpu.memref_slice %arg3[%dma_wait3A_978, %dma_wait3A_989, %dma_wait3A_990] : memref<2x500000x64xf32, #tpu.memory_space<hbm>> -> memref<1x1x64xf32, #tpu.memory_space<hbm>>
      %dma_wait3A_992 = tpu.memref_squeeze %dma_wait3A_991 : memref<1x1x64xf32, #tpu.memory_space<hbm>> -> memref<1x64xf32, #tpu.memory_space<hbm>>
      tpu.wait_dma2 semaphore(%arg7 : memref<!tpu.dma_semaphore, #tpu.memory_space<semaphore_mem>>) src(%dma_wait3A_992 : memref<1x64xf32, #tpu.memory_space<hbm>>) dst(%dma_wait3A_988 : memref<1x64xf32, #tpu.memory_space<vmem>>)
      %dma_wait3A_993 = arith.constant 0 : i32
      %dma_wait3A_994 = arith.constant 0 : i32
      %dma_wait3A_995 = arith.constant 0 : i32
      %dma_wait3A_996 = tpu.memref_slice %arg6[%dma_wait3A_994, %dma_wait3A_995] : memref<416x64xf32, #tpu.memory_space<vmem>> -> memref<1x64xf32, #tpu.memory_space<vmem>>
      %dma_wait3A_997 = arith.constant 0 : i32
      %dma_wait3A_998 = arith.constant 0 : i32
      %dma_wait3A_999 = tpu.memref_slice %arg3[%dma_wait3A_993, %dma_wait3A_997, %dma_wait3A_998] : memref<2x500000x64xf32, #tpu.memory_space<hbm>> -> memref<1x1x64xf32, #tpu.memory_space<hbm>>
      %dma_wait3A_1000 = tpu.memref_squeeze %dma_wait3A_999 : memref<1x1x64xf32, #tpu.memory_space<hbm>> -> memref<1x64xf32, #tpu.memory_space<hbm>>
      %dma_wait3A_1001 = arith.constant 0 : i32
      %dma_wait3A_1002 = arith.constant 0 : i32
      %dma_wait3A_1003 = tpu.memref_slice %arg6[%dma_wait3A_1001, %dma_wait3A_1002] : memref<416x64xf32, #tpu.memory_space<vmem>> -> memref<1x64xf32, #tpu.memory_space<vmem>>
      %dma_wait3A_1004 = arith.constant 0 : i32
      %dma_wait3A_1005 = arith.constant 0 : i32
      %dma_wait3A_1006 = tpu.memref_slice %arg3[%dma_wait3A_993, %dma_wait3A_1004, %dma_wait3A_1005] : memref<2x500000x64xf32, #tpu.memory_space<hbm>> -> memref<1x1x64xf32, #tpu.memory_space<hbm>>
      %dma_wait3A_1007 = tpu.memref_squeeze %dma_wait3A_1006 : memref<1x1x64xf32, #tpu.memory_space<hbm>> -> memref<1x64xf32, #tpu.memory_space<hbm>>
      tpu.wait_dma2 semaphore(%arg7 : memref<!tpu.dma_semaphore, #tpu.memory_space<semaphore_mem>>) src(%dma_wait3A_1007 : memref<1x64xf32, #tpu.memory_space<hbm>>) dst(%dma_wait3A_1003 : memref<1x64xf32, #tpu.memory_space<vmem>>)
      %dma_wait3A_1008 = arith.constant 0 : i32
      %dma_wait3A_1009 = arith.constant 0 : i32
      %dma_wait3A_1010 = arith.constant 0 : i32
      %dma_wait3A_1011 = tpu.memref_slice %arg6[%dma_wait3A_1009, %dma_wait3A_1010] : memref<416x64xf32, #tpu.memory_space<vmem>> -> memref<1x64xf32, #tpu.memory_space<vmem>>
      %dma_wait3A_1012 = arith.constant 0 : i32
      %dma_wait3A_1013 = arith.constant 0 : i32
      %dma_wait3A_1014 = tpu.memref_slice %arg3[%dma_wait3A_1008, %dma_wait3A_1012, %dma_wait3A_1013] : memref<2x500000x64xf32, #tpu.memory_space<hbm>> -> memref<1x1x64xf32, #tpu.memory_space<hbm>>
      %dma_wait3A_1015 = tpu.memref_squeeze %dma_wait3A_1014 : memref<1x1x64xf32, #tpu.memory_space<hbm>> -> memref<1x64xf32, #tpu.memory_space<hbm>>
      %dma_wait3A_1016 = arith.constant 0 : i32
      %dma_wait3A_1017 = arith.constant 0 : i32
      %dma_wait3A_1018 = tpu.memref_slice %arg6[%dma_wait3A_1016, %dma_wait3A_1017] : memref<416x64xf32, #tpu.memory_space<vmem>> -> memref<1x64xf32, #tpu.memory_space<vmem>>
      %dma_wait3A_1019 = arith.constant 0 : i32
      %dma_wait3A_1020 = arith.constant 0 : i32
      %dma_wait3A_1021 = tpu.memref_slice %arg3[%dma_wait3A_1008, %dma_wait3A_1019, %dma_wait3A_1020] : memref<2x500000x64xf32, #tpu.memory_space<hbm>> -> memref<1x1x64xf32, #tpu.memory_space<hbm>>
      %dma_wait3A_1022 = tpu.memref_squeeze %dma_wait3A_1021 : memref<1x1x64xf32, #tpu.memory_space<hbm>> -> memref<1x64xf32, #tpu.memory_space<hbm>>
      tpu.wait_dma2 semaphore(%arg7 : memref<!tpu.dma_semaphore, #tpu.memory_space<semaphore_mem>>) src(%dma_wait3A_1022 : memref<1x64xf32, #tpu.memory_space<hbm>>) dst(%dma_wait3A_1018 : memref<1x64xf32, #tpu.memory_space<vmem>>)
      %dma_wait3A_1023 = arith.constant 0 : i32
      %dma_wait3A_1024 = arith.constant 0 : i32
      %dma_wait3A_1025 = arith.constant 0 : i32
      %dma_wait3A_1026 = tpu.memref_slice %arg6[%dma_wait3A_1024, %dma_wait3A_1025] : memref<416x64xf32, #tpu.memory_space<vmem>> -> memref<1x64xf32, #tpu.memory_space<vmem>>
      %dma_wait3A_1027 = arith.constant 0 : i32
      %dma_wait3A_1028 = arith.constant 0 : i32
      %dma_wait3A_1029 = tpu.memref_slice %arg3[%dma_wait3A_1023, %dma_wait3A_1027, %dma_wait3A_1028] : memref<2x500000x64xf32, #tpu.memory_space<hbm>> -> memref<1x1x64xf32, #tpu.memory_space<hbm>>
      %dma_wait3A_1030 = tpu.memref_squeeze %dma_wait3A_1029 : memref<1x1x64xf32, #tpu.memory_space<hbm>> -> memref<1x64xf32, #tpu.memory_space<hbm>>
      %dma_wait3A_1031 = arith.constant 0 : i32
      %dma_wait3A_1032 = arith.constant 0 : i32
      %dma_wait3A_1033 = tpu.memref_slice %arg6[%dma_wait3A_1031, %dma_wait3A_1032] : memref<416x64xf32, #tpu.memory_space<vmem>> -> memref<1x64xf32, #tpu.memory_space<vmem>>
      %dma_wait3A_1034 = arith.constant 0 : i32
      %dma_wait3A_1035 = arith.constant 0 : i32
      %dma_wait3A_1036 = tpu.memref_slice %arg3[%dma_wait3A_1023, %dma_wait3A_1034, %dma_wait3A_1035] : memref<2x500000x64xf32, #tpu.memory_space<hbm>> -> memref<1x1x64xf32, #tpu.memory_space<hbm>>
      %dma_wait3A_1037 = tpu.memref_squeeze %dma_wait3A_1036 : memref<1x1x64xf32, #tpu.memory_space<hbm>> -> memref<1x64xf32, #tpu.memory_space<hbm>>
      tpu.wait_dma2 semaphore(%arg7 : memref<!tpu.dma_semaphore, #tpu.memory_space<semaphore_mem>>) src(%dma_wait3A_1037 : memref<1x64xf32, #tpu.memory_space<hbm>>) dst(%dma_wait3A_1033 : memref<1x64xf32, #tpu.memory_space<vmem>>)
      %add3A_1038 = arith.constant 14 : i32
      %add3A_1039 = arith.addi %add3A_234, %add3A_1038 : i32
      %dma_start3A_1040 = arith.constant 364 : i32
      %dma_start3A_1041 = arith.constant 0 : i32
      %dma_start3A_1042 = tpu.memref_slice %arg6[%dma_start3A_1040, %dma_start3A_1041] : memref<416x64xf32, #tpu.memory_space<vmem>> -> memref<26x64xf32, #tpu.memory_space<vmem>>
      %dma_start3A_1043 = arith.constant 0 : i32
      %dma_start3A_1044 = arith.constant 0 : i32
      %dma_start3A_1045 = tpu.memref_slice %arg4[%add3A_1039, %dma_start3A_1043, %dma_start3A_1044] : memref<16384x26x64xf32, #tpu.memory_space<hbm>> -> memref<1x26x64xf32, #tpu.memory_space<hbm>>
      %dma_start3A_1046 = tpu.memref_squeeze %dma_start3A_1045 : memref<1x26x64xf32, #tpu.memory_space<hbm>> -> memref<26x64xf32, #tpu.memory_space<hbm>>
      %dma_start3A_1047 = arith.constant 0 : i32
      %dma_start3A_1048 = arith.constant 0 : i32
      %dma_start3A_1049 = tpu.memref_slice %arg4[%add3A_1039, %dma_start3A_1047, %dma_start3A_1048] : memref<16384x26x64xf32, #tpu.memory_space<hbm>> -> memref<1x26x64xf32, #tpu.memory_space<hbm>>
      %dma_start3A_1050 = tpu.memref_squeeze %dma_start3A_1049 : memref<1x26x64xf32, #tpu.memory_space<hbm>> -> memref<26x64xf32, #tpu.memory_space<hbm>>
      %dma_start3A_1051 = arith.constant 364 : i32
      %dma_start3A_1052 = arith.constant 0 : i32
      %dma_start3A_1053 = tpu.memref_slice %arg6[%dma_start3A_1051, %dma_start3A_1052] : memref<416x64xf32, #tpu.memory_space<vmem>> -> memref<26x64xf32, #tpu.memory_space<vmem>>
      tpu.enqueue_dma source(%dma_start3A_1053 : memref<26x64xf32, #tpu.memory_space<vmem>>) target(%dma_start3A_1050 : memref<26x64xf32, #tpu.memory_space<hbm>>) target_semaphore(%arg8 : memref<!tpu.dma_semaphore, #tpu.memory_space<semaphore_mem>>)
      %dma_wait3A_1054 = arith.constant 0 : i32
      %dma_wait3A_1055 = arith.constant 0 : i32
      %dma_wait3A_1056 = arith.constant 0 : i32
      %dma_wait3A_1057 = tpu.memref_slice %arg6[%dma_wait3A_1055, %dma_wait3A_1056] : memref<416x64xf32, #tpu.memory_space<vmem>> -> memref<1x64xf32, #tpu.memory_space<vmem>>
      %dma_wait3A_1058 = arith.constant 0 : i32
      %dma_wait3A_1059 = arith.constant 0 : i32
      %dma_wait3A_1060 = tpu.memref_slice %arg3[%dma_wait3A_1054, %dma_wait3A_1058, %dma_wait3A_1059] : memref<2x500000x64xf32, #tpu.memory_space<hbm>> -> memref<1x1x64xf32, #tpu.memory_space<hbm>>
      %dma_wait3A_1061 = tpu.memref_squeeze %dma_wait3A_1060 : memref<1x1x64xf32, #tpu.memory_space<hbm>> -> memref<1x64xf32, #tpu.memory_space<hbm>>
      %dma_wait3A_1062 = arith.constant 0 : i32
      %dma_wait3A_1063 = arith.constant 0 : i32
      %dma_wait3A_1064 = tpu.memref_slice %arg6[%dma_wait3A_1062, %dma_wait3A_1063] : memref<416x64xf32, #tpu.memory_space<vmem>> -> memref<1x64xf32, #tpu.memory_space<vmem>>
      %dma_wait3A_1065 = arith.constant 0 : i32
      %dma_wait3A_1066 = arith.constant 0 : i32
      %dma_wait3A_1067 = tpu.memref_slice %arg3[%dma_wait3A_1054, %dma_wait3A_1065, %dma_wait3A_1066] : memref<2x500000x64xf32, #tpu.memory_space<hbm>> -> memref<1x1x64xf32, #tpu.memory_space<hbm>>
      %dma_wait3A_1068 = tpu.memref_squeeze %dma_wait3A_1067 : memref<1x1x64xf32, #tpu.memory_space<hbm>> -> memref<1x64xf32, #tpu.memory_space<hbm>>
      tpu.wait_dma2 semaphore(%arg7 : memref<!tpu.dma_semaphore, #tpu.memory_space<semaphore_mem>>) src(%dma_wait3A_1068 : memref<1x64xf32, #tpu.memory_space<hbm>>) dst(%dma_wait3A_1064 : memref<1x64xf32, #tpu.memory_space<vmem>>)
      %dma_wait3A_1069 = arith.constant 0 : i32
      %dma_wait3A_1070 = arith.constant 0 : i32
      %dma_wait3A_1071 = arith.constant 0 : i32
      %dma_wait3A_1072 = tpu.memref_slice %arg6[%dma_wait3A_1070, %dma_wait3A_1071] : memref<416x64xf32, #tpu.memory_space<vmem>> -> memref<1x64xf32, #tpu.memory_space<vmem>>
      %dma_wait3A_1073 = arith.constant 0 : i32
      %dma_wait3A_1074 = arith.constant 0 : i32
      %dma_wait3A_1075 = tpu.memref_slice %arg3[%dma_wait3A_1069, %dma_wait3A_1073, %dma_wait3A_1074] : memref<2x500000x64xf32, #tpu.memory_space<hbm>> -> memref<1x1x64xf32, #tpu.memory_space<hbm>>
      %dma_wait3A_1076 = tpu.memref_squeeze %dma_wait3A_1075 : memref<1x1x64xf32, #tpu.memory_space<hbm>> -> memref<1x64xf32, #tpu.memory_space<hbm>>
      %dma_wait3A_1077 = arith.constant 0 : i32
      %dma_wait3A_1078 = arith.constant 0 : i32
      %dma_wait3A_1079 = tpu.memref_slice %arg6[%dma_wait3A_1077, %dma_wait3A_1078] : memref<416x64xf32, #tpu.memory_space<vmem>> -> memref<1x64xf32, #tpu.memory_space<vmem>>
      %dma_wait3A_1080 = arith.constant 0 : i32
      %dma_wait3A_1081 = arith.constant 0 : i32
      %dma_wait3A_1082 = tpu.memref_slice %arg3[%dma_wait3A_1069, %dma_wait3A_1080, %dma_wait3A_1081] : memref<2x500000x64xf32, #tpu.memory_space<hbm>> -> memref<1x1x64xf32, #tpu.memory_space<hbm>>
      %dma_wait3A_1083 = tpu.memref_squeeze %dma_wait3A_1082 : memref<1x1x64xf32, #tpu.memory_space<hbm>> -> memref<1x64xf32, #tpu.memory_space<hbm>>
      tpu.wait_dma2 semaphore(%arg7 : memref<!tpu.dma_semaphore, #tpu.memory_space<semaphore_mem>>) src(%dma_wait3A_1083 : memref<1x64xf32, #tpu.memory_space<hbm>>) dst(%dma_wait3A_1079 : memref<1x64xf32, #tpu.memory_space<vmem>>)
      %dma_wait3A_1084 = arith.constant 0 : i32
      %dma_wait3A_1085 = arith.constant 0 : i32
      %dma_wait3A_1086 = arith.constant 0 : i32
      %dma_wait3A_1087 = tpu.memref_slice %arg6[%dma_wait3A_1085, %dma_wait3A_1086] : memref<416x64xf32, #tpu.memory_space<vmem>> -> memref<1x64xf32, #tpu.memory_space<vmem>>
      %dma_wait3A_1088 = arith.constant 0 : i32
      %dma_wait3A_1089 = arith.constant 0 : i32
      %dma_wait3A_1090 = tpu.memref_slice %arg3[%dma_wait3A_1084, %dma_wait3A_1088, %dma_wait3A_1089] : memref<2x500000x64xf32, #tpu.memory_space<hbm>> -> memref<1x1x64xf32, #tpu.memory_space<hbm>>
      %dma_wait3A_1091 = tpu.memref_squeeze %dma_wait3A_1090 : memref<1x1x64xf32, #tpu.memory_space<hbm>> -> memref<1x64xf32, #tpu.memory_space<hbm>>
      %dma_wait3A_1092 = arith.constant 0 : i32
      %dma_wait3A_1093 = arith.constant 0 : i32
      %dma_wait3A_1094 = tpu.memref_slice %arg6[%dma_wait3A_1092, %dma_wait3A_1093] : memref<416x64xf32, #tpu.memory_space<vmem>> -> memref<1x64xf32, #tpu.memory_space<vmem>>
      %dma_wait3A_1095 = arith.constant 0 : i32
      %dma_wait3A_1096 = arith.constant 0 : i32
      %dma_wait3A_1097 = tpu.memref_slice %arg3[%dma_wait3A_1084, %dma_wait3A_1095, %dma_wait3A_1096] : memref<2x500000x64xf32, #tpu.memory_space<hbm>> -> memref<1x1x64xf32, #tpu.memory_space<hbm>>
      %dma_wait3A_1098 = tpu.memref_squeeze %dma_wait3A_1097 : memref<1x1x64xf32, #tpu.memory_space<hbm>> -> memref<1x64xf32, #tpu.memory_space<hbm>>
      tpu.wait_dma2 semaphore(%arg7 : memref<!tpu.dma_semaphore, #tpu.memory_space<semaphore_mem>>) src(%dma_wait3A_1098 : memref<1x64xf32, #tpu.memory_space<hbm>>) dst(%dma_wait3A_1094 : memref<1x64xf32, #tpu.memory_space<vmem>>)
      %dma_wait3A_1099 = arith.constant 0 : i32
      %dma_wait3A_1100 = arith.constant 0 : i32
      %dma_wait3A_1101 = arith.constant 0 : i32
      %dma_wait3A_1102 = tpu.memref_slice %arg6[%dma_wait3A_1100, %dma_wait3A_1101] : memref<416x64xf32, #tpu.memory_space<vmem>> -> memref<1x64xf32, #tpu.memory_space<vmem>>
      %dma_wait3A_1103 = arith.constant 0 : i32
      %dma_wait3A_1104 = arith.constant 0 : i32
      %dma_wait3A_1105 = tpu.memref_slice %arg3[%dma_wait3A_1099, %dma_wait3A_1103, %dma_wait3A_1104] : memref<2x500000x64xf32, #tpu.memory_space<hbm>> -> memref<1x1x64xf32, #tpu.memory_space<hbm>>
      %dma_wait3A_1106 = tpu.memref_squeeze %dma_wait3A_1105 : memref<1x1x64xf32, #tpu.memory_space<hbm>> -> memref<1x64xf32, #tpu.memory_space<hbm>>
      %dma_wait3A_1107 = arith.constant 0 : i32
      %dma_wait3A_1108 = arith.constant 0 : i32
      %dma_wait3A_1109 = tpu.memref_slice %arg6[%dma_wait3A_1107, %dma_wait3A_1108] : memref<416x64xf32, #tpu.memory_space<vmem>> -> memref<1x64xf32, #tpu.memory_space<vmem>>
      %dma_wait3A_1110 = arith.constant 0 : i32
      %dma_wait3A_1111 = arith.constant 0 : i32
      %dma_wait3A_1112 = tpu.memref_slice %arg3[%dma_wait3A_1099, %dma_wait3A_1110, %dma_wait3A_1111] : memref<2x500000x64xf32, #tpu.memory_space<hbm>> -> memref<1x1x64xf32, #tpu.memory_space<hbm>>
      %dma_wait3A_1113 = tpu.memref_squeeze %dma_wait3A_1112 : memref<1x1x64xf32, #tpu.memory_space<hbm>> -> memref<1x64xf32, #tpu.memory_space<hbm>>
      tpu.wait_dma2 semaphore(%arg7 : memref<!tpu.dma_semaphore, #tpu.memory_space<semaphore_mem>>) src(%dma_wait3A_1113 : memref<1x64xf32, #tpu.memory_space<hbm>>) dst(%dma_wait3A_1109 : memref<1x64xf32, #tpu.memory_space<vmem>>)
      %dma_wait3A_1114 = arith.constant 0 : i32
      %dma_wait3A_1115 = arith.constant 0 : i32
      %dma_wait3A_1116 = arith.constant 0 : i32
      %dma_wait3A_1117 = tpu.memref_slice %arg6[%dma_wait3A_1115, %dma_wait3A_1116] : memref<416x64xf32, #tpu.memory_space<vmem>> -> memref<1x64xf32, #tpu.memory_space<vmem>>
      %dma_wait3A_1118 = arith.constant 0 : i32
      %dma_wait3A_1119 = arith.constant 0 : i32
      %dma_wait3A_1120 = tpu.memref_slice %arg3[%dma_wait3A_1114, %dma_wait3A_1118, %dma_wait3A_1119] : memref<2x500000x64xf32, #tpu.memory_space<hbm>> -> memref<1x1x64xf32, #tpu.memory_space<hbm>>
      %dma_wait3A_1121 = tpu.memref_squeeze %dma_wait3A_1120 : memref<1x1x64xf32, #tpu.memory_space<hbm>> -> memref<1x64xf32, #tpu.memory_space<hbm>>
      %dma_wait3A_1122 = arith.constant 0 : i32
      %dma_wait3A_1123 = arith.constant 0 : i32
      %dma_wait3A_1124 = tpu.memref_slice %arg6[%dma_wait3A_1122, %dma_wait3A_1123] : memref<416x64xf32, #tpu.memory_space<vmem>> -> memref<1x64xf32, #tpu.memory_space<vmem>>
      %dma_wait3A_1125 = arith.constant 0 : i32
      %dma_wait3A_1126 = arith.constant 0 : i32
      %dma_wait3A_1127 = tpu.memref_slice %arg3[%dma_wait3A_1114, %dma_wait3A_1125, %dma_wait3A_1126] : memref<2x500000x64xf32, #tpu.memory_space<hbm>> -> memref<1x1x64xf32, #tpu.memory_space<hbm>>
      %dma_wait3A_1128 = tpu.memref_squeeze %dma_wait3A_1127 : memref<1x1x64xf32, #tpu.memory_space<hbm>> -> memref<1x64xf32, #tpu.memory_space<hbm>>
      tpu.wait_dma2 semaphore(%arg7 : memref<!tpu.dma_semaphore, #tpu.memory_space<semaphore_mem>>) src(%dma_wait3A_1128 : memref<1x64xf32, #tpu.memory_space<hbm>>) dst(%dma_wait3A_1124 : memref<1x64xf32, #tpu.memory_space<vmem>>)
      %dma_wait3A_1129 = arith.constant 0 : i32
      %dma_wait3A_1130 = arith.constant 0 : i32
      %dma_wait3A_1131 = arith.constant 0 : i32
      %dma_wait3A_1132 = tpu.memref_slice %arg6[%dma_wait3A_1130, %dma_wait3A_1131] : memref<416x64xf32, #tpu.memory_space<vmem>> -> memref<1x64xf32, #tpu.memory_space<vmem>>
      %dma_wait3A_1133 = arith.constant 0 : i32
      %dma_wait3A_1134 = arith.constant 0 : i32
      %dma_wait3A_1135 = tpu.memref_slice %arg3[%dma_wait3A_1129, %dma_wait3A_1133, %dma_wait3A_1134] : memref<2x500000x64xf32, #tpu.memory_space<hbm>> -> memref<1x1x64xf32, #tpu.memory_space<hbm>>
      %dma_wait3A_1136 = tpu.memref_squeeze %dma_wait3A_1135 : memref<1x1x64xf32, #tpu.memory_space<hbm>> -> memref<1x64xf32, #tpu.memory_space<hbm>>
      %dma_wait3A_1137 = arith.constant 0 : i32
      %dma_wait3A_1138 = arith.constant 0 : i32
      %dma_wait3A_1139 = tpu.memref_slice %arg6[%dma_wait3A_1137, %dma_wait3A_1138] : memref<416x64xf32, #tpu.memory_space<vmem>> -> memref<1x64xf32, #tpu.memory_space<vmem>>
      %dma_wait3A_1140 = arith.constant 0 : i32
      %dma_wait3A_1141 = arith.constant 0 : i32
      %dma_wait3A_1142 = tpu.memref_slice %arg3[%dma_wait3A_1129, %dma_wait3A_1140, %dma_wait3A_1141] : memref<2x500000x64xf32, #tpu.memory_space<hbm>> -> memref<1x1x64xf32, #tpu.memory_space<hbm>>
      %dma_wait3A_1143 = tpu.memref_squeeze %dma_wait3A_1142 : memref<1x1x64xf32, #tpu.memory_space<hbm>> -> memref<1x64xf32, #tpu.memory_space<hbm>>
      tpu.wait_dma2 semaphore(%arg7 : memref<!tpu.dma_semaphore, #tpu.memory_space<semaphore_mem>>) src(%dma_wait3A_1143 : memref<1x64xf32, #tpu.memory_space<hbm>>) dst(%dma_wait3A_1139 : memref<1x64xf32, #tpu.memory_space<vmem>>)
      %dma_wait3A_1144 = arith.constant 0 : i32
      %dma_wait3A_1145 = arith.constant 0 : i32
      %dma_wait3A_1146 = arith.constant 0 : i32
      %dma_wait3A_1147 = tpu.memref_slice %arg6[%dma_wait3A_1145, %dma_wait3A_1146] : memref<416x64xf32, #tpu.memory_space<vmem>> -> memref<1x64xf32, #tpu.memory_space<vmem>>
      %dma_wait3A_1148 = arith.constant 0 : i32
      %dma_wait3A_1149 = arith.constant 0 : i32
      %dma_wait3A_1150 = tpu.memref_slice %arg3[%dma_wait3A_1144, %dma_wait3A_1148, %dma_wait3A_1149] : memref<2x500000x64xf32, #tpu.memory_space<hbm>> -> memref<1x1x64xf32, #tpu.memory_space<hbm>>
      %dma_wait3A_1151 = tpu.memref_squeeze %dma_wait3A_1150 : memref<1x1x64xf32, #tpu.memory_space<hbm>> -> memref<1x64xf32, #tpu.memory_space<hbm>>
      %dma_wait3A_1152 = arith.constant 0 : i32
      %dma_wait3A_1153 = arith.constant 0 : i32
      %dma_wait3A_1154 = tpu.memref_slice %arg6[%dma_wait3A_1152, %dma_wait3A_1153] : memref<416x64xf32, #tpu.memory_space<vmem>> -> memref<1x64xf32, #tpu.memory_space<vmem>>
      %dma_wait3A_1155 = arith.constant 0 : i32
      %dma_wait3A_1156 = arith.constant 0 : i32
      %dma_wait3A_1157 = tpu.memref_slice %arg3[%dma_wait3A_1144, %dma_wait3A_1155, %dma_wait3A_1156] : memref<2x500000x64xf32, #tpu.memory_space<hbm>> -> memref<1x1x64xf32, #tpu.memory_space<hbm>>
      %dma_wait3A_1158 = tpu.memref_squeeze %dma_wait3A_1157 : memref<1x1x64xf32, #tpu.memory_space<hbm>> -> memref<1x64xf32, #tpu.memory_space<hbm>>
      tpu.wait_dma2 semaphore(%arg7 : memref<!tpu.dma_semaphore, #tpu.memory_space<semaphore_mem>>) src(%dma_wait3A_1158 : memref<1x64xf32, #tpu.memory_space<hbm>>) dst(%dma_wait3A_1154 : memref<1x64xf32, #tpu.memory_space<vmem>>)
      %dma_wait3A_1159 = arith.constant 0 : i32
      %dma_wait3A_1160 = arith.constant 0 : i32
      %dma_wait3A_1161 = arith.constant 0 : i32
      %dma_wait3A_1162 = tpu.memref_slice %arg6[%dma_wait3A_1160, %dma_wait3A_1161] : memref<416x64xf32, #tpu.memory_space<vmem>> -> memref<1x64xf32, #tpu.memory_space<vmem>>
      %dma_wait3A_1163 = arith.constant 0 : i32
      %dma_wait3A_1164 = arith.constant 0 : i32
      %dma_wait3A_1165 = tpu.memref_slice %arg3[%dma_wait3A_1159, %dma_wait3A_1163, %dma_wait3A_1164] : memref<2x500000x64xf32, #tpu.memory_space<hbm>> -> memref<1x1x64xf32, #tpu.memory_space<hbm>>
      %dma_wait3A_1166 = tpu.memref_squeeze %dma_wait3A_1165 : memref<1x1x64xf32, #tpu.memory_space<hbm>> -> memref<1x64xf32, #tpu.memory_space<hbm>>
      %dma_wait3A_1167 = arith.constant 0 : i32
      %dma_wait3A_1168 = arith.constant 0 : i32
      %dma_wait3A_1169 = tpu.memref_slice %arg6[%dma_wait3A_1167, %dma_wait3A_1168] : memref<416x64xf32, #tpu.memory_space<vmem>> -> memref<1x64xf32, #tpu.memory_space<vmem>>
      %dma_wait3A_1170 = arith.constant 0 : i32
      %dma_wait3A_1171 = arith.constant 0 : i32
      %dma_wait3A_1172 = tpu.memref_slice %arg3[%dma_wait3A_1159, %dma_wait3A_1170, %dma_wait3A_1171] : memref<2x500000x64xf32, #tpu.memory_space<hbm>> -> memref<1x1x64xf32, #tpu.memory_space<hbm>>
      %dma_wait3A_1173 = tpu.memref_squeeze %dma_wait3A_1172 : memref<1x1x64xf32, #tpu.memory_space<hbm>> -> memref<1x64xf32, #tpu.memory_space<hbm>>
      tpu.wait_dma2 semaphore(%arg7 : memref<!tpu.dma_semaphore, #tpu.memory_space<semaphore_mem>>) src(%dma_wait3A_1173 : memref<1x64xf32, #tpu.memory_space<hbm>>) dst(%dma_wait3A_1169 : memref<1x64xf32, #tpu.memory_space<vmem>>)
      %dma_wait3A_1174 = arith.constant 0 : i32
      %dma_wait3A_1175 = arith.constant 0 : i32
      %dma_wait3A_1176 = arith.constant 0 : i32
      %dma_wait3A_1177 = tpu.memref_slice %arg6[%dma_wait3A_1175, %dma_wait3A_1176] : memref<416x64xf32, #tpu.memory_space<vmem>> -> memref<1x64xf32, #tpu.memory_space<vmem>>
      %dma_wait3A_1178 = arith.constant 0 : i32
      %dma_wait3A_1179 = arith.constant 0 : i32
      %dma_wait3A_1180 = tpu.memref_slice %arg3[%dma_wait3A_1174, %dma_wait3A_1178, %dma_wait3A_1179] : memref<2x500000x64xf32, #tpu.memory_space<hbm>> -> memref<1x1x64xf32, #tpu.memory_space<hbm>>
      %dma_wait3A_1181 = tpu.memref_squeeze %dma_wait3A_1180 : memref<1x1x64xf32, #tpu.memory_space<hbm>> -> memref<1x64xf32, #tpu.memory_space<hbm>>
      %dma_wait3A_1182 = arith.constant 0 : i32
      %dma_wait3A_1183 = arith.constant 0 : i32
      %dma_wait3A_1184 = tpu.memref_slice %arg6[%dma_wait3A_1182, %dma_wait3A_1183] : memref<416x64xf32, #tpu.memory_space<vmem>> -> memref<1x64xf32, #tpu.memory_space<vmem>>
      %dma_wait3A_1185 = arith.constant 0 : i32
      %dma_wait3A_1186 = arith.constant 0 : i32
      %dma_wait3A_1187 = tpu.memref_slice %arg3[%dma_wait3A_1174, %dma_wait3A_1185, %dma_wait3A_1186] : memref<2x500000x64xf32, #tpu.memory_space<hbm>> -> memref<1x1x64xf32, #tpu.memory_space<hbm>>
      %dma_wait3A_1188 = tpu.memref_squeeze %dma_wait3A_1187 : memref<1x1x64xf32, #tpu.memory_space<hbm>> -> memref<1x64xf32, #tpu.memory_space<hbm>>
      tpu.wait_dma2 semaphore(%arg7 : memref<!tpu.dma_semaphore, #tpu.memory_space<semaphore_mem>>) src(%dma_wait3A_1188 : memref<1x64xf32, #tpu.memory_space<hbm>>) dst(%dma_wait3A_1184 : memref<1x64xf32, #tpu.memory_space<vmem>>)
      %dma_wait3A_1189 = arith.constant 0 : i32
      %dma_wait3A_1190 = arith.constant 0 : i32
      %dma_wait3A_1191 = arith.constant 0 : i32
      %dma_wait3A_1192 = tpu.memref_slice %arg6[%dma_wait3A_1190, %dma_wait3A_1191] : memref<416x64xf32, #tpu.memory_space<vmem>> -> memref<1x64xf32, #tpu.memory_space<vmem>>
      %dma_wait3A_1193 = arith.constant 0 : i32
      %dma_wait3A_1194 = arith.constant 0 : i32
      %dma_wait3A_1195 = tpu.memref_slice %arg3[%dma_wait3A_1189, %dma_wait3A_1193, %dma_wait3A_1194] : memref<2x500000x64xf32, #tpu.memory_space<hbm>> -> memref<1x1x64xf32, #tpu.memory_space<hbm>>
      %dma_wait3A_1196 = tpu.memref_squeeze %dma_wait3A_1195 : memref<1x1x64xf32, #tpu.memory_space<hbm>> -> memref<1x64xf32, #tpu.memory_space<hbm>>
      %dma_wait3A_1197 = arith.constant 0 : i32
      %dma_wait3A_1198 = arith.constant 0 : i32
      %dma_wait3A_1199 = tpu.memref_slice %arg6[%dma_wait3A_1197, %dma_wait3A_1198] : memref<416x64xf32, #tpu.memory_space<vmem>> -> memref<1x64xf32, #tpu.memory_space<vmem>>
      %dma_wait3A_1200 = arith.constant 0 : i32
      %dma_wait3A_1201 = arith.constant 0 : i32
      %dma_wait3A_1202 = tpu.memref_slice %arg3[%dma_wait3A_1189, %dma_wait3A_1200, %dma_wait3A_1201] : memref<2x500000x64xf32, #tpu.memory_space<hbm>> -> memref<1x1x64xf32, #tpu.memory_space<hbm>>
      %dma_wait3A_1203 = tpu.memref_squeeze %dma_wait3A_1202 : memref<1x1x64xf32, #tpu.memory_space<hbm>> -> memref<1x64xf32, #tpu.memory_space<hbm>>
      tpu.wait_dma2 semaphore(%arg7 : memref<!tpu.dma_semaphore, #tpu.memory_space<semaphore_mem>>) src(%dma_wait3A_1203 : memref<1x64xf32, #tpu.memory_space<hbm>>) dst(%dma_wait3A_1199 : memref<1x64xf32, #tpu.memory_space<vmem>>)
      %dma_wait3A_1204 = arith.constant 0 : i32
      %dma_wait3A_1205 = arith.constant 0 : i32
      %dma_wait3A_1206 = arith.constant 0 : i32
      %dma_wait3A_1207 = tpu.memref_slice %arg6[%dma_wait3A_1205, %dma_wait3A_1206] : memref<416x64xf32, #tpu.memory_space<vmem>> -> memref<1x64xf32, #tpu.memory_space<vmem>>
      %dma_wait3A_1208 = arith.constant 0 : i32
      %dma_wait3A_1209 = arith.constant 0 : i32
      %dma_wait3A_1210 = tpu.memref_slice %arg3[%dma_wait3A_1204, %dma_wait3A_1208, %dma_wait3A_1209] : memref<2x500000x64xf32, #tpu.memory_space<hbm>> -> memref<1x1x64xf32, #tpu.memory_space<hbm>>
      %dma_wait3A_1211 = tpu.memref_squeeze %dma_wait3A_1210 : memref<1x1x64xf32, #tpu.memory_space<hbm>> -> memref<1x64xf32, #tpu.memory_space<hbm>>
      %dma_wait3A_1212 = arith.constant 0 : i32
      %dma_wait3A_1213 = arith.constant 0 : i32
      %dma_wait3A_1214 = tpu.memref_slice %arg6[%dma_wait3A_1212, %dma_wait3A_1213] : memref<416x64xf32, #tpu.memory_space<vmem>> -> memref<1x64xf32, #tpu.memory_space<vmem>>
      %dma_wait3A_1215 = arith.constant 0 : i32
      %dma_wait3A_1216 = arith.constant 0 : i32
      %dma_wait3A_1217 = tpu.memref_slice %arg3[%dma_wait3A_1204, %dma_wait3A_1215, %dma_wait3A_1216] : memref<2x500000x64xf32, #tpu.memory_space<hbm>> -> memref<1x1x64xf32, #tpu.memory_space<hbm>>
      %dma_wait3A_1218 = tpu.memref_squeeze %dma_wait3A_1217 : memref<1x1x64xf32, #tpu.memory_space<hbm>> -> memref<1x64xf32, #tpu.memory_space<hbm>>
      tpu.wait_dma2 semaphore(%arg7 : memref<!tpu.dma_semaphore, #tpu.memory_space<semaphore_mem>>) src(%dma_wait3A_1218 : memref<1x64xf32, #tpu.memory_space<hbm>>) dst(%dma_wait3A_1214 : memref<1x64xf32, #tpu.memory_space<vmem>>)
      %dma_wait3A_1219 = arith.constant 0 : i32
      %dma_wait3A_1220 = arith.constant 0 : i32
      %dma_wait3A_1221 = arith.constant 0 : i32
      %dma_wait3A_1222 = tpu.memref_slice %arg6[%dma_wait3A_1220, %dma_wait3A_1221] : memref<416x64xf32, #tpu.memory_space<vmem>> -> memref<1x64xf32, #tpu.memory_space<vmem>>
      %dma_wait3A_1223 = arith.constant 0 : i32
      %dma_wait3A_1224 = arith.constant 0 : i32
      %dma_wait3A_1225 = tpu.memref_slice %arg3[%dma_wait3A_1219, %dma_wait3A_1223, %dma_wait3A_1224] : memref<2x500000x64xf32, #tpu.memory_space<hbm>> -> memref<1x1x64xf32, #tpu.memory_space<hbm>>
      %dma_wait3A_1226 = tpu.memref_squeeze %dma_wait3A_1225 : memref<1x1x64xf32, #tpu.memory_space<hbm>> -> memref<1x64xf32, #tpu.memory_space<hbm>>
      %dma_wait3A_1227 = arith.constant 0 : i32
      %dma_wait3A_1228 = arith.constant 0 : i32
      %dma_wait3A_1229 = tpu.memref_slice %arg6[%dma_wait3A_1227, %dma_wait3A_1228] : memref<416x64xf32, #tpu.memory_space<vmem>> -> memref<1x64xf32, #tpu.memory_space<vmem>>
      %dma_wait3A_1230 = arith.constant 0 : i32
      %dma_wait3A_1231 = arith.constant 0 : i32
      %dma_wait3A_1232 = tpu.memref_slice %arg3[%dma_wait3A_1219, %dma_wait3A_1230, %dma_wait3A_1231] : memref<2x500000x64xf32, #tpu.memory_space<hbm>> -> memref<1x1x64xf32, #tpu.memory_space<hbm>>
      %dma_wait3A_1233 = tpu.memref_squeeze %dma_wait3A_1232 : memref<1x1x64xf32, #tpu.memory_space<hbm>> -> memref<1x64xf32, #tpu.memory_space<hbm>>
      tpu.wait_dma2 semaphore(%arg7 : memref<!tpu.dma_semaphore, #tpu.memory_space<semaphore_mem>>) src(%dma_wait3A_1233 : memref<1x64xf32, #tpu.memory_space<hbm>>) dst(%dma_wait3A_1229 : memref<1x64xf32, #tpu.memory_space<vmem>>)
      %dma_wait3A_1234 = arith.constant 0 : i32
      %dma_wait3A_1235 = arith.constant 0 : i32
      %dma_wait3A_1236 = arith.constant 0 : i32
      %dma_wait3A_1237 = tpu.memref_slice %arg6[%dma_wait3A_1235, %dma_wait3A_1236] : memref<416x64xf32, #tpu.memory_space<vmem>> -> memref<1x64xf32, #tpu.memory_space<vmem>>
      %dma_wait3A_1238 = arith.constant 0 : i32
      %dma_wait3A_1239 = arith.constant 0 : i32
      %dma_wait3A_1240 = tpu.memref_slice %arg3[%dma_wait3A_1234, %dma_wait3A_1238, %dma_wait3A_1239] : memref<2x500000x64xf32, #tpu.memory_space<hbm>> -> memref<1x1x64xf32, #tpu.memory_space<hbm>>
      %dma_wait3A_1241 = tpu.memref_squeeze %dma_wait3A_1240 : memref<1x1x64xf32, #tpu.memory_space<hbm>> -> memref<1x64xf32, #tpu.memory_space<hbm>>
      %dma_wait3A_1242 = arith.constant 0 : i32
      %dma_wait3A_1243 = arith.constant 0 : i32
      %dma_wait3A_1244 = tpu.memref_slice %arg6[%dma_wait3A_1242, %dma_wait3A_1243] : memref<416x64xf32, #tpu.memory_space<vmem>> -> memref<1x64xf32, #tpu.memory_space<vmem>>
      %dma_wait3A_1245 = arith.constant 0 : i32
      %dma_wait3A_1246 = arith.constant 0 : i32
      %dma_wait3A_1247 = tpu.memref_slice %arg3[%dma_wait3A_1234, %dma_wait3A_1245, %dma_wait3A_1246] : memref<2x500000x64xf32, #tpu.memory_space<hbm>> -> memref<1x1x64xf32, #tpu.memory_space<hbm>>
      %dma_wait3A_1248 = tpu.memref_squeeze %dma_wait3A_1247 : memref<1x1x64xf32, #tpu.memory_space<hbm>> -> memref<1x64xf32, #tpu.memory_space<hbm>>
      tpu.wait_dma2 semaphore(%arg7 : memref<!tpu.dma_semaphore, #tpu.memory_space<semaphore_mem>>) src(%dma_wait3A_1248 : memref<1x64xf32, #tpu.memory_space<hbm>>) dst(%dma_wait3A_1244 : memref<1x64xf32, #tpu.memory_space<vmem>>)
      %dma_wait3A_1249 = arith.constant 0 : i32
      %dma_wait3A_1250 = arith.constant 0 : i32
      %dma_wait3A_1251 = arith.constant 0 : i32
      %dma_wait3A_1252 = tpu.memref_slice %arg6[%dma_wait3A_1250, %dma_wait3A_1251] : memref<416x64xf32, #tpu.memory_space<vmem>> -> memref<1x64xf32, #tpu.memory_space<vmem>>
      %dma_wait3A_1253 = arith.constant 0 : i32
      %dma_wait3A_1254 = arith.constant 0 : i32
      %dma_wait3A_1255 = tpu.memref_slice %arg3[%dma_wait3A_1249, %dma_wait3A_1253, %dma_wait3A_1254] : memref<2x500000x64xf32, #tpu.memory_space<hbm>> -> memref<1x1x64xf32, #tpu.memory_space<hbm>>
      %dma_wait3A_1256 = tpu.memref_squeeze %dma_wait3A_1255 : memref<1x1x64xf32, #tpu.memory_space<hbm>> -> memref<1x64xf32, #tpu.memory_space<hbm>>
      %dma_wait3A_1257 = arith.constant 0 : i32
      %dma_wait3A_1258 = arith.constant 0 : i32
      %dma_wait3A_1259 = tpu.memref_slice %arg6[%dma_wait3A_1257, %dma_wait3A_1258] : memref<416x64xf32, #tpu.memory_space<vmem>> -> memref<1x64xf32, #tpu.memory_space<vmem>>
      %dma_wait3A_1260 = arith.constant 0 : i32
      %dma_wait3A_1261 = arith.constant 0 : i32
      %dma_wait3A_1262 = tpu.memref_slice %arg3[%dma_wait3A_1249, %dma_wait3A_1260, %dma_wait3A_1261] : memref<2x500000x64xf32, #tpu.memory_space<hbm>> -> memref<1x1x64xf32, #tpu.memory_space<hbm>>
      %dma_wait3A_1263 = tpu.memref_squeeze %dma_wait3A_1262 : memref<1x1x64xf32, #tpu.memory_space<hbm>> -> memref<1x64xf32, #tpu.memory_space<hbm>>
      tpu.wait_dma2 semaphore(%arg7 : memref<!tpu.dma_semaphore, #tpu.memory_space<semaphore_mem>>) src(%dma_wait3A_1263 : memref<1x64xf32, #tpu.memory_space<hbm>>) dst(%dma_wait3A_1259 : memref<1x64xf32, #tpu.memory_space<vmem>>)
      %dma_wait3A_1264 = arith.constant 0 : i32
      %dma_wait3A_1265 = arith.constant 0 : i32
      %dma_wait3A_1266 = arith.constant 0 : i32
      %dma_wait3A_1267 = tpu.memref_slice %arg6[%dma_wait3A_1265, %dma_wait3A_1266] : memref<416x64xf32, #tpu.memory_space<vmem>> -> memref<1x64xf32, #tpu.memory_space<vmem>>
      %dma_wait3A_1268 = arith.constant 0 : i32
      %dma_wait3A_1269 = arith.constant 0 : i32
      %dma_wait3A_1270 = tpu.memref_slice %arg3[%dma_wait3A_1264, %dma_wait3A_1268, %dma_wait3A_1269] : memref<2x500000x64xf32, #tpu.memory_space<hbm>> -> memref<1x1x64xf32, #tpu.memory_space<hbm>>
      %dma_wait3A_1271 = tpu.memref_squeeze %dma_wait3A_1270 : memref<1x1x64xf32, #tpu.memory_space<hbm>> -> memref<1x64xf32, #tpu.memory_space<hbm>>
      %dma_wait3A_1272 = arith.constant 0 : i32
      %dma_wait3A_1273 = arith.constant 0 : i32
      %dma_wait3A_1274 = tpu.memref_slice %arg6[%dma_wait3A_1272, %dma_wait3A_1273] : memref<416x64xf32, #tpu.memory_space<vmem>> -> memref<1x64xf32, #tpu.memory_space<vmem>>
      %dma_wait3A_1275 = arith.constant 0 : i32
      %dma_wait3A_1276 = arith.constant 0 : i32
      %dma_wait3A_1277 = tpu.memref_slice %arg3[%dma_wait3A_1264, %dma_wait3A_1275, %dma_wait3A_1276] : memref<2x500000x64xf32, #tpu.memory_space<hbm>> -> memref<1x1x64xf32, #tpu.memory_space<hbm>>
      %dma_wait3A_1278 = tpu.memref_squeeze %dma_wait3A_1277 : memref<1x1x64xf32, #tpu.memory_space<hbm>> -> memref<1x64xf32, #tpu.memory_space<hbm>>
      tpu.wait_dma2 semaphore(%arg7 : memref<!tpu.dma_semaphore, #tpu.memory_space<semaphore_mem>>) src(%dma_wait3A_1278 : memref<1x64xf32, #tpu.memory_space<hbm>>) dst(%dma_wait3A_1274 : memref<1x64xf32, #tpu.memory_space<vmem>>)
      %dma_wait3A_1279 = arith.constant 0 : i32
      %dma_wait3A_1280 = arith.constant 0 : i32
      %dma_wait3A_1281 = arith.constant 0 : i32
      %dma_wait3A_1282 = tpu.memref_slice %arg6[%dma_wait3A_1280, %dma_wait3A_1281] : memref<416x64xf32, #tpu.memory_space<vmem>> -> memref<1x64xf32, #tpu.memory_space<vmem>>
      %dma_wait3A_1283 = arith.constant 0 : i32
      %dma_wait3A_1284 = arith.constant 0 : i32
      %dma_wait3A_1285 = tpu.memref_slice %arg3[%dma_wait3A_1279, %dma_wait3A_1283, %dma_wait3A_1284] : memref<2x500000x64xf32, #tpu.memory_space<hbm>> -> memref<1x1x64xf32, #tpu.memory_space<hbm>>
      %dma_wait3A_1286 = tpu.memref_squeeze %dma_wait3A_1285 : memref<1x1x64xf32, #tpu.memory_space<hbm>> -> memref<1x64xf32, #tpu.memory_space<hbm>>
      %dma_wait3A_1287 = arith.constant 0 : i32
      %dma_wait3A_1288 = arith.constant 0 : i32
      %dma_wait3A_1289 = tpu.memref_slice %arg6[%dma_wait3A_1287, %dma_wait3A_1288] : memref<416x64xf32, #tpu.memory_space<vmem>> -> memref<1x64xf32, #tpu.memory_space<vmem>>
      %dma_wait3A_1290 = arith.constant 0 : i32
      %dma_wait3A_1291 = arith.constant 0 : i32
      %dma_wait3A_1292 = tpu.memref_slice %arg3[%dma_wait3A_1279, %dma_wait3A_1290, %dma_wait3A_1291] : memref<2x500000x64xf32, #tpu.memory_space<hbm>> -> memref<1x1x64xf32, #tpu.memory_space<hbm>>
      %dma_wait3A_1293 = tpu.memref_squeeze %dma_wait3A_1292 : memref<1x1x64xf32, #tpu.memory_space<hbm>> -> memref<1x64xf32, #tpu.memory_space<hbm>>
      tpu.wait_dma2 semaphore(%arg7 : memref<!tpu.dma_semaphore, #tpu.memory_space<semaphore_mem>>) src(%dma_wait3A_1293 : memref<1x64xf32, #tpu.memory_space<hbm>>) dst(%dma_wait3A_1289 : memref<1x64xf32, #tpu.memory_space<vmem>>)
      %dma_wait3A_1294 = arith.constant 0 : i32
      %dma_wait3A_1295 = arith.constant 0 : i32
      %dma_wait3A_1296 = arith.constant 0 : i32
      %dma_wait3A_1297 = tpu.memref_slice %arg6[%dma_wait3A_1295, %dma_wait3A_1296] : memref<416x64xf32, #tpu.memory_space<vmem>> -> memref<1x64xf32, #tpu.memory_space<vmem>>
      %dma_wait3A_1298 = arith.constant 0 : i32
      %dma_wait3A_1299 = arith.constant 0 : i32
      %dma_wait3A_1300 = tpu.memref_slice %arg3[%dma_wait3A_1294, %dma_wait3A_1298, %dma_wait3A_1299] : memref<2x500000x64xf32, #tpu.memory_space<hbm>> -> memref<1x1x64xf32, #tpu.memory_space<hbm>>
      %dma_wait3A_1301 = tpu.memref_squeeze %dma_wait3A_1300 : memref<1x1x64xf32, #tpu.memory_space<hbm>> -> memref<1x64xf32, #tpu.memory_space<hbm>>
      %dma_wait3A_1302 = arith.constant 0 : i32
      %dma_wait3A_1303 = arith.constant 0 : i32
      %dma_wait3A_1304 = tpu.memref_slice %arg6[%dma_wait3A_1302, %dma_wait3A_1303] : memref<416x64xf32, #tpu.memory_space<vmem>> -> memref<1x64xf32, #tpu.memory_space<vmem>>
      %dma_wait3A_1305 = arith.constant 0 : i32
      %dma_wait3A_1306 = arith.constant 0 : i32
      %dma_wait3A_1307 = tpu.memref_slice %arg3[%dma_wait3A_1294, %dma_wait3A_1305, %dma_wait3A_1306] : memref<2x500000x64xf32, #tpu.memory_space<hbm>> -> memref<1x1x64xf32, #tpu.memory_space<hbm>>
      %dma_wait3A_1308 = tpu.memref_squeeze %dma_wait3A_1307 : memref<1x1x64xf32, #tpu.memory_space<hbm>> -> memref<1x64xf32, #tpu.memory_space<hbm>>
      tpu.wait_dma2 semaphore(%arg7 : memref<!tpu.dma_semaphore, #tpu.memory_space<semaphore_mem>>) src(%dma_wait3A_1308 : memref<1x64xf32, #tpu.memory_space<hbm>>) dst(%dma_wait3A_1304 : memref<1x64xf32, #tpu.memory_space<vmem>>)
      %dma_wait3A_1309 = arith.constant 0 : i32
      %dma_wait3A_1310 = arith.constant 0 : i32
      %dma_wait3A_1311 = arith.constant 0 : i32
      %dma_wait3A_1312 = tpu.memref_slice %arg6[%dma_wait3A_1310, %dma_wait3A_1311] : memref<416x64xf32, #tpu.memory_space<vmem>> -> memref<1x64xf32, #tpu.memory_space<vmem>>
      %dma_wait3A_1313 = arith.constant 0 : i32
      %dma_wait3A_1314 = arith.constant 0 : i32
      %dma_wait3A_1315 = tpu.memref_slice %arg3[%dma_wait3A_1309, %dma_wait3A_1313, %dma_wait3A_1314] : memref<2x500000x64xf32, #tpu.memory_space<hbm>> -> memref<1x1x64xf32, #tpu.memory_space<hbm>>
      %dma_wait3A_1316 = tpu.memref_squeeze %dma_wait3A_1315 : memref<1x1x64xf32, #tpu.memory_space<hbm>> -> memref<1x64xf32, #tpu.memory_space<hbm>>
      %dma_wait3A_1317 = arith.constant 0 : i32
      %dma_wait3A_1318 = arith.constant 0 : i32
      %dma_wait3A_1319 = tpu.memref_slice %arg6[%dma_wait3A_1317, %dma_wait3A_1318] : memref<416x64xf32, #tpu.memory_space<vmem>> -> memref<1x64xf32, #tpu.memory_space<vmem>>
      %dma_wait3A_1320 = arith.constant 0 : i32
      %dma_wait3A_1321 = arith.constant 0 : i32
      %dma_wait3A_1322 = tpu.memref_slice %arg3[%dma_wait3A_1309, %dma_wait3A_1320, %dma_wait3A_1321] : memref<2x500000x64xf32, #tpu.memory_space<hbm>> -> memref<1x1x64xf32, #tpu.memory_space<hbm>>
      %dma_wait3A_1323 = tpu.memref_squeeze %dma_wait3A_1322 : memref<1x1x64xf32, #tpu.memory_space<hbm>> -> memref<1x64xf32, #tpu.memory_space<hbm>>
      tpu.wait_dma2 semaphore(%arg7 : memref<!tpu.dma_semaphore, #tpu.memory_space<semaphore_mem>>) src(%dma_wait3A_1323 : memref<1x64xf32, #tpu.memory_space<hbm>>) dst(%dma_wait3A_1319 : memref<1x64xf32, #tpu.memory_space<vmem>>)
      %dma_wait3A_1324 = arith.constant 0 : i32
      %dma_wait3A_1325 = arith.constant 0 : i32
      %dma_wait3A_1326 = arith.constant 0 : i32
      %dma_wait3A_1327 = tpu.memref_slice %arg6[%dma_wait3A_1325, %dma_wait3A_1326] : memref<416x64xf32, #tpu.memory_space<vmem>> -> memref<1x64xf32, #tpu.memory_space<vmem>>
      %dma_wait3A_1328 = arith.constant 0 : i32
      %dma_wait3A_1329 = arith.constant 0 : i32
      %dma_wait3A_1330 = tpu.memref_slice %arg3[%dma_wait3A_1324, %dma_wait3A_1328, %dma_wait3A_1329] : memref<2x500000x64xf32, #tpu.memory_space<hbm>> -> memref<1x1x64xf32, #tpu.memory_space<hbm>>
      %dma_wait3A_1331 = tpu.memref_squeeze %dma_wait3A_1330 : memref<1x1x64xf32, #tpu.memory_space<hbm>> -> memref<1x64xf32, #tpu.memory_space<hbm>>
      %dma_wait3A_1332 = arith.constant 0 : i32
      %dma_wait3A_1333 = arith.constant 0 : i32
      %dma_wait3A_1334 = tpu.memref_slice %arg6[%dma_wait3A_1332, %dma_wait3A_1333] : memref<416x64xf32, #tpu.memory_space<vmem>> -> memref<1x64xf32, #tpu.memory_space<vmem>>
      %dma_wait3A_1335 = arith.constant 0 : i32
      %dma_wait3A_1336 = arith.constant 0 : i32
      %dma_wait3A_1337 = tpu.memref_slice %arg3[%dma_wait3A_1324, %dma_wait3A_1335, %dma_wait3A_1336] : memref<2x500000x64xf32, #tpu.memory_space<hbm>> -> memref<1x1x64xf32, #tpu.memory_space<hbm>>
      %dma_wait3A_1338 = tpu.memref_squeeze %dma_wait3A_1337 : memref<1x1x64xf32, #tpu.memory_space<hbm>> -> memref<1x64xf32, #tpu.memory_space<hbm>>
      tpu.wait_dma2 semaphore(%arg7 : memref<!tpu.dma_semaphore, #tpu.memory_space<semaphore_mem>>) src(%dma_wait3A_1338 : memref<1x64xf32, #tpu.memory_space<hbm>>) dst(%dma_wait3A_1334 : memref<1x64xf32, #tpu.memory_space<vmem>>)
      %dma_wait3A_1339 = arith.constant 0 : i32
      %dma_wait3A_1340 = arith.constant 0 : i32
      %dma_wait3A_1341 = arith.constant 0 : i32
      %dma_wait3A_1342 = tpu.memref_slice %arg6[%dma_wait3A_1340, %dma_wait3A_1341] : memref<416x64xf32, #tpu.memory_space<vmem>> -> memref<1x64xf32, #tpu.memory_space<vmem>>
      %dma_wait3A_1343 = arith.constant 0 : i32
      %dma_wait3A_1344 = arith.constant 0 : i32
      %dma_wait3A_1345 = tpu.memref_slice %arg3[%dma_wait3A_1339, %dma_wait3A_1343, %dma_wait3A_1344] : memref<2x500000x64xf32, #tpu.memory_space<hbm>> -> memref<1x1x64xf32, #tpu.memory_space<hbm>>
      %dma_wait3A_1346 = tpu.memref_squeeze %dma_wait3A_1345 : memref<1x1x64xf32, #tpu.memory_space<hbm>> -> memref<1x64xf32, #tpu.memory_space<hbm>>
      %dma_wait3A_1347 = arith.constant 0 : i32
      %dma_wait3A_1348 = arith.constant 0 : i32
      %dma_wait3A_1349 = tpu.memref_slice %arg6[%dma_wait3A_1347, %dma_wait3A_1348] : memref<416x64xf32, #tpu.memory_space<vmem>> -> memref<1x64xf32, #tpu.memory_space<vmem>>
      %dma_wait3A_1350 = arith.constant 0 : i32
      %dma_wait3A_1351 = arith.constant 0 : i32
      %dma_wait3A_1352 = tpu.memref_slice %arg3[%dma_wait3A_1339, %dma_wait3A_1350, %dma_wait3A_1351] : memref<2x500000x64xf32, #tpu.memory_space<hbm>> -> memref<1x1x64xf32, #tpu.memory_space<hbm>>
      %dma_wait3A_1353 = tpu.memref_squeeze %dma_wait3A_1352 : memref<1x1x64xf32, #tpu.memory_space<hbm>> -> memref<1x64xf32, #tpu.memory_space<hbm>>
      tpu.wait_dma2 semaphore(%arg7 : memref<!tpu.dma_semaphore, #tpu.memory_space<semaphore_mem>>) src(%dma_wait3A_1353 : memref<1x64xf32, #tpu.memory_space<hbm>>) dst(%dma_wait3A_1349 : memref<1x64xf32, #tpu.memory_space<vmem>>)
      %dma_wait3A_1354 = arith.constant 0 : i32
      %dma_wait3A_1355 = arith.constant 0 : i32
      %dma_wait3A_1356 = arith.constant 0 : i32
      %dma_wait3A_1357 = tpu.memref_slice %arg6[%dma_wait3A_1355, %dma_wait3A_1356] : memref<416x64xf32, #tpu.memory_space<vmem>> -> memref<1x64xf32, #tpu.memory_space<vmem>>
      %dma_wait3A_1358 = arith.constant 0 : i32
      %dma_wait3A_1359 = arith.constant 0 : i32
      %dma_wait3A_1360 = tpu.memref_slice %arg3[%dma_wait3A_1354, %dma_wait3A_1358, %dma_wait3A_1359] : memref<2x500000x64xf32, #tpu.memory_space<hbm>> -> memref<1x1x64xf32, #tpu.memory_space<hbm>>
      %dma_wait3A_1361 = tpu.memref_squeeze %dma_wait3A_1360 : memref<1x1x64xf32, #tpu.memory_space<hbm>> -> memref<1x64xf32, #tpu.memory_space<hbm>>
      %dma_wait3A_1362 = arith.constant 0 : i32
      %dma_wait3A_1363 = arith.constant 0 : i32
      %dma_wait3A_1364 = tpu.memref_slice %arg6[%dma_wait3A_1362, %dma_wait3A_1363] : memref<416x64xf32, #tpu.memory_space<vmem>> -> memref<1x64xf32, #tpu.memory_space<vmem>>
      %dma_wait3A_1365 = arith.constant 0 : i32
      %dma_wait3A_1366 = arith.constant 0 : i32
      %dma_wait3A_1367 = tpu.memref_slice %arg3[%dma_wait3A_1354, %dma_wait3A_1365, %dma_wait3A_1366] : memref<2x500000x64xf32, #tpu.memory_space<hbm>> -> memref<1x1x64xf32, #tpu.memory_space<hbm>>
      %dma_wait3A_1368 = tpu.memref_squeeze %dma_wait3A_1367 : memref<1x1x64xf32, #tpu.memory_space<hbm>> -> memref<1x64xf32, #tpu.memory_space<hbm>>
      tpu.wait_dma2 semaphore(%arg7 : memref<!tpu.dma_semaphore, #tpu.memory_space<semaphore_mem>>) src(%dma_wait3A_1368 : memref<1x64xf32, #tpu.memory_space<hbm>>) dst(%dma_wait3A_1364 : memref<1x64xf32, #tpu.memory_space<vmem>>)
      %dma_wait3A_1369 = arith.constant 0 : i32
      %dma_wait3A_1370 = arith.constant 0 : i32
      %dma_wait3A_1371 = arith.constant 0 : i32
      %dma_wait3A_1372 = tpu.memref_slice %arg6[%dma_wait3A_1370, %dma_wait3A_1371] : memref<416x64xf32, #tpu.memory_space<vmem>> -> memref<1x64xf32, #tpu.memory_space<vmem>>
      %dma_wait3A_1373 = arith.constant 0 : i32
      %dma_wait3A_1374 = arith.constant 0 : i32
      %dma_wait3A_1375 = tpu.memref_slice %arg3[%dma_wait3A_1369, %dma_wait3A_1373, %dma_wait3A_1374] : memref<2x500000x64xf32, #tpu.memory_space<hbm>> -> memref<1x1x64xf32, #tpu.memory_space<hbm>>
      %dma_wait3A_1376 = tpu.memref_squeeze %dma_wait3A_1375 : memref<1x1x64xf32, #tpu.memory_space<hbm>> -> memref<1x64xf32, #tpu.memory_space<hbm>>
      %dma_wait3A_1377 = arith.constant 0 : i32
      %dma_wait3A_1378 = arith.constant 0 : i32
      %dma_wait3A_1379 = tpu.memref_slice %arg6[%dma_wait3A_1377, %dma_wait3A_1378] : memref<416x64xf32, #tpu.memory_space<vmem>> -> memref<1x64xf32, #tpu.memory_space<vmem>>
      %dma_wait3A_1380 = arith.constant 0 : i32
      %dma_wait3A_1381 = arith.constant 0 : i32
      %dma_wait3A_1382 = tpu.memref_slice %arg3[%dma_wait3A_1369, %dma_wait3A_1380, %dma_wait3A_1381] : memref<2x500000x64xf32, #tpu.memory_space<hbm>> -> memref<1x1x64xf32, #tpu.memory_space<hbm>>
      %dma_wait3A_1383 = tpu.memref_squeeze %dma_wait3A_1382 : memref<1x1x64xf32, #tpu.memory_space<hbm>> -> memref<1x64xf32, #tpu.memory_space<hbm>>
      tpu.wait_dma2 semaphore(%arg7 : memref<!tpu.dma_semaphore, #tpu.memory_space<semaphore_mem>>) src(%dma_wait3A_1383 : memref<1x64xf32, #tpu.memory_space<hbm>>) dst(%dma_wait3A_1379 : memref<1x64xf32, #tpu.memory_space<vmem>>)
      %dma_wait3A_1384 = arith.constant 0 : i32
      %dma_wait3A_1385 = arith.constant 0 : i32
      %dma_wait3A_1386 = arith.constant 0 : i32
      %dma_wait3A_1387 = tpu.memref_slice %arg6[%dma_wait3A_1385, %dma_wait3A_1386] : memref<416x64xf32, #tpu.memory_space<vmem>> -> memref<1x64xf32, #tpu.memory_space<vmem>>
      %dma_wait3A_1388 = arith.constant 0 : i32
      %dma_wait3A_1389 = arith.constant 0 : i32
      %dma_wait3A_1390 = tpu.memref_slice %arg3[%dma_wait3A_1384, %dma_wait3A_1388, %dma_wait3A_1389] : memref<2x500000x64xf32, #tpu.memory_space<hbm>> -> memref<1x1x64xf32, #tpu.memory_space<hbm>>
      %dma_wait3A_1391 = tpu.memref_squeeze %dma_wait3A_1390 : memref<1x1x64xf32, #tpu.memory_space<hbm>> -> memref<1x64xf32, #tpu.memory_space<hbm>>
      %dma_wait3A_1392 = arith.constant 0 : i32
      %dma_wait3A_1393 = arith.constant 0 : i32
      %dma_wait3A_1394 = tpu.memref_slice %arg6[%dma_wait3A_1392, %dma_wait3A_1393] : memref<416x64xf32, #tpu.memory_space<vmem>> -> memref<1x64xf32, #tpu.memory_space<vmem>>
      %dma_wait3A_1395 = arith.constant 0 : i32
      %dma_wait3A_1396 = arith.constant 0 : i32
      %dma_wait3A_1397 = tpu.memref_slice %arg3[%dma_wait3A_1384, %dma_wait3A_1395, %dma_wait3A_1396] : memref<2x500000x64xf32, #tpu.memory_space<hbm>> -> memref<1x1x64xf32, #tpu.memory_space<hbm>>
      %dma_wait3A_1398 = tpu.memref_squeeze %dma_wait3A_1397 : memref<1x1x64xf32, #tpu.memory_space<hbm>> -> memref<1x64xf32, #tpu.memory_space<hbm>>
      tpu.wait_dma2 semaphore(%arg7 : memref<!tpu.dma_semaphore, #tpu.memory_space<semaphore_mem>>) src(%dma_wait3A_1398 : memref<1x64xf32, #tpu.memory_space<hbm>>) dst(%dma_wait3A_1394 : memref<1x64xf32, #tpu.memory_space<vmem>>)
      %dma_wait3A_1399 = arith.constant 0 : i32
      %dma_wait3A_1400 = arith.constant 0 : i32
      %dma_wait3A_1401 = arith.constant 0 : i32
      %dma_wait3A_1402 = tpu.memref_slice %arg6[%dma_wait3A_1400, %dma_wait3A_1401] : memref<416x64xf32, #tpu.memory_space<vmem>> -> memref<1x64xf32, #tpu.memory_space<vmem>>
      %dma_wait3A_1403 = arith.constant 0 : i32
      %dma_wait3A_1404 = arith.constant 0 : i32
      %dma_wait3A_1405 = tpu.memref_slice %arg3[%dma_wait3A_1399, %dma_wait3A_1403, %dma_wait3A_1404] : memref<2x500000x64xf32, #tpu.memory_space<hbm>> -> memref<1x1x64xf32, #tpu.memory_space<hbm>>
      %dma_wait3A_1406 = tpu.memref_squeeze %dma_wait3A_1405 : memref<1x1x64xf32, #tpu.memory_space<hbm>> -> memref<1x64xf32, #tpu.memory_space<hbm>>
      %dma_wait3A_1407 = arith.constant 0 : i32
      %dma_wait3A_1408 = arith.constant 0 : i32
      %dma_wait3A_1409 = tpu.memref_slice %arg6[%dma_wait3A_1407, %dma_wait3A_1408] : memref<416x64xf32, #tpu.memory_space<vmem>> -> memref<1x64xf32, #tpu.memory_space<vmem>>
      %dma_wait3A_1410 = arith.constant 0 : i32
      %dma_wait3A_1411 = arith.constant 0 : i32
      %dma_wait3A_1412 = tpu.memref_slice %arg3[%dma_wait3A_1399, %dma_wait3A_1410, %dma_wait3A_1411] : memref<2x500000x64xf32, #tpu.memory_space<hbm>> -> memref<1x1x64xf32, #tpu.memory_space<hbm>>
      %dma_wait3A_1413 = tpu.memref_squeeze %dma_wait3A_1412 : memref<1x1x64xf32, #tpu.memory_space<hbm>> -> memref<1x64xf32, #tpu.memory_space<hbm>>
      tpu.wait_dma2 semaphore(%arg7 : memref<!tpu.dma_semaphore, #tpu.memory_space<semaphore_mem>>) src(%dma_wait3A_1413 : memref<1x64xf32, #tpu.memory_space<hbm>>) dst(%dma_wait3A_1409 : memref<1x64xf32, #tpu.memory_space<vmem>>)
      %dma_wait3A_1414 = arith.constant 0 : i32
      %dma_wait3A_1415 = arith.constant 0 : i32
      %dma_wait3A_1416 = arith.constant 0 : i32
      %dma_wait3A_1417 = tpu.memref_slice %arg6[%dma_wait3A_1415, %dma_wait3A_1416] : memref<416x64xf32, #tpu.memory_space<vmem>> -> memref<1x64xf32, #tpu.memory_space<vmem>>
      %dma_wait3A_1418 = arith.constant 0 : i32
      %dma_wait3A_1419 = arith.constant 0 : i32
      %dma_wait3A_1420 = tpu.memref_slice %arg3[%dma_wait3A_1414, %dma_wait3A_1418, %dma_wait3A_1419] : memref<2x500000x64xf32, #tpu.memory_space<hbm>> -> memref<1x1x64xf32, #tpu.memory_space<hbm>>
      %dma_wait3A_1421 = tpu.memref_squeeze %dma_wait3A_1420 : memref<1x1x64xf32, #tpu.memory_space<hbm>> -> memref<1x64xf32, #tpu.memory_space<hbm>>
      %dma_wait3A_1422 = arith.constant 0 : i32
      %dma_wait3A_1423 = arith.constant 0 : i32
      %dma_wait3A_1424 = tpu.memref_slice %arg6[%dma_wait3A_1422, %dma_wait3A_1423] : memref<416x64xf32, #tpu.memory_space<vmem>> -> memref<1x64xf32, #tpu.memory_space<vmem>>
      %dma_wait3A_1425 = arith.constant 0 : i32
      %dma_wait3A_1426 = arith.constant 0 : i32
      %dma_wait3A_1427 = tpu.memref_slice %arg3[%dma_wait3A_1414, %dma_wait3A_1425, %dma_wait3A_1426] : memref<2x500000x64xf32, #tpu.memory_space<hbm>> -> memref<1x1x64xf32, #tpu.memory_space<hbm>>
      %dma_wait3A_1428 = tpu.memref_squeeze %dma_wait3A_1427 : memref<1x1x64xf32, #tpu.memory_space<hbm>> -> memref<1x64xf32, #tpu.memory_space<hbm>>
      tpu.wait_dma2 semaphore(%arg7 : memref<!tpu.dma_semaphore, #tpu.memory_space<semaphore_mem>>) src(%dma_wait3A_1428 : memref<1x64xf32, #tpu.memory_space<hbm>>) dst(%dma_wait3A_1424 : memref<1x64xf32, #tpu.memory_space<vmem>>)
      %dma_wait3A_1429 = arith.constant 0 : i32
      %dma_wait3A_1430 = arith.constant 0 : i32
      %dma_wait3A_1431 = arith.constant 0 : i32
      %dma_wait3A_1432 = tpu.memref_slice %arg6[%dma_wait3A_1430, %dma_wait3A_1431] : memref<416x64xf32, #tpu.memory_space<vmem>> -> memref<1x64xf32, #tpu.memory_space<vmem>>
      %dma_wait3A_1433 = arith.constant 0 : i32
      %dma_wait3A_1434 = arith.constant 0 : i32
      %dma_wait3A_1435 = tpu.memref_slice %arg3[%dma_wait3A_1429, %dma_wait3A_1433, %dma_wait3A_1434] : memref<2x500000x64xf32, #tpu.memory_space<hbm>> -> memref<1x1x64xf32, #tpu.memory_space<hbm>>
      %dma_wait3A_1436 = tpu.memref_squeeze %dma_wait3A_1435 : memref<1x1x64xf32, #tpu.memory_space<hbm>> -> memref<1x64xf32, #tpu.memory_space<hbm>>
      %dma_wait3A_1437 = arith.constant 0 : i32
      %dma_wait3A_1438 = arith.constant 0 : i32
      %dma_wait3A_1439 = tpu.memref_slice %arg6[%dma_wait3A_1437, %dma_wait3A_1438] : memref<416x64xf32, #tpu.memory_space<vmem>> -> memref<1x64xf32, #tpu.memory_space<vmem>>
      %dma_wait3A_1440 = arith.constant 0 : i32
      %dma_wait3A_1441 = arith.constant 0 : i32
      %dma_wait3A_1442 = tpu.memref_slice %arg3[%dma_wait3A_1429, %dma_wait3A_1440, %dma_wait3A_1441] : memref<2x500000x64xf32, #tpu.memory_space<hbm>> -> memref<1x1x64xf32, #tpu.memory_space<hbm>>
      %dma_wait3A_1443 = tpu.memref_squeeze %dma_wait3A_1442 : memref<1x1x64xf32, #tpu.memory_space<hbm>> -> memref<1x64xf32, #tpu.memory_space<hbm>>
      tpu.wait_dma2 semaphore(%arg7 : memref<!tpu.dma_semaphore, #tpu.memory_space<semaphore_mem>>) src(%dma_wait3A_1443 : memref<1x64xf32, #tpu.memory_space<hbm>>) dst(%dma_wait3A_1439 : memref<1x64xf32, #tpu.memory_space<vmem>>)
      %add3A_1444 = arith.constant 15 : i32
      %add3A_1445 = arith.addi %add3A_234, %add3A_1444 : i32
      %dma_start3A_1446 = arith.constant 390 : i32
      %dma_start3A_1447 = arith.constant 0 : i32
      %dma_start3A_1448 = tpu.memref_slice %arg6[%dma_start3A_1446, %dma_start3A_1447] : memref<416x64xf32, #tpu.memory_space<vmem>> -> memref<26x64xf32, #tpu.memory_space<vmem>>
      %dma_start3A_1449 = arith.constant 0 : i32
      %dma_start3A_1450 = arith.constant 0 : i32
      %dma_start3A_1451 = tpu.memref_slice %arg4[%add3A_1445, %dma_start3A_1449, %dma_start3A_1450] : memref<16384x26x64xf32, #tpu.memory_space<hbm>> -> memref<1x26x64xf32, #tpu.memory_space<hbm>>
      %dma_start3A_1452 = tpu.memref_squeeze %dma_start3A_1451 : memref<1x26x64xf32, #tpu.memory_space<hbm>> -> memref<26x64xf32, #tpu.memory_space<hbm>>
      %dma_start3A_1453 = arith.constant 0 : i32
      %dma_start3A_1454 = arith.constant 0 : i32
      %dma_start3A_1455 = tpu.memref_slice %arg4[%add3A_1445, %dma_start3A_1453, %dma_start3A_1454] : memref<16384x26x64xf32, #tpu.memory_space<hbm>> -> memref<1x26x64xf32, #tpu.memory_space<hbm>>
      %dma_start3A_1456 = tpu.memref_squeeze %dma_start3A_1455 : memref<1x26x64xf32, #tpu.memory_space<hbm>> -> memref<26x64xf32, #tpu.memory_space<hbm>>
      %dma_start3A_1457 = arith.constant 390 : i32
      %dma_start3A_1458 = arith.constant 0 : i32
      %dma_start3A_1459 = tpu.memref_slice %arg6[%dma_start3A_1457, %dma_start3A_1458] : memref<416x64xf32, #tpu.memory_space<vmem>> -> memref<26x64xf32, #tpu.memory_space<vmem>>
      tpu.enqueue_dma source(%dma_start3A_1459 : memref<26x64xf32, #tpu.memory_space<vmem>>) target(%dma_start3A_1456 : memref<26x64xf32, #tpu.memory_space<hbm>>) target_semaphore(%arg8 : memref<!tpu.dma_semaphore, #tpu.memory_space<semaphore_mem>>)
    }
    %scan3A_7 = arith.constant 32 : i32
    %dma_wait3A = arith.constant 0 : i32
    %dma_wait3A_8 = arith.constant 0 : i32
    %dma_wait3A_9 = tpu.memref_slice %arg6[%dma_wait3A, %dma_wait3A_8] : memref<416x64xf32, #tpu.memory_space<vmem>> -> memref<26x64xf32, #tpu.memory_space<vmem>>
    %dma_wait3A_10 = arith.constant 0 : i32
    %dma_wait3A_11 = arith.constant 0 : i32
    %dma_wait3A_12 = tpu.memref_slice %arg4[%mul3A_2, %dma_wait3A_10, %dma_wait3A_11] : memref<16384x26x64xf32, #tpu.memory_space<hbm>> -> memref<1x26x64xf32, #tpu.memory_space<hbm>>
    %dma_wait3A_13 = tpu.memref_squeeze %dma_wait3A_12 : memref<1x26x64xf32, #tpu.memory_space<hbm>> -> memref<26x64xf32, #tpu.memory_space<hbm>>
    %dma_wait3A_14 = arith.constant 0 : i32
    %dma_wait3A_15 = arith.constant 0 : i32
    %dma_wait3A_16 = tpu.memref_slice %arg4[%mul3A_2, %dma_wait3A_14, %dma_wait3A_15] : memref<16384x26x64xf32, #tpu.memory_space<hbm>> -> memref<1x26x64xf32, #tpu.memory_space<hbm>>
    %dma_wait3A_17 = tpu.memref_squeeze %dma_wait3A_16 : memref<1x26x64xf32, #tpu.memory_space<hbm>> -> memref<26x64xf32, #tpu.memory_space<hbm>>
    %dma_wait3A_18 = arith.constant 0 : i32
    %dma_wait3A_19 = arith.constant 0 : i32
    %dma_wait3A_20 = tpu.memref_slice %arg6[%dma_wait3A_18, %dma_wait3A_19] : memref<416x64xf32, #tpu.memory_space<vmem>> -> memref<26x64xf32, #tpu.memory_space<vmem>>
    tpu.wait_dma2 semaphore(%arg8 : memref<!tpu.dma_semaphore, #tpu.memory_space<semaphore_mem>>) src(%dma_wait3A_20 : memref<26x64xf32, #tpu.memory_space<vmem>>) dst(%dma_wait3A_17 : memref<26x64xf32, #tpu.memory_space<hbm>>)
    %dma_wait3A_21 = arith.constant 26 : i32
    %dma_wait3A_22 = arith.constant 0 : i32
    %dma_wait3A_23 = tpu.memref_slice %arg6[%dma_wait3A_21, %dma_wait3A_22] : memref<416x64xf32, #tpu.memory_space<vmem>> -> memref<26x64xf32, #tpu.memory_space<vmem>>
    %dma_wait3A_24 = arith.constant 0 : i32
    %dma_wait3A_25 = arith.constant 0 : i32
    %dma_wait3A_26 = tpu.memref_slice %arg4[%mul3A_2, %dma_wait3A_24, %dma_wait3A_25] : memref<16384x26x64xf32, #tpu.memory_space<hbm>> -> memref<1x26x64xf32, #tpu.memory_space<hbm>>
    %dma_wait3A_27 = tpu.memref_squeeze %dma_wait3A_26 : memref<1x26x64xf32, #tpu.memory_space<hbm>> -> memref<26x64xf32, #tpu.memory_space<hbm>>
    %dma_wait3A_28 = arith.constant 0 : i32
    %dma_wait3A_29 = arith.constant 0 : i32
    %dma_wait3A_30 = tpu.memref_slice %arg4[%mul3A_2, %dma_wait3A_28, %dma_wait3A_29] : memref<16384x26x64xf32, #tpu.memory_space<hbm>> -> memref<1x26x64xf32, #tpu.memory_space<hbm>>
    %dma_wait3A_31 = tpu.memref_squeeze %dma_wait3A_30 : memref<1x26x64xf32, #tpu.memory_space<hbm>> -> memref<26x64xf32, #tpu.memory_space<hbm>>
    %dma_wait3A_32 = arith.constant 26 : i32
    %dma_wait3A_33 = arith.constant 0 : i32
    %dma_wait3A_34 = tpu.memref_slice %arg6[%dma_wait3A_32, %dma_wait3A_33] : memref<416x64xf32, #tpu.memory_space<vmem>> -> memref<26x64xf32, #tpu.memory_space<vmem>>
    tpu.wait_dma2 semaphore(%arg8 : memref<!tpu.dma_semaphore, #tpu.memory_space<semaphore_mem>>) src(%dma_wait3A_34 : memref<26x64xf32, #tpu.memory_space<vmem>>) dst(%dma_wait3A_31 : memref<26x64xf32, #tpu.memory_space<hbm>>)
    %dma_wait3A_35 = arith.constant 52 : i32
    %dma_wait3A_36 = arith.constant 0 : i32
    %dma_wait3A_37 = tpu.memref_slice %arg6[%dma_wait3A_35, %dma_wait3A_36] : memref<416x64xf32, #tpu.memory_space<vmem>> -> memref<26x64xf32, #tpu.memory_space<vmem>>
    %dma_wait3A_38 = arith.constant 0 : i32
    %dma_wait3A_39 = arith.constant 0 : i32
    %dma_wait3A_40 = tpu.memref_slice %arg4[%mul3A_2, %dma_wait3A_38, %dma_wait3A_39] : memref<16384x26x64xf32, #tpu.memory_space<hbm>> -> memref<1x26x64xf32, #tpu.memory_space<hbm>>
    %dma_wait3A_41 = tpu.memref_squeeze %dma_wait3A_40 : memref<1x26x64xf32, #tpu.memory_space<hbm>> -> memref<26x64xf32, #tpu.memory_space<hbm>>
    %dma_wait3A_42 = arith.constant 0 : i32
    %dma_wait3A_43 = arith.constant 0 : i32
    %dma_wait3A_44 = tpu.memref_slice %arg4[%mul3A_2, %dma_wait3A_42, %dma_wait3A_43] : memref<16384x26x64xf32, #tpu.memory_space<hbm>> -> memref<1x26x64xf32, #tpu.memory_space<hbm>>
    %dma_wait3A_45 = tpu.memref_squeeze %dma_wait3A_44 : memref<1x26x64xf32, #tpu.memory_space<hbm>> -> memref<26x64xf32, #tpu.memory_space<hbm>>
    %dma_wait3A_46 = arith.constant 52 : i32
    %dma_wait3A_47 = arith.constant 0 : i32
    %dma_wait3A_48 = tpu.memref_slice %arg6[%dma_wait3A_46, %dma_wait3A_47] : memref<416x64xf32, #tpu.memory_space<vmem>> -> memref<26x64xf32, #tpu.memory_space<vmem>>
    tpu.wait_dma2 semaphore(%arg8 : memref<!tpu.dma_semaphore, #tpu.memory_space<semaphore_mem>>) src(%dma_wait3A_48 : memref<26x64xf32, #tpu.memory_space<vmem>>) dst(%dma_wait3A_45 : memref<26x64xf32, #tpu.memory_space<hbm>>)
    %dma_wait3A_49 = arith.constant 78 : i32
    %dma_wait3A_50 = arith.constant 0 : i32
    %dma_wait3A_51 = tpu.memref_slice %arg6[%dma_wait3A_49, %dma_wait3A_50] : memref<416x64xf32, #tpu.memory_space<vmem>> -> memref<26x64xf32, #tpu.memory_space<vmem>>
    %dma_wait3A_52 = arith.constant 0 : i32
    %dma_wait3A_53 = arith.constant 0 : i32
    %dma_wait3A_54 = tpu.memref_slice %arg4[%mul3A_2, %dma_wait3A_52, %dma_wait3A_53] : memref<16384x26x64xf32, #tpu.memory_space<hbm>> -> memref<1x26x64xf32, #tpu.memory_space<hbm>>
    %dma_wait3A_55 = tpu.memref_squeeze %dma_wait3A_54 : memref<1x26x64xf32, #tpu.memory_space<hbm>> -> memref<26x64xf32, #tpu.memory_space<hbm>>
    %dma_wait3A_56 = arith.constant 0 : i32
    %dma_wait3A_57 = arith.constant 0 : i32
    %dma_wait3A_58 = tpu.memref_slice %arg4[%mul3A_2, %dma_wait3A_56, %dma_wait3A_57] : memref<16384x26x64xf32, #tpu.memory_space<hbm>> -> memref<1x26x64xf32, #tpu.memory_space<hbm>>
    %dma_wait3A_59 = tpu.memref_squeeze %dma_wait3A_58 : memref<1x26x64xf32, #tpu.memory_space<hbm>> -> memref<26x64xf32, #tpu.memory_space<hbm>>
    %dma_wait3A_60 = arith.constant 78 : i32
    %dma_wait3A_61 = arith.constant 0 : i32
    %dma_wait3A_62 = tpu.memref_slice %arg6[%dma_wait3A_60, %dma_wait3A_61] : memref<416x64xf32, #tpu.memory_space<vmem>> -> memref<26x64xf32, #tpu.memory_space<vmem>>
    tpu.wait_dma2 semaphore(%arg8 : memref<!tpu.dma_semaphore, #tpu.memory_space<semaphore_mem>>) src(%dma_wait3A_62 : memref<26x64xf32, #tpu.memory_space<vmem>>) dst(%dma_wait3A_59 : memref<26x64xf32, #tpu.memory_space<hbm>>)
    %dma_wait3A_63 = arith.constant 104 : i32
    %dma_wait3A_64 = arith.constant 0 : i32
    %dma_wait3A_65 = tpu.memref_slice %arg6[%dma_wait3A_63, %dma_wait3A_64] : memref<416x64xf32, #tpu.memory_space<vmem>> -> memref<26x64xf32, #tpu.memory_space<vmem>>
    %dma_wait3A_66 = arith.constant 0 : i32
    %dma_wait3A_67 = arith.constant 0 : i32
    %dma_wait3A_68 = tpu.memref_slice %arg4[%mul3A_2, %dma_wait3A_66, %dma_wait3A_67] : memref<16384x26x64xf32, #tpu.memory_space<hbm>> -> memref<1x26x64xf32, #tpu.memory_space<hbm>>
    %dma_wait3A_69 = tpu.memref_squeeze %dma_wait3A_68 : memref<1x26x64xf32, #tpu.memory_space<hbm>> -> memref<26x64xf32, #tpu.memory_space<hbm>>
    %dma_wait3A_70 = arith.constant 0 : i32
    %dma_wait3A_71 = arith.constant 0 : i32
    %dma_wait3A_72 = tpu.memref_slice %arg4[%mul3A_2, %dma_wait3A_70, %dma_wait3A_71] : memref<16384x26x64xf32, #tpu.memory_space<hbm>> -> memref<1x26x64xf32, #tpu.memory_space<hbm>>
    %dma_wait3A_73 = tpu.memref_squeeze %dma_wait3A_72 : memref<1x26x64xf32, #tpu.memory_space<hbm>> -> memref<26x64xf32, #tpu.memory_space<hbm>>
    %dma_wait3A_74 = arith.constant 104 : i32
    %dma_wait3A_75 = arith.constant 0 : i32
    %dma_wait3A_76 = tpu.memref_slice %arg6[%dma_wait3A_74, %dma_wait3A_75] : memref<416x64xf32, #tpu.memory_space<vmem>> -> memref<26x64xf32, #tpu.memory_space<vmem>>
    tpu.wait_dma2 semaphore(%arg8 : memref<!tpu.dma_semaphore, #tpu.memory_space<semaphore_mem>>) src(%dma_wait3A_76 : memref<26x64xf32, #tpu.memory_space<vmem>>) dst(%dma_wait3A_73 : memref<26x64xf32, #tpu.memory_space<hbm>>)
    %dma_wait3A_77 = arith.constant 130 : i32
    %dma_wait3A_78 = arith.constant 0 : i32
    %dma_wait3A_79 = tpu.memref_slice %arg6[%dma_wait3A_77, %dma_wait3A_78] : memref<416x64xf32, #tpu.memory_space<vmem>> -> memref<26x64xf32, #tpu.memory_space<vmem>>
    %dma_wait3A_80 = arith.constant 0 : i32
    %dma_wait3A_81 = arith.constant 0 : i32
    %dma_wait3A_82 = tpu.memref_slice %arg4[%mul3A_2, %dma_wait3A_80, %dma_wait3A_81] : memref<16384x26x64xf32, #tpu.memory_space<hbm>> -> memref<1x26x64xf32, #tpu.memory_space<hbm>>
    %dma_wait3A_83 = tpu.memref_squeeze %dma_wait3A_82 : memref<1x26x64xf32, #tpu.memory_space<hbm>> -> memref<26x64xf32, #tpu.memory_space<hbm>>
    %dma_wait3A_84 = arith.constant 0 : i32
    %dma_wait3A_85 = arith.constant 0 : i32
    %dma_wait3A_86 = tpu.memref_slice %arg4[%mul3A_2, %dma_wait3A_84, %dma_wait3A_85] : memref<16384x26x64xf32, #tpu.memory_space<hbm>> -> memref<1x26x64xf32, #tpu.memory_space<hbm>>
    %dma_wait3A_87 = tpu.memref_squeeze %dma_wait3A_86 : memref<1x26x64xf32, #tpu.memory_space<hbm>> -> memref<26x64xf32, #tpu.memory_space<hbm>>
    %dma_wait3A_88 = arith.constant 130 : i32
    %dma_wait3A_89 = arith.constant 0 : i32
    %dma_wait3A_90 = tpu.memref_slice %arg6[%dma_wait3A_88, %dma_wait3A_89] : memref<416x64xf32, #tpu.memory_space<vmem>> -> memref<26x64xf32, #tpu.memory_space<vmem>>
    tpu.wait_dma2 semaphore(%arg8 : memref<!tpu.dma_semaphore, #tpu.memory_space<semaphore_mem>>) src(%dma_wait3A_90 : memref<26x64xf32, #tpu.memory_space<vmem>>) dst(%dma_wait3A_87 : memref<26x64xf32, #tpu.memory_space<hbm>>)
    %dma_wait3A_91 = arith.constant 156 : i32
    %dma_wait3A_92 = arith.constant 0 : i32
    %dma_wait3A_93 = tpu.memref_slice %arg6[%dma_wait3A_91, %dma_wait3A_92] : memref<416x64xf32, #tpu.memory_space<vmem>> -> memref<26x64xf32, #tpu.memory_space<vmem>>
    %dma_wait3A_94 = arith.constant 0 : i32
    %dma_wait3A_95 = arith.constant 0 : i32
    %dma_wait3A_96 = tpu.memref_slice %arg4[%mul3A_2, %dma_wait3A_94, %dma_wait3A_95] : memref<16384x26x64xf32, #tpu.memory_space<hbm>> -> memref<1x26x64xf32, #tpu.memory_space<hbm>>
    %dma_wait3A_97 = tpu.memref_squeeze %dma_wait3A_96 : memref<1x26x64xf32, #tpu.memory_space<hbm>> -> memref<26x64xf32, #tpu.memory_space<hbm>>
    %dma_wait3A_98 = arith.constant 0 : i32
    %dma_wait3A_99 = arith.constant 0 : i32
    %dma_wait3A_100 = tpu.memref_slice %arg4[%mul3A_2, %dma_wait3A_98, %dma_wait3A_99] : memref<16384x26x64xf32, #tpu.memory_space<hbm>> -> memref<1x26x64xf32, #tpu.memory_space<hbm>>
    %dma_wait3A_101 = tpu.memref_squeeze %dma_wait3A_100 : memref<1x26x64xf32, #tpu.memory_space<hbm>> -> memref<26x64xf32, #tpu.memory_space<hbm>>
    %dma_wait3A_102 = arith.constant 156 : i32
    %dma_wait3A_103 = arith.constant 0 : i32
    %dma_wait3A_104 = tpu.memref_slice %arg6[%dma_wait3A_102, %dma_wait3A_103] : memref<416x64xf32, #tpu.memory_space<vmem>> -> memref<26x64xf32, #tpu.memory_space<vmem>>
    tpu.wait_dma2 semaphore(%arg8 : memref<!tpu.dma_semaphore, #tpu.memory_space<semaphore_mem>>) src(%dma_wait3A_104 : memref<26x64xf32, #tpu.memory_space<vmem>>) dst(%dma_wait3A_101 : memref<26x64xf32, #tpu.memory_space<hbm>>)
    %dma_wait3A_105 = arith.constant 182 : i32
    %dma_wait3A_106 = arith.constant 0 : i32
    %dma_wait3A_107 = tpu.memref_slice %arg6[%dma_wait3A_105, %dma_wait3A_106] : memref<416x64xf32, #tpu.memory_space<vmem>> -> memref<26x64xf32, #tpu.memory_space<vmem>>
    %dma_wait3A_108 = arith.constant 0 : i32
    %dma_wait3A_109 = arith.constant 0 : i32
    %dma_wait3A_110 = tpu.memref_slice %arg4[%mul3A_2, %dma_wait3A_108, %dma_wait3A_109] : memref<16384x26x64xf32, #tpu.memory_space<hbm>> -> memref<1x26x64xf32, #tpu.memory_space<hbm>>
    %dma_wait3A_111 = tpu.memref_squeeze %dma_wait3A_110 : memref<1x26x64xf32, #tpu.memory_space<hbm>> -> memref<26x64xf32, #tpu.memory_space<hbm>>
    %dma_wait3A_112 = arith.constant 0 : i32
    %dma_wait3A_113 = arith.constant 0 : i32
    %dma_wait3A_114 = tpu.memref_slice %arg4[%mul3A_2, %dma_wait3A_112, %dma_wait3A_113] : memref<16384x26x64xf32, #tpu.memory_space<hbm>> -> memref<1x26x64xf32, #tpu.memory_space<hbm>>
    %dma_wait3A_115 = tpu.memref_squeeze %dma_wait3A_114 : memref<1x26x64xf32, #tpu.memory_space<hbm>> -> memref<26x64xf32, #tpu.memory_space<hbm>>
    %dma_wait3A_116 = arith.constant 182 : i32
    %dma_wait3A_117 = arith.constant 0 : i32
    %dma_wait3A_118 = tpu.memref_slice %arg6[%dma_wait3A_116, %dma_wait3A_117] : memref<416x64xf32, #tpu.memory_space<vmem>> -> memref<26x64xf32, #tpu.memory_space<vmem>>
    tpu.wait_dma2 semaphore(%arg8 : memref<!tpu.dma_semaphore, #tpu.memory_space<semaphore_mem>>) src(%dma_wait3A_118 : memref<26x64xf32, #tpu.memory_space<vmem>>) dst(%dma_wait3A_115 : memref<26x64xf32, #tpu.memory_space<hbm>>)
    %dma_wait3A_119 = arith.constant 208 : i32
    %dma_wait3A_120 = arith.constant 0 : i32
    %dma_wait3A_121 = tpu.memref_slice %arg6[%dma_wait3A_119, %dma_wait3A_120] : memref<416x64xf32, #tpu.memory_space<vmem>> -> memref<26x64xf32, #tpu.memory_space<vmem>>
    %dma_wait3A_122 = arith.constant 0 : i32
    %dma_wait3A_123 = arith.constant 0 : i32
    %dma_wait3A_124 = tpu.memref_slice %arg4[%mul3A_2, %dma_wait3A_122, %dma_wait3A_123] : memref<16384x26x64xf32, #tpu.memory_space<hbm>> -> memref<1x26x64xf32, #tpu.memory_space<hbm>>
    %dma_wait3A_125 = tpu.memref_squeeze %dma_wait3A_124 : memref<1x26x64xf32, #tpu.memory_space<hbm>> -> memref<26x64xf32, #tpu.memory_space<hbm>>
    %dma_wait3A_126 = arith.constant 0 : i32
    %dma_wait3A_127 = arith.constant 0 : i32
    %dma_wait3A_128 = tpu.memref_slice %arg4[%mul3A_2, %dma_wait3A_126, %dma_wait3A_127] : memref<16384x26x64xf32, #tpu.memory_space<hbm>> -> memref<1x26x64xf32, #tpu.memory_space<hbm>>
    %dma_wait3A_129 = tpu.memref_squeeze %dma_wait3A_128 : memref<1x26x64xf32, #tpu.memory_space<hbm>> -> memref<26x64xf32, #tpu.memory_space<hbm>>
    %dma_wait3A_130 = arith.constant 208 : i32
    %dma_wait3A_131 = arith.constant 0 : i32
    %dma_wait3A_132 = tpu.memref_slice %arg6[%dma_wait3A_130, %dma_wait3A_131] : memref<416x64xf32, #tpu.memory_space<vmem>> -> memref<26x64xf32, #tpu.memory_space<vmem>>
    tpu.wait_dma2 semaphore(%arg8 : memref<!tpu.dma_semaphore, #tpu.memory_space<semaphore_mem>>) src(%dma_wait3A_132 : memref<26x64xf32, #tpu.memory_space<vmem>>) dst(%dma_wait3A_129 : memref<26x64xf32, #tpu.memory_space<hbm>>)
    %dma_wait3A_133 = arith.constant 234 : i32
    %dma_wait3A_134 = arith.constant 0 : i32
    %dma_wait3A_135 = tpu.memref_slice %arg6[%dma_wait3A_133, %dma_wait3A_134] : memref<416x64xf32, #tpu.memory_space<vmem>> -> memref<26x64xf32, #tpu.memory_space<vmem>>
    %dma_wait3A_136 = arith.constant 0 : i32
    %dma_wait3A_137 = arith.constant 0 : i32
    %dma_wait3A_138 = tpu.memref_slice %arg4[%mul3A_2, %dma_wait3A_136, %dma_wait3A_137] : memref<16384x26x64xf32, #tpu.memory_space<hbm>> -> memref<1x26x64xf32, #tpu.memory_space<hbm>>
    %dma_wait3A_139 = tpu.memref_squeeze %dma_wait3A_138 : memref<1x26x64xf32, #tpu.memory_space<hbm>> -> memref<26x64xf32, #tpu.memory_space<hbm>>
    %dma_wait3A_140 = arith.constant 0 : i32
    %dma_wait3A_141 = arith.constant 0 : i32
    %dma_wait3A_142 = tpu.memref_slice %arg4[%mul3A_2, %dma_wait3A_140, %dma_wait3A_141] : memref<16384x26x64xf32, #tpu.memory_space<hbm>> -> memref<1x26x64xf32, #tpu.memory_space<hbm>>
    %dma_wait3A_143 = tpu.memref_squeeze %dma_wait3A_142 : memref<1x26x64xf32, #tpu.memory_space<hbm>> -> memref<26x64xf32, #tpu.memory_space<hbm>>
    %dma_wait3A_144 = arith.constant 234 : i32
    %dma_wait3A_145 = arith.constant 0 : i32
    %dma_wait3A_146 = tpu.memref_slice %arg6[%dma_wait3A_144, %dma_wait3A_145] : memref<416x64xf32, #tpu.memory_space<vmem>> -> memref<26x64xf32, #tpu.memory_space<vmem>>
    tpu.wait_dma2 semaphore(%arg8 : memref<!tpu.dma_semaphore, #tpu.memory_space<semaphore_mem>>) src(%dma_wait3A_146 : memref<26x64xf32, #tpu.memory_space<vmem>>) dst(%dma_wait3A_143 : memref<26x64xf32, #tpu.memory_space<hbm>>)
    %dma_wait3A_147 = arith.constant 260 : i32
    %dma_wait3A_148 = arith.constant 0 : i32
    %dma_wait3A_149 = tpu.memref_slice %arg6[%dma_wait3A_147, %dma_wait3A_148] : memref<416x64xf32, #tpu.memory_space<vmem>> -> memref<26x64xf32, #tpu.memory_space<vmem>>
    %dma_wait3A_150 = arith.constant 0 : i32
    %dma_wait3A_151 = arith.constant 0 : i32
    %dma_wait3A_152 = tpu.memref_slice %arg4[%mul3A_2, %dma_wait3A_150, %dma_wait3A_151] : memref<16384x26x64xf32, #tpu.memory_space<hbm>> -> memref<1x26x64xf32, #tpu.memory_space<hbm>>
    %dma_wait3A_153 = tpu.memref_squeeze %dma_wait3A_152 : memref<1x26x64xf32, #tpu.memory_space<hbm>> -> memref<26x64xf32, #tpu.memory_space<hbm>>
    %dma_wait3A_154 = arith.constant 0 : i32
    %dma_wait3A_155 = arith.constant 0 : i32
    %dma_wait3A_156 = tpu.memref_slice %arg4[%mul3A_2, %dma_wait3A_154, %dma_wait3A_155] : memref<16384x26x64xf32, #tpu.memory_space<hbm>> -> memref<1x26x64xf32, #tpu.memory_space<hbm>>
    %dma_wait3A_157 = tpu.memref_squeeze %dma_wait3A_156 : memref<1x26x64xf32, #tpu.memory_space<hbm>> -> memref<26x64xf32, #tpu.memory_space<hbm>>
    %dma_wait3A_158 = arith.constant 260 : i32
    %dma_wait3A_159 = arith.constant 0 : i32
    %dma_wait3A_160 = tpu.memref_slice %arg6[%dma_wait3A_158, %dma_wait3A_159] : memref<416x64xf32, #tpu.memory_space<vmem>> -> memref<26x64xf32, #tpu.memory_space<vmem>>
    tpu.wait_dma2 semaphore(%arg8 : memref<!tpu.dma_semaphore, #tpu.memory_space<semaphore_mem>>) src(%dma_wait3A_160 : memref<26x64xf32, #tpu.memory_space<vmem>>) dst(%dma_wait3A_157 : memref<26x64xf32, #tpu.memory_space<hbm>>)
    %dma_wait3A_161 = arith.constant 286 : i32
    %dma_wait3A_162 = arith.constant 0 : i32
    %dma_wait3A_163 = tpu.memref_slice %arg6[%dma_wait3A_161, %dma_wait3A_162] : memref<416x64xf32, #tpu.memory_space<vmem>> -> memref<26x64xf32, #tpu.memory_space<vmem>>
    %dma_wait3A_164 = arith.constant 0 : i32
    %dma_wait3A_165 = arith.constant 0 : i32
    %dma_wait3A_166 = tpu.memref_slice %arg4[%mul3A_2, %dma_wait3A_164, %dma_wait3A_165] : memref<16384x26x64xf32, #tpu.memory_space<hbm>> -> memref<1x26x64xf32, #tpu.memory_space<hbm>>
    %dma_wait3A_167 = tpu.memref_squeeze %dma_wait3A_166 : memref<1x26x64xf32, #tpu.memory_space<hbm>> -> memref<26x64xf32, #tpu.memory_space<hbm>>
    %dma_wait3A_168 = arith.constant 0 : i32
    %dma_wait3A_169 = arith.constant 0 : i32
    %dma_wait3A_170 = tpu.memref_slice %arg4[%mul3A_2, %dma_wait3A_168, %dma_wait3A_169] : memref<16384x26x64xf32, #tpu.memory_space<hbm>> -> memref<1x26x64xf32, #tpu.memory_space<hbm>>
    %dma_wait3A_171 = tpu.memref_squeeze %dma_wait3A_170 : memref<1x26x64xf32, #tpu.memory_space<hbm>> -> memref<26x64xf32, #tpu.memory_space<hbm>>
    %dma_wait3A_172 = arith.constant 286 : i32
    %dma_wait3A_173 = arith.constant 0 : i32
    %dma_wait3A_174 = tpu.memref_slice %arg6[%dma_wait3A_172, %dma_wait3A_173] : memref<416x64xf32, #tpu.memory_space<vmem>> -> memref<26x64xf32, #tpu.memory_space<vmem>>
    tpu.wait_dma2 semaphore(%arg8 : memref<!tpu.dma_semaphore, #tpu.memory_space<semaphore_mem>>) src(%dma_wait3A_174 : memref<26x64xf32, #tpu.memory_space<vmem>>) dst(%dma_wait3A_171 : memref<26x64xf32, #tpu.memory_space<hbm>>)
    %dma_wait3A_175 = arith.constant 312 : i32
    %dma_wait3A_176 = arith.constant 0 : i32
    %dma_wait3A_177 = tpu.memref_slice %arg6[%dma_wait3A_175, %dma_wait3A_176] : memref<416x64xf32, #tpu.memory_space<vmem>> -> memref<26x64xf32, #tpu.memory_space<vmem>>
    %dma_wait3A_178 = arith.constant 0 : i32
    %dma_wait3A_179 = arith.constant 0 : i32
    %dma_wait3A_180 = tpu.memref_slice %arg4[%mul3A_2, %dma_wait3A_178, %dma_wait3A_179] : memref<16384x26x64xf32, #tpu.memory_space<hbm>> -> memref<1x26x64xf32, #tpu.memory_space<hbm>>
    %dma_wait3A_181 = tpu.memref_squeeze %dma_wait3A_180 : memref<1x26x64xf32, #tpu.memory_space<hbm>> -> memref<26x64xf32, #tpu.memory_space<hbm>>
    %dma_wait3A_182 = arith.constant 0 : i32
    %dma_wait3A_183 = arith.constant 0 : i32
    %dma_wait3A_184 = tpu.memref_slice %arg4[%mul3A_2, %dma_wait3A_182, %dma_wait3A_183] : memref<16384x26x64xf32, #tpu.memory_space<hbm>> -> memref<1x26x64xf32, #tpu.memory_space<hbm>>
    %dma_wait3A_185 = tpu.memref_squeeze %dma_wait3A_184 : memref<1x26x64xf32, #tpu.memory_space<hbm>> -> memref<26x64xf32, #tpu.memory_space<hbm>>
    %dma_wait3A_186 = arith.constant 312 : i32
    %dma_wait3A_187 = arith.constant 0 : i32
    %dma_wait3A_188 = tpu.memref_slice %arg6[%dma_wait3A_186, %dma_wait3A_187] : memref<416x64xf32, #tpu.memory_space<vmem>> -> memref<26x64xf32, #tpu.memory_space<vmem>>
    tpu.wait_dma2 semaphore(%arg8 : memref<!tpu.dma_semaphore, #tpu.memory_space<semaphore_mem>>) src(%dma_wait3A_188 : memref<26x64xf32, #tpu.memory_space<vmem>>) dst(%dma_wait3A_185 : memref<26x64xf32, #tpu.memory_space<hbm>>)
    %dma_wait3A_189 = arith.constant 338 : i32
    %dma_wait3A_190 = arith.constant 0 : i32
    %dma_wait3A_191 = tpu.memref_slice %arg6[%dma_wait3A_189, %dma_wait3A_190] : memref<416x64xf32, #tpu.memory_space<vmem>> -> memref<26x64xf32, #tpu.memory_space<vmem>>
    %dma_wait3A_192 = arith.constant 0 : i32
    %dma_wait3A_193 = arith.constant 0 : i32
    %dma_wait3A_194 = tpu.memref_slice %arg4[%mul3A_2, %dma_wait3A_192, %dma_wait3A_193] : memref<16384x26x64xf32, #tpu.memory_space<hbm>> -> memref<1x26x64xf32, #tpu.memory_space<hbm>>
    %dma_wait3A_195 = tpu.memref_squeeze %dma_wait3A_194 : memref<1x26x64xf32, #tpu.memory_space<hbm>> -> memref<26x64xf32, #tpu.memory_space<hbm>>
    %dma_wait3A_196 = arith.constant 0 : i32
    %dma_wait3A_197 = arith.constant 0 : i32
    %dma_wait3A_198 = tpu.memref_slice %arg4[%mul3A_2, %dma_wait3A_196, %dma_wait3A_197] : memref<16384x26x64xf32, #tpu.memory_space<hbm>> -> memref<1x26x64xf32, #tpu.memory_space<hbm>>
    %dma_wait3A_199 = tpu.memref_squeeze %dma_wait3A_198 : memref<1x26x64xf32, #tpu.memory_space<hbm>> -> memref<26x64xf32, #tpu.memory_space<hbm>>
    %dma_wait3A_200 = arith.constant 338 : i32
    %dma_wait3A_201 = arith.constant 0 : i32
    %dma_wait3A_202 = tpu.memref_slice %arg6[%dma_wait3A_200, %dma_wait3A_201] : memref<416x64xf32, #tpu.memory_space<vmem>> -> memref<26x64xf32, #tpu.memory_space<vmem>>
    tpu.wait_dma2 semaphore(%arg8 : memref<!tpu.dma_semaphore, #tpu.memory_space<semaphore_mem>>) src(%dma_wait3A_202 : memref<26x64xf32, #tpu.memory_space<vmem>>) dst(%dma_wait3A_199 : memref<26x64xf32, #tpu.memory_space<hbm>>)
    %dma_wait3A_203 = arith.constant 364 : i32
    %dma_wait3A_204 = arith.constant 0 : i32
    %dma_wait3A_205 = tpu.memref_slice %arg6[%dma_wait3A_203, %dma_wait3A_204] : memref<416x64xf32, #tpu.memory_space<vmem>> -> memref<26x64xf32, #tpu.memory_space<vmem>>
    %dma_wait3A_206 = arith.constant 0 : i32
    %dma_wait3A_207 = arith.constant 0 : i32
    %dma_wait3A_208 = tpu.memref_slice %arg4[%mul3A_2, %dma_wait3A_206, %dma_wait3A_207] : memref<16384x26x64xf32, #tpu.memory_space<hbm>> -> memref<1x26x64xf32, #tpu.memory_space<hbm>>
    %dma_wait3A_209 = tpu.memref_squeeze %dma_wait3A_208 : memref<1x26x64xf32, #tpu.memory_space<hbm>> -> memref<26x64xf32, #tpu.memory_space<hbm>>
    %dma_wait3A_210 = arith.constant 0 : i32
    %dma_wait3A_211 = arith.constant 0 : i32
    %dma_wait3A_212 = tpu.memref_slice %arg4[%mul3A_2, %dma_wait3A_210, %dma_wait3A_211] : memref<16384x26x64xf32, #tpu.memory_space<hbm>> -> memref<1x26x64xf32, #tpu.memory_space<hbm>>
    %dma_wait3A_213 = tpu.memref_squeeze %dma_wait3A_212 : memref<1x26x64xf32, #tpu.memory_space<hbm>> -> memref<26x64xf32, #tpu.memory_space<hbm>>
    %dma_wait3A_214 = arith.constant 364 : i32
    %dma_wait3A_215 = arith.constant 0 : i32
    %dma_wait3A_216 = tpu.memref_slice %arg6[%dma_wait3A_214, %dma_wait3A_215] : memref<416x64xf32, #tpu.memory_space<vmem>> -> memref<26x64xf32, #tpu.memory_space<vmem>>
    tpu.wait_dma2 semaphore(%arg8 : memref<!tpu.dma_semaphore, #tpu.memory_space<semaphore_mem>>) src(%dma_wait3A_216 : memref<26x64xf32, #tpu.memory_space<vmem>>) dst(%dma_wait3A_213 : memref<26x64xf32, #tpu.memory_space<hbm>>)
    %dma_wait3A_217 = arith.constant 390 : i32
    %dma_wait3A_218 = arith.constant 0 : i32
    %dma_wait3A_219 = tpu.memref_slice %arg6[%dma_wait3A_217, %dma_wait3A_218] : memref<416x64xf32, #tpu.memory_space<vmem>> -> memref<26x64xf32, #tpu.memory_space<vmem>>
    %dma_wait3A_220 = arith.constant 0 : i32
    %dma_wait3A_221 = arith.constant 0 : i32
    %dma_wait3A_222 = tpu.memref_slice %arg4[%mul3A_2, %dma_wait3A_220, %dma_wait3A_221] : memref<16384x26x64xf32, #tpu.memory_space<hbm>> -> memref<1x26x64xf32, #tpu.memory_space<hbm>>
    %dma_wait3A_223 = tpu.memref_squeeze %dma_wait3A_222 : memref<1x26x64xf32, #tpu.memory_space<hbm>> -> memref<26x64xf32, #tpu.memory_space<hbm>>
    %dma_wait3A_224 = arith.constant 0 : i32
    %dma_wait3A_225 = arith.constant 0 : i32
    %dma_wait3A_226 = tpu.memref_slice %arg4[%mul3A_2, %dma_wait3A_224, %dma_wait3A_225] : memref<16384x26x64xf32, #tpu.memory_space<hbm>> -> memref<1x26x64xf32, #tpu.memory_space<hbm>>
    %dma_wait3A_227 = tpu.memref_squeeze %dma_wait3A_226 : memref<1x26x64xf32, #tpu.memory_space<hbm>> -> memref<26x64xf32, #tpu.memory_space<hbm>>
    %dma_wait3A_228 = arith.constant 390 : i32
    %dma_wait3A_229 = arith.constant 0 : i32
    %dma_wait3A_230 = tpu.memref_slice %arg6[%dma_wait3A_228, %dma_wait3A_229] : memref<416x64xf32, #tpu.memory_space<vmem>> -> memref<26x64xf32, #tpu.memory_space<vmem>>
    tpu.wait_dma2 semaphore(%arg8 : memref<!tpu.dma_semaphore, #tpu.memory_space<semaphore_mem>>) src(%dma_wait3A_230 : memref<26x64xf32, #tpu.memory_space<vmem>>) dst(%dma_wait3A_227 : memref<26x64xf32, #tpu.memory_space<hbm>>)
    return
  }
}

</mosaic_0001>

<sc_bundles>
// kernel: kernel.3.cloned.1.call-start
scs
__scs_entry_jumppad:
0x0: {  	(pc) =	sbr.rel $0x88, $3  }
0x1: {  	(tag) =	ssettag $0x0;
	lr =	simm.s32 $0x1  }
0x2: {  	[smem:$0x3F9F] =	sst lr;
	_ =	strace $0xD0000000  }
0x3: {  	_ = 	snop  }
0x4: {  	_ = 	snop  }
0x5: {  	_ = 	snop  }
0x6: {  	_ = 	snop  }
0x7: {  	_ = 	snop  }
__scs_overlays_trampoline_lowered:
0x8: {  	[smem:$0x3FAE] =	sst s0  }
0x9: {  	[smem:$0x3FAF] =	sst s1  }
0xa: {  	[smem:$0x3FB0] =	sst s2  }
0xb: {  	[smem:$0x3FB1] =	sst s3  }
0xc: {  	[smem:$0x3FB2] =	sst s4  }
0xd: {  	[smem:$0x3FB3] =	sst s5  }
0xe: {  	[smem:$0x3FB4] =	sst s6  }
0xf: {  	[smem:$0x3FB5] =	sst s7  }
0x10: {  	[smem:$0x3FB6] =	sst s8  }
0x11: {  	[smem:$0x3FB7] =	sst s9;
	s0 =	simm.s32 @!p0 $0x0  }
0x12: {  	s1 =	sld [smem:$0x3F9D];
	s0 =	simm.s32 @p0 $0x1  }
0x13: {  	[smem:$0x3FB8] =	sst s0;
	s0 =	simm.s32 @!p1 $0x0  }
0x14: {  	s2 =	sld [smem:$0x3F9C];
	s0 =	simm.s32 @p1 $0x1  }
0x15: {  	[smem:$0x3FB9] =	sst s0;
	s0 =	simm.s32 @!p2 $0x0  }
0x16: {  	s3 =	sld [smem:$0x3FDB];
	s0 =	simm.s32 @p2 $0x1  }
0x17: {  	s4 =	simm.s32 $0x1BF5;
	[smem:$0x3FBB] =	sst s0  }
0x18: {  	s0 =	sld [smem:$0x3F9E];
	_ =	swait.ge [sflag:s4], $0x0  }
0x19: {  	s7 =	sld [smem:$0x3F9F]  }
0x1a: {  	s8 =	sadd.s32 $0xFFFFE003, lr  }
0x1b: {  	s9 =	sadd.s32 $0xFFFFFEF7, lr;
	s5 =	simm.s32 $0xFFFFFFFF;
	p2 =	slt.u32 s8, $0xFFFFF086  }
0x1c: {  	p1 =	slt.u32 s9, $0xF7A;
	s5 =	simm.s32 @!p2 $0x0  }
0x1d: {  	s5 =	simm.s32 @p1 $0x1;
	p0 =	seq.s32 s7, s2  }
0x1e: {  	s7 =	smul.u32 @!p0 $0xF7A, s2;
	p2 =	seq.s32 @!p0 s5, $0x0  }
0x1f: {  	s9 =	smul.u32 $0xF7A, s1;
	s8 =	simm.s32 @!p0 $0x1BF5;
	p2 =	por !p2, p0  }
0x20: {  	[sflag:s8] =	ssyncset.s32 @!p0 $0xFFFFF086;
	s6 =	sadd.s32 @!p0 s3, s7;
	s7 =	simm.s32 @!p0 $0x108  }
0x21: {  	s3 =	sadd.s32 s3, s9;
	s6 =	sadd.s32 @!p0 $0x88, s6;
	s7 =	simm.s32 @p2 $0x1082  }
0x22: {  	[simem:s7], [sflag:s8] =	dma.local @!p0 [hbm:s6], $0xF7A  }
0x23: {  	s9 =	sor.u32 $0xD0000000, s2;
	s6 =	simm.s32 $0x108;
	_ =	swait.ge @!p0 [sflag:s8], $0x0  }
0x24: {  	s3 =	sadd.s32 $0x88, s3;
	s6 =	simm.s32 @!p1 $0x1082;
	[sflag:s4] =	ssyncset.s32 $0xFFFFF086  }
0x25: {  	[simem:s6], [sflag:s4] =	dma.local [hbm:s3], $0xF7A  }
0x26: {  	[smem:$0x3F9F] =	sst s1;
	(tag) =	ssettag s2;
	_ =	strace s9  }
0x27: {  	s1 =	sld [smem:$0x3FAF]  }
0x28: {  	s2 =	sld [smem:$0x3FB0]  }
0x29: {  	s4 =	sld [smem:$0x3FB2]  }
0x2a: {  	p0 =	seq.s32 s5, $0x0;
	s5 =	sld [smem:$0x3FB3]  }
0x2b: {  	s6 =	sld [smem:$0x3FB4]  }
0x2c: {  	s7 =	sld [smem:$0x3FB5]  }
0x2d: {  	s3 =	simm.s32 $0x108;
	s8 =	sld [smem:$0x3FB6]  }
0x2e: {  	s3 =	simm.s32 @!p0 $0x1082;
	s9 =	sld [smem:$0x3FB7]  }
0x2f: {  	lr =	sadd.s32 s0, s3;
	s0 =	sld [smem:$0x3FAE]  }
0x30: {  	s3 =	sld [smem:$0x3FB1]  }
0x31: {  	[smem:$0x3FBA] =	sst s10  }
0x32: {  	s10 =	sld [smem:$0x3FB8];
	_ =	sdelay $0x3  }
0x33: {  	p0 =	seq.s32 s10, $0x1;
	s10 =	sld [smem:$0x3FBA];
	_ =	sdelay $0x3  }
0x34: {  	[smem:$0x3FBA] =	sst s10  }
0x35: {  	s10 =	sld [smem:$0x3FB9];
	_ =	sdelay $0x3  }
0x36: {  	p1 =	seq.s32 s10, $0x1;
	s10 =	sld [smem:$0x3FBA];
	_ =	sdelay $0x3  }
0x37: {  	[smem:$0x3FBA] =	sst s10  }
0x38: {  	s10 =	sld [smem:$0x3FBB]  }
0x39: {  	_ = 	snop;
	(pc) =	sbr.ind lr, $3  }
0x3a: {  	_ = 	snop  }
0x3b: {  	_ = 	snop  }
0x3c: {  	p2 =	seq.s32 s10, $0x1;
	s10 =	sld [smem:$0x3FBA]  }
0x3d: {  	_ =	shalt  }
0x3e: {  	_ =	shalt  }
0x3f: {  	_ =	shalt  }
0x40: {  	_ =	shalt  }
0x41: {  	_ =	shalt  }
0x42: {  	_ =	shalt  }
0x43: {  	_ =	shalt  }
0x44: {  	_ =	shalt  }
0x45: {  	_ =	shalt  }
0x46: {  	_ =	shalt  }
0x47: {  	_ =	shalt  }
0x48: {  	_ =	shalt  }
0x49: {  	_ =	shalt  }
0x4a: {  	_ =	shalt  }
0x4b: {  	_ =	shalt  }
0x4c: {  	_ =	shalt  }
0x4d: {  	_ =	shalt  }
0x4e: {  	_ =	shalt  }
0x4f: {  	_ =	shalt  }
0x50: {  	_ =	shalt  }
0x51: {  	_ =	shalt  }
0x52: {  	_ =	shalt  }
0x53: {  	_ =	shalt  }
0x54: {  	_ =	shalt  }
0x55: {  	_ =	shalt  }
0x56: {  	_ =	shalt  }
0x57: {  	_ =	shalt  }
0x58: {  	_ =	shalt  }
0x59: {  	_ =	shalt  }
0x5a: {  	_ =	shalt  }
0x5b: {  	_ =	shalt  }
0x5c: {  	_ =	shalt  }
0x5d: {  	_ =	shalt  }
0x5e: {  	_ =	shalt  }
0x5f: {  	_ =	shalt  }
0x60: {  	_ =	shalt  }
0x61: {  	_ =	shalt  }
0x62: {  	_ =	shalt  }
0x63: {  	_ =	shalt  }
0x64: {  	_ =	shalt  }
0x65: {  	_ =	shalt  }
0x66: {  	_ =	shalt  }
0x67: {  	_ =	shalt  }
0x68: {  	_ =	shalt  }
0x69: {  	_ =	shalt  }
0x6a: {  	_ =	shalt  }
0x6b: {  	_ =	shalt  }
0x6c: {  	_ =	shalt  }
0x6d: {  	_ =	shalt  }
0x6e: {  	_ =	shalt  }
0x6f: {  	_ =	shalt  }
0x70: {  	_ =	shalt  }
0x71: {  	_ =	shalt  }
0x72: {  	_ =	shalt  }
0x73: {  	_ =	shalt  }
0x74: {  	_ =	shalt  }
0x75: {  	_ =	shalt  }
0x76: {  	_ =	shalt  }
0x77: {  	_ =	shalt  }
0x78: {  	_ =	shalt  }
0x79: {  	_ =	shalt  }
0x7a: {  	_ =	shalt  }
0x7b: {  	_ =	shalt  }
0x7c: {  	_ =	shalt  }
0x7d: {  	_ =	shalt  }
0x7e: {  	_ =	shalt  }
0x7f: {  	_ =	shalt  }
0x80: {  	_ =	shalt  }
0x81: {  	_ =	shalt  }
0x82: {  	_ =	shalt  }
0x83: {  	_ =	shalt  }
0x84: {  	_ =	shalt  }
0x85: {  	_ =	shalt  }
0x86: {  	_ =	shalt  }
0x87: {  	_ =	shalt  }
.Lfunc_end0:
.L_simem_size_0:
called_computation_lowered:
.L_overlay_start_0:
0x88: {  	s2 =	sld [smem:$0x3FD9]  }
0x89: {  	s3 =	sld [smem:$0x3FFE];
	_ =	sdelay $0x1  }
0x8a: {  	s1 =	srdreg.scid  }
0x8b: {  	s0 =	sand.u32 $0x1, s1  }
0x8c: {  	s17 =	sshll.u32 s0, $0xA;
	s2 =	sadd.s32 s3, s2  }
0x8d: {  	s2 =	sadd.s32 s2, s17  }
0x8e: {  	[smem:$0x3FC6] =	sst s2  }
0x8f: {  	_ = 	snop  }
0x90: {  	s2 =	sld [smem:$0x3FD0];
	(tm) =	ssettm $0x1  }
0x91: {  	s18 =	sld [smem:$0x3FFB];
	_ =	sdelay $0x3  }
0x92: {  	_ =	strace s18  }
0x93: {  	s3 =	sld [smem:$0x3FFC];
	_ =	sdelay $0x3  }
0x94: {  	_ =	strace s3  }
0x95: {  	s3 =	sld [smem:$0x3FFD];
	_ =	sdelay $0x3  }
0x96: {  	_ =	strace s3  }
0x97: {  	_ =	strace $0x8FFFFFFF  }
0x98: {  	s19 =	sld [smem:$0x3FDB];
	_ =	sdelay $0x1  }
0x99: {  	s4 =	simm.s32 $_scs_section_size  }
0x9a: {  	s5 =	simm.s32 $_size__tile_overlayer_lowered;
	s6 =	simm.s32 $_tile_overlayer_lowered  }
0x9b: {  	s22 =	simm.s32 $0x1BFF;
	s21 =	sshll.u32 s6, $0x1;
	s3 =	sadd.s32 s4, s19  }
0x9c: {  	s7 =	simm.s32 $0x0;
	s20 =	sshll.u32 s5, $0x1;
	s5 =	sadd.s32 s21, s3  }
0x9d: {  	[timem:s7], [sflag:s22] =	dma.local [hbm:s5], s20  }
0x9e: {  	_ =	swait.ge [sflag:s22], s20  }
0x9f: {  	s4 =	ssub.s32 $0x0, s20;
	[sflag:s22] =	ssyncset.done $0x0  }
0xa0: {  	[sflag:s22] =	ssyncadd.s32 s4;
	_ =	sdelay $0x1  }
0xa1: {  	s23 =	simm.s32 $0x1B8B  }
0xa2: {  	_ =	swait.ge [sflag:s23], $0x1  }
0xa3: {  	[sflag:s23] =	ssyncset.done $0x0  }
0xa4: {  	s25 =	simm.s32 $0x1B8E;
	s24 =	sld [smem:$0x3FFE];
	[sflag:s23] =	ssyncadd.s32 $0xFFFFFFFF  }
0xa5: {  	s26 =	simm.s32 $execute0_lowered;
	[smem:$0x3FD2] =	sst s25  }
0xa6: {  	s5 =	sshll.u32 s26, $0x1;
	_ =	strace $0x80000046;
	[dreg:$0x1] =	wrdreg $0xFFFFFFFF  }
0xa7: {  	s28 =	simm.s32 $_size_execute0_lowered;
	s3 =	sadd.s32 s3, s5;
	[dreg:$0x0] =	wrdreg $0x0  }
0xa8: {  	s5 =	sshll.u32 s28, $0x1;
	[dreg:$0x2] =	wrdreg s3  }
0xa9: {  	[dreg:$0x3] =	wrdreg s5  }
0xaa: {  	[dreg:$0x4] =	wrdreg $0xC0  }
0xab: {  	_ =	task [dreg:s7], $0x5FFFF  }
0xac: {  	[dreg:$0x1] =	wrdreg $0xFFFFFFFF  }
0xad: {  	[dreg:$0x0] =	wrdreg $0x60  }
0xae: {  	[dreg:$0x2] =	wrdreg s2  }
0xaf: {  	[dreg:$0x3] =	wrdreg s24  }
0xb0: {  	[dreg:$0x4] =	wrdreg $0x9  }
0xb1: {  	_ =	task.clear_ibuf [dreg:s7], $0x5FFFF;
	_ =	strace $0x90000046  }
0xb2: {  	s29 =	simm.s32 $0x9;
	_ =	strace $0x80000048  }
0xb3: {  	_ =	swait.ge [sflag:s29], $0x1  }
0xb4: {  	[sflag:s29] =	ssyncadd.s32 $0xFFFFFFFF  }
0xb5: {  	_ =	strace $0x90000048  }
0xb6: {  	_ =	sfence  }
0xb7: {  	s30 =	sld [smem:$0x0];
	_ =	sdelay $0x2  }
0xb8: {  	s31 =	sshll.u32 s1, $0xD;
	s1 =	sshrl.u32 s1, $0x2  }
0xb9: {  	s3 =	sand.u32 $0x4000, s31;
	s1 =	sadd.s32 s1, s30  }
0xba: {  	s0 =	sor.u32 s3, s0;
	s1 =	sshll.u32 s1, $0x11  }
0xbb: {  	s0 =	sor.u32 s1, s0  }
0xbc: {  	s0 =	sadd.s32 $0x8F2B, s0  }
0xbd: {  	[sflag:s0] =	ssyncadd.remote.s32 $0x1  }
0xbe: {  	_ =	sfence.sel $0xFFFF  }
0xbf: {  	[dreg:$0x0] =	wrdreg $0xFFFFFFFF;
	(pc) =	sbr.abs _section_cstart, $3  }
0xc0: {  	[dreg:$0x1] =	wrdreg $0xFFFFFFFF  }
0xc1: {  	_ =	task.clear_ibuf [dreg:s7], $0x2FFFF;
	_ =	strace $0x9FFFFFFF  }
0xc2: {  	(tm) =	ssettm $0x7FFFFFFF  }
0xc3: {  	_ =	shalt  }
tec
execute0_lowered:
.L_overlay_start_1:
0x0: {  	(tag) =	ssettag $0x1  }
0x1: {  	s0 =	rddreg [dreg:$0x1];
	s2 =	simm.s32 $0x0;
	s1 =	srdreg.scid  }
0x2: {  	s6 =	stileid.u32;
	[smem:$0x7FF] =	sst s2  }
0x3: {  	s4 =	sadd.s32 $0x400, s0;
	s3 =	sadd.s32 $0xF42800, s0;
	s6 =	sshll.u32 s6, $0xA  }
0x4: {  	s1 =	sand.u32 $0x1, s1;
	s28 =	sadd.s32 $0xF44200, s0;
	s29 =	sadd.s32 $0xF44400, s0  }
0x5: {  	s0 =	sadd.s32 $0xF44600, s0;
	_ =	strace $0x80000047;
	[dreg:$0x3] =	wrdreg s3  }
0x6: {  	s26 =	ssub.s32 $0x2, s1;
	s1 =	sshll.u32 s1, $0x9;
	[dreg:$0x5] =	wrdreg s28  }
.Ltmp0:
0x7: {  	[dreg:$0x6] =	wrdreg s29;
	s5 =	sshrl.u32 s26, $0x1;
	(pc) =	sbr.rel .LBB2_1-.Ltmp0, $4  }
0x8: {  	[dreg:$0x7] =	wrdreg s0;
	s6 =	sor.u32 s1, s6;
	s30 =	ssub.s32 s26, s5  }
0x9: {  	[dreg:$0x4] =	wrdreg s6;
	s31 =	sshll.u32 s6, $0x9;
	s1 =	smax.u32 s30, $0x1  }
0xa: {  	s0 =	sadd.s32 $0xFFFFFA00, s31;
	[dreg:$0x8] =	wrdreg s1  }
0xb: {  	s13 =	simm.s32 $0x1;
	s3 =	simm.s32 $0x0;
	[dreg:$0x9] =	wrdreg s0  }
.LBB2_7:
0xc: {  	s1 =	simm.s32 $0x2  }
0xd: {  	_ =	swait.ge [sflag:s1], $0xD00  }
0xe: {  	[sflag:s1] =	ssyncset.done $0x0  }
0xf: {  	[sflag:s1] =	ssyncadd.s32 $0xFFFFF300  }
0x10: {  	_ =	swait.ge [sflag:s1], $0xD00  }
0x11: {  	[sflag:s1] =	ssyncset.done $0x0  }
0x12: {  	[sflag:s1] =	ssyncadd.s32 $0xFFFFF300  }
0x13: {  	_ =	swait.ge [sflag:s1], $0xD00  }
0x14: {  	[sflag:s1] =	ssyncset.done $0x0  }
0x15: {  	[sflag:s1] =	ssyncadd.s32 $0xFFFFF300  }
0x16: {  	_ =	swait.ge [sflag:s1], $0xD00  }
0x17: {  	[sflag:s1] =	ssyncset.done $0x0  }
0x18: {  	[sflag:s1] =	ssyncadd.s32 $0xFFFFF300  }
0x19: {  	_ =	swait.ge [sflag:s1], $0xD00  }
0x1a: {  	[sflag:s1] =	ssyncset.done $0x0  }
0x1b: {  	[sflag:s1] =	ssyncadd.s32 $0xFFFFF300  }
0x1c: {  	_ =	swait.ge [sflag:s1], $0xD00  }
0x1d: {  	[sflag:s1] =	ssyncset.done $0x0  }
0x1e: {  	[sflag:s1] =	ssyncadd.s32 $0xFFFFF300  }
0x1f: {  	_ =	swait.ge [sflag:s1], $0xD00  }
0x20: {  	[sflag:s1] =	ssyncset.done $0x0  }
0x21: {  	[sflag:s1] =	ssyncadd.s32 $0xFFFFF300  }
0x22: {  	_ =	swait.ge [sflag:s1], $0xD00  }
0x23: {  	[sflag:s1] =	ssyncset.done $0x0  }
0x24: {  	[sflag:s1] =	ssyncadd.s32 $0xFFFFF300  }
0x25: {  	_ =	swait.ge [sflag:s1], $0xD00  }
0x26: {  	[sflag:s1] =	ssyncset.done $0x0  }
0x27: {  	[sflag:s1] =	ssyncadd.s32 $0xFFFFF300  }
0x28: {  	_ =	swait.ge [sflag:s1], $0xD00  }
0x29: {  	[sflag:s1] =	ssyncset.done $0x0  }
0x2a: {  	[sflag:s1] =	ssyncadd.s32 $0xFFFFF300  }
0x2b: {  	_ =	swait.ge [sflag:s1], $0xD00  }
0x2c: {  	[sflag:s1] =	ssyncset.done $0x0  }
0x2d: {  	[sflag:s1] =	ssyncadd.s32 $0xFFFFF300  }
0x2e: {  	_ =	swait.ge [sflag:s1], $0xD00  }
0x2f: {  	[sflag:s1] =	ssyncset.done $0x0  }
0x30: {  	[sflag:s1] =	ssyncadd.s32 $0xFFFFF300  }
0x31: {  	_ =	swait.ge [sflag:s1], $0xD00  }
0x32: {  	[sflag:s1] =	ssyncset.done $0x0  }
0x33: {  	[sflag:s1] =	ssyncadd.s32 $0xFFFFF300  }
0x34: {  	_ =	swait.ge [sflag:s1], $0xD00  }
0x35: {  	[sflag:s1] =	ssyncset.done $0x0  }
0x36: {  	[sflag:s1] =	ssyncadd.s32 $0xFFFFF300  }
0x37: {  	_ =	swait.ge [sflag:s1], $0xD00  }
0x38: {  	[sflag:s1] =	ssyncset.done $0x0  }
0x39: {  	[sflag:s1] =	ssyncadd.s32 $0xFFFFF300  }
0x3a: {  	_ =	swait.ge [sflag:s1], $0xD00  }
0x3b: {  	s3 =	rddreg [dreg:$0xa]  }
0x3c: {  	s0 =	rddreg [dreg:$0x8];
	s3 =	sadd.s32 $0x1, s3  }
0x3d: {  	p0 =	sne.s32 s3, s0  }
.Ltmp1:
0x3e: {  	_ = 	snop;
	(pc) =	sbr.rel @!p0 .LBB2_8-.Ltmp1, $3  }
0x3f: {  	_ =	sdelay $0x1  }
0x40: {  	[sflag:s1] =	ssyncset.done $0x0  }
0x41: {  	[sflag:s1] =	ssyncadd.s32 $0xFFFFF300  }
.LBB2_1:
.Ltmp2:
0x42: {  	(pc) =	sbr.rel .LBB2_2-.Ltmp2, $3  }
0x43: {  	_ =	sdelay $0x1  }
0x44: {  	[dreg:$0xa] =	wrdreg s3  }
0x45: {  	s31 =	rddreg [dreg:$0x9];
	s3 =	simm.s32 $0x0  }
.LBB2_6:
0x46: {  	_ =	swait.ge [sflag:s13], $0x80  }
0x47: {  	[sflag:s13] =	ssyncset.done $0x0  }
0x48: {  	[sflag:s13] =	ssyncadd.s32 $0xFFFFFF80  }
0x49: {  	_ =	swait.ge [sflag:s13], $0x80  }
0x4a: {  	[sflag:s13] =	ssyncset.done $0x0  }
0x4b: {  	[sflag:s13] =	ssyncadd.s32 $0xFFFFFF80  }
0x4c: {  	_ =	swait.ge [sflag:s13], $0x80  }
0x4d: {  	[sflag:s13] =	ssyncset.done $0x0  }
0x4e: {  	[sflag:s13] =	ssyncadd.s32 $0xFFFFFF80  }
0x4f: {  	_ =	swait.ge [sflag:s13], $0x80  }
0x50: {  	[sflag:s13] =	ssyncset.done $0x0  }
0x51: {  	[sflag:s13] =	ssyncadd.s32 $0xFFFFFF80  }
0x52: {  	_ =	swait.ge [sflag:s13], $0x80  }
0x53: {  	[sflag:s13] =	ssyncset.done $0x0  }
0x54: {  	[sflag:s13] =	ssyncadd.s32 $0xFFFFFF80  }
0x55: {  	_ =	swait.ge [sflag:s13], $0x80  }
0x56: {  	[sflag:s13] =	ssyncset.done $0x0  }
0x57: {  	[sflag:s13] =	ssyncadd.s32 $0xFFFFFF80  }
0x58: {  	_ =	swait.ge [sflag:s13], $0x80  }
0x59: {  	[sflag:s13] =	ssyncset.done $0x0  }
0x5a: {  	[sflag:s13] =	ssyncadd.s32 $0xFFFFFF80  }
0x5b: {  	_ =	swait.ge [sflag:s13], $0x80  }
0x5c: {  	[sflag:s13] =	ssyncset.done $0x0  }
0x5d: {  	[sflag:s13] =	ssyncadd.s32 $0xFFFFFF80  }
0x5e: {  	_ =	swait.ge [sflag:s13], $0x80  }
0x5f: {  	[sflag:s13] =	ssyncset.done $0x0  }
0x60: {  	[sflag:s13] =	ssyncadd.s32 $0xFFFFFF80  }
0x61: {  	_ =	swait.ge [sflag:s13], $0x80  }
0x62: {  	[sflag:s13] =	ssyncset.done $0x0  }
0x63: {  	[sflag:s13] =	ssyncadd.s32 $0xFFFFFF80  }
0x64: {  	_ =	swait.ge [sflag:s13], $0x80  }
0x65: {  	[sflag:s13] =	ssyncset.done $0x0  }
0x66: {  	[sflag:s13] =	ssyncadd.s32 $0xFFFFFF80  }
0x67: {  	_ =	swait.ge [sflag:s13], $0x80  }
0x68: {  	[sflag:s13] =	ssyncset.done $0x0  }
0x69: {  	[sflag:s13] =	ssyncadd.s32 $0xFFFFFF80  }
0x6a: {  	_ =	swait.ge [sflag:s13], $0x80  }
0x6b: {  	[sflag:s13] =	ssyncset.done $0x0  }
0x6c: {  	[sflag:s13] =	ssyncadd.s32 $0xFFFFFF80  }
0x6d: {  	_ =	swait.ge [sflag:s13], $0x80  }
0x6e: {  	[sflag:s13] =	ssyncset.done $0x0  }
0x6f: {  	[sflag:s13] =	ssyncadd.s32 $0xFFFFFF80  }
0x70: {  	_ =	swait.ge [sflag:s13], $0x80  }
0x71: {  	[sflag:s13] =	ssyncset.done $0x0  }
0x72: {  	[sflag:s13] =	ssyncadd.s32 $0xFFFFFF80  }
0x73: {  	_ =	swait.ge [sflag:s13], $0x80  }
0x74: {  	[sflag:s13] =	ssyncset.done $0x0  }
0x75: {  	[sflag:s13] =	ssyncadd.s32 $0xFFFFFF80  }
0x76: {  	_ =	swait.ge [sflag:s13], $0x80  }
0x77: {  	[sflag:s13] =	ssyncset.done $0x0  }
0x78: {  	[sflag:s13] =	ssyncadd.s32 $0xFFFFFF80  }
0x79: {  	_ =	swait.ge [sflag:s13], $0x80  }
0x7a: {  	[sflag:s13] =	ssyncset.done $0x0  }
0x7b: {  	[sflag:s13] =	ssyncadd.s32 $0xFFFFFF80  }
0x7c: {  	_ =	swait.ge [sflag:s13], $0x80  }
0x7d: {  	[sflag:s13] =	ssyncset.done $0x0  }
0x7e: {  	[sflag:s13] =	ssyncadd.s32 $0xFFFFFF80  }
0x7f: {  	_ =	swait.ge [sflag:s13], $0x80  }
0x80: {  	[sflag:s13] =	ssyncset.done $0x0  }
0x81: {  	[sflag:s13] =	ssyncadd.s32 $0xFFFFFF80  }
0x82: {  	_ =	swait.ge [sflag:s13], $0x80  }
0x83: {  	[sflag:s13] =	ssyncset.done $0x0  }
0x84: {  	[sflag:s13] =	ssyncadd.s32 $0xFFFFFF80  }
0x85: {  	_ =	swait.ge [sflag:s13], $0x80  }
0x86: {  	[sflag:s13] =	ssyncset.done $0x0  }
0x87: {  	[sflag:s13] =	ssyncadd.s32 $0xFFFFFF80  }
0x88: {  	_ =	swait.ge [sflag:s13], $0x80  }
0x89: {  	[sflag:s13] =	ssyncset.done $0x0  }
0x8a: {  	[sflag:s13] =	ssyncadd.s32 $0xFFFFFF80  }
0x8b: {  	_ =	swait.ge [sflag:s13], $0x80  }
0x8c: {  	[sflag:s13] =	ssyncset.done $0x0  }
0x8d: {  	[sflag:s13] =	ssyncadd.s32 $0xFFFFFF80  }
0x8e: {  	_ =	swait.ge [sflag:s13], $0x80  }
0x8f: {  	[sflag:s13] =	ssyncset.done $0x0  }
0x90: {  	[sflag:s13] =	ssyncadd.s32 $0xFFFFFF80  }
0x91: {  	_ =	swait.ge [sflag:s13], $0x80  }
0x92: {  	s0 =	rddreg [dreg:$0xd]  }
0x93: {  	[sflag:s13] =	ssyncset.done $0x0;
	s1 =	rddreg [dreg:$0x5];
	s0 =	sshll.u32 s0, $0x9  }
0x94: {  	s3 =	simm.s32 $0xB100;
	[sflag:s13] =	ssyncadd.s32 $0xFFFFFF80;
	s1 =	sadd.s32 s0, s1  }
0x95: {  	[hbm4b:s1+s2] =	stream.linear.scatter [tilespmem:s3], [sflag:$0x2], $0xD00, $0x38;
	[tilespmem:$0xD800] =	vst v63  }
0x96: {  	_ =	swait.ge [sflag:s13], $0x80  }
0x97: {  	[sflag:s13] =	ssyncset.done $0x0  }
0x98: {  	[sflag:s13] =	ssyncadd.s32 $0xFFFFFF80  }
0x99: {  	_ =	swait.ge [sflag:s13], $0x80  }
0x9a: {  	[sflag:s13] =	ssyncset.done $0x0  }
0x9b: {  	[sflag:s13] =	ssyncadd.s32 $0xFFFFFF80  }
0x9c: {  	_ =	swait.ge [sflag:s13], $0x80  }
0x9d: {  	[sflag:s13] =	ssyncset.done $0x0  }
0x9e: {  	[sflag:s13] =	ssyncadd.s32 $0xFFFFFF80  }
0x9f: {  	_ =	swait.ge [sflag:s13], $0x80  }
0xa0: {  	[sflag:s13] =	ssyncset.done $0x0  }
0xa1: {  	[sflag:s13] =	ssyncadd.s32 $0xFFFFFF80  }
0xa2: {  	_ =	swait.ge [sflag:s13], $0x80  }
0xa3: {  	[sflag:s13] =	ssyncset.done $0x0  }
0xa4: {  	[sflag:s13] =	ssyncadd.s32 $0xFFFFFF80  }
0xa5: {  	_ =	swait.ge [sflag:s13], $0x80  }
0xa6: {  	[sflag:s13] =	ssyncset.done $0x0  }
0xa7: {  	[sflag:s13] =	ssyncadd.s32 $0xFFFFFF80  }
0xa8: {  	_ =	swait.ge [sflag:s13], $0x80  }
0xa9: {  	[sflag:s13] =	ssyncset.done $0x0  }
0xaa: {  	[sflag:s13] =	ssyncadd.s32 $0xFFFFFF80  }
0xab: {  	_ =	swait.ge [sflag:s13], $0x80  }
0xac: {  	[sflag:s13] =	ssyncset.done $0x0  }
0xad: {  	[sflag:s13] =	ssyncadd.s32 $0xFFFFFF80  }
0xae: {  	_ =	swait.ge [sflag:s13], $0x80  }
0xaf: {  	[sflag:s13] =	ssyncset.done $0x0  }
0xb0: {  	[sflag:s13] =	ssyncadd.s32 $0xFFFFFF80  }
0xb1: {  	_ =	swait.ge [sflag:s13], $0x80  }
0xb2: {  	[sflag:s13] =	ssyncset.done $0x0  }
0xb3: {  	[sflag:s13] =	ssyncadd.s32 $0xFFFFFF80  }
0xb4: {  	_ =	swait.ge [sflag:s13], $0x80  }
0xb5: {  	[sflag:s13] =	ssyncset.done $0x0  }
0xb6: {  	[sflag:s13] =	ssyncadd.s32 $0xFFFFFF80  }
0xb7: {  	_ =	swait.ge [sflag:s13], $0x80  }
0xb8: {  	[sflag:s13] =	ssyncset.done $0x0  }
0xb9: {  	[sflag:s13] =	ssyncadd.s32 $0xFFFFFF80  }
0xba: {  	_ =	swait.ge [sflag:s13], $0x80  }
0xbb: {  	[sflag:s13] =	ssyncset.done $0x0  }
0xbc: {  	[sflag:s13] =	ssyncadd.s32 $0xFFFFFF80  }
0xbd: {  	_ =	swait.ge [sflag:s13], $0x80  }
0xbe: {  	[sflag:s13] =	ssyncset.done $0x0  }
0xbf: {  	[sflag:s13] =	ssyncadd.s32 $0xFFFFFF80  }
0xc0: {  	_ =	swait.ge [sflag:s13], $0x80  }
0xc1: {  	[sflag:s13] =	ssyncset.done $0x0  }
0xc2: {  	[sflag:s13] =	ssyncadd.s32 $0xFFFFFF80  }
0xc3: {  	_ =	swait.ge [sflag:s13], $0x80  }
0xc4: {  	[sflag:s13] =	ssyncset.done $0x0  }
0xc5: {  	[sflag:s13] =	ssyncadd.s32 $0xFFFFFF80  }
0xc6: {  	_ =	swait.ge [sflag:s13], $0x80  }
0xc7: {  	[sflag:s13] =	ssyncset.done $0x0  }
0xc8: {  	[sflag:s13] =	ssyncadd.s32 $0xFFFFFF80  }
0xc9: {  	_ =	swait.ge [sflag:s13], $0x80  }
0xca: {  	[sflag:s13] =	ssyncset.done $0x0  }
0xcb: {  	[sflag:s13] =	ssyncadd.s32 $0xFFFFFF80  }
0xcc: {  	_ =	swait.ge [sflag:s13], $0x80  }
0xcd: {  	[sflag:s13] =	ssyncset.done $0x0  }
0xce: {  	[sflag:s13] =	ssyncadd.s32 $0xFFFFFF80  }
0xcf: {  	_ =	swait.ge [sflag:s13], $0x80  }
0xd0: {  	[sflag:s13] =	ssyncset.done $0x0  }
0xd1: {  	[sflag:s13] =	ssyncadd.s32 $0xFFFFFF80  }
0xd2: {  	_ =	swait.ge [sflag:s13], $0x80  }
0xd3: {  	[sflag:s13] =	ssyncset.done $0x0  }
0xd4: {  	[sflag:s13] =	ssyncadd.s32 $0xFFFFFF80  }
0xd5: {  	_ =	swait.ge [sflag:s13], $0x80  }
0xd6: {  	[sflag:s13] =	ssyncset.done $0x0  }
0xd7: {  	[sflag:s13] =	ssyncadd.s32 $0xFFFFFF80  }
0xd8: {  	_ =	swait.ge [sflag:s13], $0x80  }
0xd9: {  	[sflag:s13] =	ssyncset.done $0x0  }
0xda: {  	[sflag:s13] =	ssyncadd.s32 $0xFFFFFF80  }
0xdb: {  	_ =	swait.ge [sflag:s13], $0x80  }
0xdc: {  	[sflag:s13] =	ssyncset.done $0x0  }
0xdd: {  	[sflag:s13] =	ssyncadd.s32 $0xFFFFFF80  }
0xde: {  	_ =	swait.ge [sflag:s13], $0x80  }
0xdf: {  	[sflag:s13] =	ssyncset.done $0x0  }
0xe0: {  	[sflag:s13] =	ssyncadd.s32 $0xFFFFFF80  }
0xe1: {  	_ =	swait.ge [sflag:s13], $0x80  }
0xe2: {  	[sflag:s13] =	ssyncset.done $0x0;
	s25 =	rddreg [dreg:$0x6]  }
0xe3: {  	s26 =	simm.s32 $0xBE00;
	[sflag:s13] =	ssyncadd.s32 $0xFFFFFF80;
	s1 =	sadd.s32 s0, s25  }
0xe4: {  	[hbm4b:s1+s2] =	stream.linear.scatter [tilespmem:s26], [sflag:$0x2], $0xD00, $0x38;
	[tilespmem:$0xD800] =	vst v63  }
0xe5: {  	_ =	swait.ge [sflag:s13], $0x80  }
0xe6: {  	[sflag:s13] =	ssyncset.done $0x0  }
0xe7: {  	[sflag:s13] =	ssyncadd.s32 $0xFFFFFF80  }
0xe8: {  	_ =	swait.ge [sflag:s13], $0x80  }
0xe9: {  	[sflag:s13] =	ssyncset.done $0x0  }
0xea: {  	[sflag:s13] =	ssyncadd.s32 $0xFFFFFF80  }
0xeb: {  	_ =	swait.ge [sflag:s13], $0x80  }
0xec: {  	[sflag:s13] =	ssyncset.done $0x0  }
0xed: {  	[sflag:s13] =	ssyncadd.s32 $0xFFFFFF80  }
0xee: {  	_ =	swait.ge [sflag:s13], $0x80  }
0xef: {  	[sflag:s13] =	ssyncset.done $0x0  }
0xf0: {  	[sflag:s13] =	ssyncadd.s32 $0xFFFFFF80  }
0xf1: {  	_ =	swait.ge [sflag:s13], $0x80  }
0xf2: {  	[sflag:s13] =	ssyncset.done $0x0  }
0xf3: {  	[sflag:s13] =	ssyncadd.s32 $0xFFFFFF80  }
0xf4: {  	_ =	swait.ge [sflag:s13], $0x80  }
0xf5: {  	[sflag:s13] =	ssyncset.done $0x0  }
0xf6: {  	[sflag:s13] =	ssyncadd.s32 $0xFFFFFF80  }
0xf7: {  	_ =	swait.ge [sflag:s13], $0x80  }
0xf8: {  	[sflag:s13] =	ssyncset.done $0x0  }
0xf9: {  	[sflag:s13] =	ssyncadd.s32 $0xFFFFFF80  }
0xfa: {  	_ =	swait.ge [sflag:s13], $0x80  }
0xfb: {  	[sflag:s13] =	ssyncset.done $0x0  }
0xfc: {  	[sflag:s13] =	ssyncadd.s32 $0xFFFFFF80  }
0xfd: {  	_ =	swait.ge [sflag:s13], $0x80  }
0xfe: {  	[sflag:s13] =	ssyncset.done $0x0  }
0xff: {  	[sflag:s13] =	ssyncadd.s32 $0xFFFFFF80  }
0x100: {  	_ =	swait.ge [sflag:s13], $0x80  }
0x101: {  	[sflag:s13] =	ssyncset.done $0x0  }
0x102: {  	[sflag:s13] =	ssyncadd.s32 $0xFFFFFF80  }
0x103: {  	_ =	swait.ge [sflag:s13], $0x80  }
0x104: {  	[sflag:s13] =	ssyncset.done $0x0  }
0x105: {  	[sflag:s13] =	ssyncadd.s32 $0xFFFFFF80  }
0x106: {  	_ =	swait.ge [sflag:s13], $0x80  }
0x107: {  	[sflag:s13] =	ssyncset.done $0x0  }
0x108: {  	[sflag:s13] =	ssyncadd.s32 $0xFFFFFF80  }
0x109: {  	_ =	swait.ge [sflag:s13], $0x80  }
0x10a: {  	[sflag:s13] =	ssyncset.done $0x0  }
0x10b: {  	[sflag:s13] =	ssyncadd.s32 $0xFFFFFF80  }
0x10c: {  	_ =	swait.ge [sflag:s13], $0x80  }
0x10d: {  	[sflag:s13] =	ssyncset.done $0x0  }
0x10e: {  	[sflag:s13] =	ssyncadd.s32 $0xFFFFFF80  }
0x10f: {  	_ =	swait.ge [sflag:s13], $0x80  }
0x110: {  	[sflag:s13] =	ssyncset.done $0x0  }
0x111: {  	[sflag:s13] =	ssyncadd.s32 $0xFFFFFF80  }
0x112: {  	_ =	swait.ge [sflag:s13], $0x80  }
0x113: {  	[sflag:s13] =	ssyncset.done $0x0  }
0x114: {  	[sflag:s13] =	ssyncadd.s32 $0xFFFFFF80  }
0x115: {  	_ =	swait.ge [sflag:s13], $0x80  }
0x116: {  	[sflag:s13] =	ssyncset.done $0x0  }
0x117: {  	[sflag:s13] =	ssyncadd.s32 $0xFFFFFF80  }
0x118: {  	_ =	swait.ge [sflag:s13], $0x80  }
0x119: {  	[sflag:s13] =	ssyncset.done $0x0  }
0x11a: {  	[sflag:s13] =	ssyncadd.s32 $0xFFFFFF80  }
0x11b: {  	_ =	swait.ge [sflag:s13], $0x80  }
0x11c: {  	[sflag:s13] =	ssyncset.done $0x0  }
0x11d: {  	[sflag:s13] =	ssyncadd.s32 $0xFFFFFF80  }
0x11e: {  	_ =	swait.ge [sflag:s13], $0x80  }
0x11f: {  	[sflag:s13] =	ssyncset.done $0x0  }
0x120: {  	[sflag:s13] =	ssyncadd.s32 $0xFFFFFF80  }
0x121: {  	_ =	swait.ge [sflag:s13], $0x80  }
0x122: {  	[sflag:s13] =	ssyncset.done $0x0  }
0x123: {  	[sflag:s13] =	ssyncadd.s32 $0xFFFFFF80  }
0x124: {  	_ =	swait.ge [sflag:s13], $0x80  }
0x125: {  	[sflag:s13] =	ssyncset.done $0x0  }
0x126: {  	[sflag:s13] =	ssyncadd.s32 $0xFFFFFF80  }
0x127: {  	_ =	swait.ge [sflag:s13], $0x80  }
0x128: {  	[sflag:s13] =	ssyncset.done $0x0  }
0x129: {  	[sflag:s13] =	ssyncadd.s32 $0xFFFFFF80  }
0x12a: {  	_ =	swait.ge [sflag:s13], $0x80  }
0x12b: {  	[sflag:s13] =	ssyncset.done $0x0  }
0x12c: {  	[sflag:s13] =	ssyncadd.s32 $0xFFFFFF80  }
0x12d: {  	_ =	swait.ge [sflag:s13], $0x80  }
0x12e: {  	[sflag:s13] =	ssyncset.done $0x0  }
0x12f: {  	[sflag:s13] =	ssyncadd.s32 $0xFFFFFF80  }
0x130: {  	_ =	swait.ge [sflag:s13], $0x80  }
0x131: {  	s30 =	rddreg [dreg:$0xc]  }
0x132: {  	s3 =	sadd.s32 $0x1, s30  }
0x133: {  	p0 =	sne.s32 s3, $0x20  }
.Ltmp3:
0x134: {  	_ = 	snop;
	(pc) =	sbr.rel @!p0 .LBB2_7-.Ltmp3, $4  }
0x135: {  	s28 =	rddreg [dreg:$0x7]  }
0x136: {  	s29 =	simm.s32 $0xCB00;
	[sflag:s13] =	ssyncset.done $0x0;
	s31 =	rddreg [dreg:$0xb]  }
0x137: {  	[sflag:s13] =	ssyncadd.s32 $0xFFFFFF80;
	s0 =	sadd.s32 s0, s28;
	s31 =	sadd.s32 $0x2000, s31  }
0x138: {  	[hbm4b:s0+s2] =	stream.linear.scatter [tilespmem:s29], [sflag:$0x2], $0xD00, $0x38;
	[tilespmem:$0xD800] =	vst v63  }
.LBB2_2:
0x139: {  	s0 =	sshll.u32 s3, $0x4;
	s1 =	rddreg [dreg:$0x4]  }
0x13a: {  	s29 =	rddreg [dreg:$0x0];
	s0 =	sadd.s32 s1, s0  }
0x13b: {  	[dreg:$0xd] =	wrdreg s0;
	s0 =	sshll.u32 s0, $0x4  }
0x13c: {  	s30 =	simm.s32 $0x3;
	s0 =	sadd.s32 s29, s0  }
0x13d: {  	[tilespmem:s2], [sflag:$0x3] =	stream.linear.gather [hbm4b:s0+s2], $0x800, $0x38;
	[tilespmem:$0xD800] =	vst v63  }
0x13e: {  	_ =	swait.ge [sflag:s30], $0x800  }
0x13f: {  	p0 =	seq.s32 s3, $0x0;
	[sflag:s30] =	ssyncset.done $0x0  }
0x140: {  	s0 =	simm.s32 @!p0 $0x2;
	[dreg:$0xc] =	wrdreg s3;
	[sflag:s30] =	ssyncadd.s32 $0xFFFFF800  }
0x141: {  	_ =	swait.ge @!p0 [sflag:s0], $0xD00  }
0x142: {  	[sflag:s0] =	ssyncset.done @!p0 $0x0  }
0x143: {  	[sflag:s0] =	ssyncadd.s32 @!p0 $0xFFFFF300  }
0x144: {  	_ =	swait.ge @!p0 [sflag:s0], $0xD00  }
0x145: {  	[sflag:s0] =	ssyncset.done @!p0 $0x0  }
0x146: {  	[sflag:s0] =	ssyncadd.s32 @!p0 $0xFFFFF300  }
0x147: {  	_ =	swait.ge @!p0 [sflag:s0], $0xD00  }
0x148: {  	[sflag:s0] =	ssyncset.done @!p0 $0x0  }
0x149: {  	[sflag:s0] =	ssyncadd.s32 @!p0 $0xFFFFF300  }
0x14a: {  	_ =	swait.ge @!p0 [sflag:s0], $0xD00  }
0x14b: {  	[sflag:s0] =	ssyncset.done @!p0 $0x0  }
0x14c: {  	[sflag:s0] =	ssyncadd.s32 @!p0 $0xFFFFF300  }
0x14d: {  	_ =	swait.ge @!p0 [sflag:s0], $0xD00  }
0x14e: {  	[sflag:s0] =	ssyncset.done @!p0 $0x0  }
0x14f: {  	[sflag:s0] =	ssyncadd.s32 @!p0 $0xFFFFF300  }
0x150: {  	_ =	swait.ge @!p0 [sflag:s0], $0xD00  }
0x151: {  	[sflag:s0] =	ssyncset.done @!p0 $0x0  }
0x152: {  	[sflag:s0] =	ssyncadd.s32 @!p0 $0xFFFFF300  }
0x153: {  	_ =	swait.ge @!p0 [sflag:s0], $0xD00  }
0x154: {  	[sflag:s0] =	ssyncset.done @!p0 $0x0  }
0x155: {  	[sflag:s0] =	ssyncadd.s32 @!p0 $0xFFFFF300  }
0x156: {  	_ =	swait.ge @!p0 [sflag:s0], $0xD00  }
0x157: {  	[sflag:s0] =	ssyncset.done @!p0 $0x0  }
0x158: {  	[sflag:s0] =	ssyncadd.s32 @!p0 $0xFFFFF300  }
0x159: {  	_ =	swait.ge @!p0 [sflag:s0], $0xD00  }
0x15a: {  	[sflag:s0] =	ssyncset.done @!p0 $0x0  }
0x15b: {  	[sflag:s0] =	ssyncadd.s32 @!p0 $0xFFFFF300  }
0x15c: {  	_ =	swait.ge @!p0 [sflag:s0], $0xD00  }
0x15d: {  	[sflag:s0] =	ssyncset.done @!p0 $0x0  }
0x15e: {  	[sflag:s0] =	ssyncadd.s32 @!p0 $0xFFFFF300  }
0x15f: {  	_ =	swait.ge @!p0 [sflag:s0], $0xD00  }
0x160: {  	[sflag:s0] =	ssyncset.done @!p0 $0x0  }
0x161: {  	[sflag:s0] =	ssyncadd.s32 @!p0 $0xFFFFF300  }
0x162: {  	_ =	swait.ge @!p0 [sflag:s0], $0xD00  }
0x163: {  	[sflag:s0] =	ssyncset.done @!p0 $0x0  }
0x164: {  	[sflag:s0] =	ssyncadd.s32 @!p0 $0xFFFFF300  }
0x165: {  	_ =	swait.ge @!p0 [sflag:s0], $0xD00  }
0x166: {  	[sflag:s0] =	ssyncset.done @!p0 $0x0  }
0x167: {  	[sflag:s0] =	ssyncadd.s32 @!p0 $0xFFFFF300  }
0x168: {  	_ =	swait.ge @!p0 [sflag:s0], $0xD00  }
0x169: {  	[sflag:s0] =	ssyncset.done @!p0 $0x0  }
0x16a: {  	[sflag:s0] =	ssyncadd.s32 @!p0 $0xFFFFF300  }
0x16b: {  	_ =	swait.ge @!p0 [sflag:s0], $0xD00  }
.Ltmp4:
0x16c: {  	[sflag:s0] =	ssyncset.done @!p0 $0x0;
	(pc) =	sbr.rel .LBB2_3-.Ltmp4, $4  }
0x16d: {  	[sflag:s0] =	ssyncadd.s32 @!p0 $0xFFFFF300  }
0x16e: {  	_ =	swait.ge @!p0 [sflag:s0], $0xD00  }
0x16f: {  	s22 =	simm.s32 $0x0;
	s23 =	simm.s32 $0xA;
	[sflag:s0] =	ssyncset.done @!p0 $0x0  }
0x170: {  	s25 =	simm.s32 $0x0;
	[dreg:$0xb] =	wrdreg s31;
	[sflag:s0] =	ssyncadd.s32 @!p0 $0xFFFFF300  }
.LBB2_5:
0x171: {  	s22 =	sadd.s32 $0x3400, s22  }
0x172: {  	p0 =	sne.s32 s22, $0x34000  }
.Ltmp5:
0x173: {  	_ = 	snop;
	(pc) =	sbr.rel @!p0 .LBB2_6-.Ltmp5, $2  }
0x174: {  	_ =	sdelay $0x2  }
0x175: {  	s25 =	sadd.s32 $0x1, s25;
	s31 =	sadd.s32 $0x200, s31;
	s23 =	sadd.s32 $0x80, s23  }
.LBB2_3:
0x176: {  	v0 =	vld [tilespmem:s23+$0xFFFFFFF6];
	_ =	sdelay $0x4  }
0x177: {  	(v2sf) =	vpush v0, $0x2  }
0x178: {  	(v2sf) =	vpush v0, $0x3  }
0x179: {  	(v2sf) =	vpush v0, $0x4  }
0x17a: {  	(v2sf) =	vpush v0, $0x5  }
0x17b: {  	(v2sf) =	vpush v0, $0x6  }
0x17c: {  	(v2sf) =	vpush v0, $0x7  }
0x17d: {  	(v2sf) =	vpush v0, $0x8  }
0x17e: {  	(v2sf) =	vpush v0, $0x9  }
0x17f: {  	(v2sf) =	vpush v0, $0xA  }
0x180: {  	v1 =	vld [tilespmem:s23+$0x0];
	(v2sf) =	vpush v0, $0xB  }
0x181: {  	(v2sf) =	vpush v0, $0xC  }
0x182: {  	(v2sf) =	vpush v0, $0xD  }
0x183: {  	(v2sf) =	vpush v0, $0xE  }
0x184: {  	(v2sf) =	vpush v0, $0xF  }
0x185: {  	(v2sf) =	vpush v1, $0x6  }
0x186: {  	s0 =	spop (v2sf);
	(v2sf) =	vpush v1, $0x7  }
0x187: {  	s5 =	spop (v2sf);
	(v2sf) =	vpush v1, $0x8  }
0x188: {  	s20 =	spop (v2sf);
	(v2sf) =	vpush v1, $0x9  }
0x189: {  	s19 =	spop (v2sf);
	(v2sf) =	vpush v1, $0xA  }
0x18a: {  	s21 =	spop (v2sf);
	(v2sf) =	vpush v1, $0xB  }
0x18b: {  	s12 =	spop (v2sf);
	(v2sf) =	vpush v1, $0xC  }
0x18c: {  	s9 =	spop (v2sf);
	(v2sf) =	vpush v1, $0xD  }
0x18d: {  	s8 =	spop (v2sf);
	(v2sf) =	vpush v1, $0xE  }
0x18e: {  	s7 =	spop (v2sf);
	(v2sf) =	vpush v1, $0xF  }
0x18f: {  	s6 =	spop (v2sf);
	(v2sf) =	vpush v0, $0x0  }
0x190: {  	s17 =	spop (v2sf)  }
0x191: {  	s16 =	spop (v2sf)  }
0x192: {  	s15 =	spop (v2sf)  }
0x193: {  	s14 =	spop (v2sf)  }
0x194: {  	s1 =	spop (v2sf)  }
0x195: {  	s18 =	spop (v2sf)  }
0x196: {  	s11 =	spop (v2sf)  }
0x197: {  	s10 =	spop (v2sf)  }
0x198: {  	s3 =	spop (v2sf)  }
0x199: {  	s28 =	spop (v2sf)  }
0x19a: {  	(v2sf) =	vpush v0, $0x1;
	s24 =	spop (v2sf)  }
0x19b: {  	s30 =	spop (v2sf)  }
0x19c: {  	s26 =	spop (v2sf)  }
0x19d: {  	s29 =	spop (v2sf)  }
0x19e: {  	[dreg:$0xf] =	wrdreg s26;
	s26 =	spop (v2sf)  }
0x19f: {  	[dreg:$0xe] =	wrdreg s29;
	s29 =	simm.s32 $0x1F85EE0;
	p0 =	sgt.s32 s26, $0x7A11F  }
0x1a0: {  	s29 =	simm.s32 @!p0 $0x0  }
0x1a1: {  	s29 =	sadd.s32 s26, s29  }
0x1a2: {  	[dreg:$0x11] =	wrdreg s24;
	s24 =	simm.s32 $0x3D09000;
	s29 =	sshll.u32 s29, $0x7  }
0x1a3: {  	s24 =	simm.s32 @!p0 $0x0;
	s26 =	sshll.u32 s26, $0x7;
	s29 =	sand.u32 $0xFFFFFC00, s29  }
0x1a4: {  	s26 =	sand.u32 $0x380, s26;
	s24 =	sadd.s32 s24, s29  }
0x1a5: {  	s24 =	sor.u32 s26, s24  }
0x1a6: {  	s26 =	sshra.s32 s22, $0x2;
	s24 =	sshrl.u32 s24, $0x3  }
0x1a7: {  	[dreg:$0x10] =	wrdreg s30;
	s30 =	sadd.s32 $0x800, s26;
	s24 =	sadd.s32 s4, s24  }
0x1a8: {  	[tilespmem:s30], [sflag:$0x1] =	stream.linear.gather [hbm4b:s24+s2], $0x80, $0x38;
	[tilespmem:$0xD800] =	vst v63  }
0x1a9: {  	s24 =	spop (v2sf)  }
0x1aa: {  	s29 =	simm.s32 $0x1F85EE0;
	p0 =	sgt.s32 s24, $0x7A11F  }
0x1ab: {  	s29 =	simm.s32 @!p0 $0x0  }
0x1ac: {  	s29 =	sadd.s32 s24, s29  }
0x1ad: {  	s30 =	simm.s32 $0x3D09000;
	s29 =	sshll.u32 s29, $0x7  }
0x1ae: {  	s30 =	simm.s32 @!p0 $0x0;
	s24 =	sshll.u32 s24, $0x7;
	s29 =	sand.u32 $0xFFFFFC00, s29  }
0x1af: {  	s24 =	sand.u32 $0x380, s24;
	s29 =	sadd.s32 s30, s29  }
0x1b0: {  	s24 =	sor.u32 s24, s29  }
0x1b1: {  	s24 =	sshrl.u32 s24, $0x3  }
0x1b2: {  	s30 =	sadd.s32 $0x880, s26;
	s24 =	sadd.s32 s4, s24  }
0x1b3: {  	[tilespmem:s30], [sflag:$0x1] =	stream.linear.gather [hbm4b:s24+s2], $0x80, $0x38;
	[tilespmem:$0xD800] =	vst v63  }
0x1b4: {  	p0 =	sgt.s32 s0, $0x7A11F;
	s24 =	simm.s32 $0x1F85EE0  }
0x1b5: {  	s24 =	simm.s32 @!p0 $0x0  }
0x1b6: {  	s24 =	sadd.s32 s0, s24  }
0x1b7: {  	s29 =	simm.s32 $0x3D09000;
	s24 =	sshll.u32 s24, $0x7  }
0x1b8: {  	s29 =	simm.s32 @!p0 $0x0;
	s0 =	sshll.u32 s0, $0x7;
	s24 =	sand.u32 $0xFFFFFC00, s24  }
0x1b9: {  	s0 =	sand.u32 $0x380, s0;
	s24 =	sadd.s32 s29, s24  }
0x1ba: {  	s0 =	sor.u32 s0, s24  }
0x1bb: {  	s0 =	sshrl.u32 s0, $0x3  }
0x1bc: {  	s30 =	sadd.s32 $0x900, s26;
	s0 =	sadd.s32 s4, s0  }
0x1bd: {  	[tilespmem:s30], [sflag:$0x1] =	stream.linear.gather [hbm4b:s0+s2], $0x80, $0x38;
	[tilespmem:$0xD800] =	vst v63  }
0x1be: {  	p0 =	sgt.s32 s5, $0x7A11F;
	s0 =	simm.s32 $0x1F85EE0  }
0x1bf: {  	s0 =	simm.s32 @!p0 $0x0  }
0x1c0: {  	s0 =	sadd.s32 s5, s0  }
0x1c1: {  	s24 =	simm.s32 $0x3D09000;
	s0 =	sshll.u32 s0, $0x7  }
0x1c2: {  	s24 =	simm.s32 @!p0 $0x0;
	s5 =	sshll.u32 s5, $0x7;
	s0 =	sand.u32 $0xFFFFFC00, s0  }
0x1c3: {  	s5 =	sand.u32 $0x380, s5;
	s0 =	sadd.s32 s24, s0  }
0x1c4: {  	s0 =	sor.u32 s5, s0  }
0x1c5: {  	s0 =	sshrl.u32 s0, $0x3  }
0x1c6: {  	s24 =	sadd.s32 $0x980, s26;
	s0 =	sadd.s32 s4, s0  }
0x1c7: {  	[tilespmem:s24], [sflag:$0x1] =	stream.linear.gather [hbm4b:s0+s2], $0x80, $0x38;
	[tilespmem:$0xD800] =	vst v63  }
0x1c8: {  	p0 =	sgt.s32 s20, $0x7A11F;
	s0 =	simm.s32 $0x1F85EE0  }
0x1c9: {  	s0 =	simm.s32 @!p0 $0x0  }
0x1ca: {  	s0 =	sadd.s32 s20, s0  }
0x1cb: {  	s5 =	simm.s32 $0x3D09000;
	s0 =	sshll.u32 s0, $0x7  }
0x1cc: {  	s5 =	simm.s32 @!p0 $0x0;
	s20 =	sshll.u32 s20, $0x7;
	s0 =	sand.u32 $0xFFFFFC00, s0  }
0x1cd: {  	s29 =	sand.u32 $0x380, s20;
	s0 =	sadd.s32 s5, s0  }
0x1ce: {  	s0 =	sor.u32 s29, s0  }
0x1cf: {  	s0 =	sshrl.u32 s0, $0x3  }
0x1d0: {  	s30 =	sadd.s32 $0xA00, s26;
	s0 =	sadd.s32 s4, s0  }
0x1d1: {  	[tilespmem:s30], [sflag:$0x1] =	stream.linear.gather [hbm4b:s0+s2], $0x80, $0x38;
	[tilespmem:$0xD800] =	vst v63  }
0x1d2: {  	p0 =	sgt.s32 s19, $0x7A11F;
	s0 =	simm.s32 $0x1F85EE0  }
0x1d3: {  	s0 =	simm.s32 @!p0 $0x0  }
0x1d4: {  	s0 =	sadd.s32 s19, s0  }
0x1d5: {  	s5 =	simm.s32 $0x3D09000;
	s0 =	sshll.u32 s0, $0x7  }
0x1d6: {  	s5 =	simm.s32 @!p0 $0x0;
	s19 =	sshll.u32 s19, $0x7;
	s0 =	sand.u32 $0xFFFFFC00, s0  }
0x1d7: {  	s19 =	sand.u32 $0x380, s19;
	s0 =	sadd.s32 s5, s0  }
0x1d8: {  	s0 =	sor.u32 s19, s0  }
0x1d9: {  	s0 =	sshrl.u32 s0, $0x3  }
0x1da: {  	s20 =	sadd.s32 $0xA80, s26;
	s0 =	sadd.s32 s4, s0  }
0x1db: {  	[tilespmem:s20], [sflag:$0x1] =	stream.linear.gather [hbm4b:s0+s2], $0x80, $0x38;
	[tilespmem:$0xD800] =	vst v63  }
0x1dc: {  	p0 =	sgt.s32 s21, $0x7A11F;
	s0 =	simm.s32 $0x1F85EE0  }
0x1dd: {  	s0 =	simm.s32 @!p0 $0x0  }
0x1de: {  	s0 =	sadd.s32 s21, s0  }
0x1df: {  	s5 =	simm.s32 $0x3D09000;
	s0 =	sshll.u32 s0, $0x7  }
0x1e0: {  	s24 =	sshll.u32 s21, $0x7;
	s5 =	simm.s32 @!p0 $0x0;
	s0 =	sand.u32 $0xFFFFFC00, s0  }
0x1e1: {  	s29 =	sand.u32 $0x380, s24;
	s0 =	sadd.s32 s5, s0  }
0x1e2: {  	s0 =	sor.u32 s29, s0  }
0x1e3: {  	s0 =	sshrl.u32 s0, $0x3  }
0x1e4: {  	s30 =	sadd.s32 $0xB00, s26;
	s0 =	sadd.s32 s4, s0  }
0x1e5: {  	[tilespmem:s30], [sflag:$0x1] =	stream.linear.gather [hbm4b:s0+s2], $0x80, $0x38;
	[tilespmem:$0xD800] =	vst v63  }
0x1e6: {  	p0 =	sgt.s32 s12, $0x7A11F;
	s0 =	simm.s32 $0x1F85EE0  }
0x1e7: {  	s0 =	simm.s32 @!p0 $0x0  }
0x1e8: {  	s0 =	sadd.s32 s12, s0  }
0x1e9: {  	s5 =	simm.s32 $0x3D09000;
	s0 =	sshll.u32 s0, $0x7  }
0x1ea: {  	s5 =	simm.s32 @!p0 $0x0;
	s12 =	sshll.u32 s12, $0x7;
	s0 =	sand.u32 $0xFFFFFC00, s0  }
0x1eb: {  	s19 =	sand.u32 $0x380, s12;
	s0 =	sadd.s32 s5, s0  }
0x1ec: {  	s0 =	sor.u32 s19, s0  }
0x1ed: {  	s0 =	sshrl.u32 s0, $0x3  }
0x1ee: {  	s20 =	sadd.s32 $0xB80, s26;
	s0 =	sadd.s32 s4, s0  }
0x1ef: {  	[tilespmem:s20], [sflag:$0x1] =	stream.linear.gather [hbm4b:s0+s2], $0x80, $0x38;
	[tilespmem:$0xD800] =	vst v63  }
0x1f0: {  	p0 =	sgt.s32 s9, $0x7A11F;
	s0 =	simm.s32 $0x1F85EE0  }
0x1f1: {  	s0 =	simm.s32 @!p0 $0x0  }
0x1f2: {  	s0 =	sadd.s32 s9, s0  }
0x1f3: {  	s5 =	simm.s32 $0x3D09000;
	s0 =	sshll.u32 s0, $0x7  }
0x1f4: {  	s5 =	simm.s32 @!p0 $0x0;
	s9 =	sshll.u32 s9, $0x7;
	s0 =	sand.u32 $0xFFFFFC00, s0  }
0x1f5: {  	s21 =	sand.u32 $0x380, s9;
	s0 =	sadd.s32 s5, s0  }
0x1f6: {  	s0 =	sor.u32 s21, s0  }
0x1f7: {  	s0 =	sshrl.u32 s0, $0x3  }
0x1f8: {  	s24 =	sadd.s32 $0xC00, s26;
	s0 =	sadd.s32 s4, s0  }
0x1f9: {  	[tilespmem:s24], [sflag:$0x1] =	stream.linear.gather [hbm4b:s0+s2], $0x80, $0x38;
	[tilespmem:$0xD800] =	vst v63  }
0x1fa: {  	p0 =	sgt.s32 s8, $0x7A11F;
	s0 =	simm.s32 $0x1F85EE0  }
0x1fb: {  	s0 =	simm.s32 @!p0 $0x0  }
0x1fc: {  	s0 =	sadd.s32 s8, s0  }
0x1fd: {  	s5 =	simm.s32 $0x3D09000;
	s0 =	sshll.u32 s0, $0x7  }
0x1fe: {  	s5 =	simm.s32 @!p0 $0x0;
	s8 =	sshll.u32 s8, $0x7;
	s0 =	sand.u32 $0xFFFFFC00, s0  }
0x1ff: {  	s29 =	sand.u32 $0x380, s8;
	s0 =	sadd.s32 s5, s0  }
0x200: {  	s0 =	sor.u32 s29, s0  }
0x201: {  	s0 =	sshrl.u32 s0, $0x3  }
0x202: {  	s30 =	sadd.s32 $0xC80, s26;
	s0 =	sadd.s32 s4, s0  }
0x203: {  	[tilespmem:s30], [sflag:$0x1] =	stream.linear.gather [hbm4b:s0+s2], $0x80, $0x38;
	[tilespmem:$0xD800] =	vst v63  }
0x204: {  	p0 =	sgt.s32 s7, $0x7A11F;
	s0 =	simm.s32 $0x1F85EE0  }
0x205: {  	s0 =	simm.s32 @!p0 $0x0  }
0x206: {  	s0 =	sadd.s32 s7, s0  }
0x207: {  	s5 =	simm.s32 $0x3D09000;
	s0 =	sshll.u32 s0, $0x7  }
0x208: {  	s5 =	simm.s32 @!p0 $0x0;
	s7 =	sshll.u32 s7, $0x7;
	s0 =	sand.u32 $0xFFFFFC00, s0  }
0x209: {  	s7 =	sand.u32 $0x380, s7;
	s0 =	sadd.s32 s5, s0  }
0x20a: {  	s0 =	sor.u32 s7, s0  }
0x20b: {  	s0 =	sshrl.u32 s0, $0x3  }
0x20c: {  	s8 =	sadd.s32 $0xD00, s26;
	s0 =	sadd.s32 s4, s0  }
0x20d: {  	[tilespmem:s8], [sflag:$0x1] =	stream.linear.gather [hbm4b:s0+s2], $0x80, $0x38;
	[tilespmem:$0xD800] =	vst v63  }
0x20e: {  	p0 =	sgt.s32 s6, $0x7A11F;
	s0 =	simm.s32 $0x1F85EE0  }
0x20f: {  	s0 =	simm.s32 @!p0 $0x0  }
0x210: {  	s0 =	sadd.s32 s6, s0  }
0x211: {  	s5 =	simm.s32 $0x3D09000;
	s0 =	sshll.u32 s0, $0x7  }
0x212: {  	s5 =	simm.s32 @!p0 $0x0;
	s6 =	sshll.u32 s6, $0x7;
	s0 =	sand.u32 $0xFFFFFC00, s0  }
0x213: {  	s9 =	sand.u32 $0x380, s6;
	s0 =	sadd.s32 s5, s0  }
0x214: {  	s0 =	sor.u32 s9, s0  }
0x215: {  	s0 =	sshrl.u32 s0, $0x3  }
0x216: {  	s12 =	sadd.s32 $0xD80, s26;
	s0 =	sadd.s32 s4, s0  }
0x217: {  	[tilespmem:s12], [sflag:$0x1] =	stream.linear.gather [hbm4b:s0+s2], $0x80, $0x38;
	[tilespmem:$0xD800] =	vst v63  }
0x218: {  	p0 =	sgt.s32 s17, $0x7A11F;
	s0 =	simm.s32 $0x1F85EE0  }
0x219: {  	s0 =	simm.s32 @!p0 $0x0  }
0x21a: {  	s0 =	sadd.s32 s17, s0  }
0x21b: {  	s5 =	simm.s32 $0x3D09000;
	s0 =	sshll.u32 s0, $0x7  }
0x21c: {  	s5 =	simm.s32 @!p0 $0x0;
	s17 =	sshll.u32 s17, $0x7;
	s0 =	sand.u32 $0xFFFFFC00, s0  }
0x21d: {  	s19 =	sand.u32 $0x380, s17;
	s0 =	sadd.s32 s5, s0  }
0x21e: {  	s0 =	sor.u32 s19, s0  }
0x21f: {  	s0 =	sshrl.u32 s0, $0x3  }
0x220: {  	s20 =	sadd.s32 $0xE00, s26;
	s0 =	sadd.s32 s4, s0  }
0x221: {  	[tilespmem:s20], [sflag:$0x1] =	stream.linear.gather [hbm4b:s0+s2], $0x80, $0x38;
	[tilespmem:$0xD800] =	vst v63  }
0x222: {  	p0 =	sgt.s32 s16, $0x7A11F;
	s0 =	simm.s32 $0x1F85EE0  }
0x223: {  	s0 =	simm.s32 @!p0 $0x0  }
0x224: {  	s0 =	sadd.s32 s16, s0  }
0x225: {  	s5 =	simm.s32 $0x3D09000;
	s0 =	sshll.u32 s0, $0x7  }
0x226: {  	s21 =	sshll.u32 s16, $0x7;
	s5 =	simm.s32 @!p0 $0x0;
	s0 =	sand.u32 $0xFFFFFC00, s0  }
0x227: {  	s24 =	sand.u32 $0x380, s21;
	s0 =	sadd.s32 s5, s0  }
0x228: {  	s0 =	sor.u32 s24, s0  }
0x229: {  	s0 =	sshrl.u32 s0, $0x3  }
0x22a: {  	s29 =	sadd.s32 $0xE80, s26;
	s0 =	sadd.s32 s4, s0  }
0x22b: {  	[tilespmem:s29], [sflag:$0x1] =	stream.linear.gather [hbm4b:s0+s2], $0x80, $0x38;
	[tilespmem:$0xD800] =	vst v63  }
0x22c: {  	p0 =	sgt.s32 s15, $0x7A11F;
	s0 =	simm.s32 $0x1F85EE0  }
0x22d: {  	s0 =	simm.s32 @!p0 $0x0  }
0x22e: {  	s0 =	sadd.s32 s15, s0  }
0x22f: {  	s5 =	simm.s32 $0x3D09000;
	s0 =	sshll.u32 s0, $0x7  }
0x230: {  	s30 =	sshll.u32 s15, $0x7;
	s5 =	simm.s32 @!p0 $0x0;
	s0 =	sand.u32 $0xFFFFFC00, s0  }
0x231: {  	s7 =	sand.u32 $0x380, s30;
	s0 =	sadd.s32 s5, s0  }
0x232: {  	s0 =	sor.u32 s7, s0  }
0x233: {  	s0 =	sshrl.u32 s0, $0x3  }
0x234: {  	s8 =	sadd.s32 $0xF00, s26;
	s0 =	sadd.s32 s4, s0  }
0x235: {  	[tilespmem:s8], [sflag:$0x1] =	stream.linear.gather [hbm4b:s0+s2], $0x80, $0x38;
	[tilespmem:$0xD800] =	vst v63  }
0x236: {  	p0 =	sgt.s32 s14, $0x7A11F;
	s0 =	simm.s32 $0x1F85EE0  }
0x237: {  	s0 =	simm.s32 @!p0 $0x0  }
0x238: {  	s0 =	sadd.s32 s14, s0  }
0x239: {  	s5 =	simm.s32 $0x3D09000;
	s0 =	sshll.u32 s0, $0x7  }
0x23a: {  	s9 =	sshll.u32 s14, $0x7;
	s5 =	simm.s32 @!p0 $0x0;
	s0 =	sand.u32 $0xFFFFFC00, s0  }
0x23b: {  	s12 =	sand.u32 $0x380, s9;
	s0 =	sadd.s32 s5, s0  }
0x23c: {  	s0 =	sor.u32 s12, s0  }
0x23d: {  	s0 =	sshrl.u32 s0, $0x3  }
0x23e: {  	s14 =	sadd.s32 $0xF80, s26;
	s0 =	sadd.s32 s4, s0  }
0x23f: {  	[tilespmem:s14], [sflag:$0x1] =	stream.linear.gather [hbm4b:s0+s2], $0x80, $0x38;
	[tilespmem:$0xD800] =	vst v63  }
0x240: {  	p0 =	sgt.s32 s1, $0x7A11F;
	s0 =	simm.s32 $0x1F85EE0  }
0x241: {  	s0 =	simm.s32 @!p0 $0x0  }
0x242: {  	s0 =	sadd.s32 s1, s0  }
0x243: {  	s5 =	simm.s32 $0x3D09000;
	s0 =	sshll.u32 s0, $0x7  }
0x244: {  	s5 =	simm.s32 @!p0 $0x0;
	s1 =	sshll.u32 s1, $0x7;
	s0 =	sand.u32 $0xFFFFFC00, s0  }
0x245: {  	s1 =	sand.u32 $0x380, s1;
	s0 =	sadd.s32 s5, s0  }
0x246: {  	s0 =	sor.u32 s1, s0  }
0x247: {  	s0 =	sshrl.u32 s0, $0x3  }
0x248: {  	s15 =	sadd.s32 $0x1000, s26;
	s0 =	sadd.s32 s4, s0  }
0x249: {  	[tilespmem:s15], [sflag:$0x1] =	stream.linear.gather [hbm4b:s0+s2], $0x80, $0x38;
	[tilespmem:$0xD800] =	vst v63  }
0x24a: {  	p0 =	sgt.s32 s18, $0x7A11F;
	s0 =	simm.s32 $0x1F85EE0  }
0x24b: {  	s0 =	simm.s32 @!p0 $0x0  }
0x24c: {  	s0 =	sadd.s32 s18, s0  }
0x24d: {  	s1 =	simm.s32 $0x3D09000;
	s0 =	sshll.u32 s0, $0x7  }
0x24e: {  	s16 =	sshll.u32 s18, $0x7;
	s1 =	simm.s32 @!p0 $0x0;
	s0 =	sand.u32 $0xFFFFFC00, s0  }
0x24f: {  	s17 =	sand.u32 $0x380, s16;
	s0 =	sadd.s32 s1, s0  }
0x250: {  	s0 =	sor.u32 s17, s0  }
0x251: {  	s0 =	sshrl.u32 s0, $0x3  }
0x252: {  	s18 =	sadd.s32 $0x1080, s26;
	s0 =	sadd.s32 s4, s0  }
0x253: {  	[tilespmem:s18], [sflag:$0x1] =	stream.linear.gather [hbm4b:s0+s2], $0x80, $0x38;
	[tilespmem:$0xD800] =	vst v63  }
0x254: {  	p0 =	sgt.s32 s11, $0x7A11F;
	s0 =	simm.s32 $0x1F85EE0  }
0x255: {  	s0 =	simm.s32 @!p0 $0x0  }
0x256: {  	s0 =	sadd.s32 s11, s0  }
0x257: {  	s1 =	simm.s32 $0x3D09000;
	s0 =	sshll.u32 s0, $0x7  }
0x258: {  	s19 =	sshll.u32 s11, $0x7;
	s1 =	simm.s32 @!p0 $0x0;
	s0 =	sand.u32 $0xFFFFFC00, s0  }
0x259: {  	s20 =	sand.u32 $0x380, s19;
	s0 =	sadd.s32 s1, s0  }
0x25a: {  	s0 =	sor.u32 s20, s0  }
0x25b: {  	s0 =	sshrl.u32 s0, $0x3  }
0x25c: {  	s21 =	sadd.s32 $0x1100, s26;
	s0 =	sadd.s32 s4, s0  }
0x25d: {  	[tilespmem:s21], [sflag:$0x1] =	stream.linear.gather [hbm4b:s0+s2], $0x80, $0x38;
	[tilespmem:$0xD800] =	vst v63  }
0x25e: {  	p0 =	sgt.s32 s10, $0x7A11F;
	s0 =	simm.s32 $0x1F85EE0  }
0x25f: {  	s0 =	simm.s32 @!p0 $0x0  }
0x260: {  	s0 =	sadd.s32 s10, s0  }
0x261: {  	s1 =	simm.s32 $0x3D09000;
	s0 =	sshll.u32 s0, $0x7  }
0x262: {  	s24 =	sshll.u32 s10, $0x7;
	s1 =	simm.s32 @!p0 $0x0;
	s0 =	sand.u32 $0xFFFFFC00, s0  }
0x263: {  	s29 =	sand.u32 $0x380, s24;
	s0 =	sadd.s32 s1, s0  }
0x264: {  	s0 =	sor.u32 s29, s0  }
0x265: {  	s0 =	sshrl.u32 s0, $0x3  }
0x266: {  	s30 =	sadd.s32 $0x1180, s26;
	s0 =	sadd.s32 s4, s0  }
0x267: {  	[tilespmem:s30], [sflag:$0x1] =	stream.linear.gather [hbm4b:s0+s2], $0x80, $0x38;
	[tilespmem:$0xD800] =	vst v63  }
0x268: {  	p0 =	sgt.s32 s3, $0x7A11F;
	s0 =	simm.s32 $0x1F85EE0  }
0x269: {  	s0 =	simm.s32 @!p0 $0x0  }
0x26a: {  	s0 =	sadd.s32 s3, s0  }
0x26b: {  	s1 =	simm.s32 $0x3D09000;
	s0 =	sshll.u32 s0, $0x7  }
0x26c: {  	s1 =	simm.s32 @!p0 $0x0;
	s3 =	sshll.u32 s3, $0x7;
	s0 =	sand.u32 $0xFFFFFC00, s0  }
0x26d: {  	s3 =	sand.u32 $0x380, s3;
	s0 =	sadd.s32 s1, s0  }
0x26e: {  	s0 =	sor.u32 s3, s0  }
0x26f: {  	s0 =	sshrl.u32 s0, $0x3  }
0x270: {  	s5 =	sadd.s32 $0x1200, s26;
	s0 =	sadd.s32 s4, s0  }
0x271: {  	[tilespmem:s5], [sflag:$0x1] =	stream.linear.gather [hbm4b:s0+s2], $0x80, $0x38;
	[tilespmem:$0xD800] =	vst v63  }
0x272: {  	p0 =	sgt.s32 s28, $0x7A11F;
	s0 =	simm.s32 $0x1F85EE0  }
0x273: {  	s0 =	simm.s32 @!p0 $0x0  }
0x274: {  	s0 =	sadd.s32 s28, s0  }
0x275: {  	s1 =	simm.s32 $0x3D09000;
	s0 =	sshll.u32 s0, $0x7  }
0x276: {  	s6 =	sshll.u32 s28, $0x7;
	s1 =	simm.s32 @!p0 $0x0;
	s0 =	sand.u32 $0xFFFFFC00, s0  }
0x277: {  	s7 =	sand.u32 $0x380, s6;
	s0 =	sadd.s32 s1, s0  }
0x278: {  	s0 =	sor.u32 s7, s0  }
0x279: {  	s0 =	sshrl.u32 s0, $0x3  }
0x27a: {  	s9 =	rddreg [dreg:$0x11];
	s8 =	sadd.s32 $0x1280, s26;
	s0 =	sadd.s32 s4, s0  }
0x27b: {  	[tilespmem:s8], [sflag:$0x1] =	stream.linear.gather [hbm4b:s0+s2], $0x80, $0x38;
	[tilespmem:$0xD800] =	vst v63  }
0x27c: {  	p0 =	sgt.s32 s9, $0x7A11F;
	s0 =	simm.s32 $0x1F85EE0  }
0x27d: {  	s0 =	simm.s32 @!p0 $0x0  }
0x27e: {  	s0 =	sadd.s32 s9, s0  }
0x27f: {  	s10 =	smov.u32 s9;
	s1 =	simm.s32 $0x3D09000;
	s0 =	sshll.u32 s0, $0x7  }
0x280: {  	s3 =	sshll.u32 s10, $0x7;
	s1 =	simm.s32 @!p0 $0x0;
	s0 =	sand.u32 $0xFFFFFC00, s0  }
0x281: {  	s11 =	sand.u32 $0x380, s3;
	s0 =	sadd.s32 s1, s0  }
0x282: {  	s0 =	sor.u32 s11, s0  }
0x283: {  	s0 =	sshrl.u32 s0, $0x3  }
0x284: {  	s12 =	sadd.s32 $0x1300, s26;
	s14 =	rddreg [dreg:$0x10];
	s0 =	sadd.s32 s4, s0  }
0x285: {  	[tilespmem:s12], [sflag:$0x1] =	stream.linear.gather [hbm4b:s0+s2], $0x80, $0x38;
	[tilespmem:$0xD800] =	vst v63  }
0x286: {  	p0 =	sgt.s32 s14, $0x7A11F;
	s0 =	simm.s32 $0x1F85EE0  }
0x287: {  	s0 =	simm.s32 @!p0 $0x0  }
0x288: {  	s0 =	sadd.s32 s14, s0  }
0x289: {  	s15 =	smov.u32 s14;
	s1 =	simm.s32 $0x3D09000;
	s0 =	sshll.u32 s0, $0x7  }
0x28a: {  	s3 =	sshll.u32 s15, $0x7;
	s1 =	simm.s32 @!p0 $0x0;
	s0 =	sand.u32 $0xFFFFFC00, s0  }
0x28b: {  	s16 =	sand.u32 $0x380, s3;
	s0 =	sadd.s32 s1, s0  }
0x28c: {  	s0 =	sor.u32 s16, s0  }
0x28d: {  	s0 =	sshrl.u32 s0, $0x3  }
0x28e: {  	s17 =	sadd.s32 $0x1380, s26;
	s18 =	rddreg [dreg:$0xf];
	s0 =	sadd.s32 s4, s0  }
0x28f: {  	[tilespmem:s17], [sflag:$0x1] =	stream.linear.gather [hbm4b:s0+s2], $0x80, $0x38;
	[tilespmem:$0xD800] =	vst v63  }
0x290: {  	p0 =	sgt.s32 s18, $0x7A11F;
	s0 =	simm.s32 $0x1F85EE0  }
0x291: {  	s0 =	simm.s32 @!p0 $0x0  }
0x292: {  	s0 =	sadd.s32 s18, s0  }
0x293: {  	s19 =	smov.u32 s18;
	s1 =	simm.s32 $0x3D09000;
	s0 =	sshll.u32 s0, $0x7  }
0x294: {  	s3 =	sshll.u32 s19, $0x7;
	s1 =	simm.s32 @!p0 $0x0;
	s0 =	sand.u32 $0xFFFFFC00, s0  }
0x295: {  	s20 =	sand.u32 $0x380, s3;
	s0 =	sadd.s32 s1, s0  }
0x296: {  	s0 =	sor.u32 s20, s0  }
0x297: {  	s0 =	sshrl.u32 s0, $0x3  }
0x298: {  	s24 =	rddreg [dreg:$0xe];
	s21 =	sadd.s32 $0x1400, s26;
	s0 =	sadd.s32 s4, s0  }
0x299: {  	[tilespmem:s21], [sflag:$0x1] =	stream.linear.gather [hbm4b:s0+s2], $0x80, $0x38;
	[tilespmem:$0xD800] =	vst v63  }
0x29a: {  	p0 =	sgt.s32 s24, $0x7A11F;
	s0 =	simm.s32 $0x1F85EE0  }
0x29b: {  	s0 =	simm.s32 @!p0 $0x0  }
0x29c: {  	s28 =	smov.u32 s24;
	s0 =	sadd.s32 s24, s0  }
0x29d: {  	s3 =	sshll.u32 s28, $0x7;
	s1 =	simm.s32 $0x3D09000;
	s0 =	sshll.u32 s0, $0x7  }
0x29e: {  	s1 =	simm.s32 @!p0 $0x0;
	p0 =	slt.u32 s25, $0x3;
	s0 =	sand.u32 $0xFFFFFC00, s0  }
.Ltmp6:
0x29f: {  	s29 =	sand.u32 $0x380, s3;
	s0 =	sadd.s32 s1, s0;
	(pc) =	sbr.rel @p0 .LBB2_5-.Ltmp6, $4  }
0x2a0: {  	s0 =	sor.u32 s29, s0  }
0x2a1: {  	s0 =	sshrl.u32 s0, $0x3  }
0x2a2: {  	s30 =	sadd.s32 $0x1480, s26;
	s0 =	sadd.s32 s4, s0  }
0x2a3: {  	[tilespmem:s30], [sflag:$0x1] =	stream.linear.gather [hbm4b:s0+s2], $0x80, $0x38;
	[tilespmem:$0xD800] =	vst v63  }
0x2a4: {  	_ =	swait.ge [sflag:s13], $0x80  }
0x2a5: {  	[sflag:s13] =	ssyncset.done $0x0  }
0x2a6: {  	[sflag:s13] =	ssyncadd.s32 $0xFFFFFF80  }
0x2a7: {  	_ =	swait.ge [sflag:s13], $0x80  }
0x2a8: {  	[sflag:s13] =	ssyncset.done $0x0  }
0x2a9: {  	[sflag:s13] =	ssyncadd.s32 $0xFFFFFF80  }
0x2aa: {  	_ =	swait.ge [sflag:s13], $0x80  }
0x2ab: {  	[sflag:s13] =	ssyncset.done $0x0  }
0x2ac: {  	[sflag:s13] =	ssyncadd.s32 $0xFFFFFF80  }
0x2ad: {  	_ =	swait.ge [sflag:s13], $0x80  }
0x2ae: {  	[sflag:s13] =	ssyncset.done $0x0  }
0x2af: {  	[sflag:s13] =	ssyncadd.s32 $0xFFFFFF80  }
0x2b0: {  	_ =	swait.ge [sflag:s13], $0x80  }
0x2b1: {  	[sflag:s13] =	ssyncset.done $0x0  }
0x2b2: {  	[sflag:s13] =	ssyncadd.s32 $0xFFFFFF80  }
0x2b3: {  	_ =	swait.ge [sflag:s13], $0x80  }
0x2b4: {  	[sflag:s13] =	ssyncset.done $0x0  }
0x2b5: {  	[sflag:s13] =	ssyncadd.s32 $0xFFFFFF80  }
0x2b6: {  	_ =	swait.ge [sflag:s13], $0x80  }
0x2b7: {  	[sflag:s13] =	ssyncset.done $0x0  }
0x2b8: {  	[sflag:s13] =	ssyncadd.s32 $0xFFFFFF80  }
0x2b9: {  	_ =	swait.ge [sflag:s13], $0x80  }
0x2ba: {  	[sflag:s13] =	ssyncset.done $0x0  }
0x2bb: {  	[sflag:s13] =	ssyncadd.s32 $0xFFFFFF80  }
0x2bc: {  	_ =	swait.ge [sflag:s13], $0x80  }
0x2bd: {  	[sflag:s13] =	ssyncset.done $0x0  }
0x2be: {  	[sflag:s13] =	ssyncadd.s32 $0xFFFFFF80  }
0x2bf: {  	_ =	swait.ge [sflag:s13], $0x80  }
0x2c0: {  	[sflag:s13] =	ssyncset.done $0x0  }
0x2c1: {  	[sflag:s13] =	ssyncadd.s32 $0xFFFFFF80  }
0x2c2: {  	_ =	swait.ge [sflag:s13], $0x80  }
0x2c3: {  	[sflag:s13] =	ssyncset.done $0x0  }
0x2c4: {  	[sflag:s13] =	ssyncadd.s32 $0xFFFFFF80  }
0x2c5: {  	_ =	swait.ge [sflag:s13], $0x80  }
0x2c6: {  	[sflag:s13] =	ssyncset.done $0x0  }
0x2c7: {  	[sflag:s13] =	ssyncadd.s32 $0xFFFFFF80  }
0x2c8: {  	_ =	swait.ge [sflag:s13], $0x80  }
0x2c9: {  	[sflag:s13] =	ssyncset.done $0x0  }
0x2ca: {  	[sflag:s13] =	ssyncadd.s32 $0xFFFFFF80  }
0x2cb: {  	_ =	swait.ge [sflag:s13], $0x80  }
0x2cc: {  	[sflag:s13] =	ssyncset.done $0x0  }
0x2cd: {  	[sflag:s13] =	ssyncadd.s32 $0xFFFFFF80  }
0x2ce: {  	_ =	swait.ge [sflag:s13], $0x80  }
0x2cf: {  	[sflag:s13] =	ssyncset.done $0x0  }
0x2d0: {  	[sflag:s13] =	ssyncadd.s32 $0xFFFFFF80  }
0x2d1: {  	_ =	swait.ge [sflag:s13], $0x80  }
0x2d2: {  	[sflag:s13] =	ssyncset.done $0x0  }
0x2d3: {  	[sflag:s13] =	ssyncadd.s32 $0xFFFFFF80  }
0x2d4: {  	_ =	swait.ge [sflag:s13], $0x80  }
0x2d5: {  	[sflag:s13] =	ssyncset.done $0x0  }
0x2d6: {  	[sflag:s13] =	ssyncadd.s32 $0xFFFFFF80  }
0x2d7: {  	_ =	swait.ge [sflag:s13], $0x80  }
0x2d8: {  	[sflag:s13] =	ssyncset.done $0x0  }
0x2d9: {  	[sflag:s13] =	ssyncadd.s32 $0xFFFFFF80  }
0x2da: {  	_ =	swait.ge [sflag:s13], $0x80  }
0x2db: {  	[sflag:s13] =	ssyncset.done $0x0  }
0x2dc: {  	[sflag:s13] =	ssyncadd.s32 $0xFFFFFF80  }
0x2dd: {  	_ =	swait.ge [sflag:s13], $0x80  }
0x2de: {  	[sflag:s13] =	ssyncset.done $0x0  }
0x2df: {  	[sflag:s13] =	ssyncadd.s32 $0xFFFFFF80  }
0x2e0: {  	_ =	swait.ge [sflag:s13], $0x80  }
0x2e1: {  	[sflag:s13] =	ssyncset.done $0x0  }
0x2e2: {  	[sflag:s13] =	ssyncadd.s32 $0xFFFFFF80  }
0x2e3: {  	_ =	swait.ge [sflag:s13], $0x80  }
0x2e4: {  	[sflag:s13] =	ssyncset.done $0x0  }
0x2e5: {  	[sflag:s13] =	ssyncadd.s32 $0xFFFFFF80  }
0x2e6: {  	_ =	swait.ge [sflag:s13], $0x80  }
0x2e7: {  	[sflag:s13] =	ssyncset.done $0x0  }
0x2e8: {  	[sflag:s13] =	ssyncadd.s32 $0xFFFFFF80  }
0x2e9: {  	_ =	swait.ge [sflag:s13], $0x80  }
0x2ea: {  	[sflag:s13] =	ssyncset.done $0x0  }
0x2eb: {  	[sflag:s13] =	ssyncadd.s32 $0xFFFFFF80  }
0x2ec: {  	_ =	swait.ge [sflag:s13], $0x80  }
0x2ed: {  	[sflag:s13] =	ssyncset.done $0x0  }
.Ltmp7:
0x2ee: {  	[sflag:s13] =	ssyncadd.s32 $0xFFFFFF80;
	(pc) =	sbr.rel .LBB2_5-.Ltmp7, $4  }
0x2ef: {  	_ =	swait.ge [sflag:s13], $0x80  }
0x2f0: {  	s0 =	sand.u32 $0x1FFFFE00, s31;
	[sflag:s13] =	ssyncset.done $0x0;
	s1 =	rddreg [dreg:$0x3]  }
0x2f1: {  	s30 =	sadd.s32 $0xFFFFE100, s26;
	[sflag:s13] =	ssyncadd.s32 $0xFFFFFF80;
	s0 =	sadd.s32 s1, s0  }
0x2f2: {  	[hbm4b:s0+s2] =	stream.linear.scatter [tilespmem:s30], [sflag:$0x2], $0xD00, $0x38;
	[tilespmem:$0xD800] =	vst v63  }
.LBB2_8:
0x2f3: {  	_ =	sfence.sel $0x180000  }
0x2f4: {  	[bflag:$0x0] =	sbarrier.arrive $0xFFFF  }
0x2f5: {  	_ =	strace $0x90000047  }
0x2f6: {  	s0 =	stileid.u32;
	[bflag:$0x2] =	sbarrier.arrive $0xFFFF  }
0x2f7: {  	p0 =	sne.s32 s0, $0x0;
	s0 =	rddreg [dreg:$0x2]  }
0x2f8: {  	s0 =	sadd.s32 @!p0 $0x100000, s0  }
0x2f9: {  	[sflag:s0] =	ssyncadd.tile.s32 @!p0 $0x1;
	_ =	shalt  }
.Lfunc_end2:
_tile_overlayer_lowered:
.L_overlay_start_2:
0x2fa: {  	(tag) =	ssettag $0x2  }
0x2fb: {  	s0 =	rddreg [dreg:$0x0];
	s2 =	stileid.u32  }
0x2fc: {  	s1 =	rddreg [dreg:$0x1];
	p0 =	sne.s32 s2, $0x0  }
0x2fd: {  	s3 =	rddreg [dreg:$0x2];
	[bflag:$0x3] =	sbarrier.arrive $0xFFFF;
	s2 =	simm.s32 @!p0 $0x1C03  }
0x2fe: {  	[timem:s3], [sflag:s2] =	dma.local @!p0 [hbm:s0], s1  }
0x2ff: {  	s0 =	simm.s32 @!p0 $0x3  }
0x300: {  	_ =	swait.ge @!p0 [sflag:s0], s1  }
0x301: {  	s1 =	ssub.s32 @!p0 $0x0, s1;
	[sflag:s0] =	ssyncset.done @!p0 $0x0  }
0x302: {  	[sflag:s0] =	ssyncadd.s32 @!p0 s1  }
0x303: {  	[bflag:$0x3] =	sbarrier.arrive $0xFFFF  }
0x304: {  	_ =	shalt  }

</sc_bundles>
